<compile_context>
chip_gen: v7x
topology: tpu7x:2x2x1
jax: 0.10.2.dev20260603
libtpu: 0.0.44.dev20260713+nightly
codegen_flags: <defaults>
</compile_context>

<pallas_src>
import functools

import jax
import jax.numpy as jnp
from jax import lax
from jax.experimental import pallas as pl
from jax.experimental.pallas import tpu as pltpu
from jax.experimental.pallas import tpu_sc as plsc

M, D, B = 1000000, 32, 16384
NC, NS, L = 2, 16, 16
CH = 128
EB = B // NS
OB = B // (NC * NS)
EK = EB // CH
OK = OB // CH

_mesh1 = plsc.VectorSubcoreMesh(
    core_axis_name="c", subcore_axis_name="s", num_cores=1, num_subcores=NS
)
_mesh2 = plsc.VectorSubcoreMesh(
    core_axis_name="c", subcore_axis_name="s", num_cores=NC, num_subcores=NS
)


@functools.partial(
    pl.kernel,
    out_type=jax.ShapeDtypeStruct((B // CH, CH), jnp.int32),
    mesh=_mesh1,
    compiler_params=pltpu.CompilerParams(use_tc_tiling_on_sc=False),
    scratch_types=[
        pltpu.VMEM((EK, CH), jnp.int32),
        pltpu.VMEM((EK, CH), jnp.int32),
        pltpu.VMEM((EK, CH), jnp.int32),
        pltpu.VMEM_SHARED((M,), jnp.int32),
    ],
)
def _sc_winners(idx2, w2, idx_b, pos_b, w_b, P):
    s = lax.axis_index("s")
    ebase = s * EB

    pltpu.sync_copy(idx2.at[pl.ds(s * EK, EK)], idx_b)

    for k in range(EK):
        for j in range(CH // L):
            sl = pl.ds(j * L, L)
            pos_b[k, sl] = ebase + k * CH + j * L + lax.iota(jnp.int32, L)

    @pl.loop(0, EK)
    def _(k):
        pltpu.sync_copy(pos_b.at[k], P.at[idx_b.at[k]])

    plsc.subcore_barrier()

    @pl.loop(0, EK)
    def _(k):
        pltpu.sync_copy(P.at[idx_b.at[k]], w_b.at[k])

    for k in range(EK):
        for j in range(CH // L):
            sl = pl.ds(j * L, L)
            w_b[k, sl] = w_b[k, sl] & (B - 1)

    pltpu.sync_copy(w_b, w2.at[pl.ds(s * EK, EK)])


@functools.partial(
    pl.kernel,
    out_type=jax.ShapeDtypeStruct((B, D), jnp.float32),
    mesh=_mesh2,
    compiler_params=pltpu.CompilerParams(use_tc_tiling_on_sc=False),
    scratch_types=[
        pltpu.VMEM((EK, CH), jnp.int32),
        pltpu.VMEM((EK, CH), jnp.int32),
        pltpu.VMEM((EB, D), jnp.float32),
        pltpu.VMEM((CH, D), jnp.float32),
        pltpu.VMEM((OB, D), jnp.float32),
        pltpu.VMEM((OB, D), jnp.float32),
        pltpu.VMEM_SHARED((B, D), jnp.float32),
    ],
)
def _sc_apply(mem, idx2, w2, val, out,
              idx_b, w_b, val_b, zbuf, g_b, s_b, acc):
    c = lax.axis_index("c")
    s = lax.axis_index("s")
    ebase = s * EB

    pltpu.sync_copy(idx2.at[pl.ds(s * EK, EK)], idx_b)
    pltpu.sync_copy(w2.at[pl.ds(s * EK, EK)], w_b)
    pltpu.sync_copy(val.at[pl.ds(ebase, EB)], val_b)

    zrow = jnp.zeros((L,), jnp.float32)
    for r in range(CH):
        for j in range(D // L):
            zbuf[r, pl.ds(j * L, L)] = zrow

    @pl.loop(0, EK)
    def _(k):
        pltpu.sync_copy(zbuf, acc.at[pl.ds(ebase + k * CH, CH)])

    plsc.subcore_barrier()

    @pl.loop(0, EK)
    def _(k):
        pltpu.sync_copy(val_b.at[pl.ds(k * CH, CH)], acc.at[w_b.at[k]],
                        add=True)

    obase = ebase + c * OB
    row0 = c * OK

    @pl.loop(0, OK)
    def _(k):
        pltpu.sync_copy(mem.at[idx_b.at[row0 + k]], g_b.at[pl.ds(k * CH, CH)])

    plsc.subcore_barrier()

    @pl.loop(0, OK)
    def _(k):
        pltpu.sync_copy(acc.at[w_b.at[row0 + k]], s_b.at[pl.ds(k * CH, CH)])

    @pl.loop(0, OB)
    def _(r):
        for j in range(D // L):
            sl = pl.ds(j * L, L)
            g_b[r, sl] = g_b[r, sl] + s_b[r, sl]

    pltpu.sync_copy(g_b, out.at[pl.ds(obase, OB)])


def kernel(mem, idx, val):
    idx2 = idx.reshape(B // CH, CH)
    w2 = _sc_winners(idx2)
    return _sc_apply(mem, idx2, w2, val)

# --- scband reference (transcript-rebuilt; emitter-appended) ---
"""Pipeline reference for scband-pgagent-to-87668872446277 (READ-ONLY COPY).

The authoritative reference and input builder live on the scoring server;
editing this copy changes nothing except your own understanding.
"""

import jax, jax.numpy as jnp
import numpy as np

M, D, B = 1000000, 32, 16384

def setup_inputs(seed: int = 0) -> dict:
    key = jax.random.key(seed)
    k1, k2, k3 = jax.random.split(key, 3)
    mem = jax.random.normal(k1, (M, D), dtype=jnp.float32)
    idx = jax.random.randint(k2, (B,), 0, M, dtype=jnp.int32)
    val = jax.random.normal(k3, (B, D), dtype=jnp.float32)
    return {"mem": mem, "idx": idx, "val": val}

def reference(mem, idx, val):
    # Core scatter-memory pattern distilled from PGAgent_to.allocated_to_barge:
    # advanced-index scatter-accumulate of per-step values into a large persistent
    # state table (block_lengths_on_barge / block_width_on_barge analog), followed
    # by a gather read-back of the just-updated rows.
    new_mem = mem.at[idx].add(val)          # scatter-add (torch: self.block_width_on_barge[b,y,s,slot] += ...)
    out = jnp.take(new_mem, idx, axis=0)    # gather read-back of updated rows
    return out

if __name__ == "__main__":
    import jax
    _d = setup_inputs()
    print(jax.jit(kernel)(*tuple(_d.values())))

</pallas_src>

<mosaic_0001>
#map = affine_map<(d0, d1) -> (0, 0)>
module attributes {stable_mosaic.version = 14 : i64} {
  func.func @_sc_winners(%arg0: i32, %arg1: i32, %arg2: memref<128x128xi32, #tpu.memory_space<hbm>>, %arg3: memref<128x128xi32, #tpu.memory_space<hbm>>, %arg4: memref<8x128xi32, #tpu.memory_space<vmem>>, %arg5: memref<8x128xi32, #tpu.memory_space<vmem>>, %arg6: memref<8x128xi32, #tpu.memory_space<vmem>>, %arg7: memref<1000000xi32, #tpu.memory_space<vmem_shared>>) attributes {dimension_semantics = [#tpu.dimension_semantics<core_parallel>, #tpu.dimension_semantics<subcore_parallel>], iteration_bounds = array<i64: 1, 16>, scalar_prefetch = 0 : i64, scratch_operands = 4 : i64, tpu.core_type = #tpu.core_type<sc_vector_subcore>, window_params = [{transform_indices = #map}, {transform_indices = #map}]} {
    %mul3A = arith.constant 1024 : i32
    %mul3A_0 = arith.muli %arg1, %mul3A : i32
    %mul3A_1 = arith.constant 8 : i32
    %mul3A_2 = arith.muli %arg1, %mul3A_1 : i32
    "tpu.region"() ({
      %run_scoped3A = tpu.sem_alloc : memref<!tpu.dma_semaphore, #tpu.memory_space<semaphore_mem>>
      %dma_start3A = arith.constant 0 : i32
      %dma_start3A_1737 = tpu.memref_slice %arg2[%mul3A_2, %dma_start3A] : memref<128x128xi32, #tpu.memory_space<hbm>> -> memref<8x128xi32, #tpu.memory_space<hbm>>
      %dma_start3A_1738 = arith.constant 0 : i32
      %dma_start3A_1739 = tpu.memref_slice %arg2[%mul3A_2, %dma_start3A_1738] : memref<128x128xi32, #tpu.memory_space<hbm>> -> memref<8x128xi32, #tpu.memory_space<hbm>>
      tpu.enqueue_dma source(%dma_start3A_1739 : memref<8x128xi32, #tpu.memory_space<hbm>>) target(%arg4 : memref<8x128xi32, #tpu.memory_space<vmem>>) target_semaphore(%run_scoped3A : memref<!tpu.dma_semaphore, #tpu.memory_space<semaphore_mem>>)
      %dma_wait3A = arith.constant 0 : i32
      %dma_wait3A_1740 = tpu.memref_slice %arg2[%mul3A_2, %dma_wait3A] : memref<128x128xi32, #tpu.memory_space<hbm>> -> memref<8x128xi32, #tpu.memory_space<hbm>>
      %dma_wait3A_1741 = arith.constant 0 : i32
      %dma_wait3A_1742 = tpu.memref_slice %arg2[%mul3A_2, %dma_wait3A_1741] : memref<128x128xi32, #tpu.memory_space<hbm>> -> memref<8x128xi32, #tpu.memory_space<hbm>>
      tpu.wait_dma2 semaphore(%run_scoped3A : memref<!tpu.dma_semaphore, #tpu.memory_space<semaphore_mem>>) src(%dma_wait3A_1742 : memref<8x128xi32, #tpu.memory_space<hbm>>) dst(%arg4 : memref<8x128xi32, #tpu.memory_space<vmem>>)
      tpu.yield
    }) : () -> ()
    %add3A = arith.constant 0 : i32
    %add3A_3 = arith.addi %mul3A_0, %add3A : i32
    %add3A_4 = arith.constant 0 : i32
    %add3A_5 = arith.addi %add3A_3, %add3A_4 : i32
    %iota3A = tpu.iota {dimensions = array<i32: 0>} : vector<16xi32>
    %add3A_6 = vector.broadcast %add3A_5 : i32 to vector<16xi32>
    %add3A_7 = arith.addi %add3A_6, %iota3A : vector<16xi32>
    %swap3A = arith.constant 0 : i32
    %swap3A_8 = arith.index_cast %swap3A : i32 to index
    %swap3A_9 = arith.constant 0 : index
    %swap3A_10 = tpu.vector_load %arg5[%swap3A_8, %swap3A_9] {strides = array<i32>} : memref<8x128xi32, #tpu.memory_space<vmem>>, vector<1x16xi32>,
    %swap3A_11 = vector.shape_cast %swap3A_10 : vector<1x16xi32> to vector<16xi32>
    %swap3A_12 = vector.shape_cast %add3A_7 : vector<16xi32> to vector<1x16xi32>
    tpu.vector_store %arg5[%swap3A_8, %swap3A_9], %swap3A_12 {strides = array<i32>} : memref<8x128xi32, #tpu.memory_space<vmem>>, vector<1x16xi32>,
    %add3A_13 = arith.constant 0 : i32
    %add3A_14 = arith.addi %mul3A_0, %add3A_13 : i32
    %add3A_15 = arith.constant 16 : i32
    %add3A_16 = arith.addi %add3A_14, %add3A_15 : i32
    %iota3A_17 = tpu.iota {dimensions = array<i32: 0>} : vector<16xi32>
    %add3A_18 = vector.broadcast %add3A_16 : i32 to vector<16xi32>
    %add3A_19 = arith.addi %add3A_18, %iota3A_17 : vector<16xi32>
    %swap3A_20 = arith.constant 0 : i32
    %swap3A_21 = arith.index_cast %swap3A_20 : i32 to index
    %swap3A_22 = arith.constant 16 : index
    %swap3A_23 = tpu.vector_load %arg5[%swap3A_21, %swap3A_22] {strides = array<i32>} : memref<8x128xi32, #tpu.memory_space<vmem>>, vector<1x16xi32>,
    %swap3A_24 = vector.shape_cast %swap3A_23 : vector<1x16xi32> to vector<16xi32>
    %swap3A_25 = vector.shape_cast %add3A_19 : vector<16xi32> to vector<1x16xi32>
    tpu.vector_store %arg5[%swap3A_21, %swap3A_22], %swap3A_25 {strides = array<i32>} : memref<8x128xi32, #tpu.memory_space<vmem>>, vector<1x16xi32>,
    %add3A_26 = arith.constant 0 : i32
    %add3A_27 = arith.addi %mul3A_0, %add3A_26 : i32
    %add3A_28 = arith.constant 32 : i32
    %add3A_29 = arith.addi %add3A_27, %add3A_28 : i32
    %iota3A_30 = tpu.iota {dimensions = array<i32: 0>} : vector<16xi32>
    %add3A_31 = vector.broadcast %add3A_29 : i32 to vector<16xi32>
    %add3A_32 = arith.addi %add3A_31, %iota3A_30 : vector<16xi32>
    %swap3A_33 = arith.constant 0 : i32
    %swap3A_34 = arith.index_cast %swap3A_33 : i32 to index
    %swap3A_35 = arith.constant 32 : index
    %swap3A_36 = tpu.vector_load %arg5[%swap3A_34, %swap3A_35] {strides = array<i32>} : memref<8x128xi32, #tpu.memory_space<vmem>>, vector<1x16xi32>,
    %swap3A_37 = vector.shape_cast %swap3A_36 : vector<1x16xi32> to vector<16xi32>
    %swap3A_38 = vector.shape_cast %add3A_32 : vector<16xi32> to vector<1x16xi32>
    tpu.vector_store %arg5[%swap3A_34, %swap3A_35], %swap3A_38 {strides = array<i32>} : memref<8x128xi32, #tpu.memory_space<vmem>>, vector<1x16xi32>,
    %add3A_39 = arith.constant 0 : i32
    %add3A_40 = arith.addi %mul3A_0, %add3A_39 : i32
    %add3A_41 = arith.constant 48 : i32
    %add3A_42 = arith.addi %add3A_40, %add3A_41 : i32
    %iota3A_43 = tpu.iota {dimensions = array<i32: 0>} : vector<16xi32>
    %add3A_44 = vector.broadcast %add3A_42 : i32 to vector<16xi32>
    %add3A_45 = arith.addi %add3A_44, %iota3A_43 : vector<16xi32>
    %swap3A_46 = arith.constant 0 : i32
    %swap3A_47 = arith.index_cast %swap3A_46 : i32 to index
    %swap3A_48 = arith.constant 48 : index
    %swap3A_49 = tpu.vector_load %arg5[%swap3A_47, %swap3A_48] {strides = array<i32>} : memref<8x128xi32, #tpu.memory_space<vmem>>, vector<1x16xi32>,
    %swap3A_50 = vector.shape_cast %swap3A_49 : vector<1x16xi32> to vector<16xi32>
    %swap3A_51 = vector.shape_cast %add3A_45 : vector<16xi32> to vector<1x16xi32>
    tpu.vector_store %arg5[%swap3A_47, %swap3A_48], %swap3A_51 {strides = array<i32>} : memref<8x128xi32, #tpu.memory_space<vmem>>, vector<1x16xi32>,
    %add3A_52 = arith.constant 0 : i32
    %add3A_53 = arith.addi %mul3A_0, %add3A_52 : i32
    %add3A_54 = arith.constant 64 : i32
    %add3A_55 = arith.addi %add3A_53, %add3A_54 : i32
    %iota3A_56 = tpu.iota {dimensions = array<i32: 0>} : vector<16xi32>
    %add3A_57 = vector.broadcast %add3A_55 : i32 to vector<16xi32>
    %add3A_58 = arith.addi %add3A_57, %iota3A_56 : vector<16xi32>
    %swap3A_59 = arith.constant 0 : i32
    %swap3A_60 = arith.index_cast %swap3A_59 : i32 to index
    %swap3A_61 = arith.constant 64 : index
    %swap3A_62 = tpu.vector_load %arg5[%swap3A_60, %swap3A_61] {strides = array<i32>} : memref<8x128xi32, #tpu.memory_space<vmem>>, vector<1x16xi32>,
    %swap3A_63 = vector.shape_cast %swap3A_62 : vector<1x16xi32> to vector<16xi32>
    %swap3A_64 = vector.shape_cast %add3A_58 : vector<16xi32> to vector<1x16xi32>
    tpu.vector_store %arg5[%swap3A_60, %swap3A_61], %swap3A_64 {strides = array<i32>} : memref<8x128xi32, #tpu.memory_space<vmem>>, vector<1x16xi32>,
    %add3A_65 = arith.constant 0 : i32
    %add3A_66 = arith.addi %mul3A_0, %add3A_65 : i32
    %add3A_67 = arith.constant 80 : i32
    %add3A_68 = arith.addi %add3A_66, %add3A_67 : i32
    %iota3A_69 = tpu.iota {dimensions = array<i32: 0>} : vector<16xi32>
    %add3A_70 = vector.broadcast %add3A_68 : i32 to vector<16xi32>
    %add3A_71 = arith.addi %add3A_70, %iota3A_69 : vector<16xi32>
    %swap3A_72 = arith.constant 0 : i32
    %swap3A_73 = arith.index_cast %swap3A_72 : i32 to index
    %swap3A_74 = arith.constant 80 : index
    %swap3A_75 = tpu.vector_load %arg5[%swap3A_73, %swap3A_74] {strides = array<i32>} : memref<8x128xi32, #tpu.memory_space<vmem>>, vector<1x16xi32>,
    %swap3A_76 = vector.shape_cast %swap3A_75 : vector<1x16xi32> to vector<16xi32>
    %swap3A_77 = vector.shape_cast %add3A_71 : vector<16xi32> to vector<1x16xi32>
    tpu.vector_store %arg5[%swap3A_73, %swap3A_74], %swap3A_77 {strides = array<i32>} : memref<8x128xi32, #tpu.memory_space<vmem>>, vector<1x16xi32>,
    %add3A_78 = arith.constant 0 : i32
    %add3A_79 = arith.addi %mul3A_0, %add3A_78 : i32
    %add3A_80 = arith.constant 96 : i32
    %add3A_81 = arith.addi %add3A_79, %add3A_80 : i32
    %iota3A_82 = tpu.iota {dimensions = array<i32: 0>} : vector<16xi32>
    %add3A_83 = vector.broadcast %add3A_81 : i32 to vector<16xi32>
    %add3A_84 = arith.addi %add3A_83, %iota3A_82 : vector<16xi32>
    %swap3A_85 = arith.constant 0 : i32
    %swap3A_86 = arith.index_cast %swap3A_85 : i32 to index
    %swap3A_87 = arith.constant 96 : index
    %swap3A_88 = tpu.vector_load %arg5[%swap3A_86, %swap3A_87] {strides = array<i32>} : memref<8x128xi32, #tpu.memory_space<vmem>>, vector<1x16xi32>,
    %swap3A_89 = vector.shape_cast %swap3A_88 : vector<1x16xi32> to vector<16xi32>
    %swap3A_90 = vector.shape_cast %add3A_84 : vector<16xi32> to vector<1x16xi32>
    tpu.vector_store %arg5[%swap3A_86, %swap3A_87], %swap3A_90 {strides = array<i32>} : memref<8x128xi32, #tpu.memory_space<vmem>>, vector<1x16xi32>,
    %add3A_91 = arith.constant 0 : i32
    %add3A_92 = arith.addi %mul3A_0, %add3A_91 : i32
    %add3A_93 = arith.constant 112 : i32
    %add3A_94 = arith.addi %add3A_92, %add3A_93 : i32
    %iota3A_95 = tpu.iota {dimensions = array<i32: 0>} : vector<16xi32>
    %add3A_96 = vector.broadcast %add3A_94 : i32 to vector<16xi32>
    %add3A_97 = arith.addi %add3A_96, %iota3A_95 : vector<16xi32>
    %swap3A_98 = arith.constant 0 : i32
    %swap3A_99 = arith.index_cast %swap3A_98 : i32 to index
    %swap3A_100 = arith.constant 112 : index
    %swap3A_101 = tpu.vector_load %arg5[%swap3A_99, %swap3A_100] {strides = array<i32>} : memref<8x128xi32, #tpu.memory_space<vmem>>, vector<1x16xi32>,
    %swap3A_102 = vector.shape_cast %swap3A_101 : vector<1x16xi32> to vector<16xi32>
    %swap3A_103 = vector.shape_cast %add3A_97 : vector<16xi32> to vector<1x16xi32>
    tpu.vector_store %arg5[%swap3A_99, %swap3A_100], %swap3A_103 {strides = array<i32>} : memref<8x128xi32, #tpu.memory_space<vmem>>, vector<1x16xi32>,
    %add3A_104 = arith.constant 128 : i32
    %add3A_105 = arith.addi %mul3A_0, %add3A_104 : i32
    %add3A_106 = arith.constant 0 : i32
    %add3A_107 = arith.addi %add3A_105, %add3A_106 : i32
    %iota3A_108 = tpu.iota {dimensions = array<i32: 0>} : vector<16xi32>
    %add3A_109 = vector.broadcast %add3A_107 : i32 to vector<16xi32>
    %add3A_110 = arith.addi %add3A_109, %iota3A_108 : vector<16xi32>
    %swap3A_111 = arith.constant 1 : i32
    %swap3A_112 = arith.index_cast %swap3A_111 : i32 to index
    %swap3A_113 = arith.constant 0 : index
    %swap3A_114 = tpu.vector_load %arg5[%swap3A_112, %swap3A_113] {strides = array<i32>} : memref<8x128xi32, #tpu.memory_space<vmem>>, vector<1x16xi32>,
    %swap3A_115 = vector.shape_cast %swap3A_114 : vector<1x16xi32> to vector<16xi32>
    %swap3A_116 = vector.shape_cast %add3A_110 : vector<16xi32> to vector<1x16xi32>
    tpu.vector_store %arg5[%swap3A_112, %swap3A_113], %swap3A_116 {strides = array<i32>} : memref<8x128xi32, #tpu.memory_space<vmem>>, vector<1x16xi32>,
    %add3A_117 = arith.constant 128 : i32
    %add3A_118 = arith.addi %mul3A_0, %add3A_117 : i32
    %add3A_119 = arith.constant 16 : i32
    %add3A_120 = arith.addi %add3A_118, %add3A_119 : i32
    %iota3A_121 = tpu.iota {dimensions = array<i32: 0>} : vector<16xi32>
    %add3A_122 = vector.broadcast %add3A_120 : i32 to vector<16xi32>
    %add3A_123 = arith.addi %add3A_122, %iota3A_121 : vector<16xi32>
    %swap3A_124 = arith.constant 1 : i32
    %swap3A_125 = arith.index_cast %swap3A_124 : i32 to index
    %swap3A_126 = arith.constant 16 : index
    %swap3A_127 = tpu.vector_load %arg5[%swap3A_125, %swap3A_126] {strides = array<i32>} : memref<8x128xi32, #tpu.memory_space<vmem>>, vector<1x16xi32>,
    %swap3A_128 = vector.shape_cast %swap3A_127 : vector<1x16xi32> to vector<16xi32>
    %swap3A_129 = vector.shape_cast %add3A_123 : vector<16xi32> to vector<1x16xi32>
    tpu.vector_store %arg5[%swap3A_125, %swap3A_126], %swap3A_129 {strides = array<i32>} : memref<8x128xi32, #tpu.memory_space<vmem>>, vector<1x16xi32>,
    %add3A_130 = arith.constant 128 : i32
    %add3A_131 = arith.addi %mul3A_0, %add3A_130 : i32
    %add3A_132 = arith.constant 32 : i32
    %add3A_133 = arith.addi %add3A_131, %add3A_132 : i32
    %iota3A_134 = tpu.iota {dimensions = array<i32: 0>} : vector<16xi32>
    %add3A_135 = vector.broadcast %add3A_133 : i32 to vector<16xi32>
    %add3A_136 = arith.addi %add3A_135, %iota3A_134 : vector<16xi32>
    %swap3A_137 = arith.constant 1 : i32
    %swap3A_138 = arith.index_cast %swap3A_137 : i32 to index
    %swap3A_139 = arith.constant 32 : index
    %swap3A_140 = tpu.vector_load %arg5[%swap3A_138, %swap3A_139] {strides = array<i32>} : memref<8x128xi32, #tpu.memory_space<vmem>>, vector<1x16xi32>,
    %swap3A_141 = vector.shape_cast %swap3A_140 : vector<1x16xi32> to vector<16xi32>
    %swap3A_142 = vector.shape_cast %add3A_136 : vector<16xi32> to vector<1x16xi32>
    tpu.vector_store %arg5[%swap3A_138, %swap3A_139], %swap3A_142 {strides = array<i32>} : memref<8x128xi32, #tpu.memory_space<vmem>>, vector<1x16xi32>,
    %add3A_143 = arith.constant 128 : i32
    %add3A_144 = arith.addi %mul3A_0, %add3A_143 : i32
    %add3A_145 = arith.constant 48 : i32
    %add3A_146 = arith.addi %add3A_144, %add3A_145 : i32
    %iota3A_147 = tpu.iota {dimensions = array<i32: 0>} : vector<16xi32>
    %add3A_148 = vector.broadcast %add3A_146 : i32 to vector<16xi32>
    %add3A_149 = arith.addi %add3A_148, %iota3A_147 : vector<16xi32>
    %swap3A_150 = arith.constant 1 : i32
    %swap3A_151 = arith.index_cast %swap3A_150 : i32 to index
    %swap3A_152 = arith.constant 48 : index
    %swap3A_153 = tpu.vector_load %arg5[%swap3A_151, %swap3A_152] {strides = array<i32>} : memref<8x128xi32, #tpu.memory_space<vmem>>, vector<1x16xi32>,
    %swap3A_154 = vector.shape_cast %swap3A_153 : vector<1x16xi32> to vector<16xi32>
    %swap3A_155 = vector.shape_cast %add3A_149 : vector<16xi32> to vector<1x16xi32>
    tpu.vector_store %arg5[%swap3A_151, %swap3A_152], %swap3A_155 {strides = array<i32>} : memref<8x128xi32, #tpu.memory_space<vmem>>, vector<1x16xi32>,
    %add3A_156 = arith.constant 128 : i32
    %add3A_157 = arith.addi %mul3A_0, %add3A_156 : i32
    %add3A_158 = arith.constant 64 : i32
    %add3A_159 = arith.addi %add3A_157, %add3A_158 : i32
    %iota3A_160 = tpu.iota {dimensions = array<i32: 0>} : vector<16xi32>
    %add3A_161 = vector.broadcast %add3A_159 : i32 to vector<16xi32>
    %add3A_162 = arith.addi %add3A_161, %iota3A_160 : vector<16xi32>
    %swap3A_163 = arith.constant 1 : i32
    %swap3A_164 = arith.index_cast %swap3A_163 : i32 to index
    %swap3A_165 = arith.constant 64 : index
    %swap3A_166 = tpu.vector_load %arg5[%swap3A_164, %swap3A_165] {strides = array<i32>} : memref<8x128xi32, #tpu.memory_space<vmem>>, vector<1x16xi32>,
    %swap3A_167 = vector.shape_cast %swap3A_166 : vector<1x16xi32> to vector<16xi32>
    %swap3A_168 = vector.shape_cast %add3A_162 : vector<16xi32> to vector<1x16xi32>
    tpu.vector_store %arg5[%swap3A_164, %swap3A_165], %swap3A_168 {strides = array<i32>} : memref<8x128xi32, #tpu.memory_space<vmem>>, vector<1x16xi32>,
    %add3A_169 = arith.constant 128 : i32
    %add3A_170 = arith.addi %mul3A_0, %add3A_169 : i32
    %add3A_171 = arith.constant 80 : i32
    %add3A_172 = arith.addi %add3A_170, %add3A_171 : i32
    %iota3A_173 = tpu.iota {dimensions = array<i32: 0>} : vector<16xi32>
    %add3A_174 = vector.broadcast %add3A_172 : i32 to vector<16xi32>
    %add3A_175 = arith.addi %add3A_174, %iota3A_173 : vector<16xi32>
    %swap3A_176 = arith.constant 1 : i32
    %swap3A_177 = arith.index_cast %swap3A_176 : i32 to index
    %swap3A_178 = arith.constant 80 : index
    %swap3A_179 = tpu.vector_load %arg5[%swap3A_177, %swap3A_178] {strides = array<i32>} : memref<8x128xi32, #tpu.memory_space<vmem>>, vector<1x16xi32>,
    %swap3A_180 = vector.shape_cast %swap3A_179 : vector<1x16xi32> to vector<16xi32>
    %swap3A_181 = vector.shape_cast %add3A_175 : vector<16xi32> to vector<1x16xi32>
    tpu.vector_store %arg5[%swap3A_177, %swap3A_178], %swap3A_181 {strides = array<i32>} : memref<8x128xi32, #tpu.memory_space<vmem>>, vector<1x16xi32>,
    %add3A_182 = arith.constant 128 : i32
    %add3A_183 = arith.addi %mul3A_0, %add3A_182 : i32
    %add3A_184 = arith.constant 96 : i32
    %add3A_185 = arith.addi %add3A_183, %add3A_184 : i32
    %iota3A_186 = tpu.iota {dimensions = array<i32: 0>} : vector<16xi32>
    %add3A_187 = vector.broadcast %add3A_185 : i32 to vector<16xi32>
    %add3A_188 = arith.addi %add3A_187, %iota3A_186 : vector<16xi32>
    %swap3A_189 = arith.constant 1 : i32
    %swap3A_190 = arith.index_cast %swap3A_189 : i32 to index
    %swap3A_191 = arith.constant 96 : index
    %swap3A_192 = tpu.vector_load %arg5[%swap3A_190, %swap3A_191] {strides = array<i32>} : memref<8x128xi32, #tpu.memory_space<vmem>>, vector<1x16xi32>,
    %swap3A_193 = vector.shape_cast %swap3A_192 : vector<1x16xi32> to vector<16xi32>
    %swap3A_194 = vector.shape_cast %add3A_188 : vector<16xi32> to vector<1x16xi32>
    tpu.vector_store %arg5[%swap3A_190, %swap3A_191], %swap3A_194 {strides = array<i32>} : memref<8x128xi32, #tpu.memory_space<vmem>>, vector<1x16xi32>,
    %add3A_195 = arith.constant 128 : i32
    %add3A_196 = arith.addi %mul3A_0, %add3A_195 : i32
    %add3A_197 = arith.constant 112 : i32
    %add3A_198 = arith.addi %add3A_196, %add3A_197 : i32
    %iota3A_199 = tpu.iota {dimensions = array<i32: 0>} : vector<16xi32>
    %add3A_200 = vector.broadcast %add3A_198 : i32 to vector<16xi32>
    %add3A_201 = arith.addi %add3A_200, %iota3A_199 : vector<16xi32>
    %swap3A_202 = arith.constant 1 : i32
    %swap3A_203 = arith.index_cast %swap3A_202 : i32 to index
    %swap3A_204 = arith.constant 112 : index
    %swap3A_205 = tpu.vector_load %arg5[%swap3A_203, %swap3A_204] {strides = array<i32>} : memref<8x128xi32, #tpu.memory_space<vmem>>, vector<1x16xi32>,
    %swap3A_206 = vector.shape_cast %swap3A_205 : vector<1x16xi32> to vector<16xi32>
    %swap3A_207 = vector.shape_cast %add3A_201 : vector<16xi32> to vector<1x16xi32>
    tpu.vector_store %arg5[%swap3A_203, %swap3A_204], %swap3A_207 {strides = array<i32>} : memref<8x128xi32, #tpu.memory_space<vmem>>, vector<1x16xi32>,
    %add3A_208 = arith.constant 256 : i32
    %add3A_209 = arith.addi %mul3A_0, %add3A_208 : i32
    %add3A_210 = arith.constant 0 : i32
    %add3A_211 = arith.addi %add3A_209, %add3A_210 : i32
    %iota3A_212 = tpu.iota {dimensions = array<i32: 0>} : vector<16xi32>
    %add3A_213 = vector.broadcast %add3A_211 : i32 to vector<16xi32>
    %add3A_214 = arith.addi %add3A_213, %iota3A_212 : vector<16xi32>
    %swap3A_215 = arith.constant 2 : i32
    %swap3A_216 = arith.index_cast %swap3A_215 : i32 to index
    %swap3A_217 = arith.constant 0 : index
    %swap3A_218 = tpu.vector_load %arg5[%swap3A_216, %swap3A_217] {strides = array<i32>} : memref<8x128xi32, #tpu.memory_space<vmem>>, vector<1x16xi32>,
    %swap3A_219 = vector.shape_cast %swap3A_218 : vector<1x16xi32> to vector<16xi32>
    %swap3A_220 = vector.shape_cast %add3A_214 : vector<16xi32> to vector<1x16xi32>
    tpu.vector_store %arg5[%swap3A_216, %swap3A_217], %swap3A_220 {strides = array<i32>} : memref<8x128xi32, #tpu.memory_space<vmem>>, vector<1x16xi32>,
    %add3A_221 = arith.constant 256 : i32
    %add3A_222 = arith.addi %mul3A_0, %add3A_221 : i32
    %add3A_223 = arith.constant 16 : i32
    %add3A_224 = arith.addi %add3A_222, %add3A_223 : i32
    %iota3A_225 = tpu.iota {dimensions = array<i32: 0>} : vector<16xi32>
    %add3A_226 = vector.broadcast %add3A_224 : i32 to vector<16xi32>
    %add3A_227 = arith.addi %add3A_226, %iota3A_225 : vector<16xi32>
    %swap3A_228 = arith.constant 2 : i32
    %swap3A_229 = arith.index_cast %swap3A_228 : i32 to index
    %swap3A_230 = arith.constant 16 : index
    %swap3A_231 = tpu.vector_load %arg5[%swap3A_229, %swap3A_230] {strides = array<i32>} : memref<8x128xi32, #tpu.memory_space<vmem>>, vector<1x16xi32>,
    %swap3A_232 = vector.shape_cast %swap3A_231 : vector<1x16xi32> to vector<16xi32>
    %swap3A_233 = vector.shape_cast %add3A_227 : vector<16xi32> to vector<1x16xi32>
    tpu.vector_store %arg5[%swap3A_229, %swap3A_230], %swap3A_233 {strides = array<i32>} : memref<8x128xi32, #tpu.memory_space<vmem>>, vector<1x16xi32>,
    %add3A_234 = arith.constant 256 : i32
    %add3A_235 = arith.addi %mul3A_0, %add3A_234 : i32
    %add3A_236 = arith.constant 32 : i32
    %add3A_237 = arith.addi %add3A_235, %add3A_236 : i32
    %iota3A_238 = tpu.iota {dimensions = array<i32: 0>} : vector<16xi32>
    %add3A_239 = vector.broadcast %add3A_237 : i32 to vector<16xi32>
    %add3A_240 = arith.addi %add3A_239, %iota3A_238 : vector<16xi32>
    %swap3A_241 = arith.constant 2 : i32
    %swap3A_242 = arith.index_cast %swap3A_241 : i32 to index
    %swap3A_243 = arith.constant 32 : index
    %swap3A_244 = tpu.vector_load %arg5[%swap3A_242, %swap3A_243] {strides = array<i32>} : memref<8x128xi32, #tpu.memory_space<vmem>>, vector<1x16xi32>,
    %swap3A_245 = vector.shape_cast %swap3A_244 : vector<1x16xi32> to vector<16xi32>
    %swap3A_246 = vector.shape_cast %add3A_240 : vector<16xi32> to vector<1x16xi32>
    tpu.vector_store %arg5[%swap3A_242, %swap3A_243], %swap3A_246 {strides = array<i32>} : memref<8x128xi32, #tpu.memory_space<vmem>>, vector<1x16xi32>,
    %add3A_247 = arith.constant 256 : i32
    %add3A_248 = arith.addi %mul3A_0, %add3A_247 : i32
    %add3A_249 = arith.constant 48 : i32
    %add3A_250 = arith.addi %add3A_248, %add3A_249 : i32
    %iota3A_251 = tpu.iota {dimensions = array<i32: 0>} : vector<16xi32>
    %add3A_252 = vector.broadcast %add3A_250 : i32 to vector<16xi32>
    %add3A_253 = arith.addi %add3A_252, %iota3A_251 : vector<16xi32>
    %swap3A_254 = arith.constant 2 : i32
    %swap3A_255 = arith.index_cast %swap3A_254 : i32 to index
    %swap3A_256 = arith.constant 48 : index
    %swap3A_257 = tpu.vector_load %arg5[%swap3A_255, %swap3A_256] {strides = array<i32>} : memref<8x128xi32, #tpu.memory_space<vmem>>, vector<1x16xi32>,
    %swap3A_258 = vector.shape_cast %swap3A_257 : vector<1x16xi32> to vector<16xi32>
    %swap3A_259 = vector.shape_cast %add3A_253 : vector<16xi32> to vector<1x16xi32>
    tpu.vector_store %arg5[%swap3A_255, %swap3A_256], %swap3A_259 {strides = array<i32>} : memref<8x128xi32, #tpu.memory_space<vmem>>, vector<1x16xi32>,
    %add3A_260 = arith.constant 256 : i32
    %add3A_261 = arith.addi %mul3A_0, %add3A_260 : i32
    %add3A_262 = arith.constant 64 : i32
    %add3A_263 = arith.addi %add3A_261, %add3A_262 : i32
    %iota3A_264 = tpu.iota {dimensions = array<i32: 0>} : vector<16xi32>
    %add3A_265 = vector.broadcast %add3A_263 : i32 to vector<16xi32>
    %add3A_266 = arith.addi %add3A_265, %iota3A_264 : vector<16xi32>
    %swap3A_267 = arith.constant 2 : i32
    %swap3A_268 = arith.index_cast %swap3A_267 : i32 to index
    %swap3A_269 = arith.constant 64 : index
    %swap3A_270 = tpu.vector_load %arg5[%swap3A_268, %swap3A_269] {strides = array<i32>} : memref<8x128xi32, #tpu.memory_space<vmem>>, vector<1x16xi32>,
    %swap3A_271 = vector.shape_cast %swap3A_270 : vector<1x16xi32> to vector<16xi32>
    %swap3A_272 = vector.shape_cast %add3A_266 : vector<16xi32> to vector<1x16xi32>
    tpu.vector_store %arg5[%swap3A_268, %swap3A_269], %swap3A_272 {strides = array<i32>} : memref<8x128xi32, #tpu.memory_space<vmem>>, vector<1x16xi32>,
    %add3A_273 = arith.constant 256 : i32
    %add3A_274 = arith.addi %mul3A_0, %add3A_273 : i32
    %add3A_275 = arith.constant 80 : i32
    %add3A_276 = arith.addi %add3A_274, %add3A_275 : i32
    %iota3A_277 = tpu.iota {dimensions = array<i32: 0>} : vector<16xi32>
    %add3A_278 = vector.broadcast %add3A_276 : i32 to vector<16xi32>
    %add3A_279 = arith.addi %add3A_278, %iota3A_277 : vector<16xi32>
    %swap3A_280 = arith.constant 2 : i32
    %swap3A_281 = arith.index_cast %swap3A_280 : i32 to index
    %swap3A_282 = arith.constant 80 : index
    %swap3A_283 = tpu.vector_load %arg5[%swap3A_281, %swap3A_282] {strides = array<i32>} : memref<8x128xi32, #tpu.memory_space<vmem>>, vector<1x16xi32>,
    %swap3A_284 = vector.shape_cast %swap3A_283 : vector<1x16xi32> to vector<16xi32>
    %swap3A_285 = vector.shape_cast %add3A_279 : vector<16xi32> to vector<1x16xi32>
    tpu.vector_store %arg5[%swap3A_281, %swap3A_282], %swap3A_285 {strides = array<i32>} : memref<8x128xi32, #tpu.memory_space<vmem>>, vector<1x16xi32>,
    %add3A_286 = arith.constant 256 : i32
    %add3A_287 = arith.addi %mul3A_0, %add3A_286 : i32
    %add3A_288 = arith.constant 96 : i32
    %add3A_289 = arith.addi %add3A_287, %add3A_288 : i32
    %iota3A_290 = tpu.iota {dimensions = array<i32: 0>} : vector<16xi32>
    %add3A_291 = vector.broadcast %add3A_289 : i32 to vector<16xi32>
    %add3A_292 = arith.addi %add3A_291, %iota3A_290 : vector<16xi32>
    %swap3A_293 = arith.constant 2 : i32
    %swap3A_294 = arith.index_cast %swap3A_293 : i32 to index
    %swap3A_295 = arith.constant 96 : index
    %swap3A_296 = tpu.vector_load %arg5[%swap3A_294, %swap3A_295] {strides = array<i32>} : memref<8x128xi32, #tpu.memory_space<vmem>>, vector<1x16xi32>,
    %swap3A_297 = vector.shape_cast %swap3A_296 : vector<1x16xi32> to vector<16xi32>
    %swap3A_298 = vector.shape_cast %add3A_292 : vector<16xi32> to vector<1x16xi32>
    tpu.vector_store %arg5[%swap3A_294, %swap3A_295], %swap3A_298 {strides = array<i32>} : memref<8x128xi32, #tpu.memory_space<vmem>>, vector<1x16xi32>,
    %add3A_299 = arith.constant 256 : i32
    %add3A_300 = arith.addi %mul3A_0, %add3A_299 : i32
    %add3A_301 = arith.constant 112 : i32
    %add3A_302 = arith.addi %add3A_300, %add3A_301 : i32
    %iota3A_303 = tpu.iota {dimensions = array<i32: 0>} : vector<16xi32>
    %add3A_304 = vector.broadcast %add3A_302 : i32 to vector<16xi32>
    %add3A_305 = arith.addi %add3A_304, %iota3A_303 : vector<16xi32>
    %swap3A_306 = arith.constant 2 : i32
    %swap3A_307 = arith.index_cast %swap3A_306 : i32 to index
    %swap3A_308 = arith.constant 112 : index
    %swap3A_309 = tpu.vector_load %arg5[%swap3A_307, %swap3A_308] {strides = array<i32>} : memref<8x128xi32, #tpu.memory_space<vmem>>, vector<1x16xi32>,
    %swap3A_310 = vector.shape_cast %swap3A_309 : vector<1x16xi32> to vector<16xi32>
    %swap3A_311 = vector.shape_cast %add3A_305 : vector<16xi32> to vector<1x16xi32>
    tpu.vector_store %arg5[%swap3A_307, %swap3A_308], %swap3A_311 {strides = array<i32>} : memref<8x128xi32, #tpu.memory_space<vmem>>, vector<1x16xi32>,
    %add3A_312 = arith.constant 384 : i32
    %add3A_313 = arith.addi %mul3A_0, %add3A_312 : i32
    %add3A_314 = arith.constant 0 : i32
    %add3A_315 = arith.addi %add3A_313, %add3A_314 : i32
    %iota3A_316 = tpu.iota {dimensions = array<i32: 0>} : vector<16xi32>
    %add3A_317 = vector.broadcast %add3A_315 : i32 to vector<16xi32>
    %add3A_318 = arith.addi %add3A_317, %iota3A_316 : vector<16xi32>
    %swap3A_319 = arith.constant 3 : i32
    %swap3A_320 = arith.index_cast %swap3A_319 : i32 to index
    %swap3A_321 = arith.constant 0 : index
    %swap3A_322 = tpu.vector_load %arg5[%swap3A_320, %swap3A_321] {strides = array<i32>} : memref<8x128xi32, #tpu.memory_space<vmem>>, vector<1x16xi32>,
    %swap3A_323 = vector.shape_cast %swap3A_322 : vector<1x16xi32> to vector<16xi32>
    %swap3A_324 = vector.shape_cast %add3A_318 : vector<16xi32> to vector<1x16xi32>
    tpu.vector_store %arg5[%swap3A_320, %swap3A_321], %swap3A_324 {strides = array<i32>} : memref<8x128xi32, #tpu.memory_space<vmem>>, vector<1x16xi32>,
    %add3A_325 = arith.constant 384 : i32
    %add3A_326 = arith.addi %mul3A_0, %add3A_325 : i32
    %add3A_327 = arith.constant 16 : i32
    %add3A_328 = arith.addi %add3A_326, %add3A_327 : i32
    %iota3A_329 = tpu.iota {dimensions = array<i32: 0>} : vector<16xi32>
    %add3A_330 = vector.broadcast %add3A_328 : i32 to vector<16xi32>
    %add3A_331 = arith.addi %add3A_330, %iota3A_329 : vector<16xi32>
    %swap3A_332 = arith.constant 3 : i32
    %swap3A_333 = arith.index_cast %swap3A_332 : i32 to index
    %swap3A_334 = arith.constant 16 : index
    %swap3A_335 = tpu.vector_load %arg5[%swap3A_333, %swap3A_334] {strides = array<i32>} : memref<8x128xi32, #tpu.memory_space<vmem>>, vector<1x16xi32>,
    %swap3A_336 = vector.shape_cast %swap3A_335 : vector<1x16xi32> to vector<16xi32>
    %swap3A_337 = vector.shape_cast %add3A_331 : vector<16xi32> to vector<1x16xi32>
    tpu.vector_store %arg5[%swap3A_333, %swap3A_334], %swap3A_337 {strides = array<i32>} : memref<8x128xi32, #tpu.memory_space<vmem>>, vector<1x16xi32>,
    %add3A_338 = arith.constant 384 : i32
    %add3A_339 = arith.addi %mul3A_0, %add3A_338 : i32
    %add3A_340 = arith.constant 32 : i32
    %add3A_341 = arith.addi %add3A_339, %add3A_340 : i32
    %iota3A_342 = tpu.iota {dimensions = array<i32: 0>} : vector<16xi32>
    %add3A_343 = vector.broadcast %add3A_341 : i32 to vector<16xi32>
    %add3A_344 = arith.addi %add3A_343, %iota3A_342 : vector<16xi32>
    %swap3A_345 = arith.constant 3 : i32
    %swap3A_346 = arith.index_cast %swap3A_345 : i32 to index
    %swap3A_347 = arith.constant 32 : index
    %swap3A_348 = tpu.vector_load %arg5[%swap3A_346, %swap3A_347] {strides = array<i32>} : memref<8x128xi32, #tpu.memory_space<vmem>>, vector<1x16xi32>,
    %swap3A_349 = vector.shape_cast %swap3A_348 : vector<1x16xi32> to vector<16xi32>
    %swap3A_350 = vector.shape_cast %add3A_344 : vector<16xi32> to vector<1x16xi32>
    tpu.vector_store %arg5[%swap3A_346, %swap3A_347], %swap3A_350 {strides = array<i32>} : memref<8x128xi32, #tpu.memory_space<vmem>>, vector<1x16xi32>,
    %add3A_351 = arith.constant 384 : i32
    %add3A_352 = arith.addi %mul3A_0, %add3A_351 : i32
    %add3A_353 = arith.constant 48 : i32
    %add3A_354 = arith.addi %add3A_352, %add3A_353 : i32
    %iota3A_355 = tpu.iota {dimensions = array<i32: 0>} : vector<16xi32>
    %add3A_356 = vector.broadcast %add3A_354 : i32 to vector<16xi32>
    %add3A_357 = arith.addi %add3A_356, %iota3A_355 : vector<16xi32>
    %swap3A_358 = arith.constant 3 : i32
    %swap3A_359 = arith.index_cast %swap3A_358 : i32 to index
    %swap3A_360 = arith.constant 48 : index
    %swap3A_361 = tpu.vector_load %arg5[%swap3A_359, %swap3A_360] {strides = array<i32>} : memref<8x128xi32, #tpu.memory_space<vmem>>, vector<1x16xi32>,
    %swap3A_362 = vector.shape_cast %swap3A_361 : vector<1x16xi32> to vector<16xi32>
    %swap3A_363 = vector.shape_cast %add3A_357 : vector<16xi32> to vector<1x16xi32>
    tpu.vector_store %arg5[%swap3A_359, %swap3A_360], %swap3A_363 {strides = array<i32>} : memref<8x128xi32, #tpu.memory_space<vmem>>, vector<1x16xi32>,
    %add3A_364 = arith.constant 384 : i32
    %add3A_365 = arith.addi %mul3A_0, %add3A_364 : i32
    %add3A_366 = arith.constant 64 : i32
    %add3A_367 = arith.addi %add3A_365, %add3A_366 : i32
    %iota3A_368 = tpu.iota {dimensions = array<i32: 0>} : vector<16xi32>
    %add3A_369 = vector.broadcast %add3A_367 : i32 to vector<16xi32>
    %add3A_370 = arith.addi %add3A_369, %iota3A_368 : vector<16xi32>
    %swap3A_371 = arith.constant 3 : i32
    %swap3A_372 = arith.index_cast %swap3A_371 : i32 to index
    %swap3A_373 = arith.constant 64 : index
    %swap3A_374 = tpu.vector_load %arg5[%swap3A_372, %swap3A_373] {strides = array<i32>} : memref<8x128xi32, #tpu.memory_space<vmem>>, vector<1x16xi32>,
    %swap3A_375 = vector.shape_cast %swap3A_374 : vector<1x16xi32> to vector<16xi32>
    %swap3A_376 = vector.shape_cast %add3A_370 : vector<16xi32> to vector<1x16xi32>
    tpu.vector_store %arg5[%swap3A_372, %swap3A_373], %swap3A_376 {strides = array<i32>} : memref<8x128xi32, #tpu.memory_space<vmem>>, vector<1x16xi32>,
    %add3A_377 = arith.constant 384 : i32
    %add3A_378 = arith.addi %mul3A_0, %add3A_377 : i32
    %add3A_379 = arith.constant 80 : i32
    %add3A_380 = arith.addi %add3A_378, %add3A_379 : i32
    %iota3A_381 = tpu.iota {dimensions = array<i32: 0>} : vector<16xi32>
    %add3A_382 = vector.broadcast %add3A_380 : i32 to vector<16xi32>
    %add3A_383 = arith.addi %add3A_382, %iota3A_381 : vector<16xi32>
    %swap3A_384 = arith.constant 3 : i32
    %swap3A_385 = arith.index_cast %swap3A_384 : i32 to index
    %swap3A_386 = arith.constant 80 : index
    %swap3A_387 = tpu.vector_load %arg5[%swap3A_385, %swap3A_386] {strides = array<i32>} : memref<8x128xi32, #tpu.memory_space<vmem>>, vector<1x16xi32>,
    %swap3A_388 = vector.shape_cast %swap3A_387 : vector<1x16xi32> to vector<16xi32>
    %swap3A_389 = vector.shape_cast %add3A_383 : vector<16xi32> to vector<1x16xi32>
    tpu.vector_store %arg5[%swap3A_385, %swap3A_386], %swap3A_389 {strides = array<i32>} : memref<8x128xi32, #tpu.memory_space<vmem>>, vector<1x16xi32>,
    %add3A_390 = arith.constant 384 : i32
    %add3A_391 = arith.addi %mul3A_0, %add3A_390 : i32
    %add3A_392 = arith.constant 96 : i32
    %add3A_393 = arith.addi %add3A_391, %add3A_392 : i32
    %iota3A_394 = tpu.iota {dimensions = array<i32: 0>} : vector<16xi32>
    %add3A_395 = vector.broadcast %add3A_393 : i32 to vector<16xi32>
    %add3A_396 = arith.addi %add3A_395, %iota3A_394 : vector<16xi32>
    %swap3A_397 = arith.constant 3 : i32
    %swap3A_398 = arith.index_cast %swap3A_397 : i32 to index
    %swap3A_399 = arith.constant 96 : index
    %swap3A_400 = tpu.vector_load %arg5[%swap3A_398, %swap3A_399] {strides = array<i32>} : memref<8x128xi32, #tpu.memory_space<vmem>>, vector<1x16xi32>,
    %swap3A_401 = vector.shape_cast %swap3A_400 : vector<1x16xi32> to vector<16xi32>
    %swap3A_402 = vector.shape_cast %add3A_396 : vector<16xi32> to vector<1x16xi32>
    tpu.vector_store %arg5[%swap3A_398, %swap3A_399], %swap3A_402 {strides = array<i32>} : memref<8x128xi32, #tpu.memory_space<vmem>>, vector<1x16xi32>,
    %add3A_403 = arith.constant 384 : i32
    %add3A_404 = arith.addi %mul3A_0, %add3A_403 : i32
    %add3A_405 = arith.constant 112 : i32
    %add3A_406 = arith.addi %add3A_404, %add3A_405 : i32
    %iota3A_407 = tpu.iota {dimensions = array<i32: 0>} : vector<16xi32>
    %add3A_408 = vector.broadcast %add3A_406 : i32 to vector<16xi32>
    %add3A_409 = arith.addi %add3A_408, %iota3A_407 : vector<16xi32>
    %swap3A_410 = arith.constant 3 : i32
    %swap3A_411 = arith.index_cast %swap3A_410 : i32 to index
    %swap3A_412 = arith.constant 112 : index
    %swap3A_413 = tpu.vector_load %arg5[%swap3A_411, %swap3A_412] {strides = array<i32>} : memref<8x128xi32, #tpu.memory_space<vmem>>, vector<1x16xi32>,
    %swap3A_414 = vector.shape_cast %swap3A_413 : vector<1x16xi32> to vector<16xi32>
    %swap3A_415 = vector.shape_cast %add3A_409 : vector<16xi32> to vector<1x16xi32>
    tpu.vector_store %arg5[%swap3A_411, %swap3A_412], %swap3A_415 {strides = array<i32>} : memref<8x128xi32, #tpu.memory_space<vmem>>, vector<1x16xi32>,
    %add3A_416 = arith.constant 512 : i32
    %add3A_417 = arith.addi %mul3A_0, %add3A_416 : i32
    %add3A_418 = arith.constant 0 : i32
    %add3A_419 = arith.addi %add3A_417, %add3A_418 : i32
    %iota3A_420 = tpu.iota {dimensions = array<i32: 0>} : vector<16xi32>
    %add3A_421 = vector.broadcast %add3A_419 : i32 to vector<16xi32>
    %add3A_422 = arith.addi %add3A_421, %iota3A_420 : vector<16xi32>
    %swap3A_423 = arith.constant 4 : i32
    %swap3A_424 = arith.index_cast %swap3A_423 : i32 to index
    %swap3A_425 = arith.constant 0 : index
    %swap3A_426 = tpu.vector_load %arg5[%swap3A_424, %swap3A_425] {strides = array<i32>} : memref<8x128xi32, #tpu.memory_space<vmem>>, vector<1x16xi32>,
    %swap3A_427 = vector.shape_cast %swap3A_426 : vector<1x16xi32> to vector<16xi32>
    %swap3A_428 = vector.shape_cast %add3A_422 : vector<16xi32> to vector<1x16xi32>
    tpu.vector_store %arg5[%swap3A_424, %swap3A_425], %swap3A_428 {strides = array<i32>} : memref<8x128xi32, #tpu.memory_space<vmem>>, vector<1x16xi32>,
    %add3A_429 = arith.constant 512 : i32
    %add3A_430 = arith.addi %mul3A_0, %add3A_429 : i32
    %add3A_431 = arith.constant 16 : i32
    %add3A_432 = arith.addi %add3A_430, %add3A_431 : i32
    %iota3A_433 = tpu.iota {dimensions = array<i32: 0>} : vector<16xi32>
    %add3A_434 = vector.broadcast %add3A_432 : i32 to vector<16xi32>
    %add3A_435 = arith.addi %add3A_434, %iota3A_433 : vector<16xi32>
    %swap3A_436 = arith.constant 4 : i32
    %swap3A_437 = arith.index_cast %swap3A_436 : i32 to index
    %swap3A_438 = arith.constant 16 : index
    %swap3A_439 = tpu.vector_load %arg5[%swap3A_437, %swap3A_438] {strides = array<i32>} : memref<8x128xi32, #tpu.memory_space<vmem>>, vector<1x16xi32>,
    %swap3A_440 = vector.shape_cast %swap3A_439 : vector<1x16xi32> to vector<16xi32>
    %swap3A_441 = vector.shape_cast %add3A_435 : vector<16xi32> to vector<1x16xi32>
    tpu.vector_store %arg5[%swap3A_437, %swap3A_438], %swap3A_441 {strides = array<i32>} : memref<8x128xi32, #tpu.memory_space<vmem>>, vector<1x16xi32>,
    %add3A_442 = arith.constant 512 : i32
    %add3A_443 = arith.addi %mul3A_0, %add3A_442 : i32
    %add3A_444 = arith.constant 32 : i32
    %add3A_445 = arith.addi %add3A_443, %add3A_444 : i32
    %iota3A_446 = tpu.iota {dimensions = array<i32: 0>} : vector<16xi32>
    %add3A_447 = vector.broadcast %add3A_445 : i32 to vector<16xi32>
    %add3A_448 = arith.addi %add3A_447, %iota3A_446 : vector<16xi32>
    %swap3A_449 = arith.constant 4 : i32
    %swap3A_450 = arith.index_cast %swap3A_449 : i32 to index
    %swap3A_451 = arith.constant 32 : index
    %swap3A_452 = tpu.vector_load %arg5[%swap3A_450, %swap3A_451] {strides = array<i32>} : memref<8x128xi32, #tpu.memory_space<vmem>>, vector<1x16xi32>,
    %swap3A_453 = vector.shape_cast %swap3A_452 : vector<1x16xi32> to vector<16xi32>
    %swap3A_454 = vector.shape_cast %add3A_448 : vector<16xi32> to vector<1x16xi32>
    tpu.vector_store %arg5[%swap3A_450, %swap3A_451], %swap3A_454 {strides = array<i32>} : memref<8x128xi32, #tpu.memory_space<vmem>>, vector<1x16xi32>,
    %add3A_455 = arith.constant 512 : i32
    %add3A_456 = arith.addi %mul3A_0, %add3A_455 : i32
    %add3A_457 = arith.constant 48 : i32
    %add3A_458 = arith.addi %add3A_456, %add3A_457 : i32
    %iota3A_459 = tpu.iota {dimensions = array<i32: 0>} : vector<16xi32>
    %add3A_460 = vector.broadcast %add3A_458 : i32 to vector<16xi32>
    %add3A_461 = arith.addi %add3A_460, %iota3A_459 : vector<16xi32>
    %swap3A_462 = arith.constant 4 : i32
    %swap3A_463 = arith.index_cast %swap3A_462 : i32 to index
    %swap3A_464 = arith.constant 48 : index
    %swap3A_465 = tpu.vector_load %arg5[%swap3A_463, %swap3A_464] {strides = array<i32>} : memref<8x128xi32, #tpu.memory_space<vmem>>, vector<1x16xi32>,
    %swap3A_466 = vector.shape_cast %swap3A_465 : vector<1x16xi32> to vector<16xi32>
    %swap3A_467 = vector.shape_cast %add3A_461 : vector<16xi32> to vector<1x16xi32>
    tpu.vector_store %arg5[%swap3A_463, %swap3A_464], %swap3A_467 {strides = array<i32>} : memref<8x128xi32, #tpu.memory_space<vmem>>, vector<1x16xi32>,
    %add3A_468 = arith.constant 512 : i32
    %add3A_469 = arith.addi %mul3A_0, %add3A_468 : i32
    %add3A_470 = arith.constant 64 : i32
    %add3A_471 = arith.addi %add3A_469, %add3A_470 : i32
    %iota3A_472 = tpu.iota {dimensions = array<i32: 0>} : vector<16xi32>
    %add3A_473 = vector.broadcast %add3A_471 : i32 to vector<16xi32>
    %add3A_474 = arith.addi %add3A_473, %iota3A_472 : vector<16xi32>
    %swap3A_475 = arith.constant 4 : i32
    %swap3A_476 = arith.index_cast %swap3A_475 : i32 to index
    %swap3A_477 = arith.constant 64 : index
    %swap3A_478 = tpu.vector_load %arg5[%swap3A_476, %swap3A_477] {strides = array<i32>} : memref<8x128xi32, #tpu.memory_space<vmem>>, vector<1x16xi32>,
    %swap3A_479 = vector.shape_cast %swap3A_478 : vector<1x16xi32> to vector<16xi32>
    %swap3A_480 = vector.shape_cast %add3A_474 : vector<16xi32> to vector<1x16xi32>
    tpu.vector_store %arg5[%swap3A_476, %swap3A_477], %swap3A_480 {strides = array<i32>} : memref<8x128xi32, #tpu.memory_space<vmem>>, vector<1x16xi32>,
    %add3A_481 = arith.constant 512 : i32
    %add3A_482 = arith.addi %mul3A_0, %add3A_481 : i32
    %add3A_483 = arith.constant 80 : i32
    %add3A_484 = arith.addi %add3A_482, %add3A_483 : i32
    %iota3A_485 = tpu.iota {dimensions = array<i32: 0>} : vector<16xi32>
    %add3A_486 = vector.broadcast %add3A_484 : i32 to vector<16xi32>
    %add3A_487 = arith.addi %add3A_486, %iota3A_485 : vector<16xi32>
    %swap3A_488 = arith.constant 4 : i32
    %swap3A_489 = arith.index_cast %swap3A_488 : i32 to index
    %swap3A_490 = arith.constant 80 : index
    %swap3A_491 = tpu.vector_load %arg5[%swap3A_489, %swap3A_490] {strides = array<i32>} : memref<8x128xi32, #tpu.memory_space<vmem>>, vector<1x16xi32>,
    %swap3A_492 = vector.shape_cast %swap3A_491 : vector<1x16xi32> to vector<16xi32>
    %swap3A_493 = vector.shape_cast %add3A_487 : vector<16xi32> to vector<1x16xi32>
    tpu.vector_store %arg5[%swap3A_489, %swap3A_490], %swap3A_493 {strides = array<i32>} : memref<8x128xi32, #tpu.memory_space<vmem>>, vector<1x16xi32>,
    %add3A_494 = arith.constant 512 : i32
    %add3A_495 = arith.addi %mul3A_0, %add3A_494 : i32
    %add3A_496 = arith.constant 96 : i32
    %add3A_497 = arith.addi %add3A_495, %add3A_496 : i32
    %iota3A_498 = tpu.iota {dimensions = array<i32: 0>} : vector<16xi32>
    %add3A_499 = vector.broadcast %add3A_497 : i32 to vector<16xi32>
    %add3A_500 = arith.addi %add3A_499, %iota3A_498 : vector<16xi32>
    %swap3A_501 = arith.constant 4 : i32
    %swap3A_502 = arith.index_cast %swap3A_501 : i32 to index
    %swap3A_503 = arith.constant 96 : index
    %swap3A_504 = tpu.vector_load %arg5[%swap3A_502, %swap3A_503] {strides = array<i32>} : memref<8x128xi32, #tpu.memory_space<vmem>>, vector<1x16xi32>,
    %swap3A_505 = vector.shape_cast %swap3A_504 : vector<1x16xi32> to vector<16xi32>
    %swap3A_506 = vector.shape_cast %add3A_500 : vector<16xi32> to vector<1x16xi32>
    tpu.vector_store %arg5[%swap3A_502, %swap3A_503], %swap3A_506 {strides = array<i32>} : memref<8x128xi32, #tpu.memory_space<vmem>>, vector<1x16xi32>,
    %add3A_507 = arith.constant 512 : i32
    %add3A_508 = arith.addi %mul3A_0, %add3A_507 : i32
    %add3A_509 = arith.constant 112 : i32
    %add3A_510 = arith.addi %add3A_508, %add3A_509 : i32
    %iota3A_511 = tpu.iota {dimensions = array<i32: 0>} : vector<16xi32>
    %add3A_512 = vector.broadcast %add3A_510 : i32 to vector<16xi32>
    %add3A_513 = arith.addi %add3A_512, %iota3A_511 : vector<16xi32>
    %swap3A_514 = arith.constant 4 : i32
    %swap3A_515 = arith.index_cast %swap3A_514 : i32 to index
    %swap3A_516 = arith.constant 112 : index
    %swap3A_517 = tpu.vector_load %arg5[%swap3A_515, %swap3A_516] {strides = array<i32>} : memref<8x128xi32, #tpu.memory_space<vmem>>, vector<1x16xi32>,
    %swap3A_518 = vector.shape_cast %swap3A_517 : vector<1x16xi32> to vector<16xi32>
    %swap3A_519 = vector.shape_cast %add3A_513 : vector<16xi32> to vector<1x16xi32>
    tpu.vector_store %arg5[%swap3A_515, %swap3A_516], %swap3A_519 {strides = array<i32>} : memref<8x128xi32, #tpu.memory_space<vmem>>, vector<1x16xi32>,
    %add3A_520 = arith.constant 640 : i32
    %add3A_521 = arith.addi %mul3A_0, %add3A_520 : i32
    %add3A_522 = arith.constant 0 : i32
    %add3A_523 = arith.addi %add3A_521, %add3A_522 : i32
    %iota3A_524 = tpu.iota {dimensions = array<i32: 0>} : vector<16xi32>
    %add3A_525 = vector.broadcast %add3A_523 : i32 to vector<16xi32>
    %add3A_526 = arith.addi %add3A_525, %iota3A_524 : vector<16xi32>
    %swap3A_527 = arith.constant 5 : i32
    %swap3A_528 = arith.index_cast %swap3A_527 : i32 to index
    %swap3A_529 = arith.constant 0 : index
    %swap3A_530 = tpu.vector_load %arg5[%swap3A_528, %swap3A_529] {strides = array<i32>} : memref<8x128xi32, #tpu.memory_space<vmem>>, vector<1x16xi32>,
    %swap3A_531 = vector.shape_cast %swap3A_530 : vector<1x16xi32> to vector<16xi32>
    %swap3A_532 = vector.shape_cast %add3A_526 : vector<16xi32> to vector<1x16xi32>
    tpu.vector_store %arg5[%swap3A_528, %swap3A_529], %swap3A_532 {strides = array<i32>} : memref<8x128xi32, #tpu.memory_space<vmem>>, vector<1x16xi32>,
    %add3A_533 = arith.constant 640 : i32
    %add3A_534 = arith.addi %mul3A_0, %add3A_533 : i32
    %add3A_535 = arith.constant 16 : i32
    %add3A_536 = arith.addi %add3A_534, %add3A_535 : i32
    %iota3A_537 = tpu.iota {dimensions = array<i32: 0>} : vector<16xi32>
    %add3A_538 = vector.broadcast %add3A_536 : i32 to vector<16xi32>
    %add3A_539 = arith.addi %add3A_538, %iota3A_537 : vector<16xi32>
    %swap3A_540 = arith.constant 5 : i32
    %swap3A_541 = arith.index_cast %swap3A_540 : i32 to index
    %swap3A_542 = arith.constant 16 : index
    %swap3A_543 = tpu.vector_load %arg5[%swap3A_541, %swap3A_542] {strides = array<i32>} : memref<8x128xi32, #tpu.memory_space<vmem>>, vector<1x16xi32>,
    %swap3A_544 = vector.shape_cast %swap3A_543 : vector<1x16xi32> to vector<16xi32>
    %swap3A_545 = vector.shape_cast %add3A_539 : vector<16xi32> to vector<1x16xi32>
    tpu.vector_store %arg5[%swap3A_541, %swap3A_542], %swap3A_545 {strides = array<i32>} : memref<8x128xi32, #tpu.memory_space<vmem>>, vector<1x16xi32>,
    %add3A_546 = arith.constant 640 : i32
    %add3A_547 = arith.addi %mul3A_0, %add3A_546 : i32
    %add3A_548 = arith.constant 32 : i32
    %add3A_549 = arith.addi %add3A_547, %add3A_548 : i32
    %iota3A_550 = tpu.iota {dimensions = array<i32: 0>} : vector<16xi32>
    %add3A_551 = vector.broadcast %add3A_549 : i32 to vector<16xi32>
    %add3A_552 = arith.addi %add3A_551, %iota3A_550 : vector<16xi32>
    %swap3A_553 = arith.constant 5 : i32
    %swap3A_554 = arith.index_cast %swap3A_553 : i32 to index
    %swap3A_555 = arith.constant 32 : index
    %swap3A_556 = tpu.vector_load %arg5[%swap3A_554, %swap3A_555] {strides = array<i32>} : memref<8x128xi32, #tpu.memory_space<vmem>>, vector<1x16xi32>,
    %swap3A_557 = vector.shape_cast %swap3A_556 : vector<1x16xi32> to vector<16xi32>
    %swap3A_558 = vector.shape_cast %add3A_552 : vector<16xi32> to vector<1x16xi32>
    tpu.vector_store %arg5[%swap3A_554, %swap3A_555], %swap3A_558 {strides = array<i32>} : memref<8x128xi32, #tpu.memory_space<vmem>>, vector<1x16xi32>,
    %add3A_559 = arith.constant 640 : i32
    %add3A_560 = arith.addi %mul3A_0, %add3A_559 : i32
    %add3A_561 = arith.constant 48 : i32
    %add3A_562 = arith.addi %add3A_560, %add3A_561 : i32
    %iota3A_563 = tpu.iota {dimensions = array<i32: 0>} : vector<16xi32>
    %add3A_564 = vector.broadcast %add3A_562 : i32 to vector<16xi32>
    %add3A_565 = arith.addi %add3A_564, %iota3A_563 : vector<16xi32>
    %swap3A_566 = arith.constant 5 : i32
    %swap3A_567 = arith.index_cast %swap3A_566 : i32 to index
    %swap3A_568 = arith.constant 48 : index
    %swap3A_569 = tpu.vector_load %arg5[%swap3A_567, %swap3A_568] {strides = array<i32>} : memref<8x128xi32, #tpu.memory_space<vmem>>, vector<1x16xi32>,
    %swap3A_570 = vector.shape_cast %swap3A_569 : vector<1x16xi32> to vector<16xi32>
    %swap3A_571 = vector.shape_cast %add3A_565 : vector<16xi32> to vector<1x16xi32>
    tpu.vector_store %arg5[%swap3A_567, %swap3A_568], %swap3A_571 {strides = array<i32>} : memref<8x128xi32, #tpu.memory_space<vmem>>, vector<1x16xi32>,
    %add3A_572 = arith.constant 640 : i32
    %add3A_573 = arith.addi %mul3A_0, %add3A_572 : i32
    %add3A_574 = arith.constant 64 : i32
    %add3A_575 = arith.addi %add3A_573, %add3A_574 : i32
    %iota3A_576 = tpu.iota {dimensions = array<i32: 0>} : vector<16xi32>
    %add3A_577 = vector.broadcast %add3A_575 : i32 to vector<16xi32>
    %add3A_578 = arith.addi %add3A_577, %iota3A_576 : vector<16xi32>
    %swap3A_579 = arith.constant 5 : i32
    %swap3A_580 = arith.index_cast %swap3A_579 : i32 to index
    %swap3A_581 = arith.constant 64 : index
    %swap3A_582 = tpu.vector_load %arg5[%swap3A_580, %swap3A_581] {strides = array<i32>} : memref<8x128xi32, #tpu.memory_space<vmem>>, vector<1x16xi32>,
    %swap3A_583 = vector.shape_cast %swap3A_582 : vector<1x16xi32> to vector<16xi32>
    %swap3A_584 = vector.shape_cast %add3A_578 : vector<16xi32> to vector<1x16xi32>
    tpu.vector_store %arg5[%swap3A_580, %swap3A_581], %swap3A_584 {strides = array<i32>} : memref<8x128xi32, #tpu.memory_space<vmem>>, vector<1x16xi32>,
    %add3A_585 = arith.constant 640 : i32
    %add3A_586 = arith.addi %mul3A_0, %add3A_585 : i32
    %add3A_587 = arith.constant 80 : i32
    %add3A_588 = arith.addi %add3A_586, %add3A_587 : i32
    %iota3A_589 = tpu.iota {dimensions = array<i32: 0>} : vector<16xi32>
    %add3A_590 = vector.broadcast %add3A_588 : i32 to vector<16xi32>
    %add3A_591 = arith.addi %add3A_590, %iota3A_589 : vector<16xi32>
    %swap3A_592 = arith.constant 5 : i32
    %swap3A_593 = arith.index_cast %swap3A_592 : i32 to index
    %swap3A_594 = arith.constant 80 : index
    %swap3A_595 = tpu.vector_load %arg5[%swap3A_593, %swap3A_594] {strides = array<i32>} : memref<8x128xi32, #tpu.memory_space<vmem>>, vector<1x16xi32>,
    %swap3A_596 = vector.shape_cast %swap3A_595 : vector<1x16xi32> to vector<16xi32>
    %swap3A_597 = vector.shape_cast %add3A_591 : vector<16xi32> to vector<1x16xi32>
    tpu.vector_store %arg5[%swap3A_593, %swap3A_594], %swap3A_597 {strides = array<i32>} : memref<8x128xi32, #tpu.memory_space<vmem>>, vector<1x16xi32>,
    %add3A_598 = arith.constant 640 : i32
    %add3A_599 = arith.addi %mul3A_0, %add3A_598 : i32
    %add3A_600 = arith.constant 96 : i32
    %add3A_601 = arith.addi %add3A_599, %add3A_600 : i32
    %iota3A_602 = tpu.iota {dimensions = array<i32: 0>} : vector<16xi32>
    %add3A_603 = vector.broadcast %add3A_601 : i32 to vector<16xi32>
    %add3A_604 = arith.addi %add3A_603, %iota3A_602 : vector<16xi32>
    %swap3A_605 = arith.constant 5 : i32
    %swap3A_606 = arith.index_cast %swap3A_605 : i32 to index
    %swap3A_607 = arith.constant 96 : index
    %swap3A_608 = tpu.vector_load %arg5[%swap3A_606, %swap3A_607] {strides = array<i32>} : memref<8x128xi32, #tpu.memory_space<vmem>>, vector<1x16xi32>,
    %swap3A_609 = vector.shape_cast %swap3A_608 : vector<1x16xi32> to vector<16xi32>
    %swap3A_610 = vector.shape_cast %add3A_604 : vector<16xi32> to vector<1x16xi32>
    tpu.vector_store %arg5[%swap3A_606, %swap3A_607], %swap3A_610 {strides = array<i32>} : memref<8x128xi32, #tpu.memory_space<vmem>>, vector<1x16xi32>,
    %add3A_611 = arith.constant 640 : i32
    %add3A_612 = arith.addi %mul3A_0, %add3A_611 : i32
    %add3A_613 = arith.constant 112 : i32
    %add3A_614 = arith.addi %add3A_612, %add3A_613 : i32
    %iota3A_615 = tpu.iota {dimensions = array<i32: 0>} : vector<16xi32>
    %add3A_616 = vector.broadcast %add3A_614 : i32 to vector<16xi32>
    %add3A_617 = arith.addi %add3A_616, %iota3A_615 : vector<16xi32>
    %swap3A_618 = arith.constant 5 : i32
    %swap3A_619 = arith.index_cast %swap3A_618 : i32 to index
    %swap3A_620 = arith.constant 112 : index
    %swap3A_621 = tpu.vector_load %arg5[%swap3A_619, %swap3A_620] {strides = array<i32>} : memref<8x128xi32, #tpu.memory_space<vmem>>, vector<1x16xi32>,
    %swap3A_622 = vector.shape_cast %swap3A_621 : vector<1x16xi32> to vector<16xi32>
    %swap3A_623 = vector.shape_cast %add3A_617 : vector<16xi32> to vector<1x16xi32>
    tpu.vector_store %arg5[%swap3A_619, %swap3A_620], %swap3A_623 {strides = array<i32>} : memref<8x128xi32, #tpu.memory_space<vmem>>, vector<1x16xi32>,
    %add3A_624 = arith.constant 768 : i32
    %add3A_625 = arith.addi %mul3A_0, %add3A_624 : i32
    %add3A_626 = arith.constant 0 : i32
    %add3A_627 = arith.addi %add3A_625, %add3A_626 : i32
    %iota3A_628 = tpu.iota {dimensions = array<i32: 0>} : vector<16xi32>
    %add3A_629 = vector.broadcast %add3A_627 : i32 to vector<16xi32>
    %add3A_630 = arith.addi %add3A_629, %iota3A_628 : vector<16xi32>
    %swap3A_631 = arith.constant 6 : i32
    %swap3A_632 = arith.index_cast %swap3A_631 : i32 to index
    %swap3A_633 = arith.constant 0 : index
    %swap3A_634 = tpu.vector_load %arg5[%swap3A_632, %swap3A_633] {strides = array<i32>} : memref<8x128xi32, #tpu.memory_space<vmem>>, vector<1x16xi32>,
    %swap3A_635 = vector.shape_cast %swap3A_634 : vector<1x16xi32> to vector<16xi32>
    %swap3A_636 = vector.shape_cast %add3A_630 : vector<16xi32> to vector<1x16xi32>
    tpu.vector_store %arg5[%swap3A_632, %swap3A_633], %swap3A_636 {strides = array<i32>} : memref<8x128xi32, #tpu.memory_space<vmem>>, vector<1x16xi32>,
    %add3A_637 = arith.constant 768 : i32
    %add3A_638 = arith.addi %mul3A_0, %add3A_637 : i32
    %add3A_639 = arith.constant 16 : i32
    %add3A_640 = arith.addi %add3A_638, %add3A_639 : i32
    %iota3A_641 = tpu.iota {dimensions = array<i32: 0>} : vector<16xi32>
    %add3A_642 = vector.broadcast %add3A_640 : i32 to vector<16xi32>
    %add3A_643 = arith.addi %add3A_642, %iota3A_641 : vector<16xi32>
    %swap3A_644 = arith.constant 6 : i32
    %swap3A_645 = arith.index_cast %swap3A_644 : i32 to index
    %swap3A_646 = arith.constant 16 : index
    %swap3A_647 = tpu.vector_load %arg5[%swap3A_645, %swap3A_646] {strides = array<i32>} : memref<8x128xi32, #tpu.memory_space<vmem>>, vector<1x16xi32>,
    %swap3A_648 = vector.shape_cast %swap3A_647 : vector<1x16xi32> to vector<16xi32>
    %swap3A_649 = vector.shape_cast %add3A_643 : vector<16xi32> to vector<1x16xi32>
    tpu.vector_store %arg5[%swap3A_645, %swap3A_646], %swap3A_649 {strides = array<i32>} : memref<8x128xi32, #tpu.memory_space<vmem>>, vector<1x16xi32>,
    %add3A_650 = arith.constant 768 : i32
    %add3A_651 = arith.addi %mul3A_0, %add3A_650 : i32
    %add3A_652 = arith.constant 32 : i32
    %add3A_653 = arith.addi %add3A_651, %add3A_652 : i32
    %iota3A_654 = tpu.iota {dimensions = array<i32: 0>} : vector<16xi32>
    %add3A_655 = vector.broadcast %add3A_653 : i32 to vector<16xi32>
    %add3A_656 = arith.addi %add3A_655, %iota3A_654 : vector<16xi32>
    %swap3A_657 = arith.constant 6 : i32
    %swap3A_658 = arith.index_cast %swap3A_657 : i32 to index
    %swap3A_659 = arith.constant 32 : index
    %swap3A_660 = tpu.vector_load %arg5[%swap3A_658, %swap3A_659] {strides = array<i32>} : memref<8x128xi32, #tpu.memory_space<vmem>>, vector<1x16xi32>,
    %swap3A_661 = vector.shape_cast %swap3A_660 : vector<1x16xi32> to vector<16xi32>
    %swap3A_662 = vector.shape_cast %add3A_656 : vector<16xi32> to vector<1x16xi32>
    tpu.vector_store %arg5[%swap3A_658, %swap3A_659], %swap3A_662 {strides = array<i32>} : memref<8x128xi32, #tpu.memory_space<vmem>>, vector<1x16xi32>,
    %add3A_663 = arith.constant 768 : i32
    %add3A_664 = arith.addi %mul3A_0, %add3A_663 : i32
    %add3A_665 = arith.constant 48 : i32
    %add3A_666 = arith.addi %add3A_664, %add3A_665 : i32
    %iota3A_667 = tpu.iota {dimensions = array<i32: 0>} : vector<16xi32>
    %add3A_668 = vector.broadcast %add3A_666 : i32 to vector<16xi32>
    %add3A_669 = arith.addi %add3A_668, %iota3A_667 : vector<16xi32>
    %swap3A_670 = arith.constant 6 : i32
    %swap3A_671 = arith.index_cast %swap3A_670 : i32 to index
    %swap3A_672 = arith.constant 48 : index
    %swap3A_673 = tpu.vector_load %arg5[%swap3A_671, %swap3A_672] {strides = array<i32>} : memref<8x128xi32, #tpu.memory_space<vmem>>, vector<1x16xi32>,
    %swap3A_674 = vector.shape_cast %swap3A_673 : vector<1x16xi32> to vector<16xi32>
    %swap3A_675 = vector.shape_cast %add3A_669 : vector<16xi32> to vector<1x16xi32>
    tpu.vector_store %arg5[%swap3A_671, %swap3A_672], %swap3A_675 {strides = array<i32>} : memref<8x128xi32, #tpu.memory_space<vmem>>, vector<1x16xi32>,
    %add3A_676 = arith.constant 768 : i32
    %add3A_677 = arith.addi %mul3A_0, %add3A_676 : i32
    %add3A_678 = arith.constant 64 : i32
    %add3A_679 = arith.addi %add3A_677, %add3A_678 : i32
    %iota3A_680 = tpu.iota {dimensions = array<i32: 0>} : vector<16xi32>
    %add3A_681 = vector.broadcast %add3A_679 : i32 to vector<16xi32>
    %add3A_682 = arith.addi %add3A_681, %iota3A_680 : vector<16xi32>
    %swap3A_683 = arith.constant 6 : i32
    %swap3A_684 = arith.index_cast %swap3A_683 : i32 to index
    %swap3A_685 = arith.constant 64 : index
    %swap3A_686 = tpu.vector_load %arg5[%swap3A_684, %swap3A_685] {strides = array<i32>} : memref<8x128xi32, #tpu.memory_space<vmem>>, vector<1x16xi32>,
    %swap3A_687 = vector.shape_cast %swap3A_686 : vector<1x16xi32> to vector<16xi32>
    %swap3A_688 = vector.shape_cast %add3A_682 : vector<16xi32> to vector<1x16xi32>
    tpu.vector_store %arg5[%swap3A_684, %swap3A_685], %swap3A_688 {strides = array<i32>} : memref<8x128xi32, #tpu.memory_space<vmem>>, vector<1x16xi32>,
    %add3A_689 = arith.constant 768 : i32
    %add3A_690 = arith.addi %mul3A_0, %add3A_689 : i32
    %add3A_691 = arith.constant 80 : i32
    %add3A_692 = arith.addi %add3A_690, %add3A_691 : i32
    %iota3A_693 = tpu.iota {dimensions = array<i32: 0>} : vector<16xi32>
    %add3A_694 = vector.broadcast %add3A_692 : i32 to vector<16xi32>
    %add3A_695 = arith.addi %add3A_694, %iota3A_693 : vector<16xi32>
    %swap3A_696 = arith.constant 6 : i32
    %swap3A_697 = arith.index_cast %swap3A_696 : i32 to index
    %swap3A_698 = arith.constant 80 : index
    %swap3A_699 = tpu.vector_load %arg5[%swap3A_697, %swap3A_698] {strides = array<i32>} : memref<8x128xi32, #tpu.memory_space<vmem>>, vector<1x16xi32>,
    %swap3A_700 = vector.shape_cast %swap3A_699 : vector<1x16xi32> to vector<16xi32>
    %swap3A_701 = vector.shape_cast %add3A_695 : vector<16xi32> to vector<1x16xi32>
    tpu.vector_store %arg5[%swap3A_697, %swap3A_698], %swap3A_701 {strides = array<i32>} : memref<8x128xi32, #tpu.memory_space<vmem>>, vector<1x16xi32>,
    %add3A_702 = arith.constant 768 : i32
    %add3A_703 = arith.addi %mul3A_0, %add3A_702 : i32
    %add3A_704 = arith.constant 96 : i32
    %add3A_705 = arith.addi %add3A_703, %add3A_704 : i32
    %iota3A_706 = tpu.iota {dimensions = array<i32: 0>} : vector<16xi32>
    %add3A_707 = vector.broadcast %add3A_705 : i32 to vector<16xi32>
    %add3A_708 = arith.addi %add3A_707, %iota3A_706 : vector<16xi32>
    %swap3A_709 = arith.constant 6 : i32
    %swap3A_710 = arith.index_cast %swap3A_709 : i32 to index
    %swap3A_711 = arith.constant 96 : index
    %swap3A_712 = tpu.vector_load %arg5[%swap3A_710, %swap3A_711] {strides = array<i32>} : memref<8x128xi32, #tpu.memory_space<vmem>>, vector<1x16xi32>,
    %swap3A_713 = vector.shape_cast %swap3A_712 : vector<1x16xi32> to vector<16xi32>
    %swap3A_714 = vector.shape_cast %add3A_708 : vector<16xi32> to vector<1x16xi32>
    tpu.vector_store %arg5[%swap3A_710, %swap3A_711], %swap3A_714 {strides = array<i32>} : memref<8x128xi32, #tpu.memory_space<vmem>>, vector<1x16xi32>,
    %add3A_715 = arith.constant 768 : i32
    %add3A_716 = arith.addi %mul3A_0, %add3A_715 : i32
    %add3A_717 = arith.constant 112 : i32
    %add3A_718 = arith.addi %add3A_716, %add3A_717 : i32
    %iota3A_719 = tpu.iota {dimensions = array<i32: 0>} : vector<16xi32>
    %add3A_720 = vector.broadcast %add3A_718 : i32 to vector<16xi32>
    %add3A_721 = arith.addi %add3A_720, %iota3A_719 : vector<16xi32>
    %swap3A_722 = arith.constant 6 : i32
    %swap3A_723 = arith.index_cast %swap3A_722 : i32 to index
    %swap3A_724 = arith.constant 112 : index
    %swap3A_725 = tpu.vector_load %arg5[%swap3A_723, %swap3A_724] {strides = array<i32>} : memref<8x128xi32, #tpu.memory_space<vmem>>, vector<1x16xi32>,
    %swap3A_726 = vector.shape_cast %swap3A_725 : vector<1x16xi32> to vector<16xi32>
    %swap3A_727 = vector.shape_cast %add3A_721 : vector<16xi32> to vector<1x16xi32>
    tpu.vector_store %arg5[%swap3A_723, %swap3A_724], %swap3A_727 {strides = array<i32>} : memref<8x128xi32, #tpu.memory_space<vmem>>, vector<1x16xi32>,
    %add3A_728 = arith.constant 896 : i32
    %add3A_729 = arith.addi %mul3A_0, %add3A_728 : i32
    %add3A_730 = arith.constant 0 : i32
    %add3A_731 = arith.addi %add3A_729, %add3A_730 : i32
    %iota3A_732 = tpu.iota {dimensions = array<i32: 0>} : vector<16xi32>
    %add3A_733 = vector.broadcast %add3A_731 : i32 to vector<16xi32>
    %add3A_734 = arith.addi %add3A_733, %iota3A_732 : vector<16xi32>
    %swap3A_735 = arith.constant 7 : i32
    %swap3A_736 = arith.index_cast %swap3A_735 : i32 to index
    %swap3A_737 = arith.constant 0 : index
    %swap3A_738 = tpu.vector_load %arg5[%swap3A_736, %swap3A_737] {strides = array<i32>} : memref<8x128xi32, #tpu.memory_space<vmem>>, vector<1x16xi32>,
    %swap3A_739 = vector.shape_cast %swap3A_738 : vector<1x16xi32> to vector<16xi32>
    %swap3A_740 = vector.shape_cast %add3A_734 : vector<16xi32> to vector<1x16xi32>
    tpu.vector_store %arg5[%swap3A_736, %swap3A_737], %swap3A_740 {strides = array<i32>} : memref<8x128xi32, #tpu.memory_space<vmem>>, vector<1x16xi32>,
    %add3A_741 = arith.constant 896 : i32
    %add3A_742 = arith.addi %mul3A_0, %add3A_741 : i32
    %add3A_743 = arith.constant 16 : i32
    %add3A_744 = arith.addi %add3A_742, %add3A_743 : i32
    %iota3A_745 = tpu.iota {dimensions = array<i32: 0>} : vector<16xi32>
    %add3A_746 = vector.broadcast %add3A_744 : i32 to vector<16xi32>
    %add3A_747 = arith.addi %add3A_746, %iota3A_745 : vector<16xi32>
    %swap3A_748 = arith.constant 7 : i32
    %swap3A_749 = arith.index_cast %swap3A_748 : i32 to index
    %swap3A_750 = arith.constant 16 : index
    %swap3A_751 = tpu.vector_load %arg5[%swap3A_749, %swap3A_750] {strides = array<i32>} : memref<8x128xi32, #tpu.memory_space<vmem>>, vector<1x16xi32>,
    %swap3A_752 = vector.shape_cast %swap3A_751 : vector<1x16xi32> to vector<16xi32>
    %swap3A_753 = vector.shape_cast %add3A_747 : vector<16xi32> to vector<1x16xi32>
    tpu.vector_store %arg5[%swap3A_749, %swap3A_750], %swap3A_753 {strides = array<i32>} : memref<8x128xi32, #tpu.memory_space<vmem>>, vector<1x16xi32>,
    %add3A_754 = arith.constant 896 : i32
    %add3A_755 = arith.addi %mul3A_0, %add3A_754 : i32
    %add3A_756 = arith.constant 32 : i32
    %add3A_757 = arith.addi %add3A_755, %add3A_756 : i32
    %iota3A_758 = tpu.iota {dimensions = array<i32: 0>} : vector<16xi32>
    %add3A_759 = vector.broadcast %add3A_757 : i32 to vector<16xi32>
    %add3A_760 = arith.addi %add3A_759, %iota3A_758 : vector<16xi32>
    %swap3A_761 = arith.constant 7 : i32
    %swap3A_762 = arith.index_cast %swap3A_761 : i32 to index
    %swap3A_763 = arith.constant 32 : index
    %swap3A_764 = tpu.vector_load %arg5[%swap3A_762, %swap3A_763] {strides = array<i32>} : memref<8x128xi32, #tpu.memory_space<vmem>>, vector<1x16xi32>,
    %swap3A_765 = vector.shape_cast %swap3A_764 : vector<1x16xi32> to vector<16xi32>
    %swap3A_766 = vector.shape_cast %add3A_760 : vector<16xi32> to vector<1x16xi32>
    tpu.vector_store %arg5[%swap3A_762, %swap3A_763], %swap3A_766 {strides = array<i32>} : memref<8x128xi32, #tpu.memory_space<vmem>>, vector<1x16xi32>,
    %add3A_767 = arith.constant 896 : i32
    %add3A_768 = arith.addi %mul3A_0, %add3A_767 : i32
    %add3A_769 = arith.constant 48 : i32
    %add3A_770 = arith.addi %add3A_768, %add3A_769 : i32
    %iota3A_771 = tpu.iota {dimensions = array<i32: 0>} : vector<16xi32>
    %add3A_772 = vector.broadcast %add3A_770 : i32 to vector<16xi32>
    %add3A_773 = arith.addi %add3A_772, %iota3A_771 : vector<16xi32>
    %swap3A_774 = arith.constant 7 : i32
    %swap3A_775 = arith.index_cast %swap3A_774 : i32 to index
    %swap3A_776 = arith.constant 48 : index
    %swap3A_777 = tpu.vector_load %arg5[%swap3A_775, %swap3A_776] {strides = array<i32>} : memref<8x128xi32, #tpu.memory_space<vmem>>, vector<1x16xi32>,
    %swap3A_778 = vector.shape_cast %swap3A_777 : vector<1x16xi32> to vector<16xi32>
    %swap3A_779 = vector.shape_cast %add3A_773 : vector<16xi32> to vector<1x16xi32>
    tpu.vector_store %arg5[%swap3A_775, %swap3A_776], %swap3A_779 {strides = array<i32>} : memref<8x128xi32, #tpu.memory_space<vmem>>, vector<1x16xi32>,
    %add3A_780 = arith.constant 896 : i32
    %add3A_781 = arith.addi %mul3A_0, %add3A_780 : i32
    %add3A_782 = arith.constant 64 : i32
    %add3A_783 = arith.addi %add3A_781, %add3A_782 : i32
    %iota3A_784 = tpu.iota {dimensions = array<i32: 0>} : vector<16xi32>
    %add3A_785 = vector.broadcast %add3A_783 : i32 to vector<16xi32>
    %add3A_786 = arith.addi %add3A_785, %iota3A_784 : vector<16xi32>
    %swap3A_787 = arith.constant 7 : i32
    %swap3A_788 = arith.index_cast %swap3A_787 : i32 to index
    %swap3A_789 = arith.constant 64 : index
    %swap3A_790 = tpu.vector_load %arg5[%swap3A_788, %swap3A_789] {strides = array<i32>} : memref<8x128xi32, #tpu.memory_space<vmem>>, vector<1x16xi32>,
    %swap3A_791 = vector.shape_cast %swap3A_790 : vector<1x16xi32> to vector<16xi32>
    %swap3A_792 = vector.shape_cast %add3A_786 : vector<16xi32> to vector<1x16xi32>
    tpu.vector_store %arg5[%swap3A_788, %swap3A_789], %swap3A_792 {strides = array<i32>} : memref<8x128xi32, #tpu.memory_space<vmem>>, vector<1x16xi32>,
    %add3A_793 = arith.constant 896 : i32
    %add3A_794 = arith.addi %mul3A_0, %add3A_793 : i32
    %add3A_795 = arith.constant 80 : i32
    %add3A_796 = arith.addi %add3A_794, %add3A_795 : i32
    %iota3A_797 = tpu.iota {dimensions = array<i32: 0>} : vector<16xi32>
    %add3A_798 = vector.broadcast %add3A_796 : i32 to vector<16xi32>
    %add3A_799 = arith.addi %add3A_798, %iota3A_797 : vector<16xi32>
    %swap3A_800 = arith.constant 7 : i32
    %swap3A_801 = arith.index_cast %swap3A_800 : i32 to index
    %swap3A_802 = arith.constant 80 : index
    %swap3A_803 = tpu.vector_load %arg5[%swap3A_801, %swap3A_802] {strides = array<i32>} : memref<8x128xi32, #tpu.memory_space<vmem>>, vector<1x16xi32>,
    %swap3A_804 = vector.shape_cast %swap3A_803 : vector<1x16xi32> to vector<16xi32>
    %swap3A_805 = vector.shape_cast %add3A_799 : vector<16xi32> to vector<1x16xi32>
    tpu.vector_store %arg5[%swap3A_801, %swap3A_802], %swap3A_805 {strides = array<i32>} : memref<8x128xi32, #tpu.memory_space<vmem>>, vector<1x16xi32>,
    %add3A_806 = arith.constant 896 : i32
    %add3A_807 = arith.addi %mul3A_0, %add3A_806 : i32
    %add3A_808 = arith.constant 96 : i32
    %add3A_809 = arith.addi %add3A_807, %add3A_808 : i32
    %iota3A_810 = tpu.iota {dimensions = array<i32: 0>} : vector<16xi32>
    %add3A_811 = vector.broadcast %add3A_809 : i32 to vector<16xi32>
    %add3A_812 = arith.addi %add3A_811, %iota3A_810 : vector<16xi32>
    %swap3A_813 = arith.constant 7 : i32
    %swap3A_814 = arith.index_cast %swap3A_813 : i32 to index
    %swap3A_815 = arith.constant 96 : index
    %swap3A_816 = tpu.vector_load %arg5[%swap3A_814, %swap3A_815] {strides = array<i32>} : memref<8x128xi32, #tpu.memory_space<vmem>>, vector<1x16xi32>,
    %swap3A_817 = vector.shape_cast %swap3A_816 : vector<1x16xi32> to vector<16xi32>
    %swap3A_818 = vector.shape_cast %add3A_812 : vector<16xi32> to vector<1x16xi32>
    tpu.vector_store %arg5[%swap3A_814, %swap3A_815], %swap3A_818 {strides = array<i32>} : memref<8x128xi32, #tpu.memory_space<vmem>>, vector<1x16xi32>,
    %add3A_819 = arith.constant 896 : i32
    %add3A_820 = arith.addi %mul3A_0, %add3A_819 : i32
    %add3A_821 = arith.constant 112 : i32
    %add3A_822 = arith.addi %add3A_820, %add3A_821 : i32
    %iota3A_823 = tpu.iota {dimensions = array<i32: 0>} : vector<16xi32>
    %add3A_824 = vector.broadcast %add3A_822 : i32 to vector<16xi32>
    %add3A_825 = arith.addi %add3A_824, %iota3A_823 : vector<16xi32>
    %swap3A_826 = arith.constant 7 : i32
    %swap3A_827 = arith.index_cast %swap3A_826 : i32 to index
    %swap3A_828 = arith.constant 112 : index
    %swap3A_829 = tpu.vector_load %arg5[%swap3A_827, %swap3A_828] {strides = array<i32>} : memref<8x128xi32, #tpu.memory_space<vmem>>, vector<1x16xi32>,
    %swap3A_830 = vector.shape_cast %swap3A_829 : vector<1x16xi32> to vector<16xi32>
    %swap3A_831 = vector.shape_cast %add3A_825 : vector<16xi32> to vector<1x16xi32>
    tpu.vector_store %arg5[%swap3A_827, %swap3A_828], %swap3A_831 {strides = array<i32>} : memref<8x128xi32, #tpu.memory_space<vmem>>, vector<1x16xi32>,
    %scan3A = arith.constant 0 : i32
    %scan3A_832 = arith.constant 8 : i32
    %scan3A_833 = arith.addi %scan3A, %scan3A_832 : i32
    %scan3A_834 = arith.constant 1 : i32
    scf.for %scan3A_1737 = %scan3A to %scan3A_833 step %scan3A_834  : i32 {
      %mul3A_1738 = arith.constant 1 : i32
      %mul3A_1739 = arith.muli %scan3A_1737, %mul3A_1738 : i32
      %add3A_1740 = arith.constant 0 : i32
      %add3A_1741 = arith.addi %add3A_1740, %mul3A_1739 : i32
      "tpu.region"() ({
        %run_scoped3A = tpu.sem_alloc : memref<!tpu.dma_semaphore, #tpu.memory_space<semaphore_mem>>
        %dma_start3A = arith.constant 0 : i32
        %dma_start3A_1742 = tpu.memref_slice %arg5[%add3A_1741, %dma_start3A] : memref<8x128xi32, #tpu.memory_space<vmem>> -> memref<1x128xi32, #tpu.memory_space<vmem>>
        %dma_start3A_1743 = tpu.memref_squeeze %dma_start3A_1742 : memref<1x128xi32, #tpu.memory_space<vmem>> -> memref<128xi32, #tpu.memory_space<vmem>>
        %dma_start3A_1744 = arith.constant 0 : i32
        %dma_start3A_1745 = tpu.memref_slice %arg4[%add3A_1741, %dma_start3A_1744] : memref<8x128xi32, #tpu.memory_space<vmem>> -> memref<1x128xi32, #tpu.memory_space<vmem>>
        %dma_start3A_1746 = tpu.memref_squeeze %dma_start3A_1745 : memref<1x128xi32, #tpu.memory_space<vmem>> -> memref<128xi32, #tpu.memory_space<vmem>>
        %dma_start3A_1747 = arith.constant 0 : i32
        %dma_start3A_1748 = tpu.memref_slice %arg7[%dma_start3A_1747] : memref<1000000xi32, #tpu.memory_space<vmem_shared>> -> memref<1000000xi32, #tpu.memory_space<vmem_shared>>
        tpu.enqueue_indirect_dma source(%dma_start3A_1743 : memref<128xi32, #tpu.memory_space<vmem>>) target(%dma_start3A_1748 : memref<1000000xi32, #tpu.memory_space<vmem_shared>>) offsets(%dma_start3A_1746 : memref<128xi32, #tpu.memory_space<vmem>>) semaphore(%run_scoped3A : memref<!tpu.dma_semaphore, #tpu.memory_space<semaphore_mem>>)
        %dma_wait3A = arith.constant 0 : i32
        %dma_wait3A_1749 = tpu.memref_slice %arg5[%add3A_1741, %dma_wait3A] : memref<8x128xi32, #tpu.memory_space<vmem>> -> memref<1x128xi32, #tpu.memory_space<vmem>>
        %dma_wait3A_1750 = tpu.memref_squeeze %dma_wait3A_1749 : memref<1x128xi32, #tpu.memory_space<vmem>> -> memref<128xi32, #tpu.memory_space<vmem>>
        %dma_wait3A_1751 = arith.constant 0 : i32
        %dma_wait3A_1752 = tpu.memref_slice %arg4[%add3A_1741, %dma_wait3A_1751] : memref<8x128xi32, #tpu.memory_space<vmem>> -> memref<1x128xi32, #tpu.memory_space<vmem>>
        %dma_wait3A_1753 = tpu.memref_squeeze %dma_wait3A_1752 : memref<1x128xi32, #tpu.memory_space<vmem>> -> memref<128xi32, #tpu.memory_space<vmem>>
        %dma_wait3A_1754 = arith.constant 0 : i32
        %dma_wait3A_1755 = tpu.memref_slice %arg7[%dma_wait3A_1754] : memref<1000000xi32, #tpu.memory_space<vmem_shared>> -> memref<1000000xi32, #tpu.memory_space<vmem_shared>>
        tpu.wait_indirect_dma semaphore(%run_scoped3A : memref<!tpu.dma_semaphore, #tpu.memory_space<semaphore_mem>>) src(%dma_wait3A_1750 : memref<128xi32, #tpu.memory_space<vmem>>) dst(%dma_wait3A_1755 : memref<1000000xi32, #tpu.memory_space<vmem_shared>>)
        tpu.yield
      }) : () -> ()
    }
    %scan3A_835 = arith.constant 8 : i32
    %barrier3A = arith.constant 0 : index
    tpu.barrier barrier_id(%barrier3A)
    %scan3A_836 = arith.constant 0 : i32
    %scan3A_837 = arith.constant 8 : i32
    %scan3A_838 = arith.addi %scan3A_836, %scan3A_837 : i32
    %scan3A_839 = arith.constant 1 : i32
    scf.for %scan3A_1737 = %scan3A_836 to %scan3A_838 step %scan3A_839  : i32 {
      %mul3A_1738 = arith.constant 1 : i32
      %mul3A_1739 = arith.muli %scan3A_1737, %mul3A_1738 : i32
      %add3A_1740 = arith.constant 0 : i32
      %add3A_1741 = arith.addi %add3A_1740, %mul3A_1739 : i32
      "tpu.region"() ({
        %run_scoped3A = tpu.sem_alloc : memref<!tpu.dma_semaphore, #tpu.memory_space<semaphore_mem>>
        %dma_start3A = arith.constant 0 : i32
        %dma_start3A_1742 = tpu.memref_slice %arg6[%add3A_1741, %dma_start3A] : memref<8x128xi32, #tpu.memory_space<vmem>> -> memref<1x128xi32, #tpu.memory_space<vmem>>
        %dma_start3A_1743 = tpu.memref_squeeze %dma_start3A_1742 : memref<1x128xi32, #tpu.memory_space<vmem>> -> memref<128xi32, #tpu.memory_space<vmem>>
        %dma_start3A_1744 = arith.constant 0 : i32
        %dma_start3A_1745 = tpu.memref_slice %arg4[%add3A_1741, %dma_start3A_1744] : memref<8x128xi32, #tpu.memory_space<vmem>> -> memref<1x128xi32, #tpu.memory_space<vmem>>
        %dma_start3A_1746 = tpu.memref_squeeze %dma_start3A_1745 : memref<1x128xi32, #tpu.memory_space<vmem>> -> memref<128xi32, #tpu.memory_space<vmem>>
        %dma_start3A_1747 = arith.constant 0 : i32
        %dma_start3A_1748 = tpu.memref_slice %arg7[%dma_start3A_1747] : memref<1000000xi32, #tpu.memory_space<vmem_shared>> -> memref<1000000xi32, #tpu.memory_space<vmem_shared>>
        tpu.enqueue_indirect_dma source(%dma_start3A_1748 : memref<1000000xi32, #tpu.memory_space<vmem_shared>>) target(%dma_start3A_1743 : memref<128xi32, #tpu.memory_space<vmem>>) offsets(%dma_start3A_1746 : memref<128xi32, #tpu.memory_space<vmem>>) semaphore(%run_scoped3A : memref<!tpu.dma_semaphore, #tpu.memory_space<semaphore_mem>>)
        %dma_wait3A = arith.constant 0 : i32
        %dma_wait3A_1749 = tpu.memref_slice %arg6[%add3A_1741, %dma_wait3A] : memref<8x128xi32, #tpu.memory_space<vmem>> -> memref<1x128xi32, #tpu.memory_space<vmem>>
        %dma_wait3A_1750 = tpu.memref_squeeze %dma_wait3A_1749 : memref<1x128xi32, #tpu.memory_space<vmem>> -> memref<128xi32, #tpu.memory_space<vmem>>
        %dma_wait3A_1751 = arith.constant 0 : i32
        %dma_wait3A_1752 = tpu.memref_slice %arg4[%add3A_1741, %dma_wait3A_1751] : memref<8x128xi32, #tpu.memory_space<vmem>> -> memref<1x128xi32, #tpu.memory_space<vmem>>
        %dma_wait3A_1753 = tpu.memref_squeeze %dma_wait3A_1752 : memref<1x128xi32, #tpu.memory_space<vmem>> -> memref<128xi32, #tpu.memory_space<vmem>>
        %dma_wait3A_1754 = arith.constant 0 : i32
        %dma_wait3A_1755 = tpu.memref_slice %arg7[%dma_wait3A_1754] : memref<1000000xi32, #tpu.memory_space<vmem_shared>> -> memref<1000000xi32, #tpu.memory_space<vmem_shared>>
        tpu.wait_indirect_dma semaphore(%run_scoped3A : memref<!tpu.dma_semaphore, #tpu.memory_space<semaphore_mem>>) src(%dma_wait3A_1755 : memref<1000000xi32, #tpu.memory_space<vmem_shared>>) dst(%dma_wait3A_1750 : memref<128xi32, #tpu.memory_space<vmem>>)
        tpu.yield
      }) : () -> ()
    }
    %scan3A_840 = arith.constant 8 : i32
    %get3A = arith.constant 0 : i32
    %get3A_841 = arith.index_cast %get3A : i32 to index
    %get3A_842 = arith.constant 0 : index
    %get3A_843 = tpu.vector_load %arg6[%get3A_841, %get3A_842] {strides = array<i32>} : memref<8x128xi32, #tpu.memory_space<vmem>>, vector<1x16xi32>,
    %get3A_844 = vector.shape_cast %get3A_843 : vector<1x16xi32> to vector<16xi32>
    %and3A = arith.constant 16383 : i32
    %and3A_845 = vector.broadcast %and3A : i32 to vector<16xi32>
    %and3A_846 = arith.andi %get3A_844, %and3A_845 : vector<16xi32>
    %swap3A_847 = arith.constant 0 : i32
    %swap3A_848 = arith.index_cast %swap3A_847 : i32 to index
    %swap3A_849 = arith.constant 0 : index
    %swap3A_850 = tpu.vector_load %arg6[%swap3A_848, %swap3A_849] {strides = array<i32>} : memref<8x128xi32, #tpu.memory_space<vmem>>, vector<1x16xi32>,
    %swap3A_851 = vector.shape_cast %swap3A_850 : vector<1x16xi32> to vector<16xi32>
    %swap3A_852 = vector.shape_cast %and3A_846 : vector<16xi32> to vector<1x16xi32>
    tpu.vector_store %arg6[%swap3A_848, %swap3A_849], %swap3A_852 {strides = array<i32>} : memref<8x128xi32, #tpu.memory_space<vmem>>, vector<1x16xi32>,
    %get3A_853 = arith.constant 0 : i32
    %get3A_854 = arith.index_cast %get3A_853 : i32 to index
    %get3A_855 = arith.constant 16 : index
    %get3A_856 = tpu.vector_load %arg6[%get3A_854, %get3A_855] {strides = array<i32>} : memref<8x128xi32, #tpu.memory_space<vmem>>, vector<1x16xi32>,
    %get3A_857 = vector.shape_cast %get3A_856 : vector<1x16xi32> to vector<16xi32>
    %and3A_858 = arith.constant 16383 : i32
    %and3A_859 = vector.broadcast %and3A_858 : i32 to vector<16xi32>
    %and3A_860 = arith.andi %get3A_857, %and3A_859 : vector<16xi32>
    %swap3A_861 = arith.constant 0 : i32
    %swap3A_862 = arith.index_cast %swap3A_861 : i32 to index
    %swap3A_863 = arith.constant 16 : index
    %swap3A_864 = tpu.vector_load %arg6[%swap3A_862, %swap3A_863] {strides = array<i32>} : memref<8x128xi32, #tpu.memory_space<vmem>>, vector<1x16xi32>,
    %swap3A_865 = vector.shape_cast %swap3A_864 : vector<1x16xi32> to vector<16xi32>
    %swap3A_866 = vector.shape_cast %and3A_860 : vector<16xi32> to vector<1x16xi32>
    tpu.vector_store %arg6[%swap3A_862, %swap3A_863], %swap3A_866 {strides = array<i32>} : memref<8x128xi32, #tpu.memory_space<vmem>>, vector<1x16xi32>,
    %get3A_867 = arith.constant 0 : i32
    %get3A_868 = arith.index_cast %get3A_867 : i32 to index
    %get3A_869 = arith.constant 32 : index
    %get3A_870 = tpu.vector_load %arg6[%get3A_868, %get3A_869] {strides = array<i32>} : memref<8x128xi32, #tpu.memory_space<vmem>>, vector<1x16xi32>,
    %get3A_871 = vector.shape_cast %get3A_870 : vector<1x16xi32> to vector<16xi32>
    %and3A_872 = arith.constant 16383 : i32
    %and3A_873 = vector.broadcast %and3A_872 : i32 to vector<16xi32>
    %and3A_874 = arith.andi %get3A_871, %and3A_873 : vector<16xi32>
    %swap3A_875 = arith.constant 0 : i32
    %swap3A_876 = arith.index_cast %swap3A_875 : i32 to index
    %swap3A_877 = arith.constant 32 : index
    %swap3A_878 = tpu.vector_load %arg6[%swap3A_876, %swap3A_877] {strides = array<i32>} : memref<8x128xi32, #tpu.memory_space<vmem>>, vector<1x16xi32>,
    %swap3A_879 = vector.shape_cast %swap3A_878 : vector<1x16xi32> to vector<16xi32>
    %swap3A_880 = vector.shape_cast %and3A_874 : vector<16xi32> to vector<1x16xi32>
    tpu.vector_store %arg6[%swap3A_876, %swap3A_877], %swap3A_880 {strides = array<i32>} : memref<8x128xi32, #tpu.memory_space<vmem>>, vector<1x16xi32>,
    %get3A_881 = arith.constant 0 : i32
    %get3A_882 = arith.index_cast %get3A_881 : i32 to index
    %get3A_883 = arith.constant 48 : index
    %get3A_884 = tpu.vector_load %arg6[%get3A_882, %get3A_883] {strides = array<i32>} : memref<8x128xi32, #tpu.memory_space<vmem>>, vector<1x16xi32>,
    %get3A_885 = vector.shape_cast %get3A_884 : vector<1x16xi32> to vector<16xi32>
    %and3A_886 = arith.constant 16383 : i32
    %and3A_887 = vector.broadcast %and3A_886 : i32 to vector<16xi32>
    %and3A_888 = arith.andi %get3A_885, %and3A_887 : vector<16xi32>
    %swap3A_889 = arith.constant 0 : i32
    %swap3A_890 = arith.index_cast %swap3A_889 : i32 to index
    %swap3A_891 = arith.constant 48 : index
    %swap3A_892 = tpu.vector_load %arg6[%swap3A_890, %swap3A_891] {strides = array<i32>} : memref<8x128xi32, #tpu.memory_space<vmem>>, vector<1x16xi32>,
    %swap3A_893 = vector.shape_cast %swap3A_892 : vector<1x16xi32> to vector<16xi32>
    %swap3A_894 = vector.shape_cast %and3A_888 : vector<16xi32> to vector<1x16xi32>
    tpu.vector_store %arg6[%swap3A_890, %swap3A_891], %swap3A_894 {strides = array<i32>} : memref<8x128xi32, #tpu.memory_space<vmem>>, vector<1x16xi32>,
    %get3A_895 = arith.constant 0 : i32
    %get3A_896 = arith.index_cast %get3A_895 : i32 to index
    %get3A_897 = arith.constant 64 : index
    %get3A_898 = tpu.vector_load %arg6[%get3A_896, %get3A_897] {strides = array<i32>} : memref<8x128xi32, #tpu.memory_space<vmem>>, vector<1x16xi32>,
    %get3A_899 = vector.shape_cast %get3A_898 : vector<1x16xi32> to vector<16xi32>
    %and3A_900 = arith.constant 16383 : i32
    %and3A_901 = vector.broadcast %and3A_900 : i32 to vector<16xi32>
    %and3A_902 = arith.andi %get3A_899, %and3A_901 : vector<16xi32>
    %swap3A_903 = arith.constant 0 : i32
    %swap3A_904 = arith.index_cast %swap3A_903 : i32 to index
    %swap3A_905 = arith.constant 64 : index
    %swap3A_906 = tpu.vector_load %arg6[%swap3A_904, %swap3A_905] {strides = array<i32>} : memref<8x128xi32, #tpu.memory_space<vmem>>, vector<1x16xi32>,
    %swap3A_907 = vector.shape_cast %swap3A_906 : vector<1x16xi32> to vector<16xi32>
    %swap3A_908 = vector.shape_cast %and3A_902 : vector<16xi32> to vector<1x16xi32>
    tpu.vector_store %arg6[%swap3A_904, %swap3A_905], %swap3A_908 {strides = array<i32>} : memref<8x128xi32, #tpu.memory_space<vmem>>, vector<1x16xi32>,
    %get3A_909 = arith.constant 0 : i32
    %get3A_910 = arith.index_cast %get3A_909 : i32 to index
    %get3A_911 = arith.constant 80 : index
    %get3A_912 = tpu.vector_load %arg6[%get3A_910, %get3A_911] {strides = array<i32>} : memref<8x128xi32, #tpu.memory_space<vmem>>, vector<1x16xi32>,
    %get3A_913 = vector.shape_cast %get3A_912 : vector<1x16xi32> to vector<16xi32>
    %and3A_914 = arith.constant 16383 : i32
    %and3A_915 = vector.broadcast %and3A_914 : i32 to vector<16xi32>
    %and3A_916 = arith.andi %get3A_913, %and3A_915 : vector<16xi32>
    %swap3A_917 = arith.constant 0 : i32
    %swap3A_918 = arith.index_cast %swap3A_917 : i32 to index
    %swap3A_919 = arith.constant 80 : index
    %swap3A_920 = tpu.vector_load %arg6[%swap3A_918, %swap3A_919] {strides = array<i32>} : memref<8x128xi32, #tpu.memory_space<vmem>>, vector<1x16xi32>,
    %swap3A_921 = vector.shape_cast %swap3A_920 : vector<1x16xi32> to vector<16xi32>
    %swap3A_922 = vector.shape_cast %and3A_916 : vector<16xi32> to vector<1x16xi32>
    tpu.vector_store %arg6[%swap3A_918, %swap3A_919], %swap3A_922 {strides = array<i32>} : memref<8x128xi32, #tpu.memory_space<vmem>>, vector<1x16xi32>,
    %get3A_923 = arith.constant 0 : i32
    %get3A_924 = arith.index_cast %get3A_923 : i32 to index
    %get3A_925 = arith.constant 96 : index
    %get3A_926 = tpu.vector_load %arg6[%get3A_924, %get3A_925] {strides = array<i32>} : memref<8x128xi32, #tpu.memory_space<vmem>>, vector<1x16xi32>,
    %get3A_927 = vector.shape_cast %get3A_926 : vector<1x16xi32> to vector<16xi32>
    %and3A_928 = arith.constant 16383 : i32
    %and3A_929 = vector.broadcast %and3A_928 : i32 to vector<16xi32>
    %and3A_930 = arith.andi %get3A_927, %and3A_929 : vector<16xi32>
    %swap3A_931 = arith.constant 0 : i32
    %swap3A_932 = arith.index_cast %swap3A_931 : i32 to index
    %swap3A_933 = arith.constant 96 : index
    %swap3A_934 = tpu.vector_load %arg6[%swap3A_932, %swap3A_933] {strides = array<i32>} : memref<8x128xi32, #tpu.memory_space<vmem>>, vector<1x16xi32>,
    %swap3A_935 = vector.shape_cast %swap3A_934 : vector<1x16xi32> to vector<16xi32>
    %swap3A_936 = vector.shape_cast %and3A_930 : vector<16xi32> to vector<1x16xi32>
    tpu.vector_store %arg6[%swap3A_932, %swap3A_933], %swap3A_936 {strides = array<i32>} : memref<8x128xi32, #tpu.memory_space<vmem>>, vector<1x16xi32>,
    %get3A_937 = arith.constant 0 : i32
    %get3A_938 = arith.index_cast %get3A_937 : i32 to index
    %get3A_939 = arith.constant 112 : index
    %get3A_940 = tpu.vector_load %arg6[%get3A_938, %get3A_939] {strides = array<i32>} : memref<8x128xi32, #tpu.memory_space<vmem>>, vector<1x16xi32>,
    %get3A_941 = vector.shape_cast %get3A_940 : vector<1x16xi32> to vector<16xi32>
    %and3A_942 = arith.constant 16383 : i32
    %and3A_943 = vector.broadcast %and3A_942 : i32 to vector<16xi32>
    %and3A_944 = arith.andi %get3A_941, %and3A_943 : vector<16xi32>
    %swap3A_945 = arith.constant 0 : i32
    %swap3A_946 = arith.index_cast %swap3A_945 : i32 to index
    %swap3A_947 = arith.constant 112 : index
    %swap3A_948 = tpu.vector_load %arg6[%swap3A_946, %swap3A_947] {strides = array<i32>} : memref<8x128xi32, #tpu.memory_space<vmem>>, vector<1x16xi32>,
    %swap3A_949 = vector.shape_cast %swap3A_948 : vector<1x16xi32> to vector<16xi32>
    %swap3A_950 = vector.shape_cast %and3A_944 : vector<16xi32> to vector<1x16xi32>
    tpu.vector_store %arg6[%swap3A_946, %swap3A_947], %swap3A_950 {strides = array<i32>} : memref<8x128xi32, #tpu.memory_space<vmem>>, vector<1x16xi32>,
    %get3A_951 = arith.constant 1 : i32
    %get3A_952 = arith.index_cast %get3A_951 : i32 to index
    %get3A_953 = arith.constant 0 : index
    %get3A_954 = tpu.vector_load %arg6[%get3A_952, %get3A_953] {strides = array<i32>} : memref<8x128xi32, #tpu.memory_space<vmem>>, vector<1x16xi32>,
    %get3A_955 = vector.shape_cast %get3A_954 : vector<1x16xi32> to vector<16xi32>
    %and3A_956 = arith.constant 16383 : i32
    %and3A_957 = vector.broadcast %and3A_956 : i32 to vector<16xi32>
    %and3A_958 = arith.andi %get3A_955, %and3A_957 : vector<16xi32>
    %swap3A_959 = arith.constant 1 : i32
    %swap3A_960 = arith.index_cast %swap3A_959 : i32 to index
    %swap3A_961 = arith.constant 0 : index
    %swap3A_962 = tpu.vector_load %arg6[%swap3A_960, %swap3A_961] {strides = array<i32>} : memref<8x128xi32, #tpu.memory_space<vmem>>, vector<1x16xi32>,
    %swap3A_963 = vector.shape_cast %swap3A_962 : vector<1x16xi32> to vector<16xi32>
    %swap3A_964 = vector.shape_cast %and3A_958 : vector<16xi32> to vector<1x16xi32>
    tpu.vector_store %arg6[%swap3A_960, %swap3A_961], %swap3A_964 {strides = array<i32>} : memref<8x128xi32, #tpu.memory_space<vmem>>, vector<1x16xi32>,
    %get3A_965 = arith.constant 1 : i32
    %get3A_966 = arith.index_cast %get3A_965 : i32 to index
    %get3A_967 = arith.constant 16 : index
    %get3A_968 = tpu.vector_load %arg6[%get3A_966, %get3A_967] {strides = array<i32>} : memref<8x128xi32, #tpu.memory_space<vmem>>, vector<1x16xi32>,
    %get3A_969 = vector.shape_cast %get3A_968 : vector<1x16xi32> to vector<16xi32>
    %and3A_970 = arith.constant 16383 : i32
    %and3A_971 = vector.broadcast %and3A_970 : i32 to vector<16xi32>
    %and3A_972 = arith.andi %get3A_969, %and3A_971 : vector<16xi32>
    %swap3A_973 = arith.constant 1 : i32
    %swap3A_974 = arith.index_cast %swap3A_973 : i32 to index
    %swap3A_975 = arith.constant 16 : index
    %swap3A_976 = tpu.vector_load %arg6[%swap3A_974, %swap3A_975] {strides = array<i32>} : memref<8x128xi32, #tpu.memory_space<vmem>>, vector<1x16xi32>,
    %swap3A_977 = vector.shape_cast %swap3A_976 : vector<1x16xi32> to vector<16xi32>
    %swap3A_978 = vector.shape_cast %and3A_972 : vector<16xi32> to vector<1x16xi32>
    tpu.vector_store %arg6[%swap3A_974, %swap3A_975], %swap3A_978 {strides = array<i32>} : memref<8x128xi32, #tpu.memory_space<vmem>>, vector<1x16xi32>,
    %get3A_979 = arith.constant 1 : i32
    %get3A_980 = arith.index_cast %get3A_979 : i32 to index
    %get3A_981 = arith.constant 32 : index
    %get3A_982 = tpu.vector_load %arg6[%get3A_980, %get3A_981] {strides = array<i32>} : memref<8x128xi32, #tpu.memory_space<vmem>>, vector<1x16xi32>,
    %get3A_983 = vector.shape_cast %get3A_982 : vector<1x16xi32> to vector<16xi32>
    %and3A_984 = arith.constant 16383 : i32
    %and3A_985 = vector.broadcast %and3A_984 : i32 to vector<16xi32>
    %and3A_986 = arith.andi %get3A_983, %and3A_985 : vector<16xi32>
    %swap3A_987 = arith.constant 1 : i32
    %swap3A_988 = arith.index_cast %swap3A_987 : i32 to index
    %swap3A_989 = arith.constant 32 : index
    %swap3A_990 = tpu.vector_load %arg6[%swap3A_988, %swap3A_989] {strides = array<i32>} : memref<8x128xi32, #tpu.memory_space<vmem>>, vector<1x16xi32>,
    %swap3A_991 = vector.shape_cast %swap3A_990 : vector<1x16xi32> to vector<16xi32>
    %swap3A_992 = vector.shape_cast %and3A_986 : vector<16xi32> to vector<1x16xi32>
    tpu.vector_store %arg6[%swap3A_988, %swap3A_989], %swap3A_992 {strides = array<i32>} : memref<8x128xi32, #tpu.memory_space<vmem>>, vector<1x16xi32>,
    %get3A_993 = arith.constant 1 : i32
    %get3A_994 = arith.index_cast %get3A_993 : i32 to index
    %get3A_995 = arith.constant 48 : index
    %get3A_996 = tpu.vector_load %arg6[%get3A_994, %get3A_995] {strides = array<i32>} : memref<8x128xi32, #tpu.memory_space<vmem>>, vector<1x16xi32>,
    %get3A_997 = vector.shape_cast %get3A_996 : vector<1x16xi32> to vector<16xi32>
    %and3A_998 = arith.constant 16383 : i32
    %and3A_999 = vector.broadcast %and3A_998 : i32 to vector<16xi32>
    %and3A_1000 = arith.andi %get3A_997, %and3A_999 : vector<16xi32>
    %swap3A_1001 = arith.constant 1 : i32
    %swap3A_1002 = arith.index_cast %swap3A_1001 : i32 to index
    %swap3A_1003 = arith.constant 48 : index
    %swap3A_1004 = tpu.vector_load %arg6[%swap3A_1002, %swap3A_1003] {strides = array<i32>} : memref<8x128xi32, #tpu.memory_space<vmem>>, vector<1x16xi32>,
    %swap3A_1005 = vector.shape_cast %swap3A_1004 : vector<1x16xi32> to vector<16xi32>
    %swap3A_1006 = vector.shape_cast %and3A_1000 : vector<16xi32> to vector<1x16xi32>
    tpu.vector_store %arg6[%swap3A_1002, %swap3A_1003], %swap3A_1006 {strides = array<i32>} : memref<8x128xi32, #tpu.memory_space<vmem>>, vector<1x16xi32>,
    %get3A_1007 = arith.constant 1 : i32
    %get3A_1008 = arith.index_cast %get3A_1007 : i32 to index
    %get3A_1009 = arith.constant 64 : index
    %get3A_1010 = tpu.vector_load %arg6[%get3A_1008, %get3A_1009] {strides = array<i32>} : memref<8x128xi32, #tpu.memory_space<vmem>>, vector<1x16xi32>,
    %get3A_1011 = vector.shape_cast %get3A_1010 : vector<1x16xi32> to vector<16xi32>
    %and3A_1012 = arith.constant 16383 : i32
    %and3A_1013 = vector.broadcast %and3A_1012 : i32 to vector<16xi32>
    %and3A_1014 = arith.andi %get3A_1011, %and3A_1013 : vector<16xi32>
    %swap3A_1015 = arith.constant 1 : i32
    %swap3A_1016 = arith.index_cast %swap3A_1015 : i32 to index
    %swap3A_1017 = arith.constant 64 : index
    %swap3A_1018 = tpu.vector_load %arg6[%swap3A_1016, %swap3A_1017] {strides = array<i32>} : memref<8x128xi32, #tpu.memory_space<vmem>>, vector<1x16xi32>,
    %swap3A_1019 = vector.shape_cast %swap3A_1018 : vector<1x16xi32> to vector<16xi32>
    %swap3A_1020 = vector.shape_cast %and3A_1014 : vector<16xi32> to vector<1x16xi32>
    tpu.vector_store %arg6[%swap3A_1016, %swap3A_1017], %swap3A_1020 {strides = array<i32>} : memref<8x128xi32, #tpu.memory_space<vmem>>, vector<1x16xi32>,
    %get3A_1021 = arith.constant 1 : i32
    %get3A_1022 = arith.index_cast %get3A_1021 : i32 to index
    %get3A_1023 = arith.constant 80 : index
    %get3A_1024 = tpu.vector_load %arg6[%get3A_1022, %get3A_1023] {strides = array<i32>} : memref<8x128xi32, #tpu.memory_space<vmem>>, vector<1x16xi32>,
    %get3A_1025 = vector.shape_cast %get3A_1024 : vector<1x16xi32> to vector<16xi32>
    %and3A_1026 = arith.constant 16383 : i32
    %and3A_1027 = vector.broadcast %and3A_1026 : i32 to vector<16xi32>
    %and3A_1028 = arith.andi %get3A_1025, %and3A_1027 : vector<16xi32>
    %swap3A_1029 = arith.constant 1 : i32
    %swap3A_1030 = arith.index_cast %swap3A_1029 : i32 to index
    %swap3A_1031 = arith.constant 80 : index
    %swap3A_1032 = tpu.vector_load %arg6[%swap3A_1030, %swap3A_1031] {strides = array<i32>} : memref<8x128xi32, #tpu.memory_space<vmem>>, vector<1x16xi32>,
    %swap3A_1033 = vector.shape_cast %swap3A_1032 : vector<1x16xi32> to vector<16xi32>
    %swap3A_1034 = vector.shape_cast %and3A_1028 : vector<16xi32> to vector<1x16xi32>
    tpu.vector_store %arg6[%swap3A_1030, %swap3A_1031], %swap3A_1034 {strides = array<i32>} : memref<8x128xi32, #tpu.memory_space<vmem>>, vector<1x16xi32>,
    %get3A_1035 = arith.constant 1 : i32
    %get3A_1036 = arith.index_cast %get3A_1035 : i32 to index
    %get3A_1037 = arith.constant 96 : index
    %get3A_1038 = tpu.vector_load %arg6[%get3A_1036, %get3A_1037] {strides = array<i32>} : memref<8x128xi32, #tpu.memory_space<vmem>>, vector<1x16xi32>,
    %get3A_1039 = vector.shape_cast %get3A_1038 : vector<1x16xi32> to vector<16xi32>
    %and3A_1040 = arith.constant 16383 : i32
    %and3A_1041 = vector.broadcast %and3A_1040 : i32 to vector<16xi32>
    %and3A_1042 = arith.andi %get3A_1039, %and3A_1041 : vector<16xi32>
    %swap3A_1043 = arith.constant 1 : i32
    %swap3A_1044 = arith.index_cast %swap3A_1043 : i32 to index
    %swap3A_1045 = arith.constant 96 : index
    %swap3A_1046 = tpu.vector_load %arg6[%swap3A_1044, %swap3A_1045] {strides = array<i32>} : memref<8x128xi32, #tpu.memory_space<vmem>>, vector<1x16xi32>,
    %swap3A_1047 = vector.shape_cast %swap3A_1046 : vector<1x16xi32> to vector<16xi32>
    %swap3A_1048 = vector.shape_cast %and3A_1042 : vector<16xi32> to vector<1x16xi32>
    tpu.vector_store %arg6[%swap3A_1044, %swap3A_1045], %swap3A_1048 {strides = array<i32>} : memref<8x128xi32, #tpu.memory_space<vmem>>, vector<1x16xi32>,
    %get3A_1049 = arith.constant 1 : i32
    %get3A_1050 = arith.index_cast %get3A_1049 : i32 to index
    %get3A_1051 = arith.constant 112 : index
    %get3A_1052 = tpu.vector_load %arg6[%get3A_1050, %get3A_1051] {strides = array<i32>} : memref<8x128xi32, #tpu.memory_space<vmem>>, vector<1x16xi32>,
    %get3A_1053 = vector.shape_cast %get3A_1052 : vector<1x16xi32> to vector<16xi32>
    %and3A_1054 = arith.constant 16383 : i32
    %and3A_1055 = vector.broadcast %and3A_1054 : i32 to vector<16xi32>
    %and3A_1056 = arith.andi %get3A_1053, %and3A_1055 : vector<16xi32>
    %swap3A_1057 = arith.constant 1 : i32
    %swap3A_1058 = arith.index_cast %swap3A_1057 : i32 to index
    %swap3A_1059 = arith.constant 112 : index
    %swap3A_1060 = tpu.vector_load %arg6[%swap3A_1058, %swap3A_1059] {strides = array<i32>} : memref<8x128xi32, #tpu.memory_space<vmem>>, vector<1x16xi32>,
    %swap3A_1061 = vector.shape_cast %swap3A_1060 : vector<1x16xi32> to vector<16xi32>
    %swap3A_1062 = vector.shape_cast %and3A_1056 : vector<16xi32> to vector<1x16xi32>
    tpu.vector_store %arg6[%swap3A_1058, %swap3A_1059], %swap3A_1062 {strides = array<i32>} : memref<8x128xi32, #tpu.memory_space<vmem>>, vector<1x16xi32>,
    %get3A_1063 = arith.constant 2 : i32
    %get3A_1064 = arith.index_cast %get3A_1063 : i32 to index
    %get3A_1065 = arith.constant 0 : index
    %get3A_1066 = tpu.vector_load %arg6[%get3A_1064, %get3A_1065] {strides = array<i32>} : memref<8x128xi32, #tpu.memory_space<vmem>>, vector<1x16xi32>,
    %get3A_1067 = vector.shape_cast %get3A_1066 : vector<1x16xi32> to vector<16xi32>
    %and3A_1068 = arith.constant 16383 : i32
    %and3A_1069 = vector.broadcast %and3A_1068 : i32 to vector<16xi32>
    %and3A_1070 = arith.andi %get3A_1067, %and3A_1069 : vector<16xi32>
    %swap3A_1071 = arith.constant 2 : i32
    %swap3A_1072 = arith.index_cast %swap3A_1071 : i32 to index
    %swap3A_1073 = arith.constant 0 : index
    %swap3A_1074 = tpu.vector_load %arg6[%swap3A_1072, %swap3A_1073] {strides = array<i32>} : memref<8x128xi32, #tpu.memory_space<vmem>>, vector<1x16xi32>,
    %swap3A_1075 = vector.shape_cast %swap3A_1074 : vector<1x16xi32> to vector<16xi32>
    %swap3A_1076 = vector.shape_cast %and3A_1070 : vector<16xi32> to vector<1x16xi32>
    tpu.vector_store %arg6[%swap3A_1072, %swap3A_1073], %swap3A_1076 {strides = array<i32>} : memref<8x128xi32, #tpu.memory_space<vmem>>, vector<1x16xi32>,
    %get3A_1077 = arith.constant 2 : i32
    %get3A_1078 = arith.index_cast %get3A_1077 : i32 to index
    %get3A_1079 = arith.constant 16 : index
    %get3A_1080 = tpu.vector_load %arg6[%get3A_1078, %get3A_1079] {strides = array<i32>} : memref<8x128xi32, #tpu.memory_space<vmem>>, vector<1x16xi32>,
    %get3A_1081 = vector.shape_cast %get3A_1080 : vector<1x16xi32> to vector<16xi32>
    %and3A_1082 = arith.constant 16383 : i32
    %and3A_1083 = vector.broadcast %and3A_1082 : i32 to vector<16xi32>
    %and3A_1084 = arith.andi %get3A_1081, %and3A_1083 : vector<16xi32>
    %swap3A_1085 = arith.constant 2 : i32
    %swap3A_1086 = arith.index_cast %swap3A_1085 : i32 to index
    %swap3A_1087 = arith.constant 16 : index
    %swap3A_1088 = tpu.vector_load %arg6[%swap3A_1086, %swap3A_1087] {strides = array<i32>} : memref<8x128xi32, #tpu.memory_space<vmem>>, vector<1x16xi32>,
    %swap3A_1089 = vector.shape_cast %swap3A_1088 : vector<1x16xi32> to vector<16xi32>
    %swap3A_1090 = vector.shape_cast %and3A_1084 : vector<16xi32> to vector<1x16xi32>
    tpu.vector_store %arg6[%swap3A_1086, %swap3A_1087], %swap3A_1090 {strides = array<i32>} : memref<8x128xi32, #tpu.memory_space<vmem>>, vector<1x16xi32>,
    %get3A_1091 = arith.constant 2 : i32
    %get3A_1092 = arith.index_cast %get3A_1091 : i32 to index
    %get3A_1093 = arith.constant 32 : index
    %get3A_1094 = tpu.vector_load %arg6[%get3A_1092, %get3A_1093] {strides = array<i32>} : memref<8x128xi32, #tpu.memory_space<vmem>>, vector<1x16xi32>,
    %get3A_1095 = vector.shape_cast %get3A_1094 : vector<1x16xi32> to vector<16xi32>
    %and3A_1096 = arith.constant 16383 : i32
    %and3A_1097 = vector.broadcast %and3A_1096 : i32 to vector<16xi32>
    %and3A_1098 = arith.andi %get3A_1095, %and3A_1097 : vector<16xi32>
    %swap3A_1099 = arith.constant 2 : i32
    %swap3A_1100 = arith.index_cast %swap3A_1099 : i32 to index
    %swap3A_1101 = arith.constant 32 : index
    %swap3A_1102 = tpu.vector_load %arg6[%swap3A_1100, %swap3A_1101] {strides = array<i32>} : memref<8x128xi32, #tpu.memory_space<vmem>>, vector<1x16xi32>,
    %swap3A_1103 = vector.shape_cast %swap3A_1102 : vector<1x16xi32> to vector<16xi32>
    %swap3A_1104 = vector.shape_cast %and3A_1098 : vector<16xi32> to vector<1x16xi32>
    tpu.vector_store %arg6[%swap3A_1100, %swap3A_1101], %swap3A_1104 {strides = array<i32>} : memref<8x128xi32, #tpu.memory_space<vmem>>, vector<1x16xi32>,
    %get3A_1105 = arith.constant 2 : i32
    %get3A_1106 = arith.index_cast %get3A_1105 : i32 to index
    %get3A_1107 = arith.constant 48 : index
    %get3A_1108 = tpu.vector_load %arg6[%get3A_1106, %get3A_1107] {strides = array<i32>} : memref<8x128xi32, #tpu.memory_space<vmem>>, vector<1x16xi32>,
    %get3A_1109 = vector.shape_cast %get3A_1108 : vector<1x16xi32> to vector<16xi32>
    %and3A_1110 = arith.constant 16383 : i32
    %and3A_1111 = vector.broadcast %and3A_1110 : i32 to vector<16xi32>
    %and3A_1112 = arith.andi %get3A_1109, %and3A_1111 : vector<16xi32>
    %swap3A_1113 = arith.constant 2 : i32
    %swap3A_1114 = arith.index_cast %swap3A_1113 : i32 to index
    %swap3A_1115 = arith.constant 48 : index
    %swap3A_1116 = tpu.vector_load %arg6[%swap3A_1114, %swap3A_1115] {strides = array<i32>} : memref<8x128xi32, #tpu.memory_space<vmem>>, vector<1x16xi32>,
    %swap3A_1117 = vector.shape_cast %swap3A_1116 : vector<1x16xi32> to vector<16xi32>
    %swap3A_1118 = vector.shape_cast %and3A_1112 : vector<16xi32> to vector<1x16xi32>
    tpu.vector_store %arg6[%swap3A_1114, %swap3A_1115], %swap3A_1118 {strides = array<i32>} : memref<8x128xi32, #tpu.memory_space<vmem>>, vector<1x16xi32>,
    %get3A_1119 = arith.constant 2 : i32
    %get3A_1120 = arith.index_cast %get3A_1119 : i32 to index
    %get3A_1121 = arith.constant 64 : index
    %get3A_1122 = tpu.vector_load %arg6[%get3A_1120, %get3A_1121] {strides = array<i32>} : memref<8x128xi32, #tpu.memory_space<vmem>>, vector<1x16xi32>,
    %get3A_1123 = vector.shape_cast %get3A_1122 : vector<1x16xi32> to vector<16xi32>
    %and3A_1124 = arith.constant 16383 : i32
    %and3A_1125 = vector.broadcast %and3A_1124 : i32 to vector<16xi32>
    %and3A_1126 = arith.andi %get3A_1123, %and3A_1125 : vector<16xi32>
    %swap3A_1127 = arith.constant 2 : i32
    %swap3A_1128 = arith.index_cast %swap3A_1127 : i32 to index
    %swap3A_1129 = arith.constant 64 : index
    %swap3A_1130 = tpu.vector_load %arg6[%swap3A_1128, %swap3A_1129] {strides = array<i32>} : memref<8x128xi32, #tpu.memory_space<vmem>>, vector<1x16xi32>,
    %swap3A_1131 = vector.shape_cast %swap3A_1130 : vector<1x16xi32> to vector<16xi32>
    %swap3A_1132 = vector.shape_cast %and3A_1126 : vector<16xi32> to vector<1x16xi32>
    tpu.vector_store %arg6[%swap3A_1128, %swap3A_1129], %swap3A_1132 {strides = array<i32>} : memref<8x128xi32, #tpu.memory_space<vmem>>, vector<1x16xi32>,
    %get3A_1133 = arith.constant 2 : i32
    %get3A_1134 = arith.index_cast %get3A_1133 : i32 to index
    %get3A_1135 = arith.constant 80 : index
    %get3A_1136 = tpu.vector_load %arg6[%get3A_1134, %get3A_1135] {strides = array<i32>} : memref<8x128xi32, #tpu.memory_space<vmem>>, vector<1x16xi32>,
    %get3A_1137 = vector.shape_cast %get3A_1136 : vector<1x16xi32> to vector<16xi32>
    %and3A_1138 = arith.constant 16383 : i32
    %and3A_1139 = vector.broadcast %and3A_1138 : i32 to vector<16xi32>
    %and3A_1140 = arith.andi %get3A_1137, %and3A_1139 : vector<16xi32>
    %swap3A_1141 = arith.constant 2 : i32
    %swap3A_1142 = arith.index_cast %swap3A_1141 : i32 to index
    %swap3A_1143 = arith.constant 80 : index
    %swap3A_1144 = tpu.vector_load %arg6[%swap3A_1142, %swap3A_1143] {strides = array<i32>} : memref<8x128xi32, #tpu.memory_space<vmem>>, vector<1x16xi32>,
    %swap3A_1145 = vector.shape_cast %swap3A_1144 : vector<1x16xi32> to vector<16xi32>
    %swap3A_1146 = vector.shape_cast %and3A_1140 : vector<16xi32> to vector<1x16xi32>
    tpu.vector_store %arg6[%swap3A_1142, %swap3A_1143], %swap3A_1146 {strides = array<i32>} : memref<8x128xi32, #tpu.memory_space<vmem>>, vector<1x16xi32>,
    %get3A_1147 = arith.constant 2 : i32
    %get3A_1148 = arith.index_cast %get3A_1147 : i32 to index
    %get3A_1149 = arith.constant 96 : index
    %get3A_1150 = tpu.vector_load %arg6[%get3A_1148, %get3A_1149] {strides = array<i32>} : memref<8x128xi32, #tpu.memory_space<vmem>>, vector<1x16xi32>,
    %get3A_1151 = vector.shape_cast %get3A_1150 : vector<1x16xi32> to vector<16xi32>
    %and3A_1152 = arith.constant 16383 : i32
    %and3A_1153 = vector.broadcast %and3A_1152 : i32 to vector<16xi32>
    %and3A_1154 = arith.andi %get3A_1151, %and3A_1153 : vector<16xi32>
    %swap3A_1155 = arith.constant 2 : i32
    %swap3A_1156 = arith.index_cast %swap3A_1155 : i32 to index
    %swap3A_1157 = arith.constant 96 : index
    %swap3A_1158 = tpu.vector_load %arg6[%swap3A_1156, %swap3A_1157] {strides = array<i32>} : memref<8x128xi32, #tpu.memory_space<vmem>>, vector<1x16xi32>,
    %swap3A_1159 = vector.shape_cast %swap3A_1158 : vector<1x16xi32> to vector<16xi32>
    %swap3A_1160 = vector.shape_cast %and3A_1154 : vector<16xi32> to vector<1x16xi32>
    tpu.vector_store %arg6[%swap3A_1156, %swap3A_1157], %swap3A_1160 {strides = array<i32>} : memref<8x128xi32, #tpu.memory_space<vmem>>, vector<1x16xi32>,
    %get3A_1161 = arith.constant 2 : i32
    %get3A_1162 = arith.index_cast %get3A_1161 : i32 to index
    %get3A_1163 = arith.constant 112 : index
    %get3A_1164 = tpu.vector_load %arg6[%get3A_1162, %get3A_1163] {strides = array<i32>} : memref<8x128xi32, #tpu.memory_space<vmem>>, vector<1x16xi32>,
    %get3A_1165 = vector.shape_cast %get3A_1164 : vector<1x16xi32> to vector<16xi32>
    %and3A_1166 = arith.constant 16383 : i32
    %and3A_1167 = vector.broadcast %and3A_1166 : i32 to vector<16xi32>
    %and3A_1168 = arith.andi %get3A_1165, %and3A_1167 : vector<16xi32>
    %swap3A_1169 = arith.constant 2 : i32
    %swap3A_1170 = arith.index_cast %swap3A_1169 : i32 to index
    %swap3A_1171 = arith.constant 112 : index
    %swap3A_1172 = tpu.vector_load %arg6[%swap3A_1170, %swap3A_1171] {strides = array<i32>} : memref<8x128xi32, #tpu.memory_space<vmem>>, vector<1x16xi32>,
    %swap3A_1173 = vector.shape_cast %swap3A_1172 : vector<1x16xi32> to vector<16xi32>
    %swap3A_1174 = vector.shape_cast %and3A_1168 : vector<16xi32> to vector<1x16xi32>
    tpu.vector_store %arg6[%swap3A_1170, %swap3A_1171], %swap3A_1174 {strides = array<i32>} : memref<8x128xi32, #tpu.memory_space<vmem>>, vector<1x16xi32>,
    %get3A_1175 = arith.constant 3 : i32
    %get3A_1176 = arith.index_cast %get3A_1175 : i32 to index
    %get3A_1177 = arith.constant 0 : index
    %get3A_1178 = tpu.vector_load %arg6[%get3A_1176, %get3A_1177] {strides = array<i32>} : memref<8x128xi32, #tpu.memory_space<vmem>>, vector<1x16xi32>,
    %get3A_1179 = vector.shape_cast %get3A_1178 : vector<1x16xi32> to vector<16xi32>
    %and3A_1180 = arith.constant 16383 : i32
    %and3A_1181 = vector.broadcast %and3A_1180 : i32 to vector<16xi32>
    %and3A_1182 = arith.andi %get3A_1179, %and3A_1181 : vector<16xi32>
    %swap3A_1183 = arith.constant 3 : i32
    %swap3A_1184 = arith.index_cast %swap3A_1183 : i32 to index
    %swap3A_1185 = arith.constant 0 : index
    %swap3A_1186 = tpu.vector_load %arg6[%swap3A_1184, %swap3A_1185] {strides = array<i32>} : memref<8x128xi32, #tpu.memory_space<vmem>>, vector<1x16xi32>,
    %swap3A_1187 = vector.shape_cast %swap3A_1186 : vector<1x16xi32> to vector<16xi32>
    %swap3A_1188 = vector.shape_cast %and3A_1182 : vector<16xi32> to vector<1x16xi32>
    tpu.vector_store %arg6[%swap3A_1184, %swap3A_1185], %swap3A_1188 {strides = array<i32>} : memref<8x128xi32, #tpu.memory_space<vmem>>, vector<1x16xi32>,
    %get3A_1189 = arith.constant 3 : i32
    %get3A_1190 = arith.index_cast %get3A_1189 : i32 to index
    %get3A_1191 = arith.constant 16 : index
    %get3A_1192 = tpu.vector_load %arg6[%get3A_1190, %get3A_1191] {strides = array<i32>} : memref<8x128xi32, #tpu.memory_space<vmem>>, vector<1x16xi32>,
    %get3A_1193 = vector.shape_cast %get3A_1192 : vector<1x16xi32> to vector<16xi32>
    %and3A_1194 = arith.constant 16383 : i32
    %and3A_1195 = vector.broadcast %and3A_1194 : i32 to vector<16xi32>
    %and3A_1196 = arith.andi %get3A_1193, %and3A_1195 : vector<16xi32>
    %swap3A_1197 = arith.constant 3 : i32
    %swap3A_1198 = arith.index_cast %swap3A_1197 : i32 to index
    %swap3A_1199 = arith.constant 16 : index
    %swap3A_1200 = tpu.vector_load %arg6[%swap3A_1198, %swap3A_1199] {strides = array<i32>} : memref<8x128xi32, #tpu.memory_space<vmem>>, vector<1x16xi32>,
    %swap3A_1201 = vector.shape_cast %swap3A_1200 : vector<1x16xi32> to vector<16xi32>
    %swap3A_1202 = vector.shape_cast %and3A_1196 : vector<16xi32> to vector<1x16xi32>
    tpu.vector_store %arg6[%swap3A_1198, %swap3A_1199], %swap3A_1202 {strides = array<i32>} : memref<8x128xi32, #tpu.memory_space<vmem>>, vector<1x16xi32>,
    %get3A_1203 = arith.constant 3 : i32
    %get3A_1204 = arith.index_cast %get3A_1203 : i32 to index
    %get3A_1205 = arith.constant 32 : index
    %get3A_1206 = tpu.vector_load %arg6[%get3A_1204, %get3A_1205] {strides = array<i32>} : memref<8x128xi32, #tpu.memory_space<vmem>>, vector<1x16xi32>,
    %get3A_1207 = vector.shape_cast %get3A_1206 : vector<1x16xi32> to vector<16xi32>
    %and3A_1208 = arith.constant 16383 : i32
    %and3A_1209 = vector.broadcast %and3A_1208 : i32 to vector<16xi32>
    %and3A_1210 = arith.andi %get3A_1207, %and3A_1209 : vector<16xi32>
    %swap3A_1211 = arith.constant 3 : i32
    %swap3A_1212 = arith.index_cast %swap3A_1211 : i32 to index
    %swap3A_1213 = arith.constant 32 : index
    %swap3A_1214 = tpu.vector_load %arg6[%swap3A_1212, %swap3A_1213] {strides = array<i32>} : memref<8x128xi32, #tpu.memory_space<vmem>>, vector<1x16xi32>,
    %swap3A_1215 = vector.shape_cast %swap3A_1214 : vector<1x16xi32> to vector<16xi32>
    %swap3A_1216 = vector.shape_cast %and3A_1210 : vector<16xi32> to vector<1x16xi32>
    tpu.vector_store %arg6[%swap3A_1212, %swap3A_1213], %swap3A_1216 {strides = array<i32>} : memref<8x128xi32, #tpu.memory_space<vmem>>, vector<1x16xi32>,
    %get3A_1217 = arith.constant 3 : i32
    %get3A_1218 = arith.index_cast %get3A_1217 : i32 to index
    %get3A_1219 = arith.constant 48 : index
    %get3A_1220 = tpu.vector_load %arg6[%get3A_1218, %get3A_1219] {strides = array<i32>} : memref<8x128xi32, #tpu.memory_space<vmem>>, vector<1x16xi32>,
    %get3A_1221 = vector.shape_cast %get3A_1220 : vector<1x16xi32> to vector<16xi32>
    %and3A_1222 = arith.constant 16383 : i32
    %and3A_1223 = vector.broadcast %and3A_1222 : i32 to vector<16xi32>
    %and3A_1224 = arith.andi %get3A_1221, %and3A_1223 : vector<16xi32>
    %swap3A_1225 = arith.constant 3 : i32
    %swap3A_1226 = arith.index_cast %swap3A_1225 : i32 to index
    %swap3A_1227 = arith.constant 48 : index
    %swap3A_1228 = tpu.vector_load %arg6[%swap3A_1226, %swap3A_1227] {strides = array<i32>} : memref<8x128xi32, #tpu.memory_space<vmem>>, vector<1x16xi32>,
    %swap3A_1229 = vector.shape_cast %swap3A_1228 : vector<1x16xi32> to vector<16xi32>
    %swap3A_1230 = vector.shape_cast %and3A_1224 : vector<16xi32> to vector<1x16xi32>
    tpu.vector_store %arg6[%swap3A_1226, %swap3A_1227], %swap3A_1230 {strides = array<i32>} : memref<8x128xi32, #tpu.memory_space<vmem>>, vector<1x16xi32>,
    %get3A_1231 = arith.constant 3 : i32
    %get3A_1232 = arith.index_cast %get3A_1231 : i32 to index
    %get3A_1233 = arith.constant 64 : index
    %get3A_1234 = tpu.vector_load %arg6[%get3A_1232, %get3A_1233] {strides = array<i32>} : memref<8x128xi32, #tpu.memory_space<vmem>>, vector<1x16xi32>,
    %get3A_1235 = vector.shape_cast %get3A_1234 : vector<1x16xi32> to vector<16xi32>
    %and3A_1236 = arith.constant 16383 : i32
    %and3A_1237 = vector.broadcast %and3A_1236 : i32 to vector<16xi32>
    %and3A_1238 = arith.andi %get3A_1235, %and3A_1237 : vector<16xi32>
    %swap3A_1239 = arith.constant 3 : i32
    %swap3A_1240 = arith.index_cast %swap3A_1239 : i32 to index
    %swap3A_1241 = arith.constant 64 : index
    %swap3A_1242 = tpu.vector_load %arg6[%swap3A_1240, %swap3A_1241] {strides = array<i32>} : memref<8x128xi32, #tpu.memory_space<vmem>>, vector<1x16xi32>,
    %swap3A_1243 = vector.shape_cast %swap3A_1242 : vector<1x16xi32> to vector<16xi32>
    %swap3A_1244 = vector.shape_cast %and3A_1238 : vector<16xi32> to vector<1x16xi32>
    tpu.vector_store %arg6[%swap3A_1240, %swap3A_1241], %swap3A_1244 {strides = array<i32>} : memref<8x128xi32, #tpu.memory_space<vmem>>, vector<1x16xi32>,
    %get3A_1245 = arith.constant 3 : i32
    %get3A_1246 = arith.index_cast %get3A_1245 : i32 to index
    %get3A_1247 = arith.constant 80 : index
    %get3A_1248 = tpu.vector_load %arg6[%get3A_1246, %get3A_1247] {strides = array<i32>} : memref<8x128xi32, #tpu.memory_space<vmem>>, vector<1x16xi32>,
    %get3A_1249 = vector.shape_cast %get3A_1248 : vector<1x16xi32> to vector<16xi32>
    %and3A_1250 = arith.constant 16383 : i32
    %and3A_1251 = vector.broadcast %and3A_1250 : i32 to vector<16xi32>
    %and3A_1252 = arith.andi %get3A_1249, %and3A_1251 : vector<16xi32>
    %swap3A_1253 = arith.constant 3 : i32
    %swap3A_1254 = arith.index_cast %swap3A_1253 : i32 to index
    %swap3A_1255 = arith.constant 80 : index
    %swap3A_1256 = tpu.vector_load %arg6[%swap3A_1254, %swap3A_1255] {strides = array<i32>} : memref<8x128xi32, #tpu.memory_space<vmem>>, vector<1x16xi32>,
    %swap3A_1257 = vector.shape_cast %swap3A_1256 : vector<1x16xi32> to vector<16xi32>
    %swap3A_1258 = vector.shape_cast %and3A_1252 : vector<16xi32> to vector<1x16xi32>
    tpu.vector_store %arg6[%swap3A_1254, %swap3A_1255], %swap3A_1258 {strides = array<i32>} : memref<8x128xi32, #tpu.memory_space<vmem>>, vector<1x16xi32>,
    %get3A_1259 = arith.constant 3 : i32
    %get3A_1260 = arith.index_cast %get3A_1259 : i32 to index
    %get3A_1261 = arith.constant 96 : index
    %get3A_1262 = tpu.vector_load %arg6[%get3A_1260, %get3A_1261] {strides = array<i32>} : memref<8x128xi32, #tpu.memory_space<vmem>>, vector<1x16xi32>,
    %get3A_1263 = vector.shape_cast %get3A_1262 : vector<1x16xi32> to vector<16xi32>
    %and3A_1264 = arith.constant 16383 : i32
    %and3A_1265 = vector.broadcast %and3A_1264 : i32 to vector<16xi32>
    %and3A_1266 = arith.andi %get3A_1263, %and3A_1265 : vector<16xi32>
    %swap3A_1267 = arith.constant 3 : i32
    %swap3A_1268 = arith.index_cast %swap3A_1267 : i32 to index
    %swap3A_1269 = arith.constant 96 : index
    %swap3A_1270 = tpu.vector_load %arg6[%swap3A_1268, %swap3A_1269] {strides = array<i32>} : memref<8x128xi32, #tpu.memory_space<vmem>>, vector<1x16xi32>,
    %swap3A_1271 = vector.shape_cast %swap3A_1270 : vector<1x16xi32> to vector<16xi32>
    %swap3A_1272 = vector.shape_cast %and3A_1266 : vector<16xi32> to vector<1x16xi32>
    tpu.vector_store %arg6[%swap3A_1268, %swap3A_1269], %swap3A_1272 {strides = array<i32>} : memref<8x128xi32, #tpu.memory_space<vmem>>, vector<1x16xi32>,
    %get3A_1273 = arith.constant 3 : i32
    %get3A_1274 = arith.index_cast %get3A_1273 : i32 to index
    %get3A_1275 = arith.constant 112 : index
    %get3A_1276 = tpu.vector_load %arg6[%get3A_1274, %get3A_1275] {strides = array<i32>} : memref<8x128xi32, #tpu.memory_space<vmem>>, vector<1x16xi32>,
    %get3A_1277 = vector.shape_cast %get3A_1276 : vector<1x16xi32> to vector<16xi32>
    %and3A_1278 = arith.constant 16383 : i32
    %and3A_1279 = vector.broadcast %and3A_1278 : i32 to vector<16xi32>
    %and3A_1280 = arith.andi %get3A_1277, %and3A_1279 : vector<16xi32>
    %swap3A_1281 = arith.constant 3 : i32
    %swap3A_1282 = arith.index_cast %swap3A_1281 : i32 to index
    %swap3A_1283 = arith.constant 112 : index
    %swap3A_1284 = tpu.vector_load %arg6[%swap3A_1282, %swap3A_1283] {strides = array<i32>} : memref<8x128xi32, #tpu.memory_space<vmem>>, vector<1x16xi32>,
    %swap3A_1285 = vector.shape_cast %swap3A_1284 : vector<1x16xi32> to vector<16xi32>
    %swap3A_1286 = vector.shape_cast %and3A_1280 : vector<16xi32> to vector<1x16xi32>
    tpu.vector_store %arg6[%swap3A_1282, %swap3A_1283], %swap3A_1286 {strides = array<i32>} : memref<8x128xi32, #tpu.memory_space<vmem>>, vector<1x16xi32>,
    %get3A_1287 = arith.constant 4 : i32
    %get3A_1288 = arith.index_cast %get3A_1287 : i32 to index
    %get3A_1289 = arith.constant 0 : index
    %get3A_1290 = tpu.vector_load %arg6[%get3A_1288, %get3A_1289] {strides = array<i32>} : memref<8x128xi32, #tpu.memory_space<vmem>>, vector<1x16xi32>,
    %get3A_1291 = vector.shape_cast %get3A_1290 : vector<1x16xi32> to vector<16xi32>
    %and3A_1292 = arith.constant 16383 : i32
    %and3A_1293 = vector.broadcast %and3A_1292 : i32 to vector<16xi32>
    %and3A_1294 = arith.andi %get3A_1291, %and3A_1293 : vector<16xi32>
    %swap3A_1295 = arith.constant 4 : i32
    %swap3A_1296 = arith.index_cast %swap3A_1295 : i32 to index
    %swap3A_1297 = arith.constant 0 : index
    %swap3A_1298 = tpu.vector_load %arg6[%swap3A_1296, %swap3A_1297] {strides = array<i32>} : memref<8x128xi32, #tpu.memory_space<vmem>>, vector<1x16xi32>,
    %swap3A_1299 = vector.shape_cast %swap3A_1298 : vector<1x16xi32> to vector<16xi32>
    %swap3A_1300 = vector.shape_cast %and3A_1294 : vector<16xi32> to vector<1x16xi32>
    tpu.vector_store %arg6[%swap3A_1296, %swap3A_1297], %swap3A_1300 {strides = array<i32>} : memref<8x128xi32, #tpu.memory_space<vmem>>, vector<1x16xi32>,
    %get3A_1301 = arith.constant 4 : i32
    %get3A_1302 = arith.index_cast %get3A_1301 : i32 to index
    %get3A_1303 = arith.constant 16 : index
    %get3A_1304 = tpu.vector_load %arg6[%get3A_1302, %get3A_1303] {strides = array<i32>} : memref<8x128xi32, #tpu.memory_space<vmem>>, vector<1x16xi32>,
    %get3A_1305 = vector.shape_cast %get3A_1304 : vector<1x16xi32> to vector<16xi32>
    %and3A_1306 = arith.constant 16383 : i32
    %and3A_1307 = vector.broadcast %and3A_1306 : i32 to vector<16xi32>
    %and3A_1308 = arith.andi %get3A_1305, %and3A_1307 : vector<16xi32>
    %swap3A_1309 = arith.constant 4 : i32
    %swap3A_1310 = arith.index_cast %swap3A_1309 : i32 to index
    %swap3A_1311 = arith.constant 16 : index
    %swap3A_1312 = tpu.vector_load %arg6[%swap3A_1310, %swap3A_1311] {strides = array<i32>} : memref<8x128xi32, #tpu.memory_space<vmem>>, vector<1x16xi32>,
    %swap3A_1313 = vector.shape_cast %swap3A_1312 : vector<1x16xi32> to vector<16xi32>
    %swap3A_1314 = vector.shape_cast %and3A_1308 : vector<16xi32> to vector<1x16xi32>
    tpu.vector_store %arg6[%swap3A_1310, %swap3A_1311], %swap3A_1314 {strides = array<i32>} : memref<8x128xi32, #tpu.memory_space<vmem>>, vector<1x16xi32>,
    %get3A_1315 = arith.constant 4 : i32
    %get3A_1316 = arith.index_cast %get3A_1315 : i32 to index
    %get3A_1317 = arith.constant 32 : index
    %get3A_1318 = tpu.vector_load %arg6[%get3A_1316, %get3A_1317] {strides = array<i32>} : memref<8x128xi32, #tpu.memory_space<vmem>>, vector<1x16xi32>,
    %get3A_1319 = vector.shape_cast %get3A_1318 : vector<1x16xi32> to vector<16xi32>
    %and3A_1320 = arith.constant 16383 : i32
    %and3A_1321 = vector.broadcast %and3A_1320 : i32 to vector<16xi32>
    %and3A_1322 = arith.andi %get3A_1319, %and3A_1321 : vector<16xi32>
    %swap3A_1323 = arith.constant 4 : i32
    %swap3A_1324 = arith.index_cast %swap3A_1323 : i32 to index
    %swap3A_1325 = arith.constant 32 : index
    %swap3A_1326 = tpu.vector_load %arg6[%swap3A_1324, %swap3A_1325] {strides = array<i32>} : memref<8x128xi32, #tpu.memory_space<vmem>>, vector<1x16xi32>,
    %swap3A_1327 = vector.shape_cast %swap3A_1326 : vector<1x16xi32> to vector<16xi32>
    %swap3A_1328 = vector.shape_cast %and3A_1322 : vector<16xi32> to vector<1x16xi32>
    tpu.vector_store %arg6[%swap3A_1324, %swap3A_1325], %swap3A_1328 {strides = array<i32>} : memref<8x128xi32, #tpu.memory_space<vmem>>, vector<1x16xi32>,
    %get3A_1329 = arith.constant 4 : i32
    %get3A_1330 = arith.index_cast %get3A_1329 : i32 to index
    %get3A_1331 = arith.constant 48 : index
    %get3A_1332 = tpu.vector_load %arg6[%get3A_1330, %get3A_1331] {strides = array<i32>} : memref<8x128xi32, #tpu.memory_space<vmem>>, vector<1x16xi32>,
    %get3A_1333 = vector.shape_cast %get3A_1332 : vector<1x16xi32> to vector<16xi32>
    %and3A_1334 = arith.constant 16383 : i32
    %and3A_1335 = vector.broadcast %and3A_1334 : i32 to vector<16xi32>
    %and3A_1336 = arith.andi %get3A_1333, %and3A_1335 : vector<16xi32>
    %swap3A_1337 = arith.constant 4 : i32
    %swap3A_1338 = arith.index_cast %swap3A_1337 : i32 to index
    %swap3A_1339 = arith.constant 48 : index
    %swap3A_1340 = tpu.vector_load %arg6[%swap3A_1338, %swap3A_1339] {strides = array<i32>} : memref<8x128xi32, #tpu.memory_space<vmem>>, vector<1x16xi32>,
    %swap3A_1341 = vector.shape_cast %swap3A_1340 : vector<1x16xi32> to vector<16xi32>
    %swap3A_1342 = vector.shape_cast %and3A_1336 : vector<16xi32> to vector<1x16xi32>
    tpu.vector_store %arg6[%swap3A_1338, %swap3A_1339], %swap3A_1342 {strides = array<i32>} : memref<8x128xi32, #tpu.memory_space<vmem>>, vector<1x16xi32>,
    %get3A_1343 = arith.constant 4 : i32
    %get3A_1344 = arith.index_cast %get3A_1343 : i32 to index
    %get3A_1345 = arith.constant 64 : index
    %get3A_1346 = tpu.vector_load %arg6[%get3A_1344, %get3A_1345] {strides = array<i32>} : memref<8x128xi32, #tpu.memory_space<vmem>>, vector<1x16xi32>,
    %get3A_1347 = vector.shape_cast %get3A_1346 : vector<1x16xi32> to vector<16xi32>
    %and3A_1348 = arith.constant 16383 : i32
    %and3A_1349 = vector.broadcast %and3A_1348 : i32 to vector<16xi32>
    %and3A_1350 = arith.andi %get3A_1347, %and3A_1349 : vector<16xi32>
    %swap3A_1351 = arith.constant 4 : i32
    %swap3A_1352 = arith.index_cast %swap3A_1351 : i32 to index
    %swap3A_1353 = arith.constant 64 : index
    %swap3A_1354 = tpu.vector_load %arg6[%swap3A_1352, %swap3A_1353] {strides = array<i32>} : memref<8x128xi32, #tpu.memory_space<vmem>>, vector<1x16xi32>,
    %swap3A_1355 = vector.shape_cast %swap3A_1354 : vector<1x16xi32> to vector<16xi32>
    %swap3A_1356 = vector.shape_cast %and3A_1350 : vector<16xi32> to vector<1x16xi32>
    tpu.vector_store %arg6[%swap3A_1352, %swap3A_1353], %swap3A_1356 {strides = array<i32>} : memref<8x128xi32, #tpu.memory_space<vmem>>, vector<1x16xi32>,
    %get3A_1357 = arith.constant 4 : i32
    %get3A_1358 = arith.index_cast %get3A_1357 : i32 to index
    %get3A_1359 = arith.constant 80 : index
    %get3A_1360 = tpu.vector_load %arg6[%get3A_1358, %get3A_1359] {strides = array<i32>} : memref<8x128xi32, #tpu.memory_space<vmem>>, vector<1x16xi32>,
    %get3A_1361 = vector.shape_cast %get3A_1360 : vector<1x16xi32> to vector<16xi32>
    %and3A_1362 = arith.constant 16383 : i32
    %and3A_1363 = vector.broadcast %and3A_1362 : i32 to vector<16xi32>
    %and3A_1364 = arith.andi %get3A_1361, %and3A_1363 : vector<16xi32>
    %swap3A_1365 = arith.constant 4 : i32
    %swap3A_1366 = arith.index_cast %swap3A_1365 : i32 to index
    %swap3A_1367 = arith.constant 80 : index
    %swap3A_1368 = tpu.vector_load %arg6[%swap3A_1366, %swap3A_1367] {strides = array<i32>} : memref<8x128xi32, #tpu.memory_space<vmem>>, vector<1x16xi32>,
    %swap3A_1369 = vector.shape_cast %swap3A_1368 : vector<1x16xi32> to vector<16xi32>
    %swap3A_1370 = vector.shape_cast %and3A_1364 : vector<16xi32> to vector<1x16xi32>
    tpu.vector_store %arg6[%swap3A_1366, %swap3A_1367], %swap3A_1370 {strides = array<i32>} : memref<8x128xi32, #tpu.memory_space<vmem>>, vector<1x16xi32>,
    %get3A_1371 = arith.constant 4 : i32
    %get3A_1372 = arith.index_cast %get3A_1371 : i32 to index
    %get3A_1373 = arith.constant 96 : index
    %get3A_1374 = tpu.vector_load %arg6[%get3A_1372, %get3A_1373] {strides = array<i32>} : memref<8x128xi32, #tpu.memory_space<vmem>>, vector<1x16xi32>,
    %get3A_1375 = vector.shape_cast %get3A_1374 : vector<1x16xi32> to vector<16xi32>
    %and3A_1376 = arith.constant 16383 : i32
    %and3A_1377 = vector.broadcast %and3A_1376 : i32 to vector<16xi32>
    %and3A_1378 = arith.andi %get3A_1375, %and3A_1377 : vector<16xi32>
    %swap3A_1379 = arith.constant 4 : i32
    %swap3A_1380 = arith.index_cast %swap3A_1379 : i32 to index
    %swap3A_1381 = arith.constant 96 : index
    %swap3A_1382 = tpu.vector_load %arg6[%swap3A_1380, %swap3A_1381] {strides = array<i32>} : memref<8x128xi32, #tpu.memory_space<vmem>>, vector<1x16xi32>,
    %swap3A_1383 = vector.shape_cast %swap3A_1382 : vector<1x16xi32> to vector<16xi32>
    %swap3A_1384 = vector.shape_cast %and3A_1378 : vector<16xi32> to vector<1x16xi32>
    tpu.vector_store %arg6[%swap3A_1380, %swap3A_1381], %swap3A_1384 {strides = array<i32>} : memref<8x128xi32, #tpu.memory_space<vmem>>, vector<1x16xi32>,
    %get3A_1385 = arith.constant 4 : i32
    %get3A_1386 = arith.index_cast %get3A_1385 : i32 to index
    %get3A_1387 = arith.constant 112 : index
    %get3A_1388 = tpu.vector_load %arg6[%get3A_1386, %get3A_1387] {strides = array<i32>} : memref<8x128xi32, #tpu.memory_space<vmem>>, vector<1x16xi32>,
    %get3A_1389 = vector.shape_cast %get3A_1388 : vector<1x16xi32> to vector<16xi32>
    %and3A_1390 = arith.constant 16383 : i32
    %and3A_1391 = vector.broadcast %and3A_1390 : i32 to vector<16xi32>
    %and3A_1392 = arith.andi %get3A_1389, %and3A_1391 : vector<16xi32>
    %swap3A_1393 = arith.constant 4 : i32
    %swap3A_1394 = arith.index_cast %swap3A_1393 : i32 to index
    %swap3A_1395 = arith.constant 112 : index
    %swap3A_1396 = tpu.vector_load %arg6[%swap3A_1394, %swap3A_1395] {strides = array<i32>} : memref<8x128xi32, #tpu.memory_space<vmem>>, vector<1x16xi32>,
    %swap3A_1397 = vector.shape_cast %swap3A_1396 : vector<1x16xi32> to vector<16xi32>
    %swap3A_1398 = vector.shape_cast %and3A_1392 : vector<16xi32> to vector<1x16xi32>
    tpu.vector_store %arg6[%swap3A_1394, %swap3A_1395], %swap3A_1398 {strides = array<i32>} : memref<8x128xi32, #tpu.memory_space<vmem>>, vector<1x16xi32>,
    %get3A_1399 = arith.constant 5 : i32
    %get3A_1400 = arith.index_cast %get3A_1399 : i32 to index
    %get3A_1401 = arith.constant 0 : index
    %get3A_1402 = tpu.vector_load %arg6[%get3A_1400, %get3A_1401] {strides = array<i32>} : memref<8x128xi32, #tpu.memory_space<vmem>>, vector<1x16xi32>,
    %get3A_1403 = vector.shape_cast %get3A_1402 : vector<1x16xi32> to vector<16xi32>
    %and3A_1404 = arith.constant 16383 : i32
    %and3A_1405 = vector.broadcast %and3A_1404 : i32 to vector<16xi32>
    %and3A_1406 = arith.andi %get3A_1403, %and3A_1405 : vector<16xi32>
    %swap3A_1407 = arith.constant 5 : i32
    %swap3A_1408 = arith.index_cast %swap3A_1407 : i32 to index
    %swap3A_1409 = arith.constant 0 : index
    %swap3A_1410 = tpu.vector_load %arg6[%swap3A_1408, %swap3A_1409] {strides = array<i32>} : memref<8x128xi32, #tpu.memory_space<vmem>>, vector<1x16xi32>,
    %swap3A_1411 = vector.shape_cast %swap3A_1410 : vector<1x16xi32> to vector<16xi32>
    %swap3A_1412 = vector.shape_cast %and3A_1406 : vector<16xi32> to vector<1x16xi32>
    tpu.vector_store %arg6[%swap3A_1408, %swap3A_1409], %swap3A_1412 {strides = array<i32>} : memref<8x128xi32, #tpu.memory_space<vmem>>, vector<1x16xi32>,
    %get3A_1413 = arith.constant 5 : i32
    %get3A_1414 = arith.index_cast %get3A_1413 : i32 to index
    %get3A_1415 = arith.constant 16 : index
    %get3A_1416 = tpu.vector_load %arg6[%get3A_1414, %get3A_1415] {strides = array<i32>} : memref<8x128xi32, #tpu.memory_space<vmem>>, vector<1x16xi32>,
    %get3A_1417 = vector.shape_cast %get3A_1416 : vector<1x16xi32> to vector<16xi32>
    %and3A_1418 = arith.constant 16383 : i32
    %and3A_1419 = vector.broadcast %and3A_1418 : i32 to vector<16xi32>
    %and3A_1420 = arith.andi %get3A_1417, %and3A_1419 : vector<16xi32>
    %swap3A_1421 = arith.constant 5 : i32
    %swap3A_1422 = arith.index_cast %swap3A_1421 : i32 to index
    %swap3A_1423 = arith.constant 16 : index
    %swap3A_1424 = tpu.vector_load %arg6[%swap3A_1422, %swap3A_1423] {strides = array<i32>} : memref<8x128xi32, #tpu.memory_space<vmem>>, vector<1x16xi32>,
    %swap3A_1425 = vector.shape_cast %swap3A_1424 : vector<1x16xi32> to vector<16xi32>
    %swap3A_1426 = vector.shape_cast %and3A_1420 : vector<16xi32> to vector<1x16xi32>
    tpu.vector_store %arg6[%swap3A_1422, %swap3A_1423], %swap3A_1426 {strides = array<i32>} : memref<8x128xi32, #tpu.memory_space<vmem>>, vector<1x16xi32>,
    %get3A_1427 = arith.constant 5 : i32
    %get3A_1428 = arith.index_cast %get3A_1427 : i32 to index
    %get3A_1429 = arith.constant 32 : index
    %get3A_1430 = tpu.vector_load %arg6[%get3A_1428, %get3A_1429] {strides = array<i32>} : memref<8x128xi32, #tpu.memory_space<vmem>>, vector<1x16xi32>,
    %get3A_1431 = vector.shape_cast %get3A_1430 : vector<1x16xi32> to vector<16xi32>
    %and3A_1432 = arith.constant 16383 : i32
    %and3A_1433 = vector.broadcast %and3A_1432 : i32 to vector<16xi32>
    %and3A_1434 = arith.andi %get3A_1431, %and3A_1433 : vector<16xi32>
    %swap3A_1435 = arith.constant 5 : i32
    %swap3A_1436 = arith.index_cast %swap3A_1435 : i32 to index
    %swap3A_1437 = arith.constant 32 : index
    %swap3A_1438 = tpu.vector_load %arg6[%swap3A_1436, %swap3A_1437] {strides = array<i32>} : memref<8x128xi32, #tpu.memory_space<vmem>>, vector<1x16xi32>,
    %swap3A_1439 = vector.shape_cast %swap3A_1438 : vector<1x16xi32> to vector<16xi32>
    %swap3A_1440 = vector.shape_cast %and3A_1434 : vector<16xi32> to vector<1x16xi32>
    tpu.vector_store %arg6[%swap3A_1436, %swap3A_1437], %swap3A_1440 {strides = array<i32>} : memref<8x128xi32, #tpu.memory_space<vmem>>, vector<1x16xi32>,
    %get3A_1441 = arith.constant 5 : i32
    %get3A_1442 = arith.index_cast %get3A_1441 : i32 to index
    %get3A_1443 = arith.constant 48 : index
    %get3A_1444 = tpu.vector_load %arg6[%get3A_1442, %get3A_1443] {strides = array<i32>} : memref<8x128xi32, #tpu.memory_space<vmem>>, vector<1x16xi32>,
    %get3A_1445 = vector.shape_cast %get3A_1444 : vector<1x16xi32> to vector<16xi32>
    %and3A_1446 = arith.constant 16383 : i32
    %and3A_1447 = vector.broadcast %and3A_1446 : i32 to vector<16xi32>
    %and3A_1448 = arith.andi %get3A_1445, %and3A_1447 : vector<16xi32>
    %swap3A_1449 = arith.constant 5 : i32
    %swap3A_1450 = arith.index_cast %swap3A_1449 : i32 to index
    %swap3A_1451 = arith.constant 48 : index
    %swap3A_1452 = tpu.vector_load %arg6[%swap3A_1450, %swap3A_1451] {strides = array<i32>} : memref<8x128xi32, #tpu.memory_space<vmem>>, vector<1x16xi32>,
    %swap3A_1453 = vector.shape_cast %swap3A_1452 : vector<1x16xi32> to vector<16xi32>
    %swap3A_1454 = vector.shape_cast %and3A_1448 : vector<16xi32> to vector<1x16xi32>
    tpu.vector_store %arg6[%swap3A_1450, %swap3A_1451], %swap3A_1454 {strides = array<i32>} : memref<8x128xi32, #tpu.memory_space<vmem>>, vector<1x16xi32>,
    %get3A_1455 = arith.constant 5 : i32
    %get3A_1456 = arith.index_cast %get3A_1455 : i32 to index
    %get3A_1457 = arith.constant 64 : index
    %get3A_1458 = tpu.vector_load %arg6[%get3A_1456, %get3A_1457] {strides = array<i32>} : memref<8x128xi32, #tpu.memory_space<vmem>>, vector<1x16xi32>,
    %get3A_1459 = vector.shape_cast %get3A_1458 : vector<1x16xi32> to vector<16xi32>
    %and3A_1460 = arith.constant 16383 : i32
    %and3A_1461 = vector.broadcast %and3A_1460 : i32 to vector<16xi32>
    %and3A_1462 = arith.andi %get3A_1459, %and3A_1461 : vector<16xi32>
    %swap3A_1463 = arith.constant 5 : i32
    %swap3A_1464 = arith.index_cast %swap3A_1463 : i32 to index
    %swap3A_1465 = arith.constant 64 : index
    %swap3A_1466 = tpu.vector_load %arg6[%swap3A_1464, %swap3A_1465] {strides = array<i32>} : memref<8x128xi32, #tpu.memory_space<vmem>>, vector<1x16xi32>,
    %swap3A_1467 = vector.shape_cast %swap3A_1466 : vector<1x16xi32> to vector<16xi32>
    %swap3A_1468 = vector.shape_cast %and3A_1462 : vector<16xi32> to vector<1x16xi32>
    tpu.vector_store %arg6[%swap3A_1464, %swap3A_1465], %swap3A_1468 {strides = array<i32>} : memref<8x128xi32, #tpu.memory_space<vmem>>, vector<1x16xi32>,
    %get3A_1469 = arith.constant 5 : i32
    %get3A_1470 = arith.index_cast %get3A_1469 : i32 to index
    %get3A_1471 = arith.constant 80 : index
    %get3A_1472 = tpu.vector_load %arg6[%get3A_1470, %get3A_1471] {strides = array<i32>} : memref<8x128xi32, #tpu.memory_space<vmem>>, vector<1x16xi32>,
    %get3A_1473 = vector.shape_cast %get3A_1472 : vector<1x16xi32> to vector<16xi32>
    %and3A_1474 = arith.constant 16383 : i32
    %and3A_1475 = vector.broadcast %and3A_1474 : i32 to vector<16xi32>
    %and3A_1476 = arith.andi %get3A_1473, %and3A_1475 : vector<16xi32>
    %swap3A_1477 = arith.constant 5 : i32
    %swap3A_1478 = arith.index_cast %swap3A_1477 : i32 to index
    %swap3A_1479 = arith.constant 80 : index
    %swap3A_1480 = tpu.vector_load %arg6[%swap3A_1478, %swap3A_1479] {strides = array<i32>} : memref<8x128xi32, #tpu.memory_space<vmem>>, vector<1x16xi32>,
    %swap3A_1481 = vector.shape_cast %swap3A_1480 : vector<1x16xi32> to vector<16xi32>
    %swap3A_1482 = vector.shape_cast %and3A_1476 : vector<16xi32> to vector<1x16xi32>
    tpu.vector_store %arg6[%swap3A_1478, %swap3A_1479], %swap3A_1482 {strides = array<i32>} : memref<8x128xi32, #tpu.memory_space<vmem>>, vector<1x16xi32>,
    %get3A_1483 = arith.constant 5 : i32
    %get3A_1484 = arith.index_cast %get3A_1483 : i32 to index
    %get3A_1485 = arith.constant 96 : index
    %get3A_1486 = tpu.vector_load %arg6[%get3A_1484, %get3A_1485] {strides = array<i32>} : memref<8x128xi32, #tpu.memory_space<vmem>>, vector<1x16xi32>,
    %get3A_1487 = vector.shape_cast %get3A_1486 : vector<1x16xi32> to vector<16xi32>
    %and3A_1488 = arith.constant 16383 : i32
    %and3A_1489 = vector.broadcast %and3A_1488 : i32 to vector<16xi32>
    %and3A_1490 = arith.andi %get3A_1487, %and3A_1489 : vector<16xi32>
    %swap3A_1491 = arith.constant 5 : i32
    %swap3A_1492 = arith.index_cast %swap3A_1491 : i32 to index
    %swap3A_1493 = arith.constant 96 : index
    %swap3A_1494 = tpu.vector_load %arg6[%swap3A_1492, %swap3A_1493] {strides = array<i32>} : memref<8x128xi32, #tpu.memory_space<vmem>>, vector<1x16xi32>,
    %swap3A_1495 = vector.shape_cast %swap3A_1494 : vector<1x16xi32> to vector<16xi32>
    %swap3A_1496 = vector.shape_cast %and3A_1490 : vector<16xi32> to vector<1x16xi32>
    tpu.vector_store %arg6[%swap3A_1492, %swap3A_1493], %swap3A_1496 {strides = array<i32>} : memref<8x128xi32, #tpu.memory_space<vmem>>, vector<1x16xi32>,
    %get3A_1497 = arith.constant 5 : i32
    %get3A_1498 = arith.index_cast %get3A_1497 : i32 to index
    %get3A_1499 = arith.constant 112 : index
    %get3A_1500 = tpu.vector_load %arg6[%get3A_1498, %get3A_1499] {strides = array<i32>} : memref<8x128xi32, #tpu.memory_space<vmem>>, vector<1x16xi32>,
    %get3A_1501 = vector.shape_cast %get3A_1500 : vector<1x16xi32> to vector<16xi32>
    %and3A_1502 = arith.constant 16383 : i32
    %and3A_1503 = vector.broadcast %and3A_1502 : i32 to vector<16xi32>
    %and3A_1504 = arith.andi %get3A_1501, %and3A_1503 : vector<16xi32>
    %swap3A_1505 = arith.constant 5 : i32
    %swap3A_1506 = arith.index_cast %swap3A_1505 : i32 to index
    %swap3A_1507 = arith.constant 112 : index
    %swap3A_1508 = tpu.vector_load %arg6[%swap3A_1506, %swap3A_1507] {strides = array<i32>} : memref<8x128xi32, #tpu.memory_space<vmem>>, vector<1x16xi32>,
    %swap3A_1509 = vector.shape_cast %swap3A_1508 : vector<1x16xi32> to vector<16xi32>
    %swap3A_1510 = vector.shape_cast %and3A_1504 : vector<16xi32> to vector<1x16xi32>
    tpu.vector_store %arg6[%swap3A_1506, %swap3A_1507], %swap3A_1510 {strides = array<i32>} : memref<8x128xi32, #tpu.memory_space<vmem>>, vector<1x16xi32>,
    %get3A_1511 = arith.constant 6 : i32
    %get3A_1512 = arith.index_cast %get3A_1511 : i32 to index
    %get3A_1513 = arith.constant 0 : index
    %get3A_1514 = tpu.vector_load %arg6[%get3A_1512, %get3A_1513] {strides = array<i32>} : memref<8x128xi32, #tpu.memory_space<vmem>>, vector<1x16xi32>,
    %get3A_1515 = vector.shape_cast %get3A_1514 : vector<1x16xi32> to vector<16xi32>
    %and3A_1516 = arith.constant 16383 : i32
    %and3A_1517 = vector.broadcast %and3A_1516 : i32 to vector<16xi32>
    %and3A_1518 = arith.andi %get3A_1515, %and3A_1517 : vector<16xi32>
    %swap3A_1519 = arith.constant 6 : i32
    %swap3A_1520 = arith.index_cast %swap3A_1519 : i32 to index
    %swap3A_1521 = arith.constant 0 : index
    %swap3A_1522 = tpu.vector_load %arg6[%swap3A_1520, %swap3A_1521] {strides = array<i32>} : memref<8x128xi32, #tpu.memory_space<vmem>>, vector<1x16xi32>,
    %swap3A_1523 = vector.shape_cast %swap3A_1522 : vector<1x16xi32> to vector<16xi32>
    %swap3A_1524 = vector.shape_cast %and3A_1518 : vector<16xi32> to vector<1x16xi32>
    tpu.vector_store %arg6[%swap3A_1520, %swap3A_1521], %swap3A_1524 {strides = array<i32>} : memref<8x128xi32, #tpu.memory_space<vmem>>, vector<1x16xi32>,
    %get3A_1525 = arith.constant 6 : i32
    %get3A_1526 = arith.index_cast %get3A_1525 : i32 to index
    %get3A_1527 = arith.constant 16 : index
    %get3A_1528 = tpu.vector_load %arg6[%get3A_1526, %get3A_1527] {strides = array<i32>} : memref<8x128xi32, #tpu.memory_space<vmem>>, vector<1x16xi32>,
    %get3A_1529 = vector.shape_cast %get3A_1528 : vector<1x16xi32> to vector<16xi32>
    %and3A_1530 = arith.constant 16383 : i32
    %and3A_1531 = vector.broadcast %and3A_1530 : i32 to vector<16xi32>
    %and3A_1532 = arith.andi %get3A_1529, %and3A_1531 : vector<16xi32>
    %swap3A_1533 = arith.constant 6 : i32
    %swap3A_1534 = arith.index_cast %swap3A_1533 : i32 to index
    %swap3A_1535 = arith.constant 16 : index
    %swap3A_1536 = tpu.vector_load %arg6[%swap3A_1534, %swap3A_1535] {strides = array<i32>} : memref<8x128xi32, #tpu.memory_space<vmem>>, vector<1x16xi32>,
    %swap3A_1537 = vector.shape_cast %swap3A_1536 : vector<1x16xi32> to vector<16xi32>
    %swap3A_1538 = vector.shape_cast %and3A_1532 : vector<16xi32> to vector<1x16xi32>
    tpu.vector_store %arg6[%swap3A_1534, %swap3A_1535], %swap3A_1538 {strides = array<i32>} : memref<8x128xi32, #tpu.memory_space<vmem>>, vector<1x16xi32>,
    %get3A_1539 = arith.constant 6 : i32
    %get3A_1540 = arith.index_cast %get3A_1539 : i32 to index
    %get3A_1541 = arith.constant 32 : index
    %get3A_1542 = tpu.vector_load %arg6[%get3A_1540, %get3A_1541] {strides = array<i32>} : memref<8x128xi32, #tpu.memory_space<vmem>>, vector<1x16xi32>,
    %get3A_1543 = vector.shape_cast %get3A_1542 : vector<1x16xi32> to vector<16xi32>
    %and3A_1544 = arith.constant 16383 : i32
    %and3A_1545 = vector.broadcast %and3A_1544 : i32 to vector<16xi32>
    %and3A_1546 = arith.andi %get3A_1543, %and3A_1545 : vector<16xi32>
    %swap3A_1547 = arith.constant 6 : i32
    %swap3A_1548 = arith.index_cast %swap3A_1547 : i32 to index
    %swap3A_1549 = arith.constant 32 : index
    %swap3A_1550 = tpu.vector_load %arg6[%swap3A_1548, %swap3A_1549] {strides = array<i32>} : memref<8x128xi32, #tpu.memory_space<vmem>>, vector<1x16xi32>,
    %swap3A_1551 = vector.shape_cast %swap3A_1550 : vector<1x16xi32> to vector<16xi32>
    %swap3A_1552 = vector.shape_cast %and3A_1546 : vector<16xi32> to vector<1x16xi32>
    tpu.vector_store %arg6[%swap3A_1548, %swap3A_1549], %swap3A_1552 {strides = array<i32>} : memref<8x128xi32, #tpu.memory_space<vmem>>, vector<1x16xi32>,
    %get3A_1553 = arith.constant 6 : i32
    %get3A_1554 = arith.index_cast %get3A_1553 : i32 to index
    %get3A_1555 = arith.constant 48 : index
    %get3A_1556 = tpu.vector_load %arg6[%get3A_1554, %get3A_1555] {strides = array<i32>} : memref<8x128xi32, #tpu.memory_space<vmem>>, vector<1x16xi32>,
    %get3A_1557 = vector.shape_cast %get3A_1556 : vector<1x16xi32> to vector<16xi32>
    %and3A_1558 = arith.constant 16383 : i32
    %and3A_1559 = vector.broadcast %and3A_1558 : i32 to vector<16xi32>
    %and3A_1560 = arith.andi %get3A_1557, %and3A_1559 : vector<16xi32>
    %swap3A_1561 = arith.constant 6 : i32
    %swap3A_1562 = arith.index_cast %swap3A_1561 : i32 to index
    %swap3A_1563 = arith.constant 48 : index
    %swap3A_1564 = tpu.vector_load %arg6[%swap3A_1562, %swap3A_1563] {strides = array<i32>} : memref<8x128xi32, #tpu.memory_space<vmem>>, vector<1x16xi32>,
    %swap3A_1565 = vector.shape_cast %swap3A_1564 : vector<1x16xi32> to vector<16xi32>
    %swap3A_1566 = vector.shape_cast %and3A_1560 : vector<16xi32> to vector<1x16xi32>
    tpu.vector_store %arg6[%swap3A_1562, %swap3A_1563], %swap3A_1566 {strides = array<i32>} : memref<8x128xi32, #tpu.memory_space<vmem>>, vector<1x16xi32>,
    %get3A_1567 = arith.constant 6 : i32
    %get3A_1568 = arith.index_cast %get3A_1567 : i32 to index
    %get3A_1569 = arith.constant 64 : index
    %get3A_1570 = tpu.vector_load %arg6[%get3A_1568, %get3A_1569] {strides = array<i32>} : memref<8x128xi32, #tpu.memory_space<vmem>>, vector<1x16xi32>,
    %get3A_1571 = vector.shape_cast %get3A_1570 : vector<1x16xi32> to vector<16xi32>
    %and3A_1572 = arith.constant 16383 : i32
    %and3A_1573 = vector.broadcast %and3A_1572 : i32 to vector<16xi32>
    %and3A_1574 = arith.andi %get3A_1571, %and3A_1573 : vector<16xi32>
    %swap3A_1575 = arith.constant 6 : i32
    %swap3A_1576 = arith.index_cast %swap3A_1575 : i32 to index
    %swap3A_1577 = arith.constant 64 : index
    %swap3A_1578 = tpu.vector_load %arg6[%swap3A_1576, %swap3A_1577] {strides = array<i32>} : memref<8x128xi32, #tpu.memory_space<vmem>>, vector<1x16xi32>,
    %swap3A_1579 = vector.shape_cast %swap3A_1578 : vector<1x16xi32> to vector<16xi32>
    %swap3A_1580 = vector.shape_cast %and3A_1574 : vector<16xi32> to vector<1x16xi32>
    tpu.vector_store %arg6[%swap3A_1576, %swap3A_1577], %swap3A_1580 {strides = array<i32>} : memref<8x128xi32, #tpu.memory_space<vmem>>, vector<1x16xi32>,
    %get3A_1581 = arith.constant 6 : i32
    %get3A_1582 = arith.index_cast %get3A_1581 : i32 to index
    %get3A_1583 = arith.constant 80 : index
    %get3A_1584 = tpu.vector_load %arg6[%get3A_1582, %get3A_1583] {strides = array<i32>} : memref<8x128xi32, #tpu.memory_space<vmem>>, vector<1x16xi32>,
    %get3A_1585 = vector.shape_cast %get3A_1584 : vector<1x16xi32> to vector<16xi32>
    %and3A_1586 = arith.constant 16383 : i32
    %and3A_1587 = vector.broadcast %and3A_1586 : i32 to vector<16xi32>
    %and3A_1588 = arith.andi %get3A_1585, %and3A_1587 : vector<16xi32>
    %swap3A_1589 = arith.constant 6 : i32
    %swap3A_1590 = arith.index_cast %swap3A_1589 : i32 to index
    %swap3A_1591 = arith.constant 80 : index
    %swap3A_1592 = tpu.vector_load %arg6[%swap3A_1590, %swap3A_1591] {strides = array<i32>} : memref<8x128xi32, #tpu.memory_space<vmem>>, vector<1x16xi32>,
    %swap3A_1593 = vector.shape_cast %swap3A_1592 : vector<1x16xi32> to vector<16xi32>
    %swap3A_1594 = vector.shape_cast %and3A_1588 : vector<16xi32> to vector<1x16xi32>
    tpu.vector_store %arg6[%swap3A_1590, %swap3A_1591], %swap3A_1594 {strides = array<i32>} : memref<8x128xi32, #tpu.memory_space<vmem>>, vector<1x16xi32>,
    %get3A_1595 = arith.constant 6 : i32
    %get3A_1596 = arith.index_cast %get3A_1595 : i32 to index
    %get3A_1597 = arith.constant 96 : index
    %get3A_1598 = tpu.vector_load %arg6[%get3A_1596, %get3A_1597] {strides = array<i32>} : memref<8x128xi32, #tpu.memory_space<vmem>>, vector<1x16xi32>,
    %get3A_1599 = vector.shape_cast %get3A_1598 : vector<1x16xi32> to vector<16xi32>
    %and3A_1600 = arith.constant 16383 : i32
    %and3A_1601 = vector.broadcast %and3A_1600 : i32 to vector<16xi32>
    %and3A_1602 = arith.andi %get3A_1599, %and3A_1601 : vector<16xi32>
    %swap3A_1603 = arith.constant 6 : i32
    %swap3A_1604 = arith.index_cast %swap3A_1603 : i32 to index
    %swap3A_1605 = arith.constant 96 : index
    %swap3A_1606 = tpu.vector_load %arg6[%swap3A_1604, %swap3A_1605] {strides = array<i32>} : memref<8x128xi32, #tpu.memory_space<vmem>>, vector<1x16xi32>,
    %swap3A_1607 = vector.shape_cast %swap3A_1606 : vector<1x16xi32> to vector<16xi32>
    %swap3A_1608 = vector.shape_cast %and3A_1602 : vector<16xi32> to vector<1x16xi32>
    tpu.vector_store %arg6[%swap3A_1604, %swap3A_1605], %swap3A_1608 {strides = array<i32>} : memref<8x128xi32, #tpu.memory_space<vmem>>, vector<1x16xi32>,
    %get3A_1609 = arith.constant 6 : i32
    %get3A_1610 = arith.index_cast %get3A_1609 : i32 to index
    %get3A_1611 = arith.constant 112 : index
    %get3A_1612 = tpu.vector_load %arg6[%get3A_1610, %get3A_1611] {strides = array<i32>} : memref<8x128xi32, #tpu.memory_space<vmem>>, vector<1x16xi32>,
    %get3A_1613 = vector.shape_cast %get3A_1612 : vector<1x16xi32> to vector<16xi32>
    %and3A_1614 = arith.constant 16383 : i32
    %and3A_1615 = vector.broadcast %and3A_1614 : i32 to vector<16xi32>
    %and3A_1616 = arith.andi %get3A_1613, %and3A_1615 : vector<16xi32>
    %swap3A_1617 = arith.constant 6 : i32
    %swap3A_1618 = arith.index_cast %swap3A_1617 : i32 to index
    %swap3A_1619 = arith.constant 112 : index
    %swap3A_1620 = tpu.vector_load %arg6[%swap3A_1618, %swap3A_1619] {strides = array<i32>} : memref<8x128xi32, #tpu.memory_space<vmem>>, vector<1x16xi32>,
    %swap3A_1621 = vector.shape_cast %swap3A_1620 : vector<1x16xi32> to vector<16xi32>
    %swap3A_1622 = vector.shape_cast %and3A_1616 : vector<16xi32> to vector<1x16xi32>
    tpu.vector_store %arg6[%swap3A_1618, %swap3A_1619], %swap3A_1622 {strides = array<i32>} : memref<8x128xi32, #tpu.memory_space<vmem>>, vector<1x16xi32>,
    %get3A_1623 = arith.constant 7 : i32
    %get3A_1624 = arith.index_cast %get3A_1623 : i32 to index
    %get3A_1625 = arith.constant 0 : index
    %get3A_1626 = tpu.vector_load %arg6[%get3A_1624, %get3A_1625] {strides = array<i32>} : memref<8x128xi32, #tpu.memory_space<vmem>>, vector<1x16xi32>,
    %get3A_1627 = vector.shape_cast %get3A_1626 : vector<1x16xi32> to vector<16xi32>
    %and3A_1628 = arith.constant 16383 : i32
    %and3A_1629 = vector.broadcast %and3A_1628 : i32 to vector<16xi32>
    %and3A_1630 = arith.andi %get3A_1627, %and3A_1629 : vector<16xi32>
    %swap3A_1631 = arith.constant 7 : i32
    %swap3A_1632 = arith.index_cast %swap3A_1631 : i32 to index
    %swap3A_1633 = arith.constant 0 : index
    %swap3A_1634 = tpu.vector_load %arg6[%swap3A_1632, %swap3A_1633] {strides = array<i32>} : memref<8x128xi32, #tpu.memory_space<vmem>>, vector<1x16xi32>,
    %swap3A_1635 = vector.shape_cast %swap3A_1634 : vector<1x16xi32> to vector<16xi32>
    %swap3A_1636 = vector.shape_cast %and3A_1630 : vector<16xi32> to vector<1x16xi32>
    tpu.vector_store %arg6[%swap3A_1632, %swap3A_1633], %swap3A_1636 {strides = array<i32>} : memref<8x128xi32, #tpu.memory_space<vmem>>, vector<1x16xi32>,
    %get3A_1637 = arith.constant 7 : i32
    %get3A_1638 = arith.index_cast %get3A_1637 : i32 to index
    %get3A_1639 = arith.constant 16 : index
    %get3A_1640 = tpu.vector_load %arg6[%get3A_1638, %get3A_1639] {strides = array<i32>} : memref<8x128xi32, #tpu.memory_space<vmem>>, vector<1x16xi32>,
    %get3A_1641 = vector.shape_cast %get3A_1640 : vector<1x16xi32> to vector<16xi32>
    %and3A_1642 = arith.constant 16383 : i32
    %and3A_1643 = vector.broadcast %and3A_1642 : i32 to vector<16xi32>
    %and3A_1644 = arith.andi %get3A_1641, %and3A_1643 : vector<16xi32>
    %swap3A_1645 = arith.constant 7 : i32
    %swap3A_1646 = arith.index_cast %swap3A_1645 : i32 to index
    %swap3A_1647 = arith.constant 16 : index
    %swap3A_1648 = tpu.vector_load %arg6[%swap3A_1646, %swap3A_1647] {strides = array<i32>} : memref<8x128xi32, #tpu.memory_space<vmem>>, vector<1x16xi32>,
    %swap3A_1649 = vector.shape_cast %swap3A_1648 : vector<1x16xi32> to vector<16xi32>
    %swap3A_1650 = vector.shape_cast %and3A_1644 : vector<16xi32> to vector<1x16xi32>
    tpu.vector_store %arg6[%swap3A_1646, %swap3A_1647], %swap3A_1650 {strides = array<i32>} : memref<8x128xi32, #tpu.memory_space<vmem>>, vector<1x16xi32>,
    %get3A_1651 = arith.constant 7 : i32
    %get3A_1652 = arith.index_cast %get3A_1651 : i32 to index
    %get3A_1653 = arith.constant 32 : index
    %get3A_1654 = tpu.vector_load %arg6[%get3A_1652, %get3A_1653] {strides = array<i32>} : memref<8x128xi32, #tpu.memory_space<vmem>>, vector<1x16xi32>,
    %get3A_1655 = vector.shape_cast %get3A_1654 : vector<1x16xi32> to vector<16xi32>
    %and3A_1656 = arith.constant 16383 : i32
    %and3A_1657 = vector.broadcast %and3A_1656 : i32 to vector<16xi32>
    %and3A_1658 = arith.andi %get3A_1655, %and3A_1657 : vector<16xi32>
    %swap3A_1659 = arith.constant 7 : i32
    %swap3A_1660 = arith.index_cast %swap3A_1659 : i32 to index
    %swap3A_1661 = arith.constant 32 : index
    %swap3A_1662 = tpu.vector_load %arg6[%swap3A_1660, %swap3A_1661] {strides = array<i32>} : memref<8x128xi32, #tpu.memory_space<vmem>>, vector<1x16xi32>,
    %swap3A_1663 = vector.shape_cast %swap3A_1662 : vector<1x16xi32> to vector<16xi32>
    %swap3A_1664 = vector.shape_cast %and3A_1658 : vector<16xi32> to vector<1x16xi32>
    tpu.vector_store %arg6[%swap3A_1660, %swap3A_1661], %swap3A_1664 {strides = array<i32>} : memref<8x128xi32, #tpu.memory_space<vmem>>, vector<1x16xi32>,
    %get3A_1665 = arith.constant 7 : i32
    %get3A_1666 = arith.index_cast %get3A_1665 : i32 to index
    %get3A_1667 = arith.constant 48 : index
    %get3A_1668 = tpu.vector_load %arg6[%get3A_1666, %get3A_1667] {strides = array<i32>} : memref<8x128xi32, #tpu.memory_space<vmem>>, vector<1x16xi32>,
    %get3A_1669 = vector.shape_cast %get3A_1668 : vector<1x16xi32> to vector<16xi32>
    %and3A_1670 = arith.constant 16383 : i32
    %and3A_1671 = vector.broadcast %and3A_1670 : i32 to vector<16xi32>
    %and3A_1672 = arith.andi %get3A_1669, %and3A_1671 : vector<16xi32>
    %swap3A_1673 = arith.constant 7 : i32
    %swap3A_1674 = arith.index_cast %swap3A_1673 : i32 to index
    %swap3A_1675 = arith.constant 48 : index
    %swap3A_1676 = tpu.vector_load %arg6[%swap3A_1674, %swap3A_1675] {strides = array<i32>} : memref<8x128xi32, #tpu.memory_space<vmem>>, vector<1x16xi32>,
    %swap3A_1677 = vector.shape_cast %swap3A_1676 : vector<1x16xi32> to vector<16xi32>
    %swap3A_1678 = vector.shape_cast %and3A_1672 : vector<16xi32> to vector<1x16xi32>
    tpu.vector_store %arg6[%swap3A_1674, %swap3A_1675], %swap3A_1678 {strides = array<i32>} : memref<8x128xi32, #tpu.memory_space<vmem>>, vector<1x16xi32>,
    %get3A_1679 = arith.constant 7 : i32
    %get3A_1680 = arith.index_cast %get3A_1679 : i32 to index
    %get3A_1681 = arith.constant 64 : index
    %get3A_1682 = tpu.vector_load %arg6[%get3A_1680, %get3A_1681] {strides = array<i32>} : memref<8x128xi32, #tpu.memory_space<vmem>>, vector<1x16xi32>,
    %get3A_1683 = vector.shape_cast %get3A_1682 : vector<1x16xi32> to vector<16xi32>
    %and3A_1684 = arith.constant 16383 : i32
    %and3A_1685 = vector.broadcast %and3A_1684 : i32 to vector<16xi32>
    %and3A_1686 = arith.andi %get3A_1683, %and3A_1685 : vector<16xi32>
    %swap3A_1687 = arith.constant 7 : i32
    %swap3A_1688 = arith.index_cast %swap3A_1687 : i32 to index
    %swap3A_1689 = arith.constant 64 : index
    %swap3A_1690 = tpu.vector_load %arg6[%swap3A_1688, %swap3A_1689] {strides = array<i32>} : memref<8x128xi32, #tpu.memory_space<vmem>>, vector<1x16xi32>,
    %swap3A_1691 = vector.shape_cast %swap3A_1690 : vector<1x16xi32> to vector<16xi32>
    %swap3A_1692 = vector.shape_cast %and3A_1686 : vector<16xi32> to vector<1x16xi32>
    tpu.vector_store %arg6[%swap3A_1688, %swap3A_1689], %swap3A_1692 {strides = array<i32>} : memref<8x128xi32, #tpu.memory_space<vmem>>, vector<1x16xi32>,
    %get3A_1693 = arith.constant 7 : i32
    %get3A_1694 = arith.index_cast %get3A_1693 : i32 to index
    %get3A_1695 = arith.constant 80 : index
    %get3A_1696 = tpu.vector_load %arg6[%get3A_1694, %get3A_1695] {strides = array<i32>} : memref<8x128xi32, #tpu.memory_space<vmem>>, vector<1x16xi32>,
    %get3A_1697 = vector.shape_cast %get3A_1696 : vector<1x16xi32> to vector<16xi32>
    %and3A_1698 = arith.constant 16383 : i32
    %and3A_1699 = vector.broadcast %and3A_1698 : i32 to vector<16xi32>
    %and3A_1700 = arith.andi %get3A_1697, %and3A_1699 : vector<16xi32>
    %swap3A_1701 = arith.constant 7 : i32
    %swap3A_1702 = arith.index_cast %swap3A_1701 : i32 to index
    %swap3A_1703 = arith.constant 80 : index
    %swap3A_1704 = tpu.vector_load %arg6[%swap3A_1702, %swap3A_1703] {strides = array<i32>} : memref<8x128xi32, #tpu.memory_space<vmem>>, vector<1x16xi32>,
    %swap3A_1705 = vector.shape_cast %swap3A_1704 : vector<1x16xi32> to vector<16xi32>
    %swap3A_1706 = vector.shape_cast %and3A_1700 : vector<16xi32> to vector<1x16xi32>
    tpu.vector_store %arg6[%swap3A_1702, %swap3A_1703], %swap3A_1706 {strides = array<i32>} : memref<8x128xi32, #tpu.memory_space<vmem>>, vector<1x16xi32>,
    %get3A_1707 = arith.constant 7 : i32
    %get3A_1708 = arith.index_cast %get3A_1707 : i32 to index
    %get3A_1709 = arith.constant 96 : index
    %get3A_1710 = tpu.vector_load %arg6[%get3A_1708, %get3A_1709] {strides = array<i32>} : memref<8x128xi32, #tpu.memory_space<vmem>>, vector<1x16xi32>,
    %get3A_1711 = vector.shape_cast %get3A_1710 : vector<1x16xi32> to vector<16xi32>
    %and3A_1712 = arith.constant 16383 : i32
    %and3A_1713 = vector.broadcast %and3A_1712 : i32 to vector<16xi32>
    %and3A_1714 = arith.andi %get3A_1711, %and3A_1713 : vector<16xi32>
    %swap3A_1715 = arith.constant 7 : i32
    %swap3A_1716 = arith.index_cast %swap3A_1715 : i32 to index
    %swap3A_1717 = arith.constant 96 : index
    %swap3A_1718 = tpu.vector_load %arg6[%swap3A_1716, %swap3A_1717] {strides = array<i32>} : memref<8x128xi32, #tpu.memory_space<vmem>>, vector<1x16xi32>,
    %swap3A_1719 = vector.shape_cast %swap3A_1718 : vector<1x16xi32> to vector<16xi32>
    %swap3A_1720 = vector.shape_cast %and3A_1714 : vector<16xi32> to vector<1x16xi32>
    tpu.vector_store %arg6[%swap3A_1716, %swap3A_1717], %swap3A_1720 {strides = array<i32>} : memref<8x128xi32, #tpu.memory_space<vmem>>, vector<1x16xi32>,
    %get3A_1721 = arith.constant 7 : i32
    %get3A_1722 = arith.index_cast %get3A_1721 : i32 to index
    %get3A_1723 = arith.constant 112 : index
    %get3A_1724 = tpu.vector_load %arg6[%get3A_1722, %get3A_1723] {strides = array<i32>} : memref<8x128xi32, #tpu.memory_space<vmem>>, vector<1x16xi32>,
    %get3A_1725 = vector.shape_cast %get3A_1724 : vector<1x16xi32> to vector<16xi32>
    %and3A_1726 = arith.constant 16383 : i32
    %and3A_1727 = vector.broadcast %and3A_1726 : i32 to vector<16xi32>
    %and3A_1728 = arith.andi %get3A_1725, %and3A_1727 : vector<16xi32>
    %swap3A_1729 = arith.constant 7 : i32
    %swap3A_1730 = arith.index_cast %swap3A_1729 : i32 to index
    %swap3A_1731 = arith.constant 112 : index
    %swap3A_1732 = tpu.vector_load %arg6[%swap3A_1730, %swap3A_1731] {strides = array<i32>} : memref<8x128xi32, #tpu.memory_space<vmem>>, vector<1x16xi32>,
    %swap3A_1733 = vector.shape_cast %swap3A_1732 : vector<1x16xi32> to vector<16xi32>
    %swap3A_1734 = vector.shape_cast %and3A_1728 : vector<16xi32> to vector<1x16xi32>
    tpu.vector_store %arg6[%swap3A_1730, %swap3A_1731], %swap3A_1734 {strides = array<i32>} : memref<8x128xi32, #tpu.memory_space<vmem>>, vector<1x16xi32>,
    %mul3A_1735 = arith.constant 8 : i32
    %mul3A_1736 = arith.muli %arg1, %mul3A_1735 : i32
    "tpu.region"() ({
      %run_scoped3A = tpu.sem_alloc : memref<!tpu.dma_semaphore, #tpu.memory_space<semaphore_mem>>
      %dma_start3A = arith.constant 0 : i32
      %dma_start3A_1737 = tpu.memref_slice %arg3[%mul3A_1736, %dma_start3A] : memref<128x128xi32, #tpu.memory_space<hbm>> -> memref<8x128xi32, #tpu.memory_space<hbm>>
      %dma_start3A_1738 = arith.constant 0 : i32
      %dma_start3A_1739 = tpu.memref_slice %arg3[%mul3A_1736, %dma_start3A_1738] : memref<128x128xi32, #tpu.memory_space<hbm>> -> memref<8x128xi32, #tpu.memory_space<hbm>>
      tpu.enqueue_dma source(%arg6 : memref<8x128xi32, #tpu.memory_space<vmem>>) target(%dma_start3A_1739 : memref<8x128xi32, #tpu.memory_space<hbm>>) target_semaphore(%run_scoped3A : memref<!tpu.dma_semaphore, #tpu.memory_space<semaphore_mem>>)
      %dma_wait3A = arith.constant 0 : i32
      %dma_wait3A_1740 = tpu.memref_slice %arg3[%mul3A_1736, %dma_wait3A] : memref<128x128xi32, #tpu.memory_space<hbm>> -> memref<8x128xi32, #tpu.memory_space<hbm>>
      %dma_wait3A_1741 = arith.constant 0 : i32
      %dma_wait3A_1742 = tpu.memref_slice %arg3[%mul3A_1736, %dma_wait3A_1741] : memref<128x128xi32, #tpu.memory_space<hbm>> -> memref<8x128xi32, #tpu.memory_space<hbm>>
      tpu.wait_dma2 semaphore(%run_scoped3A : memref<!tpu.dma_semaphore, #tpu.memory_space<semaphore_mem>>) src(%arg6 : memref<8x128xi32, #tpu.memory_space<vmem>>) dst(%dma_wait3A_1742 : memref<8x128xi32, #tpu.memory_space<hbm>>)
      tpu.yield
    }) : () -> ()
    return
  }
}

#map = affine_map<(d0, d1) -> (0, 0)>
module attributes {stable_mosaic.version = 14 : i64} {
  func.func @_sc_apply(%arg0: i32, %arg1: i32, %arg2: memref<1000000x32xf32, #tpu.memory_space<hbm>>, %arg3: memref<128x128xi32, #tpu.memory_space<hbm>>, %arg4: memref<128x128xi32, #tpu.memory_space<hbm>>, %arg5: memref<16384x32xf32, #tpu.memory_space<hbm>>, %arg6: memref<16384x32xf32, #tpu.memory_space<hbm>>, %arg7: memref<8x128xi32, #tpu.memory_space<vmem>>, %arg8: memref<8x128xi32, #tpu.memory_space<vmem>>, %arg9: memref<1024x32xf32, #tpu.memory_space<vmem>>, %arg10: memref<128x32xf32, #tpu.memory_space<vmem>>, %arg11: memref<512x32xf32, #tpu.memory_space<vmem>>, %arg12: memref<512x32xf32, #tpu.memory_space<vmem>>, %arg13: memref<16384x32xf32, #tpu.memory_space<vmem_shared>>) attributes {dimension_semantics = [#tpu.dimension_semantics<core_parallel>, #tpu.dimension_semantics<subcore_parallel>], iteration_bounds = array<i64: 2, 16>, scalar_prefetch = 0 : i64, scratch_operands = 7 : i64, tpu.core_type = #tpu.core_type<sc_vector_subcore>, window_params = [{transform_indices = #map}, {transform_indices = #map}, {transform_indices = #map}, {transform_indices = #map}, {transform_indices = #map}]} {
    %mul3A = arith.constant 1024 : i32
    %mul3A_0 = arith.muli %arg1, %mul3A : i32
    %mul3A_1 = arith.constant 8 : i32
    %mul3A_2 = arith.muli %arg1, %mul3A_1 : i32
    "tpu.region"() ({
      %run_scoped3A = tpu.sem_alloc : memref<!tpu.dma_semaphore, #tpu.memory_space<semaphore_mem>>
      %dma_start3A = arith.constant 0 : i32
      %dma_start3A_1570 = tpu.memref_slice %arg3[%mul3A_2, %dma_start3A] : memref<128x128xi32, #tpu.memory_space<hbm>> -> memref<8x128xi32, #tpu.memory_space<hbm>>
      %dma_start3A_1571 = arith.constant 0 : i32
      %dma_start3A_1572 = tpu.memref_slice %arg3[%mul3A_2, %dma_start3A_1571] : memref<128x128xi32, #tpu.memory_space<hbm>> -> memref<8x128xi32, #tpu.memory_space<hbm>>
      tpu.enqueue_dma source(%dma_start3A_1572 : memref<8x128xi32, #tpu.memory_space<hbm>>) target(%arg7 : memref<8x128xi32, #tpu.memory_space<vmem>>) target_semaphore(%run_scoped3A : memref<!tpu.dma_semaphore, #tpu.memory_space<semaphore_mem>>)
      %dma_wait3A = arith.constant 0 : i32
      %dma_wait3A_1573 = tpu.memref_slice %arg3[%mul3A_2, %dma_wait3A] : memref<128x128xi32, #tpu.memory_space<hbm>> -> memref<8x128xi32, #tpu.memory_space<hbm>>
      %dma_wait3A_1574 = arith.constant 0 : i32
      %dma_wait3A_1575 = tpu.memref_slice %arg3[%mul3A_2, %dma_wait3A_1574] : memref<128x128xi32, #tpu.memory_space<hbm>> -> memref<8x128xi32, #tpu.memory_space<hbm>>
      tpu.wait_dma2 semaphore(%run_scoped3A : memref<!tpu.dma_semaphore, #tpu.memory_space<semaphore_mem>>) src(%dma_wait3A_1575 : memref<8x128xi32, #tpu.memory_space<hbm>>) dst(%arg7 : memref<8x128xi32, #tpu.memory_space<vmem>>)
      tpu.yield
    }) : () -> ()
    %mul3A_3 = arith.constant 8 : i32
    %mul3A_4 = arith.muli %arg1, %mul3A_3 : i32
    "tpu.region"() ({
      %run_scoped3A = tpu.sem_alloc : memref<!tpu.dma_semaphore, #tpu.memory_space<semaphore_mem>>
      %dma_start3A = arith.constant 0 : i32
      %dma_start3A_1570 = tpu.memref_slice %arg4[%mul3A_4, %dma_start3A] : memref<128x128xi32, #tpu.memory_space<hbm>> -> memref<8x128xi32, #tpu.memory_space<hbm>>
      %dma_start3A_1571 = arith.constant 0 : i32
      %dma_start3A_1572 = tpu.memref_slice %arg4[%mul3A_4, %dma_start3A_1571] : memref<128x128xi32, #tpu.memory_space<hbm>> -> memref<8x128xi32, #tpu.memory_space<hbm>>
      tpu.enqueue_dma source(%dma_start3A_1572 : memref<8x128xi32, #tpu.memory_space<hbm>>) target(%arg8 : memref<8x128xi32, #tpu.memory_space<vmem>>) target_semaphore(%run_scoped3A : memref<!tpu.dma_semaphore, #tpu.memory_space<semaphore_mem>>)
      %dma_wait3A = arith.constant 0 : i32
      %dma_wait3A_1573 = tpu.memref_slice %arg4[%mul3A_4, %dma_wait3A] : memref<128x128xi32, #tpu.memory_space<hbm>> -> memref<8x128xi32, #tpu.memory_space<hbm>>
      %dma_wait3A_1574 = arith.constant 0 : i32
      %dma_wait3A_1575 = tpu.memref_slice %arg4[%mul3A_4, %dma_wait3A_1574] : memref<128x128xi32, #tpu.memory_space<hbm>> -> memref<8x128xi32, #tpu.memory_space<hbm>>
      tpu.wait_dma2 semaphore(%run_scoped3A : memref<!tpu.dma_semaphore, #tpu.memory_space<semaphore_mem>>) src(%dma_wait3A_1575 : memref<8x128xi32, #tpu.memory_space<hbm>>) dst(%arg8 : memref<8x128xi32, #tpu.memory_space<vmem>>)
      tpu.yield
    }) : () -> ()
    "tpu.region"() ({
      %run_scoped3A = tpu.sem_alloc : memref<!tpu.dma_semaphore, #tpu.memory_space<semaphore_mem>>
      %dma_start3A = arith.constant 0 : i32
      %dma_start3A_1570 = tpu.memref_slice %arg5[%mul3A_0, %dma_start3A] : memref<16384x32xf32, #tpu.memory_space<hbm>> -> memref<1024x32xf32, #tpu.memory_space<hbm>>
      %dma_start3A_1571 = arith.constant 0 : i32
      %dma_start3A_1572 = tpu.memref_slice %arg5[%mul3A_0, %dma_start3A_1571] : memref<16384x32xf32, #tpu.memory_space<hbm>> -> memref<1024x32xf32, #tpu.memory_space<hbm>>
      tpu.enqueue_dma source(%dma_start3A_1572 : memref<1024x32xf32, #tpu.memory_space<hbm>>) target(%arg9 : memref<1024x32xf32, #tpu.memory_space<vmem>>) target_semaphore(%run_scoped3A : memref<!tpu.dma_semaphore, #tpu.memory_space<semaphore_mem>>)
      %dma_wait3A = arith.constant 0 : i32
      %dma_wait3A_1573 = tpu.memref_slice %arg5[%mul3A_0, %dma_wait3A] : memref<16384x32xf32, #tpu.memory_space<hbm>> -> memref<1024x32xf32, #tpu.memory_space<hbm>>
      %dma_wait3A_1574 = arith.constant 0 : i32
      %dma_wait3A_1575 = tpu.memref_slice %arg5[%mul3A_0, %dma_wait3A_1574] : memref<16384x32xf32, #tpu.memory_space<hbm>> -> memref<1024x32xf32, #tpu.memory_space<hbm>>
      tpu.wait_dma2 semaphore(%run_scoped3A : memref<!tpu.dma_semaphore, #tpu.memory_space<semaphore_mem>>) src(%dma_wait3A_1575 : memref<1024x32xf32, #tpu.memory_space<hbm>>) dst(%arg9 : memref<1024x32xf32, #tpu.memory_space<vmem>>)
      tpu.yield
    }) : () -> ()
    %broadcast_in_dim3A = arith.constant 0.000000e+00 : f32
    %broadcast_in_dim3A_5 = vector.broadcast %broadcast_in_dim3A : f32 to vector<16xf32>
    %swap3A = arith.constant 0 : i32
    %swap3A_6 = arith.index_cast %swap3A : i32 to index
    %swap3A_7 = arith.constant 0 : index
    %swap3A_8 = tpu.vector_load %arg10[%swap3A_6, %swap3A_7] {strides = array<i32>} : memref<128x32xf32, #tpu.memory_space<vmem>>, vector<1x16xf32>,
    %swap3A_9 = vector.shape_cast %swap3A_8 : vector<1x16xf32> to vector<16xf32>
    %swap3A_10 = vector.shape_cast %broadcast_in_dim3A_5 : vector<16xf32> to vector<1x16xf32>
    tpu.vector_store %arg10[%swap3A_6, %swap3A_7], %swap3A_10 {strides = array<i32>} : memref<128x32xf32, #tpu.memory_space<vmem>>, vector<1x16xf32>,
    %swap3A_11 = arith.constant 0 : i32
    %swap3A_12 = arith.index_cast %swap3A_11 : i32 to index
    %swap3A_13 = arith.constant 16 : index
    %swap3A_14 = tpu.vector_load %arg10[%swap3A_12, %swap3A_13] {strides = array<i32>} : memref<128x32xf32, #tpu.memory_space<vmem>>, vector<1x16xf32>,
    %swap3A_15 = vector.shape_cast %swap3A_14 : vector<1x16xf32> to vector<16xf32>
    %swap3A_16 = vector.shape_cast %broadcast_in_dim3A_5 : vector<16xf32> to vector<1x16xf32>
    tpu.vector_store %arg10[%swap3A_12, %swap3A_13], %swap3A_16 {strides = array<i32>} : memref<128x32xf32, #tpu.memory_space<vmem>>, vector<1x16xf32>,
    %swap3A_17 = arith.constant 1 : i32
    %swap3A_18 = arith.index_cast %swap3A_17 : i32 to index
    %swap3A_19 = arith.constant 0 : index
    %swap3A_20 = tpu.vector_load %arg10[%swap3A_18, %swap3A_19] {strides = array<i32>} : memref<128x32xf32, #tpu.memory_space<vmem>>, vector<1x16xf32>,
    %swap3A_21 = vector.shape_cast %swap3A_20 : vector<1x16xf32> to vector<16xf32>
    %swap3A_22 = vector.shape_cast %broadcast_in_dim3A_5 : vector<16xf32> to vector<1x16xf32>
    tpu.vector_store %arg10[%swap3A_18, %swap3A_19], %swap3A_22 {strides = array<i32>} : memref<128x32xf32, #tpu.memory_space<vmem>>, vector<1x16xf32>,
    %swap3A_23 = arith.constant 1 : i32
    %swap3A_24 = arith.index_cast %swap3A_23 : i32 to index
    %swap3A_25 = arith.constant 16 : index
    %swap3A_26 = tpu.vector_load %arg10[%swap3A_24, %swap3A_25] {strides = array<i32>} : memref<128x32xf32, #tpu.memory_space<vmem>>, vector<1x16xf32>,
    %swap3A_27 = vector.shape_cast %swap3A_26 : vector<1x16xf32> to vector<16xf32>
    %swap3A_28 = vector.shape_cast %broadcast_in_dim3A_5 : vector<16xf32> to vector<1x16xf32>
    tpu.vector_store %arg10[%swap3A_24, %swap3A_25], %swap3A_28 {strides = array<i32>} : memref<128x32xf32, #tpu.memory_space<vmem>>, vector<1x16xf32>,
    %swap3A_29 = arith.constant 2 : i32
    %swap3A_30 = arith.index_cast %swap3A_29 : i32 to index
    %swap3A_31 = arith.constant 0 : index
    %swap3A_32 = tpu.vector_load %arg10[%swap3A_30, %swap3A_31] {strides = array<i32>} : memref<128x32xf32, #tpu.memory_space<vmem>>, vector<1x16xf32>,
    %swap3A_33 = vector.shape_cast %swap3A_32 : vector<1x16xf32> to vector<16xf32>
    %swap3A_34 = vector.shape_cast %broadcast_in_dim3A_5 : vector<16xf32> to vector<1x16xf32>
    tpu.vector_store %arg10[%swap3A_30, %swap3A_31], %swap3A_34 {strides = array<i32>} : memref<128x32xf32, #tpu.memory_space<vmem>>, vector<1x16xf32>,
    %swap3A_35 = arith.constant 2 : i32
    %swap3A_36 = arith.index_cast %swap3A_35 : i32 to index
    %swap3A_37 = arith.constant 16 : index
    %swap3A_38 = tpu.vector_load %arg10[%swap3A_36, %swap3A_37] {strides = array<i32>} : memref<128x32xf32, #tpu.memory_space<vmem>>, vector<1x16xf32>,
    %swap3A_39 = vector.shape_cast %swap3A_38 : vector<1x16xf32> to vector<16xf32>
    %swap3A_40 = vector.shape_cast %broadcast_in_dim3A_5 : vector<16xf32> to vector<1x16xf32>
    tpu.vector_store %arg10[%swap3A_36, %swap3A_37], %swap3A_40 {strides = array<i32>} : memref<128x32xf32, #tpu.memory_space<vmem>>, vector<1x16xf32>,
    %swap3A_41 = arith.constant 3 : i32
    %swap3A_42 = arith.index_cast %swap3A_41 : i32 to index
    %swap3A_43 = arith.constant 0 : index
    %swap3A_44 = tpu.vector_load %arg10[%swap3A_42, %swap3A_43] {strides = array<i32>} : memref<128x32xf32, #tpu.memory_space<vmem>>, vector<1x16xf32>,
    %swap3A_45 = vector.shape_cast %swap3A_44 : vector<1x16xf32> to vector<16xf32>
    %swap3A_46 = vector.shape_cast %broadcast_in_dim3A_5 : vector<16xf32> to vector<1x16xf32>
    tpu.vector_store %arg10[%swap3A_42, %swap3A_43], %swap3A_46 {strides = array<i32>} : memref<128x32xf32, #tpu.memory_space<vmem>>, vector<1x16xf32>,
    %swap3A_47 = arith.constant 3 : i32
    %swap3A_48 = arith.index_cast %swap3A_47 : i32 to index
    %swap3A_49 = arith.constant 16 : index
    %swap3A_50 = tpu.vector_load %arg10[%swap3A_48, %swap3A_49] {strides = array<i32>} : memref<128x32xf32, #tpu.memory_space<vmem>>, vector<1x16xf32>,
    %swap3A_51 = vector.shape_cast %swap3A_50 : vector<1x16xf32> to vector<16xf32>
    %swap3A_52 = vector.shape_cast %broadcast_in_dim3A_5 : vector<16xf32> to vector<1x16xf32>
    tpu.vector_store %arg10[%swap3A_48, %swap3A_49], %swap3A_52 {strides = array<i32>} : memref<128x32xf32, #tpu.memory_space<vmem>>, vector<1x16xf32>,
    %swap3A_53 = arith.constant 4 : i32
    %swap3A_54 = arith.index_cast %swap3A_53 : i32 to index
    %swap3A_55 = arith.constant 0 : index
    %swap3A_56 = tpu.vector_load %arg10[%swap3A_54, %swap3A_55] {strides = array<i32>} : memref<128x32xf32, #tpu.memory_space<vmem>>, vector<1x16xf32>,
    %swap3A_57 = vector.shape_cast %swap3A_56 : vector<1x16xf32> to vector<16xf32>
    %swap3A_58 = vector.shape_cast %broadcast_in_dim3A_5 : vector<16xf32> to vector<1x16xf32>
    tpu.vector_store %arg10[%swap3A_54, %swap3A_55], %swap3A_58 {strides = array<i32>} : memref<128x32xf32, #tpu.memory_space<vmem>>, vector<1x16xf32>,
    %swap3A_59 = arith.constant 4 : i32
    %swap3A_60 = arith.index_cast %swap3A_59 : i32 to index
    %swap3A_61 = arith.constant 16 : index
    %swap3A_62 = tpu.vector_load %arg10[%swap3A_60, %swap3A_61] {strides = array<i32>} : memref<128x32xf32, #tpu.memory_space<vmem>>, vector<1x16xf32>,
    %swap3A_63 = vector.shape_cast %swap3A_62 : vector<1x16xf32> to vector<16xf32>
    %swap3A_64 = vector.shape_cast %broadcast_in_dim3A_5 : vector<16xf32> to vector<1x16xf32>
    tpu.vector_store %arg10[%swap3A_60, %swap3A_61], %swap3A_64 {strides = array<i32>} : memref<128x32xf32, #tpu.memory_space<vmem>>, vector<1x16xf32>,
    %swap3A_65 = arith.constant 5 : i32
    %swap3A_66 = arith.index_cast %swap3A_65 : i32 to index
    %swap3A_67 = arith.constant 0 : index
    %swap3A_68 = tpu.vector_load %arg10[%swap3A_66, %swap3A_67] {strides = array<i32>} : memref<128x32xf32, #tpu.memory_space<vmem>>, vector<1x16xf32>,
    %swap3A_69 = vector.shape_cast %swap3A_68 : vector<1x16xf32> to vector<16xf32>
    %swap3A_70 = vector.shape_cast %broadcast_in_dim3A_5 : vector<16xf32> to vector<1x16xf32>
    tpu.vector_store %arg10[%swap3A_66, %swap3A_67], %swap3A_70 {strides = array<i32>} : memref<128x32xf32, #tpu.memory_space<vmem>>, vector<1x16xf32>,
    %swap3A_71 = arith.constant 5 : i32
    %swap3A_72 = arith.index_cast %swap3A_71 : i32 to index
    %swap3A_73 = arith.constant 16 : index
    %swap3A_74 = tpu.vector_load %arg10[%swap3A_72, %swap3A_73] {strides = array<i32>} : memref<128x32xf32, #tpu.memory_space<vmem>>, vector<1x16xf32>,
    %swap3A_75 = vector.shape_cast %swap3A_74 : vector<1x16xf32> to vector<16xf32>
    %swap3A_76 = vector.shape_cast %broadcast_in_dim3A_5 : vector<16xf32> to vector<1x16xf32>
    tpu.vector_store %arg10[%swap3A_72, %swap3A_73], %swap3A_76 {strides = array<i32>} : memref<128x32xf32, #tpu.memory_space<vmem>>, vector<1x16xf32>,
    %swap3A_77 = arith.constant 6 : i32
    %swap3A_78 = arith.index_cast %swap3A_77 : i32 to index
    %swap3A_79 = arith.constant 0 : index
    %swap3A_80 = tpu.vector_load %arg10[%swap3A_78, %swap3A_79] {strides = array<i32>} : memref<128x32xf32, #tpu.memory_space<vmem>>, vector<1x16xf32>,
    %swap3A_81 = vector.shape_cast %swap3A_80 : vector<1x16xf32> to vector<16xf32>
    %swap3A_82 = vector.shape_cast %broadcast_in_dim3A_5 : vector<16xf32> to vector<1x16xf32>
    tpu.vector_store %arg10[%swap3A_78, %swap3A_79], %swap3A_82 {strides = array<i32>} : memref<128x32xf32, #tpu.memory_space<vmem>>, vector<1x16xf32>,
    %swap3A_83 = arith.constant 6 : i32
    %swap3A_84 = arith.index_cast %swap3A_83 : i32 to index
    %swap3A_85 = arith.constant 16 : index
    %swap3A_86 = tpu.vector_load %arg10[%swap3A_84, %swap3A_85] {strides = array<i32>} : memref<128x32xf32, #tpu.memory_space<vmem>>, vector<1x16xf32>,
    %swap3A_87 = vector.shape_cast %swap3A_86 : vector<1x16xf32> to vector<16xf32>
    %swap3A_88 = vector.shape_cast %broadcast_in_dim3A_5 : vector<16xf32> to vector<1x16xf32>
    tpu.vector_store %arg10[%swap3A_84, %swap3A_85], %swap3A_88 {strides = array<i32>} : memref<128x32xf32, #tpu.memory_space<vmem>>, vector<1x16xf32>,
    %swap3A_89 = arith.constant 7 : i32
    %swap3A_90 = arith.index_cast %swap3A_89 : i32 to index
    %swap3A_91 = arith.constant 0 : index
    %swap3A_92 = tpu.vector_load %arg10[%swap3A_90, %swap3A_91] {strides = array<i32>} : memref<128x32xf32, #tpu.memory_space<vmem>>, vector<1x16xf32>,
    %swap3A_93 = vector.shape_cast %swap3A_92 : vector<1x16xf32> to vector<16xf32>
    %swap3A_94 = vector.shape_cast %broadcast_in_dim3A_5 : vector<16xf32> to vector<1x16xf32>
    tpu.vector_store %arg10[%swap3A_90, %swap3A_91], %swap3A_94 {strides = array<i32>} : memref<128x32xf32, #tpu.memory_space<vmem>>, vector<1x16xf32>,
    %swap3A_95 = arith.constant 7 : i32
    %swap3A_96 = arith.index_cast %swap3A_95 : i32 to index
    %swap3A_97 = arith.constant 16 : index
    %swap3A_98 = tpu.vector_load %arg10[%swap3A_96, %swap3A_97] {strides = array<i32>} : memref<128x32xf32, #tpu.memory_space<vmem>>, vector<1x16xf32>,
    %swap3A_99 = vector.shape_cast %swap3A_98 : vector<1x16xf32> to vector<16xf32>
    %swap3A_100 = vector.shape_cast %broadcast_in_dim3A_5 : vector<16xf32> to vector<1x16xf32>
    tpu.vector_store %arg10[%swap3A_96, %swap3A_97], %swap3A_100 {strides = array<i32>} : memref<128x32xf32, #tpu.memory_space<vmem>>, vector<1x16xf32>,
    %swap3A_101 = arith.constant 8 : i32
    %swap3A_102 = arith.index_cast %swap3A_101 : i32 to index
    %swap3A_103 = arith.constant 0 : index
    %swap3A_104 = tpu.vector_load %arg10[%swap3A_102, %swap3A_103] {strides = array<i32>} : memref<128x32xf32, #tpu.memory_space<vmem>>, vector<1x16xf32>,
    %swap3A_105 = vector.shape_cast %swap3A_104 : vector<1x16xf32> to vector<16xf32>
    %swap3A_106 = vector.shape_cast %broadcast_in_dim3A_5 : vector<16xf32> to vector<1x16xf32>
    tpu.vector_store %arg10[%swap3A_102, %swap3A_103], %swap3A_106 {strides = array<i32>} : memref<128x32xf32, #tpu.memory_space<vmem>>, vector<1x16xf32>,
    %swap3A_107 = arith.constant 8 : i32
    %swap3A_108 = arith.index_cast %swap3A_107 : i32 to index
    %swap3A_109 = arith.constant 16 : index
    %swap3A_110 = tpu.vector_load %arg10[%swap3A_108, %swap3A_109] {strides = array<i32>} : memref<128x32xf32, #tpu.memory_space<vmem>>, vector<1x16xf32>,
    %swap3A_111 = vector.shape_cast %swap3A_110 : vector<1x16xf32> to vector<16xf32>
    %swap3A_112 = vector.shape_cast %broadcast_in_dim3A_5 : vector<16xf32> to vector<1x16xf32>
    tpu.vector_store %arg10[%swap3A_108, %swap3A_109], %swap3A_112 {strides = array<i32>} : memref<128x32xf32, #tpu.memory_space<vmem>>, vector<1x16xf32>,
    %swap3A_113 = arith.constant 9 : i32
    %swap3A_114 = arith.index_cast %swap3A_113 : i32 to index
    %swap3A_115 = arith.constant 0 : index
    %swap3A_116 = tpu.vector_load %arg10[%swap3A_114, %swap3A_115] {strides = array<i32>} : memref<128x32xf32, #tpu.memory_space<vmem>>, vector<1x16xf32>,
    %swap3A_117 = vector.shape_cast %swap3A_116 : vector<1x16xf32> to vector<16xf32>
    %swap3A_118 = vector.shape_cast %broadcast_in_dim3A_5 : vector<16xf32> to vector<1x16xf32>
    tpu.vector_store %arg10[%swap3A_114, %swap3A_115], %swap3A_118 {strides = array<i32>} : memref<128x32xf32, #tpu.memory_space<vmem>>, vector<1x16xf32>,
    %swap3A_119 = arith.constant 9 : i32
    %swap3A_120 = arith.index_cast %swap3A_119 : i32 to index
    %swap3A_121 = arith.constant 16 : index
    %swap3A_122 = tpu.vector_load %arg10[%swap3A_120, %swap3A_121] {strides = array<i32>} : memref<128x32xf32, #tpu.memory_space<vmem>>, vector<1x16xf32>,
    %swap3A_123 = vector.shape_cast %swap3A_122 : vector<1x16xf32> to vector<16xf32>
    %swap3A_124 = vector.shape_cast %broadcast_in_dim3A_5 : vector<16xf32> to vector<1x16xf32>
    tpu.vector_store %arg10[%swap3A_120, %swap3A_121], %swap3A_124 {strides = array<i32>} : memref<128x32xf32, #tpu.memory_space<vmem>>, vector<1x16xf32>,
    %swap3A_125 = arith.constant 10 : i32
    %swap3A_126 = arith.index_cast %swap3A_125 : i32 to index
    %swap3A_127 = arith.constant 0 : index
    %swap3A_128 = tpu.vector_load %arg10[%swap3A_126, %swap3A_127] {strides = array<i32>} : memref<128x32xf32, #tpu.memory_space<vmem>>, vector<1x16xf32>,
    %swap3A_129 = vector.shape_cast %swap3A_128 : vector<1x16xf32> to vector<16xf32>
    %swap3A_130 = vector.shape_cast %broadcast_in_dim3A_5 : vector<16xf32> to vector<1x16xf32>
    tpu.vector_store %arg10[%swap3A_126, %swap3A_127], %swap3A_130 {strides = array<i32>} : memref<128x32xf32, #tpu.memory_space<vmem>>, vector<1x16xf32>,
    %swap3A_131 = arith.constant 10 : i32
    %swap3A_132 = arith.index_cast %swap3A_131 : i32 to index
    %swap3A_133 = arith.constant 16 : index
    %swap3A_134 = tpu.vector_load %arg10[%swap3A_132, %swap3A_133] {strides = array<i32>} : memref<128x32xf32, #tpu.memory_space<vmem>>, vector<1x16xf32>,
    %swap3A_135 = vector.shape_cast %swap3A_134 : vector<1x16xf32> to vector<16xf32>
    %swap3A_136 = vector.shape_cast %broadcast_in_dim3A_5 : vector<16xf32> to vector<1x16xf32>
    tpu.vector_store %arg10[%swap3A_132, %swap3A_133], %swap3A_136 {strides = array<i32>} : memref<128x32xf32, #tpu.memory_space<vmem>>, vector<1x16xf32>,
    %swap3A_137 = arith.constant 11 : i32
    %swap3A_138 = arith.index_cast %swap3A_137 : i32 to index
    %swap3A_139 = arith.constant 0 : index
    %swap3A_140 = tpu.vector_load %arg10[%swap3A_138, %swap3A_139] {strides = array<i32>} : memref<128x32xf32, #tpu.memory_space<vmem>>, vector<1x16xf32>,
    %swap3A_141 = vector.shape_cast %swap3A_140 : vector<1x16xf32> to vector<16xf32>
    %swap3A_142 = vector.shape_cast %broadcast_in_dim3A_5 : vector<16xf32> to vector<1x16xf32>
    tpu.vector_store %arg10[%swap3A_138, %swap3A_139], %swap3A_142 {strides = array<i32>} : memref<128x32xf32, #tpu.memory_space<vmem>>, vector<1x16xf32>,
    %swap3A_143 = arith.constant 11 : i32
    %swap3A_144 = arith.index_cast %swap3A_143 : i32 to index
    %swap3A_145 = arith.constant 16 : index
    %swap3A_146 = tpu.vector_load %arg10[%swap3A_144, %swap3A_145] {strides = array<i32>} : memref<128x32xf32, #tpu.memory_space<vmem>>, vector<1x16xf32>,
    %swap3A_147 = vector.shape_cast %swap3A_146 : vector<1x16xf32> to vector<16xf32>
    %swap3A_148 = vector.shape_cast %broadcast_in_dim3A_5 : vector<16xf32> to vector<1x16xf32>
    tpu.vector_store %arg10[%swap3A_144, %swap3A_145], %swap3A_148 {strides = array<i32>} : memref<128x32xf32, #tpu.memory_space<vmem>>, vector<1x16xf32>,
    %swap3A_149 = arith.constant 12 : i32
    %swap3A_150 = arith.index_cast %swap3A_149 : i32 to index
    %swap3A_151 = arith.constant 0 : index
    %swap3A_152 = tpu.vector_load %arg10[%swap3A_150, %swap3A_151] {strides = array<i32>} : memref<128x32xf32, #tpu.memory_space<vmem>>, vector<1x16xf32>,
    %swap3A_153 = vector.shape_cast %swap3A_152 : vector<1x16xf32> to vector<16xf32>
    %swap3A_154 = vector.shape_cast %broadcast_in_dim3A_5 : vector<16xf32> to vector<1x16xf32>
    tpu.vector_store %arg10[%swap3A_150, %swap3A_151], %swap3A_154 {strides = array<i32>} : memref<128x32xf32, #tpu.memory_space<vmem>>, vector<1x16xf32>,
    %swap3A_155 = arith.constant 12 : i32
    %swap3A_156 = arith.index_cast %swap3A_155 : i32 to index
    %swap3A_157 = arith.constant 16 : index
    %swap3A_158 = tpu.vector_load %arg10[%swap3A_156, %swap3A_157] {strides = array<i32>} : memref<128x32xf32, #tpu.memory_space<vmem>>, vector<1x16xf32>,
    %swap3A_159 = vector.shape_cast %swap3A_158 : vector<1x16xf32> to vector<16xf32>
    %swap3A_160 = vector.shape_cast %broadcast_in_dim3A_5 : vector<16xf32> to vector<1x16xf32>
    tpu.vector_store %arg10[%swap3A_156, %swap3A_157], %swap3A_160 {strides = array<i32>} : memref<128x32xf32, #tpu.memory_space<vmem>>, vector<1x16xf32>,
    %swap3A_161 = arith.constant 13 : i32
    %swap3A_162 = arith.index_cast %swap3A_161 : i32 to index
    %swap3A_163 = arith.constant 0 : index
    %swap3A_164 = tpu.vector_load %arg10[%swap3A_162, %swap3A_163] {strides = array<i32>} : memref<128x32xf32, #tpu.memory_space<vmem>>, vector<1x16xf32>,
    %swap3A_165 = vector.shape_cast %swap3A_164 : vector<1x16xf32> to vector<16xf32>
    %swap3A_166 = vector.shape_cast %broadcast_in_dim3A_5 : vector<16xf32> to vector<1x16xf32>
    tpu.vector_store %arg10[%swap3A_162, %swap3A_163], %swap3A_166 {strides = array<i32>} : memref<128x32xf32, #tpu.memory_space<vmem>>, vector<1x16xf32>,
    %swap3A_167 = arith.constant 13 : i32
    %swap3A_168 = arith.index_cast %swap3A_167 : i32 to index
    %swap3A_169 = arith.constant 16 : index
    %swap3A_170 = tpu.vector_load %arg10[%swap3A_168, %swap3A_169] {strides = array<i32>} : memref<128x32xf32, #tpu.memory_space<vmem>>, vector<1x16xf32>,
    %swap3A_171 = vector.shape_cast %swap3A_170 : vector<1x16xf32> to vector<16xf32>
    %swap3A_172 = vector.shape_cast %broadcast_in_dim3A_5 : vector<16xf32> to vector<1x16xf32>
    tpu.vector_store %arg10[%swap3A_168, %swap3A_169], %swap3A_172 {strides = array<i32>} : memref<128x32xf32, #tpu.memory_space<vmem>>, vector<1x16xf32>,
    %swap3A_173 = arith.constant 14 : i32
    %swap3A_174 = arith.index_cast %swap3A_173 : i32 to index
    %swap3A_175 = arith.constant 0 : index
    %swap3A_176 = tpu.vector_load %arg10[%swap3A_174, %swap3A_175] {strides = array<i32>} : memref<128x32xf32, #tpu.memory_space<vmem>>, vector<1x16xf32>,
    %swap3A_177 = vector.shape_cast %swap3A_176 : vector<1x16xf32> to vector<16xf32>
    %swap3A_178 = vector.shape_cast %broadcast_in_dim3A_5 : vector<16xf32> to vector<1x16xf32>
    tpu.vector_store %arg10[%swap3A_174, %swap3A_175], %swap3A_178 {strides = array<i32>} : memref<128x32xf32, #tpu.memory_space<vmem>>, vector<1x16xf32>,
    %swap3A_179 = arith.constant 14 : i32
    %swap3A_180 = arith.index_cast %swap3A_179 : i32 to index
    %swap3A_181 = arith.constant 16 : index
    %swap3A_182 = tpu.vector_load %arg10[%swap3A_180, %swap3A_181] {strides = array<i32>} : memref<128x32xf32, #tpu.memory_space<vmem>>, vector<1x16xf32>,
    %swap3A_183 = vector.shape_cast %swap3A_182 : vector<1x16xf32> to vector<16xf32>
    %swap3A_184 = vector.shape_cast %broadcast_in_dim3A_5 : vector<16xf32> to vector<1x16xf32>
    tpu.vector_store %arg10[%swap3A_180, %swap3A_181], %swap3A_184 {strides = array<i32>} : memref<128x32xf32, #tpu.memory_space<vmem>>, vector<1x16xf32>,
    %swap3A_185 = arith.constant 15 : i32
    %swap3A_186 = arith.index_cast %swap3A_185 : i32 to index
    %swap3A_187 = arith.constant 0 : index
    %swap3A_188 = tpu.vector_load %arg10[%swap3A_186, %swap3A_187] {strides = array<i32>} : memref<128x32xf32, #tpu.memory_space<vmem>>, vector<1x16xf32>,
    %swap3A_189 = vector.shape_cast %swap3A_188 : vector<1x16xf32> to vector<16xf32>
    %swap3A_190 = vector.shape_cast %broadcast_in_dim3A_5 : vector<16xf32> to vector<1x16xf32>
    tpu.vector_store %arg10[%swap3A_186, %swap3A_187], %swap3A_190 {strides = array<i32>} : memref<128x32xf32, #tpu.memory_space<vmem>>, vector<1x16xf32>,
    %swap3A_191 = arith.constant 15 : i32
    %swap3A_192 = arith.index_cast %swap3A_191 : i32 to index
    %swap3A_193 = arith.constant 16 : index
    %swap3A_194 = tpu.vector_load %arg10[%swap3A_192, %swap3A_193] {strides = array<i32>} : memref<128x32xf32, #tpu.memory_space<vmem>>, vector<1x16xf32>,
    %swap3A_195 = vector.shape_cast %swap3A_194 : vector<1x16xf32> to vector<16xf32>
    %swap3A_196 = vector.shape_cast %broadcast_in_dim3A_5 : vector<16xf32> to vector<1x16xf32>
    tpu.vector_store %arg10[%swap3A_192, %swap3A_193], %swap3A_196 {strides = array<i32>} : memref<128x32xf32, #tpu.memory_space<vmem>>, vector<1x16xf32>,
    %swap3A_197 = arith.constant 16 : i32
    %swap3A_198 = arith.index_cast %swap3A_197 : i32 to index
    %swap3A_199 = arith.constant 0 : index
    %swap3A_200 = tpu.vector_load %arg10[%swap3A_198, %swap3A_199] {strides = array<i32>} : memref<128x32xf32, #tpu.memory_space<vmem>>, vector<1x16xf32>,
    %swap3A_201 = vector.shape_cast %swap3A_200 : vector<1x16xf32> to vector<16xf32>
    %swap3A_202 = vector.shape_cast %broadcast_in_dim3A_5 : vector<16xf32> to vector<1x16xf32>
    tpu.vector_store %arg10[%swap3A_198, %swap3A_199], %swap3A_202 {strides = array<i32>} : memref<128x32xf32, #tpu.memory_space<vmem>>, vector<1x16xf32>,
    %swap3A_203 = arith.constant 16 : i32
    %swap3A_204 = arith.index_cast %swap3A_203 : i32 to index
    %swap3A_205 = arith.constant 16 : index
    %swap3A_206 = tpu.vector_load %arg10[%swap3A_204, %swap3A_205] {strides = array<i32>} : memref<128x32xf32, #tpu.memory_space<vmem>>, vector<1x16xf32>,
    %swap3A_207 = vector.shape_cast %swap3A_206 : vector<1x16xf32> to vector<16xf32>
    %swap3A_208 = vector.shape_cast %broadcast_in_dim3A_5 : vector<16xf32> to vector<1x16xf32>
    tpu.vector_store %arg10[%swap3A_204, %swap3A_205], %swap3A_208 {strides = array<i32>} : memref<128x32xf32, #tpu.memory_space<vmem>>, vector<1x16xf32>,
    %swap3A_209 = arith.constant 17 : i32
    %swap3A_210 = arith.index_cast %swap3A_209 : i32 to index
    %swap3A_211 = arith.constant 0 : index
    %swap3A_212 = tpu.vector_load %arg10[%swap3A_210, %swap3A_211] {strides = array<i32>} : memref<128x32xf32, #tpu.memory_space<vmem>>, vector<1x16xf32>,
    %swap3A_213 = vector.shape_cast %swap3A_212 : vector<1x16xf32> to vector<16xf32>
    %swap3A_214 = vector.shape_cast %broadcast_in_dim3A_5 : vector<16xf32> to vector<1x16xf32>
    tpu.vector_store %arg10[%swap3A_210, %swap3A_211], %swap3A_214 {strides = array<i32>} : memref<128x32xf32, #tpu.memory_space<vmem>>, vector<1x16xf32>,
    %swap3A_215 = arith.constant 17 : i32
    %swap3A_216 = arith.index_cast %swap3A_215 : i32 to index
    %swap3A_217 = arith.constant 16 : index
    %swap3A_218 = tpu.vector_load %arg10[%swap3A_216, %swap3A_217] {strides = array<i32>} : memref<128x32xf32, #tpu.memory_space<vmem>>, vector<1x16xf32>,
    %swap3A_219 = vector.shape_cast %swap3A_218 : vector<1x16xf32> to vector<16xf32>
    %swap3A_220 = vector.shape_cast %broadcast_in_dim3A_5 : vector<16xf32> to vector<1x16xf32>
    tpu.vector_store %arg10[%swap3A_216, %swap3A_217], %swap3A_220 {strides = array<i32>} : memref<128x32xf32, #tpu.memory_space<vmem>>, vector<1x16xf32>,
    %swap3A_221 = arith.constant 18 : i32
    %swap3A_222 = arith.index_cast %swap3A_221 : i32 to index
    %swap3A_223 = arith.constant 0 : index
    %swap3A_224 = tpu.vector_load %arg10[%swap3A_222, %swap3A_223] {strides = array<i32>} : memref<128x32xf32, #tpu.memory_space<vmem>>, vector<1x16xf32>,
    %swap3A_225 = vector.shape_cast %swap3A_224 : vector<1x16xf32> to vector<16xf32>
    %swap3A_226 = vector.shape_cast %broadcast_in_dim3A_5 : vector<16xf32> to vector<1x16xf32>
    tpu.vector_store %arg10[%swap3A_222, %swap3A_223], %swap3A_226 {strides = array<i32>} : memref<128x32xf32, #tpu.memory_space<vmem>>, vector<1x16xf32>,
    %swap3A_227 = arith.constant 18 : i32
    %swap3A_228 = arith.index_cast %swap3A_227 : i32 to index
    %swap3A_229 = arith.constant 16 : index
    %swap3A_230 = tpu.vector_load %arg10[%swap3A_228, %swap3A_229] {strides = array<i32>} : memref<128x32xf32, #tpu.memory_space<vmem>>, vector<1x16xf32>,
    %swap3A_231 = vector.shape_cast %swap3A_230 : vector<1x16xf32> to vector<16xf32>
    %swap3A_232 = vector.shape_cast %broadcast_in_dim3A_5 : vector<16xf32> to vector<1x16xf32>
    tpu.vector_store %arg10[%swap3A_228, %swap3A_229], %swap3A_232 {strides = array<i32>} : memref<128x32xf32, #tpu.memory_space<vmem>>, vector<1x16xf32>,
    %swap3A_233 = arith.constant 19 : i32
    %swap3A_234 = arith.index_cast %swap3A_233 : i32 to index
    %swap3A_235 = arith.constant 0 : index
    %swap3A_236 = tpu.vector_load %arg10[%swap3A_234, %swap3A_235] {strides = array<i32>} : memref<128x32xf32, #tpu.memory_space<vmem>>, vector<1x16xf32>,
    %swap3A_237 = vector.shape_cast %swap3A_236 : vector<1x16xf32> to vector<16xf32>
    %swap3A_238 = vector.shape_cast %broadcast_in_dim3A_5 : vector<16xf32> to vector<1x16xf32>
    tpu.vector_store %arg10[%swap3A_234, %swap3A_235], %swap3A_238 {strides = array<i32>} : memref<128x32xf32, #tpu.memory_space<vmem>>, vector<1x16xf32>,
    %swap3A_239 = arith.constant 19 : i32
    %swap3A_240 = arith.index_cast %swap3A_239 : i32 to index
    %swap3A_241 = arith.constant 16 : index
    %swap3A_242 = tpu.vector_load %arg10[%swap3A_240, %swap3A_241] {strides = array<i32>} : memref<128x32xf32, #tpu.memory_space<vmem>>, vector<1x16xf32>,
    %swap3A_243 = vector.shape_cast %swap3A_242 : vector<1x16xf32> to vector<16xf32>
    %swap3A_244 = vector.shape_cast %broadcast_in_dim3A_5 : vector<16xf32> to vector<1x16xf32>
    tpu.vector_store %arg10[%swap3A_240, %swap3A_241], %swap3A_244 {strides = array<i32>} : memref<128x32xf32, #tpu.memory_space<vmem>>, vector<1x16xf32>,
    %swap3A_245 = arith.constant 20 : i32
    %swap3A_246 = arith.index_cast %swap3A_245 : i32 to index
    %swap3A_247 = arith.constant 0 : index
    %swap3A_248 = tpu.vector_load %arg10[%swap3A_246, %swap3A_247] {strides = array<i32>} : memref<128x32xf32, #tpu.memory_space<vmem>>, vector<1x16xf32>,
    %swap3A_249 = vector.shape_cast %swap3A_248 : vector<1x16xf32> to vector<16xf32>
    %swap3A_250 = vector.shape_cast %broadcast_in_dim3A_5 : vector<16xf32> to vector<1x16xf32>
    tpu.vector_store %arg10[%swap3A_246, %swap3A_247], %swap3A_250 {strides = array<i32>} : memref<128x32xf32, #tpu.memory_space<vmem>>, vector<1x16xf32>,
    %swap3A_251 = arith.constant 20 : i32
    %swap3A_252 = arith.index_cast %swap3A_251 : i32 to index
    %swap3A_253 = arith.constant 16 : index
    %swap3A_254 = tpu.vector_load %arg10[%swap3A_252, %swap3A_253] {strides = array<i32>} : memref<128x32xf32, #tpu.memory_space<vmem>>, vector<1x16xf32>,
    %swap3A_255 = vector.shape_cast %swap3A_254 : vector<1x16xf32> to vector<16xf32>
    %swap3A_256 = vector.shape_cast %broadcast_in_dim3A_5 : vector<16xf32> to vector<1x16xf32>
    tpu.vector_store %arg10[%swap3A_252, %swap3A_253], %swap3A_256 {strides = array<i32>} : memref<128x32xf32, #tpu.memory_space<vmem>>, vector<1x16xf32>,
    %swap3A_257 = arith.constant 21 : i32
    %swap3A_258 = arith.index_cast %swap3A_257 : i32 to index
    %swap3A_259 = arith.constant 0 : index
    %swap3A_260 = tpu.vector_load %arg10[%swap3A_258, %swap3A_259] {strides = array<i32>} : memref<128x32xf32, #tpu.memory_space<vmem>>, vector<1x16xf32>,
    %swap3A_261 = vector.shape_cast %swap3A_260 : vector<1x16xf32> to vector<16xf32>
    %swap3A_262 = vector.shape_cast %broadcast_in_dim3A_5 : vector<16xf32> to vector<1x16xf32>
    tpu.vector_store %arg10[%swap3A_258, %swap3A_259], %swap3A_262 {strides = array<i32>} : memref<128x32xf32, #tpu.memory_space<vmem>>, vector<1x16xf32>,
    %swap3A_263 = arith.constant 21 : i32
    %swap3A_264 = arith.index_cast %swap3A_263 : i32 to index
    %swap3A_265 = arith.constant 16 : index
    %swap3A_266 = tpu.vector_load %arg10[%swap3A_264, %swap3A_265] {strides = array<i32>} : memref<128x32xf32, #tpu.memory_space<vmem>>, vector<1x16xf32>,
    %swap3A_267 = vector.shape_cast %swap3A_266 : vector<1x16xf32> to vector<16xf32>
    %swap3A_268 = vector.shape_cast %broadcast_in_dim3A_5 : vector<16xf32> to vector<1x16xf32>
    tpu.vector_store %arg10[%swap3A_264, %swap3A_265], %swap3A_268 {strides = array<i32>} : memref<128x32xf32, #tpu.memory_space<vmem>>, vector<1x16xf32>,
    %swap3A_269 = arith.constant 22 : i32
    %swap3A_270 = arith.index_cast %swap3A_269 : i32 to index
    %swap3A_271 = arith.constant 0 : index
    %swap3A_272 = tpu.vector_load %arg10[%swap3A_270, %swap3A_271] {strides = array<i32>} : memref<128x32xf32, #tpu.memory_space<vmem>>, vector<1x16xf32>,
    %swap3A_273 = vector.shape_cast %swap3A_272 : vector<1x16xf32> to vector<16xf32>
    %swap3A_274 = vector.shape_cast %broadcast_in_dim3A_5 : vector<16xf32> to vector<1x16xf32>
    tpu.vector_store %arg10[%swap3A_270, %swap3A_271], %swap3A_274 {strides = array<i32>} : memref<128x32xf32, #tpu.memory_space<vmem>>, vector<1x16xf32>,
    %swap3A_275 = arith.constant 22 : i32
    %swap3A_276 = arith.index_cast %swap3A_275 : i32 to index
    %swap3A_277 = arith.constant 16 : index
    %swap3A_278 = tpu.vector_load %arg10[%swap3A_276, %swap3A_277] {strides = array<i32>} : memref<128x32xf32, #tpu.memory_space<vmem>>, vector<1x16xf32>,
    %swap3A_279 = vector.shape_cast %swap3A_278 : vector<1x16xf32> to vector<16xf32>
    %swap3A_280 = vector.shape_cast %broadcast_in_dim3A_5 : vector<16xf32> to vector<1x16xf32>
    tpu.vector_store %arg10[%swap3A_276, %swap3A_277], %swap3A_280 {strides = array<i32>} : memref<128x32xf32, #tpu.memory_space<vmem>>, vector<1x16xf32>,
    %swap3A_281 = arith.constant 23 : i32
    %swap3A_282 = arith.index_cast %swap3A_281 : i32 to index
    %swap3A_283 = arith.constant 0 : index
    %swap3A_284 = tpu.vector_load %arg10[%swap3A_282, %swap3A_283] {strides = array<i32>} : memref<128x32xf32, #tpu.memory_space<vmem>>, vector<1x16xf32>,
    %swap3A_285 = vector.shape_cast %swap3A_284 : vector<1x16xf32> to vector<16xf32>
    %swap3A_286 = vector.shape_cast %broadcast_in_dim3A_5 : vector<16xf32> to vector<1x16xf32>
    tpu.vector_store %arg10[%swap3A_282, %swap3A_283], %swap3A_286 {strides = array<i32>} : memref<128x32xf32, #tpu.memory_space<vmem>>, vector<1x16xf32>,
    %swap3A_287 = arith.constant 23 : i32
    %swap3A_288 = arith.index_cast %swap3A_287 : i32 to index
    %swap3A_289 = arith.constant 16 : index
    %swap3A_290 = tpu.vector_load %arg10[%swap3A_288, %swap3A_289] {strides = array<i32>} : memref<128x32xf32, #tpu.memory_space<vmem>>, vector<1x16xf32>,
    %swap3A_291 = vector.shape_cast %swap3A_290 : vector<1x16xf32> to vector<16xf32>
    %swap3A_292 = vector.shape_cast %broadcast_in_dim3A_5 : vector<16xf32> to vector<1x16xf32>
    tpu.vector_store %arg10[%swap3A_288, %swap3A_289], %swap3A_292 {strides = array<i32>} : memref<128x32xf32, #tpu.memory_space<vmem>>, vector<1x16xf32>,
    %swap3A_293 = arith.constant 24 : i32
    %swap3A_294 = arith.index_cast %swap3A_293 : i32 to index
    %swap3A_295 = arith.constant 0 : index
    %swap3A_296 = tpu.vector_load %arg10[%swap3A_294, %swap3A_295] {strides = array<i32>} : memref<128x32xf32, #tpu.memory_space<vmem>>, vector<1x16xf32>,
    %swap3A_297 = vector.shape_cast %swap3A_296 : vector<1x16xf32> to vector<16xf32>
    %swap3A_298 = vector.shape_cast %broadcast_in_dim3A_5 : vector<16xf32> to vector<1x16xf32>
    tpu.vector_store %arg10[%swap3A_294, %swap3A_295], %swap3A_298 {strides = array<i32>} : memref<128x32xf32, #tpu.memory_space<vmem>>, vector<1x16xf32>,
    %swap3A_299 = arith.constant 24 : i32
    %swap3A_300 = arith.index_cast %swap3A_299 : i32 to index
    %swap3A_301 = arith.constant 16 : index
    %swap3A_302 = tpu.vector_load %arg10[%swap3A_300, %swap3A_301] {strides = array<i32>} : memref<128x32xf32, #tpu.memory_space<vmem>>, vector<1x16xf32>,
    %swap3A_303 = vector.shape_cast %swap3A_302 : vector<1x16xf32> to vector<16xf32>
    %swap3A_304 = vector.shape_cast %broadcast_in_dim3A_5 : vector<16xf32> to vector<1x16xf32>
    tpu.vector_store %arg10[%swap3A_300, %swap3A_301], %swap3A_304 {strides = array<i32>} : memref<128x32xf32, #tpu.memory_space<vmem>>, vector<1x16xf32>,
    %swap3A_305 = arith.constant 25 : i32
    %swap3A_306 = arith.index_cast %swap3A_305 : i32 to index
    %swap3A_307 = arith.constant 0 : index
    %swap3A_308 = tpu.vector_load %arg10[%swap3A_306, %swap3A_307] {strides = array<i32>} : memref<128x32xf32, #tpu.memory_space<vmem>>, vector<1x16xf32>,
    %swap3A_309 = vector.shape_cast %swap3A_308 : vector<1x16xf32> to vector<16xf32>
    %swap3A_310 = vector.shape_cast %broadcast_in_dim3A_5 : vector<16xf32> to vector<1x16xf32>
    tpu.vector_store %arg10[%swap3A_306, %swap3A_307], %swap3A_310 {strides = array<i32>} : memref<128x32xf32, #tpu.memory_space<vmem>>, vector<1x16xf32>,
    %swap3A_311 = arith.constant 25 : i32
    %swap3A_312 = arith.index_cast %swap3A_311 : i32 to index
    %swap3A_313 = arith.constant 16 : index
    %swap3A_314 = tpu.vector_load %arg10[%swap3A_312, %swap3A_313] {strides = array<i32>} : memref<128x32xf32, #tpu.memory_space<vmem>>, vector<1x16xf32>,
    %swap3A_315 = vector.shape_cast %swap3A_314 : vector<1x16xf32> to vector<16xf32>
    %swap3A_316 = vector.shape_cast %broadcast_in_dim3A_5 : vector<16xf32> to vector<1x16xf32>
    tpu.vector_store %arg10[%swap3A_312, %swap3A_313], %swap3A_316 {strides = array<i32>} : memref<128x32xf32, #tpu.memory_space<vmem>>, vector<1x16xf32>,
    %swap3A_317 = arith.constant 26 : i32
    %swap3A_318 = arith.index_cast %swap3A_317 : i32 to index
    %swap3A_319 = arith.constant 0 : index
    %swap3A_320 = tpu.vector_load %arg10[%swap3A_318, %swap3A_319] {strides = array<i32>} : memref<128x32xf32, #tpu.memory_space<vmem>>, vector<1x16xf32>,
    %swap3A_321 = vector.shape_cast %swap3A_320 : vector<1x16xf32> to vector<16xf32>
    %swap3A_322 = vector.shape_cast %broadcast_in_dim3A_5 : vector<16xf32> to vector<1x16xf32>
    tpu.vector_store %arg10[%swap3A_318, %swap3A_319], %swap3A_322 {strides = array<i32>} : memref<128x32xf32, #tpu.memory_space<vmem>>, vector<1x16xf32>,
    %swap3A_323 = arith.constant 26 : i32
    %swap3A_324 = arith.index_cast %swap3A_323 : i32 to index
    %swap3A_325 = arith.constant 16 : index
    %swap3A_326 = tpu.vector_load %arg10[%swap3A_324, %swap3A_325] {strides = array<i32>} : memref<128x32xf32, #tpu.memory_space<vmem>>, vector<1x16xf32>,
    %swap3A_327 = vector.shape_cast %swap3A_326 : vector<1x16xf32> to vector<16xf32>
    %swap3A_328 = vector.shape_cast %broadcast_in_dim3A_5 : vector<16xf32> to vector<1x16xf32>
    tpu.vector_store %arg10[%swap3A_324, %swap3A_325], %swap3A_328 {strides = array<i32>} : memref<128x32xf32, #tpu.memory_space<vmem>>, vector<1x16xf32>,
    %swap3A_329 = arith.constant 27 : i32
    %swap3A_330 = arith.index_cast %swap3A_329 : i32 to index
    %swap3A_331 = arith.constant 0 : index
    %swap3A_332 = tpu.vector_load %arg10[%swap3A_330, %swap3A_331] {strides = array<i32>} : memref<128x32xf32, #tpu.memory_space<vmem>>, vector<1x16xf32>,
    %swap3A_333 = vector.shape_cast %swap3A_332 : vector<1x16xf32> to vector<16xf32>
    %swap3A_334 = vector.shape_cast %broadcast_in_dim3A_5 : vector<16xf32> to vector<1x16xf32>
    tpu.vector_store %arg10[%swap3A_330, %swap3A_331], %swap3A_334 {strides = array<i32>} : memref<128x32xf32, #tpu.memory_space<vmem>>, vector<1x16xf32>,
    %swap3A_335 = arith.constant 27 : i32
    %swap3A_336 = arith.index_cast %swap3A_335 : i32 to index
    %swap3A_337 = arith.constant 16 : index
    %swap3A_338 = tpu.vector_load %arg10[%swap3A_336, %swap3A_337] {strides = array<i32>} : memref<128x32xf32, #tpu.memory_space<vmem>>, vector<1x16xf32>,
    %swap3A_339 = vector.shape_cast %swap3A_338 : vector<1x16xf32> to vector<16xf32>
    %swap3A_340 = vector.shape_cast %broadcast_in_dim3A_5 : vector<16xf32> to vector<1x16xf32>
    tpu.vector_store %arg10[%swap3A_336, %swap3A_337], %swap3A_340 {strides = array<i32>} : memref<128x32xf32, #tpu.memory_space<vmem>>, vector<1x16xf32>,
    %swap3A_341 = arith.constant 28 : i32
    %swap3A_342 = arith.index_cast %swap3A_341 : i32 to index
    %swap3A_343 = arith.constant 0 : index
    %swap3A_344 = tpu.vector_load %arg10[%swap3A_342, %swap3A_343] {strides = array<i32>} : memref<128x32xf32, #tpu.memory_space<vmem>>, vector<1x16xf32>,
    %swap3A_345 = vector.shape_cast %swap3A_344 : vector<1x16xf32> to vector<16xf32>
    %swap3A_346 = vector.shape_cast %broadcast_in_dim3A_5 : vector<16xf32> to vector<1x16xf32>
    tpu.vector_store %arg10[%swap3A_342, %swap3A_343], %swap3A_346 {strides = array<i32>} : memref<128x32xf32, #tpu.memory_space<vmem>>, vector<1x16xf32>,
    %swap3A_347 = arith.constant 28 : i32
    %swap3A_348 = arith.index_cast %swap3A_347 : i32 to index
    %swap3A_349 = arith.constant 16 : index
    %swap3A_350 = tpu.vector_load %arg10[%swap3A_348, %swap3A_349] {strides = array<i32>} : memref<128x32xf32, #tpu.memory_space<vmem>>, vector<1x16xf32>,
    %swap3A_351 = vector.shape_cast %swap3A_350 : vector<1x16xf32> to vector<16xf32>
    %swap3A_352 = vector.shape_cast %broadcast_in_dim3A_5 : vector<16xf32> to vector<1x16xf32>
    tpu.vector_store %arg10[%swap3A_348, %swap3A_349], %swap3A_352 {strides = array<i32>} : memref<128x32xf32, #tpu.memory_space<vmem>>, vector<1x16xf32>,
    %swap3A_353 = arith.constant 29 : i32
    %swap3A_354 = arith.index_cast %swap3A_353 : i32 to index
    %swap3A_355 = arith.constant 0 : index
    %swap3A_356 = tpu.vector_load %arg10[%swap3A_354, %swap3A_355] {strides = array<i32>} : memref<128x32xf32, #tpu.memory_space<vmem>>, vector<1x16xf32>,
    %swap3A_357 = vector.shape_cast %swap3A_356 : vector<1x16xf32> to vector<16xf32>
    %swap3A_358 = vector.shape_cast %broadcast_in_dim3A_5 : vector<16xf32> to vector<1x16xf32>
    tpu.vector_store %arg10[%swap3A_354, %swap3A_355], %swap3A_358 {strides = array<i32>} : memref<128x32xf32, #tpu.memory_space<vmem>>, vector<1x16xf32>,
    %swap3A_359 = arith.constant 29 : i32
    %swap3A_360 = arith.index_cast %swap3A_359 : i32 to index
    %swap3A_361 = arith.constant 16 : index
    %swap3A_362 = tpu.vector_load %arg10[%swap3A_360, %swap3A_361] {strides = array<i32>} : memref<128x32xf32, #tpu.memory_space<vmem>>, vector<1x16xf32>,
    %swap3A_363 = vector.shape_cast %swap3A_362 : vector<1x16xf32> to vector<16xf32>
    %swap3A_364 = vector.shape_cast %broadcast_in_dim3A_5 : vector<16xf32> to vector<1x16xf32>
    tpu.vector_store %arg10[%swap3A_360, %swap3A_361], %swap3A_364 {strides = array<i32>} : memref<128x32xf32, #tpu.memory_space<vmem>>, vector<1x16xf32>,
    %swap3A_365 = arith.constant 30 : i32
    %swap3A_366 = arith.index_cast %swap3A_365 : i32 to index
    %swap3A_367 = arith.constant 0 : index
    %swap3A_368 = tpu.vector_load %arg10[%swap3A_366, %swap3A_367] {strides = array<i32>} : memref<128x32xf32, #tpu.memory_space<vmem>>, vector<1x16xf32>,
    %swap3A_369 = vector.shape_cast %swap3A_368 : vector<1x16xf32> to vector<16xf32>
    %swap3A_370 = vector.shape_cast %broadcast_in_dim3A_5 : vector<16xf32> to vector<1x16xf32>
    tpu.vector_store %arg10[%swap3A_366, %swap3A_367], %swap3A_370 {strides = array<i32>} : memref<128x32xf32, #tpu.memory_space<vmem>>, vector<1x16xf32>,
    %swap3A_371 = arith.constant 30 : i32
    %swap3A_372 = arith.index_cast %swap3A_371 : i32 to index
    %swap3A_373 = arith.constant 16 : index
    %swap3A_374 = tpu.vector_load %arg10[%swap3A_372, %swap3A_373] {strides = array<i32>} : memref<128x32xf32, #tpu.memory_space<vmem>>, vector<1x16xf32>,
    %swap3A_375 = vector.shape_cast %swap3A_374 : vector<1x16xf32> to vector<16xf32>
    %swap3A_376 = vector.shape_cast %broadcast_in_dim3A_5 : vector<16xf32> to vector<1x16xf32>
    tpu.vector_store %arg10[%swap3A_372, %swap3A_373], %swap3A_376 {strides = array<i32>} : memref<128x32xf32, #tpu.memory_space<vmem>>, vector<1x16xf32>,
    %swap3A_377 = arith.constant 31 : i32
    %swap3A_378 = arith.index_cast %swap3A_377 : i32 to index
    %swap3A_379 = arith.constant 0 : index
    %swap3A_380 = tpu.vector_load %arg10[%swap3A_378, %swap3A_379] {strides = array<i32>} : memref<128x32xf32, #tpu.memory_space<vmem>>, vector<1x16xf32>,
    %swap3A_381 = vector.shape_cast %swap3A_380 : vector<1x16xf32> to vector<16xf32>
    %swap3A_382 = vector.shape_cast %broadcast_in_dim3A_5 : vector<16xf32> to vector<1x16xf32>
    tpu.vector_store %arg10[%swap3A_378, %swap3A_379], %swap3A_382 {strides = array<i32>} : memref<128x32xf32, #tpu.memory_space<vmem>>, vector<1x16xf32>,
    %swap3A_383 = arith.constant 31 : i32
    %swap3A_384 = arith.index_cast %swap3A_383 : i32 to index
    %swap3A_385 = arith.constant 16 : index
    %swap3A_386 = tpu.vector_load %arg10[%swap3A_384, %swap3A_385] {strides = array<i32>} : memref<128x32xf32, #tpu.memory_space<vmem>>, vector<1x16xf32>,
    %swap3A_387 = vector.shape_cast %swap3A_386 : vector<1x16xf32> to vector<16xf32>
    %swap3A_388 = vector.shape_cast %broadcast_in_dim3A_5 : vector<16xf32> to vector<1x16xf32>
    tpu.vector_store %arg10[%swap3A_384, %swap3A_385], %swap3A_388 {strides = array<i32>} : memref<128x32xf32, #tpu.memory_space<vmem>>, vector<1x16xf32>,
    %swap3A_389 = arith.constant 32 : i32
    %swap3A_390 = arith.index_cast %swap3A_389 : i32 to index
    %swap3A_391 = arith.constant 0 : index
    %swap3A_392 = tpu.vector_load %arg10[%swap3A_390, %swap3A_391] {strides = array<i32>} : memref<128x32xf32, #tpu.memory_space<vmem>>, vector<1x16xf32>,
    %swap3A_393 = vector.shape_cast %swap3A_392 : vector<1x16xf32> to vector<16xf32>
    %swap3A_394 = vector.shape_cast %broadcast_in_dim3A_5 : vector<16xf32> to vector<1x16xf32>
    tpu.vector_store %arg10[%swap3A_390, %swap3A_391], %swap3A_394 {strides = array<i32>} : memref<128x32xf32, #tpu.memory_space<vmem>>, vector<1x16xf32>,
    %swap3A_395 = arith.constant 32 : i32
    %swap3A_396 = arith.index_cast %swap3A_395 : i32 to index
    %swap3A_397 = arith.constant 16 : index
    %swap3A_398 = tpu.vector_load %arg10[%swap3A_396, %swap3A_397] {strides = array<i32>} : memref<128x32xf32, #tpu.memory_space<vmem>>, vector<1x16xf32>,
    %swap3A_399 = vector.shape_cast %swap3A_398 : vector<1x16xf32> to vector<16xf32>
    %swap3A_400 = vector.shape_cast %broadcast_in_dim3A_5 : vector<16xf32> to vector<1x16xf32>
    tpu.vector_store %arg10[%swap3A_396, %swap3A_397], %swap3A_400 {strides = array<i32>} : memref<128x32xf32, #tpu.memory_space<vmem>>, vector<1x16xf32>,
    %swap3A_401 = arith.constant 33 : i32
    %swap3A_402 = arith.index_cast %swap3A_401 : i32 to index
    %swap3A_403 = arith.constant 0 : index
    %swap3A_404 = tpu.vector_load %arg10[%swap3A_402, %swap3A_403] {strides = array<i32>} : memref<128x32xf32, #tpu.memory_space<vmem>>, vector<1x16xf32>,
    %swap3A_405 = vector.shape_cast %swap3A_404 : vector<1x16xf32> to vector<16xf32>
    %swap3A_406 = vector.shape_cast %broadcast_in_dim3A_5 : vector<16xf32> to vector<1x16xf32>
    tpu.vector_store %arg10[%swap3A_402, %swap3A_403], %swap3A_406 {strides = array<i32>} : memref<128x32xf32, #tpu.memory_space<vmem>>, vector<1x16xf32>,
    %swap3A_407 = arith.constant 33 : i32
    %swap3A_408 = arith.index_cast %swap3A_407 : i32 to index
    %swap3A_409 = arith.constant 16 : index
    %swap3A_410 = tpu.vector_load %arg10[%swap3A_408, %swap3A_409] {strides = array<i32>} : memref<128x32xf32, #tpu.memory_space<vmem>>, vector<1x16xf32>,
    %swap3A_411 = vector.shape_cast %swap3A_410 : vector<1x16xf32> to vector<16xf32>
    %swap3A_412 = vector.shape_cast %broadcast_in_dim3A_5 : vector<16xf32> to vector<1x16xf32>
    tpu.vector_store %arg10[%swap3A_408, %swap3A_409], %swap3A_412 {strides = array<i32>} : memref<128x32xf32, #tpu.memory_space<vmem>>, vector<1x16xf32>,
    %swap3A_413 = arith.constant 34 : i32
    %swap3A_414 = arith.index_cast %swap3A_413 : i32 to index
    %swap3A_415 = arith.constant 0 : index
    %swap3A_416 = tpu.vector_load %arg10[%swap3A_414, %swap3A_415] {strides = array<i32>} : memref<128x32xf32, #tpu.memory_space<vmem>>, vector<1x16xf32>,
    %swap3A_417 = vector.shape_cast %swap3A_416 : vector<1x16xf32> to vector<16xf32>
    %swap3A_418 = vector.shape_cast %broadcast_in_dim3A_5 : vector<16xf32> to vector<1x16xf32>
    tpu.vector_store %arg10[%swap3A_414, %swap3A_415], %swap3A_418 {strides = array<i32>} : memref<128x32xf32, #tpu.memory_space<vmem>>, vector<1x16xf32>,
    %swap3A_419 = arith.constant 34 : i32
    %swap3A_420 = arith.index_cast %swap3A_419 : i32 to index
    %swap3A_421 = arith.constant 16 : index
    %swap3A_422 = tpu.vector_load %arg10[%swap3A_420, %swap3A_421] {strides = array<i32>} : memref<128x32xf32, #tpu.memory_space<vmem>>, vector<1x16xf32>,
    %swap3A_423 = vector.shape_cast %swap3A_422 : vector<1x16xf32> to vector<16xf32>
    %swap3A_424 = vector.shape_cast %broadcast_in_dim3A_5 : vector<16xf32> to vector<1x16xf32>
    tpu.vector_store %arg10[%swap3A_420, %swap3A_421], %swap3A_424 {strides = array<i32>} : memref<128x32xf32, #tpu.memory_space<vmem>>, vector<1x16xf32>,
    %swap3A_425 = arith.constant 35 : i32
    %swap3A_426 = arith.index_cast %swap3A_425 : i32 to index
    %swap3A_427 = arith.constant 0 : index
    %swap3A_428 = tpu.vector_load %arg10[%swap3A_426, %swap3A_427] {strides = array<i32>} : memref<128x32xf32, #tpu.memory_space<vmem>>, vector<1x16xf32>,
    %swap3A_429 = vector.shape_cast %swap3A_428 : vector<1x16xf32> to vector<16xf32>
    %swap3A_430 = vector.shape_cast %broadcast_in_dim3A_5 : vector<16xf32> to vector<1x16xf32>
    tpu.vector_store %arg10[%swap3A_426, %swap3A_427], %swap3A_430 {strides = array<i32>} : memref<128x32xf32, #tpu.memory_space<vmem>>, vector<1x16xf32>,
    %swap3A_431 = arith.constant 35 : i32
    %swap3A_432 = arith.index_cast %swap3A_431 : i32 to index
    %swap3A_433 = arith.constant 16 : index
    %swap3A_434 = tpu.vector_load %arg10[%swap3A_432, %swap3A_433] {strides = array<i32>} : memref<128x32xf32, #tpu.memory_space<vmem>>, vector<1x16xf32>,
    %swap3A_435 = vector.shape_cast %swap3A_434 : vector<1x16xf32> to vector<16xf32>
    %swap3A_436 = vector.shape_cast %broadcast_in_dim3A_5 : vector<16xf32> to vector<1x16xf32>
    tpu.vector_store %arg10[%swap3A_432, %swap3A_433], %swap3A_436 {strides = array<i32>} : memref<128x32xf32, #tpu.memory_space<vmem>>, vector<1x16xf32>,
    %swap3A_437 = arith.constant 36 : i32
    %swap3A_438 = arith.index_cast %swap3A_437 : i32 to index
    %swap3A_439 = arith.constant 0 : index
    %swap3A_440 = tpu.vector_load %arg10[%swap3A_438, %swap3A_439] {strides = array<i32>} : memref<128x32xf32, #tpu.memory_space<vmem>>, vector<1x16xf32>,
    %swap3A_441 = vector.shape_cast %swap3A_440 : vector<1x16xf32> to vector<16xf32>
    %swap3A_442 = vector.shape_cast %broadcast_in_dim3A_5 : vector<16xf32> to vector<1x16xf32>
    tpu.vector_store %arg10[%swap3A_438, %swap3A_439], %swap3A_442 {strides = array<i32>} : memref<128x32xf32, #tpu.memory_space<vmem>>, vector<1x16xf32>,
    %swap3A_443 = arith.constant 36 : i32
    %swap3A_444 = arith.index_cast %swap3A_443 : i32 to index
    %swap3A_445 = arith.constant 16 : index
    %swap3A_446 = tpu.vector_load %arg10[%swap3A_444, %swap3A_445] {strides = array<i32>} : memref<128x32xf32, #tpu.memory_space<vmem>>, vector<1x16xf32>,
    %swap3A_447 = vector.shape_cast %swap3A_446 : vector<1x16xf32> to vector<16xf32>
    %swap3A_448 = vector.shape_cast %broadcast_in_dim3A_5 : vector<16xf32> to vector<1x16xf32>
    tpu.vector_store %arg10[%swap3A_444, %swap3A_445], %swap3A_448 {strides = array<i32>} : memref<128x32xf32, #tpu.memory_space<vmem>>, vector<1x16xf32>,
    %swap3A_449 = arith.constant 37 : i32
    %swap3A_450 = arith.index_cast %swap3A_449 : i32 to index
    %swap3A_451 = arith.constant 0 : index
    %swap3A_452 = tpu.vector_load %arg10[%swap3A_450, %swap3A_451] {strides = array<i32>} : memref<128x32xf32, #tpu.memory_space<vmem>>, vector<1x16xf32>,
    %swap3A_453 = vector.shape_cast %swap3A_452 : vector<1x16xf32> to vector<16xf32>
    %swap3A_454 = vector.shape_cast %broadcast_in_dim3A_5 : vector<16xf32> to vector<1x16xf32>
    tpu.vector_store %arg10[%swap3A_450, %swap3A_451], %swap3A_454 {strides = array<i32>} : memref<128x32xf32, #tpu.memory_space<vmem>>, vector<1x16xf32>,
    %swap3A_455 = arith.constant 37 : i32
    %swap3A_456 = arith.index_cast %swap3A_455 : i32 to index
    %swap3A_457 = arith.constant 16 : index
    %swap3A_458 = tpu.vector_load %arg10[%swap3A_456, %swap3A_457] {strides = array<i32>} : memref<128x32xf32, #tpu.memory_space<vmem>>, vector<1x16xf32>,
    %swap3A_459 = vector.shape_cast %swap3A_458 : vector<1x16xf32> to vector<16xf32>
    %swap3A_460 = vector.shape_cast %broadcast_in_dim3A_5 : vector<16xf32> to vector<1x16xf32>
    tpu.vector_store %arg10[%swap3A_456, %swap3A_457], %swap3A_460 {strides = array<i32>} : memref<128x32xf32, #tpu.memory_space<vmem>>, vector<1x16xf32>,
    %swap3A_461 = arith.constant 38 : i32
    %swap3A_462 = arith.index_cast %swap3A_461 : i32 to index
    %swap3A_463 = arith.constant 0 : index
    %swap3A_464 = tpu.vector_load %arg10[%swap3A_462, %swap3A_463] {strides = array<i32>} : memref<128x32xf32, #tpu.memory_space<vmem>>, vector<1x16xf32>,
    %swap3A_465 = vector.shape_cast %swap3A_464 : vector<1x16xf32> to vector<16xf32>
    %swap3A_466 = vector.shape_cast %broadcast_in_dim3A_5 : vector<16xf32> to vector<1x16xf32>
    tpu.vector_store %arg10[%swap3A_462, %swap3A_463], %swap3A_466 {strides = array<i32>} : memref<128x32xf32, #tpu.memory_space<vmem>>, vector<1x16xf32>,
    %swap3A_467 = arith.constant 38 : i32
    %swap3A_468 = arith.index_cast %swap3A_467 : i32 to index
    %swap3A_469 = arith.constant 16 : index
    %swap3A_470 = tpu.vector_load %arg10[%swap3A_468, %swap3A_469] {strides = array<i32>} : memref<128x32xf32, #tpu.memory_space<vmem>>, vector<1x16xf32>,
    %swap3A_471 = vector.shape_cast %swap3A_470 : vector<1x16xf32> to vector<16xf32>
    %swap3A_472 = vector.shape_cast %broadcast_in_dim3A_5 : vector<16xf32> to vector<1x16xf32>
    tpu.vector_store %arg10[%swap3A_468, %swap3A_469], %swap3A_472 {strides = array<i32>} : memref<128x32xf32, #tpu.memory_space<vmem>>, vector<1x16xf32>,
    %swap3A_473 = arith.constant 39 : i32
    %swap3A_474 = arith.index_cast %swap3A_473 : i32 to index
    %swap3A_475 = arith.constant 0 : index
    %swap3A_476 = tpu.vector_load %arg10[%swap3A_474, %swap3A_475] {strides = array<i32>} : memref<128x32xf32, #tpu.memory_space<vmem>>, vector<1x16xf32>,
    %swap3A_477 = vector.shape_cast %swap3A_476 : vector<1x16xf32> to vector<16xf32>
    %swap3A_478 = vector.shape_cast %broadcast_in_dim3A_5 : vector<16xf32> to vector<1x16xf32>
    tpu.vector_store %arg10[%swap3A_474, %swap3A_475], %swap3A_478 {strides = array<i32>} : memref<128x32xf32, #tpu.memory_space<vmem>>, vector<1x16xf32>,
    %swap3A_479 = arith.constant 39 : i32
    %swap3A_480 = arith.index_cast %swap3A_479 : i32 to index
    %swap3A_481 = arith.constant 16 : index
    %swap3A_482 = tpu.vector_load %arg10[%swap3A_480, %swap3A_481] {strides = array<i32>} : memref<128x32xf32, #tpu.memory_space<vmem>>, vector<1x16xf32>,
    %swap3A_483 = vector.shape_cast %swap3A_482 : vector<1x16xf32> to vector<16xf32>
    %swap3A_484 = vector.shape_cast %broadcast_in_dim3A_5 : vector<16xf32> to vector<1x16xf32>
    tpu.vector_store %arg10[%swap3A_480, %swap3A_481], %swap3A_484 {strides = array<i32>} : memref<128x32xf32, #tpu.memory_space<vmem>>, vector<1x16xf32>,
    %swap3A_485 = arith.constant 40 : i32
    %swap3A_486 = arith.index_cast %swap3A_485 : i32 to index
    %swap3A_487 = arith.constant 0 : index
    %swap3A_488 = tpu.vector_load %arg10[%swap3A_486, %swap3A_487] {strides = array<i32>} : memref<128x32xf32, #tpu.memory_space<vmem>>, vector<1x16xf32>,
    %swap3A_489 = vector.shape_cast %swap3A_488 : vector<1x16xf32> to vector<16xf32>
    %swap3A_490 = vector.shape_cast %broadcast_in_dim3A_5 : vector<16xf32> to vector<1x16xf32>
    tpu.vector_store %arg10[%swap3A_486, %swap3A_487], %swap3A_490 {strides = array<i32>} : memref<128x32xf32, #tpu.memory_space<vmem>>, vector<1x16xf32>,
    %swap3A_491 = arith.constant 40 : i32
    %swap3A_492 = arith.index_cast %swap3A_491 : i32 to index
    %swap3A_493 = arith.constant 16 : index
    %swap3A_494 = tpu.vector_load %arg10[%swap3A_492, %swap3A_493] {strides = array<i32>} : memref<128x32xf32, #tpu.memory_space<vmem>>, vector<1x16xf32>,
    %swap3A_495 = vector.shape_cast %swap3A_494 : vector<1x16xf32> to vector<16xf32>
    %swap3A_496 = vector.shape_cast %broadcast_in_dim3A_5 : vector<16xf32> to vector<1x16xf32>
    tpu.vector_store %arg10[%swap3A_492, %swap3A_493], %swap3A_496 {strides = array<i32>} : memref<128x32xf32, #tpu.memory_space<vmem>>, vector<1x16xf32>,
    %swap3A_497 = arith.constant 41 : i32
    %swap3A_498 = arith.index_cast %swap3A_497 : i32 to index
    %swap3A_499 = arith.constant 0 : index
    %swap3A_500 = tpu.vector_load %arg10[%swap3A_498, %swap3A_499] {strides = array<i32>} : memref<128x32xf32, #tpu.memory_space<vmem>>, vector<1x16xf32>,
    %swap3A_501 = vector.shape_cast %swap3A_500 : vector<1x16xf32> to vector<16xf32>
    %swap3A_502 = vector.shape_cast %broadcast_in_dim3A_5 : vector<16xf32> to vector<1x16xf32>
    tpu.vector_store %arg10[%swap3A_498, %swap3A_499], %swap3A_502 {strides = array<i32>} : memref<128x32xf32, #tpu.memory_space<vmem>>, vector<1x16xf32>,
    %swap3A_503 = arith.constant 41 : i32
    %swap3A_504 = arith.index_cast %swap3A_503 : i32 to index
    %swap3A_505 = arith.constant 16 : index
    %swap3A_506 = tpu.vector_load %arg10[%swap3A_504, %swap3A_505] {strides = array<i32>} : memref<128x32xf32, #tpu.memory_space<vmem>>, vector<1x16xf32>,
    %swap3A_507 = vector.shape_cast %swap3A_506 : vector<1x16xf32> to vector<16xf32>
    %swap3A_508 = vector.shape_cast %broadcast_in_dim3A_5 : vector<16xf32> to vector<1x16xf32>
    tpu.vector_store %arg10[%swap3A_504, %swap3A_505], %swap3A_508 {strides = array<i32>} : memref<128x32xf32, #tpu.memory_space<vmem>>, vector<1x16xf32>,
    %swap3A_509 = arith.constant 42 : i32
    %swap3A_510 = arith.index_cast %swap3A_509 : i32 to index
    %swap3A_511 = arith.constant 0 : index
    %swap3A_512 = tpu.vector_load %arg10[%swap3A_510, %swap3A_511] {strides = array<i32>} : memref<128x32xf32, #tpu.memory_space<vmem>>, vector<1x16xf32>,
    %swap3A_513 = vector.shape_cast %swap3A_512 : vector<1x16xf32> to vector<16xf32>
    %swap3A_514 = vector.shape_cast %broadcast_in_dim3A_5 : vector<16xf32> to vector<1x16xf32>
    tpu.vector_store %arg10[%swap3A_510, %swap3A_511], %swap3A_514 {strides = array<i32>} : memref<128x32xf32, #tpu.memory_space<vmem>>, vector<1x16xf32>,
    %swap3A_515 = arith.constant 42 : i32
    %swap3A_516 = arith.index_cast %swap3A_515 : i32 to index
    %swap3A_517 = arith.constant 16 : index
    %swap3A_518 = tpu.vector_load %arg10[%swap3A_516, %swap3A_517] {strides = array<i32>} : memref<128x32xf32, #tpu.memory_space<vmem>>, vector<1x16xf32>,
    %swap3A_519 = vector.shape_cast %swap3A_518 : vector<1x16xf32> to vector<16xf32>
    %swap3A_520 = vector.shape_cast %broadcast_in_dim3A_5 : vector<16xf32> to vector<1x16xf32>
    tpu.vector_store %arg10[%swap3A_516, %swap3A_517], %swap3A_520 {strides = array<i32>} : memref<128x32xf32, #tpu.memory_space<vmem>>, vector<1x16xf32>,
    %swap3A_521 = arith.constant 43 : i32
    %swap3A_522 = arith.index_cast %swap3A_521 : i32 to index
    %swap3A_523 = arith.constant 0 : index
    %swap3A_524 = tpu.vector_load %arg10[%swap3A_522, %swap3A_523] {strides = array<i32>} : memref<128x32xf32, #tpu.memory_space<vmem>>, vector<1x16xf32>,
    %swap3A_525 = vector.shape_cast %swap3A_524 : vector<1x16xf32> to vector<16xf32>
    %swap3A_526 = vector.shape_cast %broadcast_in_dim3A_5 : vector<16xf32> to vector<1x16xf32>
    tpu.vector_store %arg10[%swap3A_522, %swap3A_523], %swap3A_526 {strides = array<i32>} : memref<128x32xf32, #tpu.memory_space<vmem>>, vector<1x16xf32>,
    %swap3A_527 = arith.constant 43 : i32
    %swap3A_528 = arith.index_cast %swap3A_527 : i32 to index
    %swap3A_529 = arith.constant 16 : index
    %swap3A_530 = tpu.vector_load %arg10[%swap3A_528, %swap3A_529] {strides = array<i32>} : memref<128x32xf32, #tpu.memory_space<vmem>>, vector<1x16xf32>,
    %swap3A_531 = vector.shape_cast %swap3A_530 : vector<1x16xf32> to vector<16xf32>
    %swap3A_532 = vector.shape_cast %broadcast_in_dim3A_5 : vector<16xf32> to vector<1x16xf32>
    tpu.vector_store %arg10[%swap3A_528, %swap3A_529], %swap3A_532 {strides = array<i32>} : memref<128x32xf32, #tpu.memory_space<vmem>>, vector<1x16xf32>,
    %swap3A_533 = arith.constant 44 : i32
    %swap3A_534 = arith.index_cast %swap3A_533 : i32 to index
    %swap3A_535 = arith.constant 0 : index
    %swap3A_536 = tpu.vector_load %arg10[%swap3A_534, %swap3A_535] {strides = array<i32>} : memref<128x32xf32, #tpu.memory_space<vmem>>, vector<1x16xf32>,
    %swap3A_537 = vector.shape_cast %swap3A_536 : vector<1x16xf32> to vector<16xf32>
    %swap3A_538 = vector.shape_cast %broadcast_in_dim3A_5 : vector<16xf32> to vector<1x16xf32>
    tpu.vector_store %arg10[%swap3A_534, %swap3A_535], %swap3A_538 {strides = array<i32>} : memref<128x32xf32, #tpu.memory_space<vmem>>, vector<1x16xf32>,
    %swap3A_539 = arith.constant 44 : i32
    %swap3A_540 = arith.index_cast %swap3A_539 : i32 to index
    %swap3A_541 = arith.constant 16 : index
    %swap3A_542 = tpu.vector_load %arg10[%swap3A_540, %swap3A_541] {strides = array<i32>} : memref<128x32xf32, #tpu.memory_space<vmem>>, vector<1x16xf32>,
    %swap3A_543 = vector.shape_cast %swap3A_542 : vector<1x16xf32> to vector<16xf32>
    %swap3A_544 = vector.shape_cast %broadcast_in_dim3A_5 : vector<16xf32> to vector<1x16xf32>
    tpu.vector_store %arg10[%swap3A_540, %swap3A_541], %swap3A_544 {strides = array<i32>} : memref<128x32xf32, #tpu.memory_space<vmem>>, vector<1x16xf32>,
    %swap3A_545 = arith.constant 45 : i32
    %swap3A_546 = arith.index_cast %swap3A_545 : i32 to index
    %swap3A_547 = arith.constant 0 : index
    %swap3A_548 = tpu.vector_load %arg10[%swap3A_546, %swap3A_547] {strides = array<i32>} : memref<128x32xf32, #tpu.memory_space<vmem>>, vector<1x16xf32>,
    %swap3A_549 = vector.shape_cast %swap3A_548 : vector<1x16xf32> to vector<16xf32>
    %swap3A_550 = vector.shape_cast %broadcast_in_dim3A_5 : vector<16xf32> to vector<1x16xf32>
    tpu.vector_store %arg10[%swap3A_546, %swap3A_547], %swap3A_550 {strides = array<i32>} : memref<128x32xf32, #tpu.memory_space<vmem>>, vector<1x16xf32>,
    %swap3A_551 = arith.constant 45 : i32
    %swap3A_552 = arith.index_cast %swap3A_551 : i32 to index
    %swap3A_553 = arith.constant 16 : index
    %swap3A_554 = tpu.vector_load %arg10[%swap3A_552, %swap3A_553] {strides = array<i32>} : memref<128x32xf32, #tpu.memory_space<vmem>>, vector<1x16xf32>,
    %swap3A_555 = vector.shape_cast %swap3A_554 : vector<1x16xf32> to vector<16xf32>
    %swap3A_556 = vector.shape_cast %broadcast_in_dim3A_5 : vector<16xf32> to vector<1x16xf32>
    tpu.vector_store %arg10[%swap3A_552, %swap3A_553], %swap3A_556 {strides = array<i32>} : memref<128x32xf32, #tpu.memory_space<vmem>>, vector<1x16xf32>,
    %swap3A_557 = arith.constant 46 : i32
    %swap3A_558 = arith.index_cast %swap3A_557 : i32 to index
    %swap3A_559 = arith.constant 0 : index
    %swap3A_560 = tpu.vector_load %arg10[%swap3A_558, %swap3A_559] {strides = array<i32>} : memref<128x32xf32, #tpu.memory_space<vmem>>, vector<1x16xf32>,
    %swap3A_561 = vector.shape_cast %swap3A_560 : vector<1x16xf32> to vector<16xf32>
    %swap3A_562 = vector.shape_cast %broadcast_in_dim3A_5 : vector<16xf32> to vector<1x16xf32>
    tpu.vector_store %arg10[%swap3A_558, %swap3A_559], %swap3A_562 {strides = array<i32>} : memref<128x32xf32, #tpu.memory_space<vmem>>, vector<1x16xf32>,
    %swap3A_563 = arith.constant 46 : i32
    %swap3A_564 = arith.index_cast %swap3A_563 : i32 to index
    %swap3A_565 = arith.constant 16 : index
    %swap3A_566 = tpu.vector_load %arg10[%swap3A_564, %swap3A_565] {strides = array<i32>} : memref<128x32xf32, #tpu.memory_space<vmem>>, vector<1x16xf32>,
    %swap3A_567 = vector.shape_cast %swap3A_566 : vector<1x16xf32> to vector<16xf32>
    %swap3A_568 = vector.shape_cast %broadcast_in_dim3A_5 : vector<16xf32> to vector<1x16xf32>
    tpu.vector_store %arg10[%swap3A_564, %swap3A_565], %swap3A_568 {strides = array<i32>} : memref<128x32xf32, #tpu.memory_space<vmem>>, vector<1x16xf32>,
    %swap3A_569 = arith.constant 47 : i32
    %swap3A_570 = arith.index_cast %swap3A_569 : i32 to index
    %swap3A_571 = arith.constant 0 : index
    %swap3A_572 = tpu.vector_load %arg10[%swap3A_570, %swap3A_571] {strides = array<i32>} : memref<128x32xf32, #tpu.memory_space<vmem>>, vector<1x16xf32>,
    %swap3A_573 = vector.shape_cast %swap3A_572 : vector<1x16xf32> to vector<16xf32>
    %swap3A_574 = vector.shape_cast %broadcast_in_dim3A_5 : vector<16xf32> to vector<1x16xf32>
    tpu.vector_store %arg10[%swap3A_570, %swap3A_571], %swap3A_574 {strides = array<i32>} : memref<128x32xf32, #tpu.memory_space<vmem>>, vector<1x16xf32>,
    %swap3A_575 = arith.constant 47 : i32
    %swap3A_576 = arith.index_cast %swap3A_575 : i32 to index
    %swap3A_577 = arith.constant 16 : index
    %swap3A_578 = tpu.vector_load %arg10[%swap3A_576, %swap3A_577] {strides = array<i32>} : memref<128x32xf32, #tpu.memory_space<vmem>>, vector<1x16xf32>,
    %swap3A_579 = vector.shape_cast %swap3A_578 : vector<1x16xf32> to vector<16xf32>
    %swap3A_580 = vector.shape_cast %broadcast_in_dim3A_5 : vector<16xf32> to vector<1x16xf32>
    tpu.vector_store %arg10[%swap3A_576, %swap3A_577], %swap3A_580 {strides = array<i32>} : memref<128x32xf32, #tpu.memory_space<vmem>>, vector<1x16xf32>,
    %swap3A_581 = arith.constant 48 : i32
    %swap3A_582 = arith.index_cast %swap3A_581 : i32 to index
    %swap3A_583 = arith.constant 0 : index
    %swap3A_584 = tpu.vector_load %arg10[%swap3A_582, %swap3A_583] {strides = array<i32>} : memref<128x32xf32, #tpu.memory_space<vmem>>, vector<1x16xf32>,
    %swap3A_585 = vector.shape_cast %swap3A_584 : vector<1x16xf32> to vector<16xf32>
    %swap3A_586 = vector.shape_cast %broadcast_in_dim3A_5 : vector<16xf32> to vector<1x16xf32>
    tpu.vector_store %arg10[%swap3A_582, %swap3A_583], %swap3A_586 {strides = array<i32>} : memref<128x32xf32, #tpu.memory_space<vmem>>, vector<1x16xf32>,
    %swap3A_587 = arith.constant 48 : i32
    %swap3A_588 = arith.index_cast %swap3A_587 : i32 to index
    %swap3A_589 = arith.constant 16 : index
    %swap3A_590 = tpu.vector_load %arg10[%swap3A_588, %swap3A_589] {strides = array<i32>} : memref<128x32xf32, #tpu.memory_space<vmem>>, vector<1x16xf32>,
    %swap3A_591 = vector.shape_cast %swap3A_590 : vector<1x16xf32> to vector<16xf32>
    %swap3A_592 = vector.shape_cast %broadcast_in_dim3A_5 : vector<16xf32> to vector<1x16xf32>
    tpu.vector_store %arg10[%swap3A_588, %swap3A_589], %swap3A_592 {strides = array<i32>} : memref<128x32xf32, #tpu.memory_space<vmem>>, vector<1x16xf32>,
    %swap3A_593 = arith.constant 49 : i32
    %swap3A_594 = arith.index_cast %swap3A_593 : i32 to index
    %swap3A_595 = arith.constant 0 : index
    %swap3A_596 = tpu.vector_load %arg10[%swap3A_594, %swap3A_595] {strides = array<i32>} : memref<128x32xf32, #tpu.memory_space<vmem>>, vector<1x16xf32>,
    %swap3A_597 = vector.shape_cast %swap3A_596 : vector<1x16xf32> to vector<16xf32>
    %swap3A_598 = vector.shape_cast %broadcast_in_dim3A_5 : vector<16xf32> to vector<1x16xf32>
    tpu.vector_store %arg10[%swap3A_594, %swap3A_595], %swap3A_598 {strides = array<i32>} : memref<128x32xf32, #tpu.memory_space<vmem>>, vector<1x16xf32>,
    %swap3A_599 = arith.constant 49 : i32
    %swap3A_600 = arith.index_cast %swap3A_599 : i32 to index
    %swap3A_601 = arith.constant 16 : index
    %swap3A_602 = tpu.vector_load %arg10[%swap3A_600, %swap3A_601] {strides = array<i32>} : memref<128x32xf32, #tpu.memory_space<vmem>>, vector<1x16xf32>,
    %swap3A_603 = vector.shape_cast %swap3A_602 : vector<1x16xf32> to vector<16xf32>
    %swap3A_604 = vector.shape_cast %broadcast_in_dim3A_5 : vector<16xf32> to vector<1x16xf32>
    tpu.vector_store %arg10[%swap3A_600, %swap3A_601], %swap3A_604 {strides = array<i32>} : memref<128x32xf32, #tpu.memory_space<vmem>>, vector<1x16xf32>,
    %swap3A_605 = arith.constant 50 : i32
    %swap3A_606 = arith.index_cast %swap3A_605 : i32 to index
    %swap3A_607 = arith.constant 0 : index
    %swap3A_608 = tpu.vector_load %arg10[%swap3A_606, %swap3A_607] {strides = array<i32>} : memref<128x32xf32, #tpu.memory_space<vmem>>, vector<1x16xf32>,
    %swap3A_609 = vector.shape_cast %swap3A_608 : vector<1x16xf32> to vector<16xf32>
    %swap3A_610 = vector.shape_cast %broadcast_in_dim3A_5 : vector<16xf32> to vector<1x16xf32>
    tpu.vector_store %arg10[%swap3A_606, %swap3A_607], %swap3A_610 {strides = array<i32>} : memref<128x32xf32, #tpu.memory_space<vmem>>, vector<1x16xf32>,
    %swap3A_611 = arith.constant 50 : i32
    %swap3A_612 = arith.index_cast %swap3A_611 : i32 to index
    %swap3A_613 = arith.constant 16 : index
    %swap3A_614 = tpu.vector_load %arg10[%swap3A_612, %swap3A_613] {strides = array<i32>} : memref<128x32xf32, #tpu.memory_space<vmem>>, vector<1x16xf32>,
    %swap3A_615 = vector.shape_cast %swap3A_614 : vector<1x16xf32> to vector<16xf32>
    %swap3A_616 = vector.shape_cast %broadcast_in_dim3A_5 : vector<16xf32> to vector<1x16xf32>
    tpu.vector_store %arg10[%swap3A_612, %swap3A_613], %swap3A_616 {strides = array<i32>} : memref<128x32xf32, #tpu.memory_space<vmem>>, vector<1x16xf32>,
    %swap3A_617 = arith.constant 51 : i32
    %swap3A_618 = arith.index_cast %swap3A_617 : i32 to index
    %swap3A_619 = arith.constant 0 : index
    %swap3A_620 = tpu.vector_load %arg10[%swap3A_618, %swap3A_619] {strides = array<i32>} : memref<128x32xf32, #tpu.memory_space<vmem>>, vector<1x16xf32>,
    %swap3A_621 = vector.shape_cast %swap3A_620 : vector<1x16xf32> to vector<16xf32>
    %swap3A_622 = vector.shape_cast %broadcast_in_dim3A_5 : vector<16xf32> to vector<1x16xf32>
    tpu.vector_store %arg10[%swap3A_618, %swap3A_619], %swap3A_622 {strides = array<i32>} : memref<128x32xf32, #tpu.memory_space<vmem>>, vector<1x16xf32>,
    %swap3A_623 = arith.constant 51 : i32
    %swap3A_624 = arith.index_cast %swap3A_623 : i32 to index
    %swap3A_625 = arith.constant 16 : index
    %swap3A_626 = tpu.vector_load %arg10[%swap3A_624, %swap3A_625] {strides = array<i32>} : memref<128x32xf32, #tpu.memory_space<vmem>>, vector<1x16xf32>,
    %swap3A_627 = vector.shape_cast %swap3A_626 : vector<1x16xf32> to vector<16xf32>
    %swap3A_628 = vector.shape_cast %broadcast_in_dim3A_5 : vector<16xf32> to vector<1x16xf32>
    tpu.vector_store %arg10[%swap3A_624, %swap3A_625], %swap3A_628 {strides = array<i32>} : memref<128x32xf32, #tpu.memory_space<vmem>>, vector<1x16xf32>,
    %swap3A_629 = arith.constant 52 : i32
    %swap3A_630 = arith.index_cast %swap3A_629 : i32 to index
    %swap3A_631 = arith.constant 0 : index
    %swap3A_632 = tpu.vector_load %arg10[%swap3A_630, %swap3A_631] {strides = array<i32>} : memref<128x32xf32, #tpu.memory_space<vmem>>, vector<1x16xf32>,
    %swap3A_633 = vector.shape_cast %swap3A_632 : vector<1x16xf32> to vector<16xf32>
    %swap3A_634 = vector.shape_cast %broadcast_in_dim3A_5 : vector<16xf32> to vector<1x16xf32>
    tpu.vector_store %arg10[%swap3A_630, %swap3A_631], %swap3A_634 {strides = array<i32>} : memref<128x32xf32, #tpu.memory_space<vmem>>, vector<1x16xf32>,
    %swap3A_635 = arith.constant 52 : i32
    %swap3A_636 = arith.index_cast %swap3A_635 : i32 to index
    %swap3A_637 = arith.constant 16 : index
    %swap3A_638 = tpu.vector_load %arg10[%swap3A_636, %swap3A_637] {strides = array<i32>} : memref<128x32xf32, #tpu.memory_space<vmem>>, vector<1x16xf32>,
    %swap3A_639 = vector.shape_cast %swap3A_638 : vector<1x16xf32> to vector<16xf32>
    %swap3A_640 = vector.shape_cast %broadcast_in_dim3A_5 : vector<16xf32> to vector<1x16xf32>
    tpu.vector_store %arg10[%swap3A_636, %swap3A_637], %swap3A_640 {strides = array<i32>} : memref<128x32xf32, #tpu.memory_space<vmem>>, vector<1x16xf32>,
    %swap3A_641 = arith.constant 53 : i32
    %swap3A_642 = arith.index_cast %swap3A_641 : i32 to index
    %swap3A_643 = arith.constant 0 : index
    %swap3A_644 = tpu.vector_load %arg10[%swap3A_642, %swap3A_643] {strides = array<i32>} : memref<128x32xf32, #tpu.memory_space<vmem>>, vector<1x16xf32>,
    %swap3A_645 = vector.shape_cast %swap3A_644 : vector<1x16xf32> to vector<16xf32>
    %swap3A_646 = vector.shape_cast %broadcast_in_dim3A_5 : vector<16xf32> to vector<1x16xf32>
    tpu.vector_store %arg10[%swap3A_642, %swap3A_643], %swap3A_646 {strides = array<i32>} : memref<128x32xf32, #tpu.memory_space<vmem>>, vector<1x16xf32>,
    %swap3A_647 = arith.constant 53 : i32
    %swap3A_648 = arith.index_cast %swap3A_647 : i32 to index
    %swap3A_649 = arith.constant 16 : index
    %swap3A_650 = tpu.vector_load %arg10[%swap3A_648, %swap3A_649] {strides = array<i32>} : memref<128x32xf32, #tpu.memory_space<vmem>>, vector<1x16xf32>,
    %swap3A_651 = vector.shape_cast %swap3A_650 : vector<1x16xf32> to vector<16xf32>
    %swap3A_652 = vector.shape_cast %broadcast_in_dim3A_5 : vector<16xf32> to vector<1x16xf32>
    tpu.vector_store %arg10[%swap3A_648, %swap3A_649], %swap3A_652 {strides = array<i32>} : memref<128x32xf32, #tpu.memory_space<vmem>>, vector<1x16xf32>,
    %swap3A_653 = arith.constant 54 : i32
    %swap3A_654 = arith.index_cast %swap3A_653 : i32 to index
    %swap3A_655 = arith.constant 0 : index
    %swap3A_656 = tpu.vector_load %arg10[%swap3A_654, %swap3A_655] {strides = array<i32>} : memref<128x32xf32, #tpu.memory_space<vmem>>, vector<1x16xf32>,
    %swap3A_657 = vector.shape_cast %swap3A_656 : vector<1x16xf32> to vector<16xf32>
    %swap3A_658 = vector.shape_cast %broadcast_in_dim3A_5 : vector<16xf32> to vector<1x16xf32>
    tpu.vector_store %arg10[%swap3A_654, %swap3A_655], %swap3A_658 {strides = array<i32>} : memref<128x32xf32, #tpu.memory_space<vmem>>, vector<1x16xf32>,
    %swap3A_659 = arith.constant 54 : i32
    %swap3A_660 = arith.index_cast %swap3A_659 : i32 to index
    %swap3A_661 = arith.constant 16 : index
    %swap3A_662 = tpu.vector_load %arg10[%swap3A_660, %swap3A_661] {strides = array<i32>} : memref<128x32xf32, #tpu.memory_space<vmem>>, vector<1x16xf32>,
    %swap3A_663 = vector.shape_cast %swap3A_662 : vector<1x16xf32> to vector<16xf32>
    %swap3A_664 = vector.shape_cast %broadcast_in_dim3A_5 : vector<16xf32> to vector<1x16xf32>
    tpu.vector_store %arg10[%swap3A_660, %swap3A_661], %swap3A_664 {strides = array<i32>} : memref<128x32xf32, #tpu.memory_space<vmem>>, vector<1x16xf32>,
    %swap3A_665 = arith.constant 55 : i32
    %swap3A_666 = arith.index_cast %swap3A_665 : i32 to index
    %swap3A_667 = arith.constant 0 : index
    %swap3A_668 = tpu.vector_load %arg10[%swap3A_666, %swap3A_667] {strides = array<i32>} : memref<128x32xf32, #tpu.memory_space<vmem>>, vector<1x16xf32>,
    %swap3A_669 = vector.shape_cast %swap3A_668 : vector<1x16xf32> to vector<16xf32>
    %swap3A_670 = vector.shape_cast %broadcast_in_dim3A_5 : vector<16xf32> to vector<1x16xf32>
    tpu.vector_store %arg10[%swap3A_666, %swap3A_667], %swap3A_670 {strides = array<i32>} : memref<128x32xf32, #tpu.memory_space<vmem>>, vector<1x16xf32>,
    %swap3A_671 = arith.constant 55 : i32
    %swap3A_672 = arith.index_cast %swap3A_671 : i32 to index
    %swap3A_673 = arith.constant 16 : index
    %swap3A_674 = tpu.vector_load %arg10[%swap3A_672, %swap3A_673] {strides = array<i32>} : memref<128x32xf32, #tpu.memory_space<vmem>>, vector<1x16xf32>,
    %swap3A_675 = vector.shape_cast %swap3A_674 : vector<1x16xf32> to vector<16xf32>
    %swap3A_676 = vector.shape_cast %broadcast_in_dim3A_5 : vector<16xf32> to vector<1x16xf32>
    tpu.vector_store %arg10[%swap3A_672, %swap3A_673], %swap3A_676 {strides = array<i32>} : memref<128x32xf32, #tpu.memory_space<vmem>>, vector<1x16xf32>,
    %swap3A_677 = arith.constant 56 : i32
    %swap3A_678 = arith.index_cast %swap3A_677 : i32 to index
    %swap3A_679 = arith.constant 0 : index
    %swap3A_680 = tpu.vector_load %arg10[%swap3A_678, %swap3A_679] {strides = array<i32>} : memref<128x32xf32, #tpu.memory_space<vmem>>, vector<1x16xf32>,
    %swap3A_681 = vector.shape_cast %swap3A_680 : vector<1x16xf32> to vector<16xf32>
    %swap3A_682 = vector.shape_cast %broadcast_in_dim3A_5 : vector<16xf32> to vector<1x16xf32>
    tpu.vector_store %arg10[%swap3A_678, %swap3A_679], %swap3A_682 {strides = array<i32>} : memref<128x32xf32, #tpu.memory_space<vmem>>, vector<1x16xf32>,
    %swap3A_683 = arith.constant 56 : i32
    %swap3A_684 = arith.index_cast %swap3A_683 : i32 to index
    %swap3A_685 = arith.constant 16 : index
    %swap3A_686 = tpu.vector_load %arg10[%swap3A_684, %swap3A_685] {strides = array<i32>} : memref<128x32xf32, #tpu.memory_space<vmem>>, vector<1x16xf32>,
    %swap3A_687 = vector.shape_cast %swap3A_686 : vector<1x16xf32> to vector<16xf32>
    %swap3A_688 = vector.shape_cast %broadcast_in_dim3A_5 : vector<16xf32> to vector<1x16xf32>
    tpu.vector_store %arg10[%swap3A_684, %swap3A_685], %swap3A_688 {strides = array<i32>} : memref<128x32xf32, #tpu.memory_space<vmem>>, vector<1x16xf32>,
    %swap3A_689 = arith.constant 57 : i32
    %swap3A_690 = arith.index_cast %swap3A_689 : i32 to index
    %swap3A_691 = arith.constant 0 : index
    %swap3A_692 = tpu.vector_load %arg10[%swap3A_690, %swap3A_691] {strides = array<i32>} : memref<128x32xf32, #tpu.memory_space<vmem>>, vector<1x16xf32>,
    %swap3A_693 = vector.shape_cast %swap3A_692 : vector<1x16xf32> to vector<16xf32>
    %swap3A_694 = vector.shape_cast %broadcast_in_dim3A_5 : vector<16xf32> to vector<1x16xf32>
    tpu.vector_store %arg10[%swap3A_690, %swap3A_691], %swap3A_694 {strides = array<i32>} : memref<128x32xf32, #tpu.memory_space<vmem>>, vector<1x16xf32>,
    %swap3A_695 = arith.constant 57 : i32
    %swap3A_696 = arith.index_cast %swap3A_695 : i32 to index
    %swap3A_697 = arith.constant 16 : index
    %swap3A_698 = tpu.vector_load %arg10[%swap3A_696, %swap3A_697] {strides = array<i32>} : memref<128x32xf32, #tpu.memory_space<vmem>>, vector<1x16xf32>,
    %swap3A_699 = vector.shape_cast %swap3A_698 : vector<1x16xf32> to vector<16xf32>
    %swap3A_700 = vector.shape_cast %broadcast_in_dim3A_5 : vector<16xf32> to vector<1x16xf32>
    tpu.vector_store %arg10[%swap3A_696, %swap3A_697], %swap3A_700 {strides = array<i32>} : memref<128x32xf32, #tpu.memory_space<vmem>>, vector<1x16xf32>,
    %swap3A_701 = arith.constant 58 : i32
    %swap3A_702 = arith.index_cast %swap3A_701 : i32 to index
    %swap3A_703 = arith.constant 0 : index
    %swap3A_704 = tpu.vector_load %arg10[%swap3A_702, %swap3A_703] {strides = array<i32>} : memref<128x32xf32, #tpu.memory_space<vmem>>, vector<1x16xf32>,
    %swap3A_705 = vector.shape_cast %swap3A_704 : vector<1x16xf32> to vector<16xf32>
    %swap3A_706 = vector.shape_cast %broadcast_in_dim3A_5 : vector<16xf32> to vector<1x16xf32>
    tpu.vector_store %arg10[%swap3A_702, %swap3A_703], %swap3A_706 {strides = array<i32>} : memref<128x32xf32, #tpu.memory_space<vmem>>, vector<1x16xf32>,
    %swap3A_707 = arith.constant 58 : i32
    %swap3A_708 = arith.index_cast %swap3A_707 : i32 to index
    %swap3A_709 = arith.constant 16 : index
    %swap3A_710 = tpu.vector_load %arg10[%swap3A_708, %swap3A_709] {strides = array<i32>} : memref<128x32xf32, #tpu.memory_space<vmem>>, vector<1x16xf32>,
    %swap3A_711 = vector.shape_cast %swap3A_710 : vector<1x16xf32> to vector<16xf32>
    %swap3A_712 = vector.shape_cast %broadcast_in_dim3A_5 : vector<16xf32> to vector<1x16xf32>
    tpu.vector_store %arg10[%swap3A_708, %swap3A_709], %swap3A_712 {strides = array<i32>} : memref<128x32xf32, #tpu.memory_space<vmem>>, vector<1x16xf32>,
    %swap3A_713 = arith.constant 59 : i32
    %swap3A_714 = arith.index_cast %swap3A_713 : i32 to index
    %swap3A_715 = arith.constant 0 : index
    %swap3A_716 = tpu.vector_load %arg10[%swap3A_714, %swap3A_715] {strides = array<i32>} : memref<128x32xf32, #tpu.memory_space<vmem>>, vector<1x16xf32>,
    %swap3A_717 = vector.shape_cast %swap3A_716 : vector<1x16xf32> to vector<16xf32>
    %swap3A_718 = vector.shape_cast %broadcast_in_dim3A_5 : vector<16xf32> to vector<1x16xf32>
    tpu.vector_store %arg10[%swap3A_714, %swap3A_715], %swap3A_718 {strides = array<i32>} : memref<128x32xf32, #tpu.memory_space<vmem>>, vector<1x16xf32>,
    %swap3A_719 = arith.constant 59 : i32
    %swap3A_720 = arith.index_cast %swap3A_719 : i32 to index
    %swap3A_721 = arith.constant 16 : index
    %swap3A_722 = tpu.vector_load %arg10[%swap3A_720, %swap3A_721] {strides = array<i32>} : memref<128x32xf32, #tpu.memory_space<vmem>>, vector<1x16xf32>,
    %swap3A_723 = vector.shape_cast %swap3A_722 : vector<1x16xf32> to vector<16xf32>
    %swap3A_724 = vector.shape_cast %broadcast_in_dim3A_5 : vector<16xf32> to vector<1x16xf32>
    tpu.vector_store %arg10[%swap3A_720, %swap3A_721], %swap3A_724 {strides = array<i32>} : memref<128x32xf32, #tpu.memory_space<vmem>>, vector<1x16xf32>,
    %swap3A_725 = arith.constant 60 : i32
    %swap3A_726 = arith.index_cast %swap3A_725 : i32 to index
    %swap3A_727 = arith.constant 0 : index
    %swap3A_728 = tpu.vector_load %arg10[%swap3A_726, %swap3A_727] {strides = array<i32>} : memref<128x32xf32, #tpu.memory_space<vmem>>, vector<1x16xf32>,
    %swap3A_729 = vector.shape_cast %swap3A_728 : vector<1x16xf32> to vector<16xf32>
    %swap3A_730 = vector.shape_cast %broadcast_in_dim3A_5 : vector<16xf32> to vector<1x16xf32>
    tpu.vector_store %arg10[%swap3A_726, %swap3A_727], %swap3A_730 {strides = array<i32>} : memref<128x32xf32, #tpu.memory_space<vmem>>, vector<1x16xf32>,
    %swap3A_731 = arith.constant 60 : i32
    %swap3A_732 = arith.index_cast %swap3A_731 : i32 to index
    %swap3A_733 = arith.constant 16 : index
    %swap3A_734 = tpu.vector_load %arg10[%swap3A_732, %swap3A_733] {strides = array<i32>} : memref<128x32xf32, #tpu.memory_space<vmem>>, vector<1x16xf32>,
    %swap3A_735 = vector.shape_cast %swap3A_734 : vector<1x16xf32> to vector<16xf32>
    %swap3A_736 = vector.shape_cast %broadcast_in_dim3A_5 : vector<16xf32> to vector<1x16xf32>
    tpu.vector_store %arg10[%swap3A_732, %swap3A_733], %swap3A_736 {strides = array<i32>} : memref<128x32xf32, #tpu.memory_space<vmem>>, vector<1x16xf32>,
    %swap3A_737 = arith.constant 61 : i32
    %swap3A_738 = arith.index_cast %swap3A_737 : i32 to index
    %swap3A_739 = arith.constant 0 : index
    %swap3A_740 = tpu.vector_load %arg10[%swap3A_738, %swap3A_739] {strides = array<i32>} : memref<128x32xf32, #tpu.memory_space<vmem>>, vector<1x16xf32>,
    %swap3A_741 = vector.shape_cast %swap3A_740 : vector<1x16xf32> to vector<16xf32>
    %swap3A_742 = vector.shape_cast %broadcast_in_dim3A_5 : vector<16xf32> to vector<1x16xf32>
    tpu.vector_store %arg10[%swap3A_738, %swap3A_739], %swap3A_742 {strides = array<i32>} : memref<128x32xf32, #tpu.memory_space<vmem>>, vector<1x16xf32>,
    %swap3A_743 = arith.constant 61 : i32
    %swap3A_744 = arith.index_cast %swap3A_743 : i32 to index
    %swap3A_745 = arith.constant 16 : index
    %swap3A_746 = tpu.vector_load %arg10[%swap3A_744, %swap3A_745] {strides = array<i32>} : memref<128x32xf32, #tpu.memory_space<vmem>>, vector<1x16xf32>,
    %swap3A_747 = vector.shape_cast %swap3A_746 : vector<1x16xf32> to vector<16xf32>
    %swap3A_748 = vector.shape_cast %broadcast_in_dim3A_5 : vector<16xf32> to vector<1x16xf32>
    tpu.vector_store %arg10[%swap3A_744, %swap3A_745], %swap3A_748 {strides = array<i32>} : memref<128x32xf32, #tpu.memory_space<vmem>>, vector<1x16xf32>,
    %swap3A_749 = arith.constant 62 : i32
    %swap3A_750 = arith.index_cast %swap3A_749 : i32 to index
    %swap3A_751 = arith.constant 0 : index
    %swap3A_752 = tpu.vector_load %arg10[%swap3A_750, %swap3A_751] {strides = array<i32>} : memref<128x32xf32, #tpu.memory_space<vmem>>, vector<1x16xf32>,
    %swap3A_753 = vector.shape_cast %swap3A_752 : vector<1x16xf32> to vector<16xf32>
    %swap3A_754 = vector.shape_cast %broadcast_in_dim3A_5 : vector<16xf32> to vector<1x16xf32>
    tpu.vector_store %arg10[%swap3A_750, %swap3A_751], %swap3A_754 {strides = array<i32>} : memref<128x32xf32, #tpu.memory_space<vmem>>, vector<1x16xf32>,
    %swap3A_755 = arith.constant 62 : i32
    %swap3A_756 = arith.index_cast %swap3A_755 : i32 to index
    %swap3A_757 = arith.constant 16 : index
    %swap3A_758 = tpu.vector_load %arg10[%swap3A_756, %swap3A_757] {strides = array<i32>} : memref<128x32xf32, #tpu.memory_space<vmem>>, vector<1x16xf32>,
    %swap3A_759 = vector.shape_cast %swap3A_758 : vector<1x16xf32> to vector<16xf32>
    %swap3A_760 = vector.shape_cast %broadcast_in_dim3A_5 : vector<16xf32> to vector<1x16xf32>
    tpu.vector_store %arg10[%swap3A_756, %swap3A_757], %swap3A_760 {strides = array<i32>} : memref<128x32xf32, #tpu.memory_space<vmem>>, vector<1x16xf32>,
    %swap3A_761 = arith.constant 63 : i32
    %swap3A_762 = arith.index_cast %swap3A_761 : i32 to index
    %swap3A_763 = arith.constant 0 : index
    %swap3A_764 = tpu.vector_load %arg10[%swap3A_762, %swap3A_763] {strides = array<i32>} : memref<128x32xf32, #tpu.memory_space<vmem>>, vector<1x16xf32>,
    %swap3A_765 = vector.shape_cast %swap3A_764 : vector<1x16xf32> to vector<16xf32>
    %swap3A_766 = vector.shape_cast %broadcast_in_dim3A_5 : vector<16xf32> to vector<1x16xf32>
    tpu.vector_store %arg10[%swap3A_762, %swap3A_763], %swap3A_766 {strides = array<i32>} : memref<128x32xf32, #tpu.memory_space<vmem>>, vector<1x16xf32>,
    %swap3A_767 = arith.constant 63 : i32
    %swap3A_768 = arith.index_cast %swap3A_767 : i32 to index
    %swap3A_769 = arith.constant 16 : index
    %swap3A_770 = tpu.vector_load %arg10[%swap3A_768, %swap3A_769] {strides = array<i32>} : memref<128x32xf32, #tpu.memory_space<vmem>>, vector<1x16xf32>,
    %swap3A_771 = vector.shape_cast %swap3A_770 : vector<1x16xf32> to vector<16xf32>
    %swap3A_772 = vector.shape_cast %broadcast_in_dim3A_5 : vector<16xf32> to vector<1x16xf32>
    tpu.vector_store %arg10[%swap3A_768, %swap3A_769], %swap3A_772 {strides = array<i32>} : memref<128x32xf32, #tpu.memory_space<vmem>>, vector<1x16xf32>,
    %swap3A_773 = arith.constant 64 : i32
    %swap3A_774 = arith.index_cast %swap3A_773 : i32 to index
    %swap3A_775 = arith.constant 0 : index
    %swap3A_776 = tpu.vector_load %arg10[%swap3A_774, %swap3A_775] {strides = array<i32>} : memref<128x32xf32, #tpu.memory_space<vmem>>, vector<1x16xf32>,
    %swap3A_777 = vector.shape_cast %swap3A_776 : vector<1x16xf32> to vector<16xf32>
    %swap3A_778 = vector.shape_cast %broadcast_in_dim3A_5 : vector<16xf32> to vector<1x16xf32>
    tpu.vector_store %arg10[%swap3A_774, %swap3A_775], %swap3A_778 {strides = array<i32>} : memref<128x32xf32, #tpu.memory_space<vmem>>, vector<1x16xf32>,
    %swap3A_779 = arith.constant 64 : i32
    %swap3A_780 = arith.index_cast %swap3A_779 : i32 to index
    %swap3A_781 = arith.constant 16 : index
    %swap3A_782 = tpu.vector_load %arg10[%swap3A_780, %swap3A_781] {strides = array<i32>} : memref<128x32xf32, #tpu.memory_space<vmem>>, vector<1x16xf32>,
    %swap3A_783 = vector.shape_cast %swap3A_782 : vector<1x16xf32> to vector<16xf32>
    %swap3A_784 = vector.shape_cast %broadcast_in_dim3A_5 : vector<16xf32> to vector<1x16xf32>
    tpu.vector_store %arg10[%swap3A_780, %swap3A_781], %swap3A_784 {strides = array<i32>} : memref<128x32xf32, #tpu.memory_space<vmem>>, vector<1x16xf32>,
    %swap3A_785 = arith.constant 65 : i32
    %swap3A_786 = arith.index_cast %swap3A_785 : i32 to index
    %swap3A_787 = arith.constant 0 : index
    %swap3A_788 = tpu.vector_load %arg10[%swap3A_786, %swap3A_787] {strides = array<i32>} : memref<128x32xf32, #tpu.memory_space<vmem>>, vector<1x16xf32>,
    %swap3A_789 = vector.shape_cast %swap3A_788 : vector<1x16xf32> to vector<16xf32>
    %swap3A_790 = vector.shape_cast %broadcast_in_dim3A_5 : vector<16xf32> to vector<1x16xf32>
    tpu.vector_store %arg10[%swap3A_786, %swap3A_787], %swap3A_790 {strides = array<i32>} : memref<128x32xf32, #tpu.memory_space<vmem>>, vector<1x16xf32>,
    %swap3A_791 = arith.constant 65 : i32
    %swap3A_792 = arith.index_cast %swap3A_791 : i32 to index
    %swap3A_793 = arith.constant 16 : index
    %swap3A_794 = tpu.vector_load %arg10[%swap3A_792, %swap3A_793] {strides = array<i32>} : memref<128x32xf32, #tpu.memory_space<vmem>>, vector<1x16xf32>,
    %swap3A_795 = vector.shape_cast %swap3A_794 : vector<1x16xf32> to vector<16xf32>
    %swap3A_796 = vector.shape_cast %broadcast_in_dim3A_5 : vector<16xf32> to vector<1x16xf32>
    tpu.vector_store %arg10[%swap3A_792, %swap3A_793], %swap3A_796 {strides = array<i32>} : memref<128x32xf32, #tpu.memory_space<vmem>>, vector<1x16xf32>,
    %swap3A_797 = arith.constant 66 : i32
    %swap3A_798 = arith.index_cast %swap3A_797 : i32 to index
    %swap3A_799 = arith.constant 0 : index
    %swap3A_800 = tpu.vector_load %arg10[%swap3A_798, %swap3A_799] {strides = array<i32>} : memref<128x32xf32, #tpu.memory_space<vmem>>, vector<1x16xf32>,
    %swap3A_801 = vector.shape_cast %swap3A_800 : vector<1x16xf32> to vector<16xf32>
    %swap3A_802 = vector.shape_cast %broadcast_in_dim3A_5 : vector<16xf32> to vector<1x16xf32>
    tpu.vector_store %arg10[%swap3A_798, %swap3A_799], %swap3A_802 {strides = array<i32>} : memref<128x32xf32, #tpu.memory_space<vmem>>, vector<1x16xf32>,
    %swap3A_803 = arith.constant 66 : i32
    %swap3A_804 = arith.index_cast %swap3A_803 : i32 to index
    %swap3A_805 = arith.constant 16 : index
    %swap3A_806 = tpu.vector_load %arg10[%swap3A_804, %swap3A_805] {strides = array<i32>} : memref<128x32xf32, #tpu.memory_space<vmem>>, vector<1x16xf32>,
    %swap3A_807 = vector.shape_cast %swap3A_806 : vector<1x16xf32> to vector<16xf32>
    %swap3A_808 = vector.shape_cast %broadcast_in_dim3A_5 : vector<16xf32> to vector<1x16xf32>
    tpu.vector_store %arg10[%swap3A_804, %swap3A_805], %swap3A_808 {strides = array<i32>} : memref<128x32xf32, #tpu.memory_space<vmem>>, vector<1x16xf32>,
    %swap3A_809 = arith.constant 67 : i32
    %swap3A_810 = arith.index_cast %swap3A_809 : i32 to index
    %swap3A_811 = arith.constant 0 : index
    %swap3A_812 = tpu.vector_load %arg10[%swap3A_810, %swap3A_811] {strides = array<i32>} : memref<128x32xf32, #tpu.memory_space<vmem>>, vector<1x16xf32>,
    %swap3A_813 = vector.shape_cast %swap3A_812 : vector<1x16xf32> to vector<16xf32>
    %swap3A_814 = vector.shape_cast %broadcast_in_dim3A_5 : vector<16xf32> to vector<1x16xf32>
    tpu.vector_store %arg10[%swap3A_810, %swap3A_811], %swap3A_814 {strides = array<i32>} : memref<128x32xf32, #tpu.memory_space<vmem>>, vector<1x16xf32>,
    %swap3A_815 = arith.constant 67 : i32
    %swap3A_816 = arith.index_cast %swap3A_815 : i32 to index
    %swap3A_817 = arith.constant 16 : index
    %swap3A_818 = tpu.vector_load %arg10[%swap3A_816, %swap3A_817] {strides = array<i32>} : memref<128x32xf32, #tpu.memory_space<vmem>>, vector<1x16xf32>,
    %swap3A_819 = vector.shape_cast %swap3A_818 : vector<1x16xf32> to vector<16xf32>
    %swap3A_820 = vector.shape_cast %broadcast_in_dim3A_5 : vector<16xf32> to vector<1x16xf32>
    tpu.vector_store %arg10[%swap3A_816, %swap3A_817], %swap3A_820 {strides = array<i32>} : memref<128x32xf32, #tpu.memory_space<vmem>>, vector<1x16xf32>,
    %swap3A_821 = arith.constant 68 : i32
    %swap3A_822 = arith.index_cast %swap3A_821 : i32 to index
    %swap3A_823 = arith.constant 0 : index
    %swap3A_824 = tpu.vector_load %arg10[%swap3A_822, %swap3A_823] {strides = array<i32>} : memref<128x32xf32, #tpu.memory_space<vmem>>, vector<1x16xf32>,
    %swap3A_825 = vector.shape_cast %swap3A_824 : vector<1x16xf32> to vector<16xf32>
    %swap3A_826 = vector.shape_cast %broadcast_in_dim3A_5 : vector<16xf32> to vector<1x16xf32>
    tpu.vector_store %arg10[%swap3A_822, %swap3A_823], %swap3A_826 {strides = array<i32>} : memref<128x32xf32, #tpu.memory_space<vmem>>, vector<1x16xf32>,
    %swap3A_827 = arith.constant 68 : i32
    %swap3A_828 = arith.index_cast %swap3A_827 : i32 to index
    %swap3A_829 = arith.constant 16 : index
    %swap3A_830 = tpu.vector_load %arg10[%swap3A_828, %swap3A_829] {strides = array<i32>} : memref<128x32xf32, #tpu.memory_space<vmem>>, vector<1x16xf32>,
    %swap3A_831 = vector.shape_cast %swap3A_830 : vector<1x16xf32> to vector<16xf32>
    %swap3A_832 = vector.shape_cast %broadcast_in_dim3A_5 : vector<16xf32> to vector<1x16xf32>
    tpu.vector_store %arg10[%swap3A_828, %swap3A_829], %swap3A_832 {strides = array<i32>} : memref<128x32xf32, #tpu.memory_space<vmem>>, vector<1x16xf32>,
    %swap3A_833 = arith.constant 69 : i32
    %swap3A_834 = arith.index_cast %swap3A_833 : i32 to index
    %swap3A_835 = arith.constant 0 : index
    %swap3A_836 = tpu.vector_load %arg10[%swap3A_834, %swap3A_835] {strides = array<i32>} : memref<128x32xf32, #tpu.memory_space<vmem>>, vector<1x16xf32>,
    %swap3A_837 = vector.shape_cast %swap3A_836 : vector<1x16xf32> to vector<16xf32>
    %swap3A_838 = vector.shape_cast %broadcast_in_dim3A_5 : vector<16xf32> to vector<1x16xf32>
    tpu.vector_store %arg10[%swap3A_834, %swap3A_835], %swap3A_838 {strides = array<i32>} : memref<128x32xf32, #tpu.memory_space<vmem>>, vector<1x16xf32>,
    %swap3A_839 = arith.constant 69 : i32
    %swap3A_840 = arith.index_cast %swap3A_839 : i32 to index
    %swap3A_841 = arith.constant 16 : index
    %swap3A_842 = tpu.vector_load %arg10[%swap3A_840, %swap3A_841] {strides = array<i32>} : memref<128x32xf32, #tpu.memory_space<vmem>>, vector<1x16xf32>,
    %swap3A_843 = vector.shape_cast %swap3A_842 : vector<1x16xf32> to vector<16xf32>
    %swap3A_844 = vector.shape_cast %broadcast_in_dim3A_5 : vector<16xf32> to vector<1x16xf32>
    tpu.vector_store %arg10[%swap3A_840, %swap3A_841], %swap3A_844 {strides = array<i32>} : memref<128x32xf32, #tpu.memory_space<vmem>>, vector<1x16xf32>,
    %swap3A_845 = arith.constant 70 : i32
    %swap3A_846 = arith.index_cast %swap3A_845 : i32 to index
    %swap3A_847 = arith.constant 0 : index
    %swap3A_848 = tpu.vector_load %arg10[%swap3A_846, %swap3A_847] {strides = array<i32>} : memref<128x32xf32, #tpu.memory_space<vmem>>, vector<1x16xf32>,
    %swap3A_849 = vector.shape_cast %swap3A_848 : vector<1x16xf32> to vector<16xf32>
    %swap3A_850 = vector.shape_cast %broadcast_in_dim3A_5 : vector<16xf32> to vector<1x16xf32>
    tpu.vector_store %arg10[%swap3A_846, %swap3A_847], %swap3A_850 {strides = array<i32>} : memref<128x32xf32, #tpu.memory_space<vmem>>, vector<1x16xf32>,
    %swap3A_851 = arith.constant 70 : i32
    %swap3A_852 = arith.index_cast %swap3A_851 : i32 to index
    %swap3A_853 = arith.constant 16 : index
    %swap3A_854 = tpu.vector_load %arg10[%swap3A_852, %swap3A_853] {strides = array<i32>} : memref<128x32xf32, #tpu.memory_space<vmem>>, vector<1x16xf32>,
    %swap3A_855 = vector.shape_cast %swap3A_854 : vector<1x16xf32> to vector<16xf32>
    %swap3A_856 = vector.shape_cast %broadcast_in_dim3A_5 : vector<16xf32> to vector<1x16xf32>
    tpu.vector_store %arg10[%swap3A_852, %swap3A_853], %swap3A_856 {strides = array<i32>} : memref<128x32xf32, #tpu.memory_space<vmem>>, vector<1x16xf32>,
    %swap3A_857 = arith.constant 71 : i32
    %swap3A_858 = arith.index_cast %swap3A_857 : i32 to index
    %swap3A_859 = arith.constant 0 : index
    %swap3A_860 = tpu.vector_load %arg10[%swap3A_858, %swap3A_859] {strides = array<i32>} : memref<128x32xf32, #tpu.memory_space<vmem>>, vector<1x16xf32>,
    %swap3A_861 = vector.shape_cast %swap3A_860 : vector<1x16xf32> to vector<16xf32>
    %swap3A_862 = vector.shape_cast %broadcast_in_dim3A_5 : vector<16xf32> to vector<1x16xf32>
    tpu.vector_store %arg10[%swap3A_858, %swap3A_859], %swap3A_862 {strides = array<i32>} : memref<128x32xf32, #tpu.memory_space<vmem>>, vector<1x16xf32>,
    %swap3A_863 = arith.constant 71 : i32
    %swap3A_864 = arith.index_cast %swap3A_863 : i32 to index
    %swap3A_865 = arith.constant 16 : index
    %swap3A_866 = tpu.vector_load %arg10[%swap3A_864, %swap3A_865] {strides = array<i32>} : memref<128x32xf32, #tpu.memory_space<vmem>>, vector<1x16xf32>,
    %swap3A_867 = vector.shape_cast %swap3A_866 : vector<1x16xf32> to vector<16xf32>
    %swap3A_868 = vector.shape_cast %broadcast_in_dim3A_5 : vector<16xf32> to vector<1x16xf32>
    tpu.vector_store %arg10[%swap3A_864, %swap3A_865], %swap3A_868 {strides = array<i32>} : memref<128x32xf32, #tpu.memory_space<vmem>>, vector<1x16xf32>,
    %swap3A_869 = arith.constant 72 : i32
    %swap3A_870 = arith.index_cast %swap3A_869 : i32 to index
    %swap3A_871 = arith.constant 0 : index
    %swap3A_872 = tpu.vector_load %arg10[%swap3A_870, %swap3A_871] {strides = array<i32>} : memref<128x32xf32, #tpu.memory_space<vmem>>, vector<1x16xf32>,
    %swap3A_873 = vector.shape_cast %swap3A_872 : vector<1x16xf32> to vector<16xf32>
    %swap3A_874 = vector.shape_cast %broadcast_in_dim3A_5 : vector<16xf32> to vector<1x16xf32>
    tpu.vector_store %arg10[%swap3A_870, %swap3A_871], %swap3A_874 {strides = array<i32>} : memref<128x32xf32, #tpu.memory_space<vmem>>, vector<1x16xf32>,
    %swap3A_875 = arith.constant 72 : i32
    %swap3A_876 = arith.index_cast %swap3A_875 : i32 to index
    %swap3A_877 = arith.constant 16 : index
    %swap3A_878 = tpu.vector_load %arg10[%swap3A_876, %swap3A_877] {strides = array<i32>} : memref<128x32xf32, #tpu.memory_space<vmem>>, vector<1x16xf32>,
    %swap3A_879 = vector.shape_cast %swap3A_878 : vector<1x16xf32> to vector<16xf32>
    %swap3A_880 = vector.shape_cast %broadcast_in_dim3A_5 : vector<16xf32> to vector<1x16xf32>
    tpu.vector_store %arg10[%swap3A_876, %swap3A_877], %swap3A_880 {strides = array<i32>} : memref<128x32xf32, #tpu.memory_space<vmem>>, vector<1x16xf32>,
    %swap3A_881 = arith.constant 73 : i32
    %swap3A_882 = arith.index_cast %swap3A_881 : i32 to index
    %swap3A_883 = arith.constant 0 : index
    %swap3A_884 = tpu.vector_load %arg10[%swap3A_882, %swap3A_883] {strides = array<i32>} : memref<128x32xf32, #tpu.memory_space<vmem>>, vector<1x16xf32>,
    %swap3A_885 = vector.shape_cast %swap3A_884 : vector<1x16xf32> to vector<16xf32>
    %swap3A_886 = vector.shape_cast %broadcast_in_dim3A_5 : vector<16xf32> to vector<1x16xf32>
    tpu.vector_store %arg10[%swap3A_882, %swap3A_883], %swap3A_886 {strides = array<i32>} : memref<128x32xf32, #tpu.memory_space<vmem>>, vector<1x16xf32>,
    %swap3A_887 = arith.constant 73 : i32
    %swap3A_888 = arith.index_cast %swap3A_887 : i32 to index
    %swap3A_889 = arith.constant 16 : index
    %swap3A_890 = tpu.vector_load %arg10[%swap3A_888, %swap3A_889] {strides = array<i32>} : memref<128x32xf32, #tpu.memory_space<vmem>>, vector<1x16xf32>,
    %swap3A_891 = vector.shape_cast %swap3A_890 : vector<1x16xf32> to vector<16xf32>
    %swap3A_892 = vector.shape_cast %broadcast_in_dim3A_5 : vector<16xf32> to vector<1x16xf32>
    tpu.vector_store %arg10[%swap3A_888, %swap3A_889], %swap3A_892 {strides = array<i32>} : memref<128x32xf32, #tpu.memory_space<vmem>>, vector<1x16xf32>,
    %swap3A_893 = arith.constant 74 : i32
    %swap3A_894 = arith.index_cast %swap3A_893 : i32 to index
    %swap3A_895 = arith.constant 0 : index
    %swap3A_896 = tpu.vector_load %arg10[%swap3A_894, %swap3A_895] {strides = array<i32>} : memref<128x32xf32, #tpu.memory_space<vmem>>, vector<1x16xf32>,
    %swap3A_897 = vector.shape_cast %swap3A_896 : vector<1x16xf32> to vector<16xf32>
    %swap3A_898 = vector.shape_cast %broadcast_in_dim3A_5 : vector<16xf32> to vector<1x16xf32>
    tpu.vector_store %arg10[%swap3A_894, %swap3A_895], %swap3A_898 {strides = array<i32>} : memref<128x32xf32, #tpu.memory_space<vmem>>, vector<1x16xf32>,
    %swap3A_899 = arith.constant 74 : i32
    %swap3A_900 = arith.index_cast %swap3A_899 : i32 to index
    %swap3A_901 = arith.constant 16 : index
    %swap3A_902 = tpu.vector_load %arg10[%swap3A_900, %swap3A_901] {strides = array<i32>} : memref<128x32xf32, #tpu.memory_space<vmem>>, vector<1x16xf32>,
    %swap3A_903 = vector.shape_cast %swap3A_902 : vector<1x16xf32> to vector<16xf32>
    %swap3A_904 = vector.shape_cast %broadcast_in_dim3A_5 : vector<16xf32> to vector<1x16xf32>
    tpu.vector_store %arg10[%swap3A_900, %swap3A_901], %swap3A_904 {strides = array<i32>} : memref<128x32xf32, #tpu.memory_space<vmem>>, vector<1x16xf32>,
    %swap3A_905 = arith.constant 75 : i32
    %swap3A_906 = arith.index_cast %swap3A_905 : i32 to index
    %swap3A_907 = arith.constant 0 : index
    %swap3A_908 = tpu.vector_load %arg10[%swap3A_906, %swap3A_907] {strides = array<i32>} : memref<128x32xf32, #tpu.memory_space<vmem>>, vector<1x16xf32>,
    %swap3A_909 = vector.shape_cast %swap3A_908 : vector<1x16xf32> to vector<16xf32>
    %swap3A_910 = vector.shape_cast %broadcast_in_dim3A_5 : vector<16xf32> to vector<1x16xf32>
    tpu.vector_store %arg10[%swap3A_906, %swap3A_907], %swap3A_910 {strides = array<i32>} : memref<128x32xf32, #tpu.memory_space<vmem>>, vector<1x16xf32>,
    %swap3A_911 = arith.constant 75 : i32
    %swap3A_912 = arith.index_cast %swap3A_911 : i32 to index
    %swap3A_913 = arith.constant 16 : index
    %swap3A_914 = tpu.vector_load %arg10[%swap3A_912, %swap3A_913] {strides = array<i32>} : memref<128x32xf32, #tpu.memory_space<vmem>>, vector<1x16xf32>,
    %swap3A_915 = vector.shape_cast %swap3A_914 : vector<1x16xf32> to vector<16xf32>
    %swap3A_916 = vector.shape_cast %broadcast_in_dim3A_5 : vector<16xf32> to vector<1x16xf32>
    tpu.vector_store %arg10[%swap3A_912, %swap3A_913], %swap3A_916 {strides = array<i32>} : memref<128x32xf32, #tpu.memory_space<vmem>>, vector<1x16xf32>,
    %swap3A_917 = arith.constant 76 : i32
    %swap3A_918 = arith.index_cast %swap3A_917 : i32 to index
    %swap3A_919 = arith.constant 0 : index
    %swap3A_920 = tpu.vector_load %arg10[%swap3A_918, %swap3A_919] {strides = array<i32>} : memref<128x32xf32, #tpu.memory_space<vmem>>, vector<1x16xf32>,
    %swap3A_921 = vector.shape_cast %swap3A_920 : vector<1x16xf32> to vector<16xf32>
    %swap3A_922 = vector.shape_cast %broadcast_in_dim3A_5 : vector<16xf32> to vector<1x16xf32>
    tpu.vector_store %arg10[%swap3A_918, %swap3A_919], %swap3A_922 {strides = array<i32>} : memref<128x32xf32, #tpu.memory_space<vmem>>, vector<1x16xf32>,
    %swap3A_923 = arith.constant 76 : i32
    %swap3A_924 = arith.index_cast %swap3A_923 : i32 to index
    %swap3A_925 = arith.constant 16 : index
    %swap3A_926 = tpu.vector_load %arg10[%swap3A_924, %swap3A_925] {strides = array<i32>} : memref<128x32xf32, #tpu.memory_space<vmem>>, vector<1x16xf32>,
    %swap3A_927 = vector.shape_cast %swap3A_926 : vector<1x16xf32> to vector<16xf32>
    %swap3A_928 = vector.shape_cast %broadcast_in_dim3A_5 : vector<16xf32> to vector<1x16xf32>
    tpu.vector_store %arg10[%swap3A_924, %swap3A_925], %swap3A_928 {strides = array<i32>} : memref<128x32xf32, #tpu.memory_space<vmem>>, vector<1x16xf32>,
    %swap3A_929 = arith.constant 77 : i32
    %swap3A_930 = arith.index_cast %swap3A_929 : i32 to index
    %swap3A_931 = arith.constant 0 : index
    %swap3A_932 = tpu.vector_load %arg10[%swap3A_930, %swap3A_931] {strides = array<i32>} : memref<128x32xf32, #tpu.memory_space<vmem>>, vector<1x16xf32>,
    %swap3A_933 = vector.shape_cast %swap3A_932 : vector<1x16xf32> to vector<16xf32>
    %swap3A_934 = vector.shape_cast %broadcast_in_dim3A_5 : vector<16xf32> to vector<1x16xf32>
    tpu.vector_store %arg10[%swap3A_930, %swap3A_931], %swap3A_934 {strides = array<i32>} : memref<128x32xf32, #tpu.memory_space<vmem>>, vector<1x16xf32>,
    %swap3A_935 = arith.constant 77 : i32
    %swap3A_936 = arith.index_cast %swap3A_935 : i32 to index
    %swap3A_937 = arith.constant 16 : index
    %swap3A_938 = tpu.vector_load %arg10[%swap3A_936, %swap3A_937] {strides = array<i32>} : memref<128x32xf32, #tpu.memory_space<vmem>>, vector<1x16xf32>,
    %swap3A_939 = vector.shape_cast %swap3A_938 : vector<1x16xf32> to vector<16xf32>
    %swap3A_940 = vector.shape_cast %broadcast_in_dim3A_5 : vector<16xf32> to vector<1x16xf32>
    tpu.vector_store %arg10[%swap3A_936, %swap3A_937], %swap3A_940 {strides = array<i32>} : memref<128x32xf32, #tpu.memory_space<vmem>>, vector<1x16xf32>,
    %swap3A_941 = arith.constant 78 : i32
    %swap3A_942 = arith.index_cast %swap3A_941 : i32 to index
    %swap3A_943 = arith.constant 0 : index
    %swap3A_944 = tpu.vector_load %arg10[%swap3A_942, %swap3A_943] {strides = array<i32>} : memref<128x32xf32, #tpu.memory_space<vmem>>, vector<1x16xf32>,
    %swap3A_945 = vector.shape_cast %swap3A_944 : vector<1x16xf32> to vector<16xf32>
    %swap3A_946 = vector.shape_cast %broadcast_in_dim3A_5 : vector<16xf32> to vector<1x16xf32>
    tpu.vector_store %arg10[%swap3A_942, %swap3A_943], %swap3A_946 {strides = array<i32>} : memref<128x32xf32, #tpu.memory_space<vmem>>, vector<1x16xf32>,
    %swap3A_947 = arith.constant 78 : i32
    %swap3A_948 = arith.index_cast %swap3A_947 : i32 to index
    %swap3A_949 = arith.constant 16 : index
    %swap3A_950 = tpu.vector_load %arg10[%swap3A_948, %swap3A_949] {strides = array<i32>} : memref<128x32xf32, #tpu.memory_space<vmem>>, vector<1x16xf32>,
    %swap3A_951 = vector.shape_cast %swap3A_950 : vector<1x16xf32> to vector<16xf32>
    %swap3A_952 = vector.shape_cast %broadcast_in_dim3A_5 : vector<16xf32> to vector<1x16xf32>
    tpu.vector_store %arg10[%swap3A_948, %swap3A_949], %swap3A_952 {strides = array<i32>} : memref<128x32xf32, #tpu.memory_space<vmem>>, vector<1x16xf32>,
    %swap3A_953 = arith.constant 79 : i32
    %swap3A_954 = arith.index_cast %swap3A_953 : i32 to index
    %swap3A_955 = arith.constant 0 : index
    %swap3A_956 = tpu.vector_load %arg10[%swap3A_954, %swap3A_955] {strides = array<i32>} : memref<128x32xf32, #tpu.memory_space<vmem>>, vector<1x16xf32>,
    %swap3A_957 = vector.shape_cast %swap3A_956 : vector<1x16xf32> to vector<16xf32>
    %swap3A_958 = vector.shape_cast %broadcast_in_dim3A_5 : vector<16xf32> to vector<1x16xf32>
    tpu.vector_store %arg10[%swap3A_954, %swap3A_955], %swap3A_958 {strides = array<i32>} : memref<128x32xf32, #tpu.memory_space<vmem>>, vector<1x16xf32>,
    %swap3A_959 = arith.constant 79 : i32
    %swap3A_960 = arith.index_cast %swap3A_959 : i32 to index
    %swap3A_961 = arith.constant 16 : index
    %swap3A_962 = tpu.vector_load %arg10[%swap3A_960, %swap3A_961] {strides = array<i32>} : memref<128x32xf32, #tpu.memory_space<vmem>>, vector<1x16xf32>,
    %swap3A_963 = vector.shape_cast %swap3A_962 : vector<1x16xf32> to vector<16xf32>
    %swap3A_964 = vector.shape_cast %broadcast_in_dim3A_5 : vector<16xf32> to vector<1x16xf32>
    tpu.vector_store %arg10[%swap3A_960, %swap3A_961], %swap3A_964 {strides = array<i32>} : memref<128x32xf32, #tpu.memory_space<vmem>>, vector<1x16xf32>,
    %swap3A_965 = arith.constant 80 : i32
    %swap3A_966 = arith.index_cast %swap3A_965 : i32 to index
    %swap3A_967 = arith.constant 0 : index
    %swap3A_968 = tpu.vector_load %arg10[%swap3A_966, %swap3A_967] {strides = array<i32>} : memref<128x32xf32, #tpu.memory_space<vmem>>, vector<1x16xf32>,
    %swap3A_969 = vector.shape_cast %swap3A_968 : vector<1x16xf32> to vector<16xf32>
    %swap3A_970 = vector.shape_cast %broadcast_in_dim3A_5 : vector<16xf32> to vector<1x16xf32>
    tpu.vector_store %arg10[%swap3A_966, %swap3A_967], %swap3A_970 {strides = array<i32>} : memref<128x32xf32, #tpu.memory_space<vmem>>, vector<1x16xf32>,
    %swap3A_971 = arith.constant 80 : i32
    %swap3A_972 = arith.index_cast %swap3A_971 : i32 to index
    %swap3A_973 = arith.constant 16 : index
    %swap3A_974 = tpu.vector_load %arg10[%swap3A_972, %swap3A_973] {strides = array<i32>} : memref<128x32xf32, #tpu.memory_space<vmem>>, vector<1x16xf32>,
    %swap3A_975 = vector.shape_cast %swap3A_974 : vector<1x16xf32> to vector<16xf32>
    %swap3A_976 = vector.shape_cast %broadcast_in_dim3A_5 : vector<16xf32> to vector<1x16xf32>
    tpu.vector_store %arg10[%swap3A_972, %swap3A_973], %swap3A_976 {strides = array<i32>} : memref<128x32xf32, #tpu.memory_space<vmem>>, vector<1x16xf32>,
    %swap3A_977 = arith.constant 81 : i32
    %swap3A_978 = arith.index_cast %swap3A_977 : i32 to index
    %swap3A_979 = arith.constant 0 : index
    %swap3A_980 = tpu.vector_load %arg10[%swap3A_978, %swap3A_979] {strides = array<i32>} : memref<128x32xf32, #tpu.memory_space<vmem>>, vector<1x16xf32>,
    %swap3A_981 = vector.shape_cast %swap3A_980 : vector<1x16xf32> to vector<16xf32>
    %swap3A_982 = vector.shape_cast %broadcast_in_dim3A_5 : vector<16xf32> to vector<1x16xf32>
    tpu.vector_store %arg10[%swap3A_978, %swap3A_979], %swap3A_982 {strides = array<i32>} : memref<128x32xf32, #tpu.memory_space<vmem>>, vector<1x16xf32>,
    %swap3A_983 = arith.constant 81 : i32
    %swap3A_984 = arith.index_cast %swap3A_983 : i32 to index
    %swap3A_985 = arith.constant 16 : index
    %swap3A_986 = tpu.vector_load %arg10[%swap3A_984, %swap3A_985] {strides = array<i32>} : memref<128x32xf32, #tpu.memory_space<vmem>>, vector<1x16xf32>,
    %swap3A_987 = vector.shape_cast %swap3A_986 : vector<1x16xf32> to vector<16xf32>
    %swap3A_988 = vector.shape_cast %broadcast_in_dim3A_5 : vector<16xf32> to vector<1x16xf32>
    tpu.vector_store %arg10[%swap3A_984, %swap3A_985], %swap3A_988 {strides = array<i32>} : memref<128x32xf32, #tpu.memory_space<vmem>>, vector<1x16xf32>,
    %swap3A_989 = arith.constant 82 : i32
    %swap3A_990 = arith.index_cast %swap3A_989 : i32 to index
    %swap3A_991 = arith.constant 0 : index
    %swap3A_992 = tpu.vector_load %arg10[%swap3A_990, %swap3A_991] {strides = array<i32>} : memref<128x32xf32, #tpu.memory_space<vmem>>, vector<1x16xf32>,
    %swap3A_993 = vector.shape_cast %swap3A_992 : vector<1x16xf32> to vector<16xf32>
    %swap3A_994 = vector.shape_cast %broadcast_in_dim3A_5 : vector<16xf32> to vector<1x16xf32>
    tpu.vector_store %arg10[%swap3A_990, %swap3A_991], %swap3A_994 {strides = array<i32>} : memref<128x32xf32, #tpu.memory_space<vmem>>, vector<1x16xf32>,
    %swap3A_995 = arith.constant 82 : i32
    %swap3A_996 = arith.index_cast %swap3A_995 : i32 to index
    %swap3A_997 = arith.constant 16 : index
    %swap3A_998 = tpu.vector_load %arg10[%swap3A_996, %swap3A_997] {strides = array<i32>} : memref<128x32xf32, #tpu.memory_space<vmem>>, vector<1x16xf32>,
    %swap3A_999 = vector.shape_cast %swap3A_998 : vector<1x16xf32> to vector<16xf32>
    %swap3A_1000 = vector.shape_cast %broadcast_in_dim3A_5 : vector<16xf32> to vector<1x16xf32>
    tpu.vector_store %arg10[%swap3A_996, %swap3A_997], %swap3A_1000 {strides = array<i32>} : memref<128x32xf32, #tpu.memory_space<vmem>>, vector<1x16xf32>,
    %swap3A_1001 = arith.constant 83 : i32
    %swap3A_1002 = arith.index_cast %swap3A_1001 : i32 to index
    %swap3A_1003 = arith.constant 0 : index
    %swap3A_1004 = tpu.vector_load %arg10[%swap3A_1002, %swap3A_1003] {strides = array<i32>} : memref<128x32xf32, #tpu.memory_space<vmem>>, vector<1x16xf32>,
    %swap3A_1005 = vector.shape_cast %swap3A_1004 : vector<1x16xf32> to vector<16xf32>
    %swap3A_1006 = vector.shape_cast %broadcast_in_dim3A_5 : vector<16xf32> to vector<1x16xf32>
    tpu.vector_store %arg10[%swap3A_1002, %swap3A_1003], %swap3A_1006 {strides = array<i32>} : memref<128x32xf32, #tpu.memory_space<vmem>>, vector<1x16xf32>,
    %swap3A_1007 = arith.constant 83 : i32
    %swap3A_1008 = arith.index_cast %swap3A_1007 : i32 to index
    %swap3A_1009 = arith.constant 16 : index
    %swap3A_1010 = tpu.vector_load %arg10[%swap3A_1008, %swap3A_1009] {strides = array<i32>} : memref<128x32xf32, #tpu.memory_space<vmem>>, vector<1x16xf32>,
    %swap3A_1011 = vector.shape_cast %swap3A_1010 : vector<1x16xf32> to vector<16xf32>
    %swap3A_1012 = vector.shape_cast %broadcast_in_dim3A_5 : vector<16xf32> to vector<1x16xf32>
    tpu.vector_store %arg10[%swap3A_1008, %swap3A_1009], %swap3A_1012 {strides = array<i32>} : memref<128x32xf32, #tpu.memory_space<vmem>>, vector<1x16xf32>,
    %swap3A_1013 = arith.constant 84 : i32
    %swap3A_1014 = arith.index_cast %swap3A_1013 : i32 to index
    %swap3A_1015 = arith.constant 0 : index
    %swap3A_1016 = tpu.vector_load %arg10[%swap3A_1014, %swap3A_1015] {strides = array<i32>} : memref<128x32xf32, #tpu.memory_space<vmem>>, vector<1x16xf32>,
    %swap3A_1017 = vector.shape_cast %swap3A_1016 : vector<1x16xf32> to vector<16xf32>
    %swap3A_1018 = vector.shape_cast %broadcast_in_dim3A_5 : vector<16xf32> to vector<1x16xf32>
    tpu.vector_store %arg10[%swap3A_1014, %swap3A_1015], %swap3A_1018 {strides = array<i32>} : memref<128x32xf32, #tpu.memory_space<vmem>>, vector<1x16xf32>,
    %swap3A_1019 = arith.constant 84 : i32
    %swap3A_1020 = arith.index_cast %swap3A_1019 : i32 to index
    %swap3A_1021 = arith.constant 16 : index
    %swap3A_1022 = tpu.vector_load %arg10[%swap3A_1020, %swap3A_1021] {strides = array<i32>} : memref<128x32xf32, #tpu.memory_space<vmem>>, vector<1x16xf32>,
    %swap3A_1023 = vector.shape_cast %swap3A_1022 : vector<1x16xf32> to vector<16xf32>
    %swap3A_1024 = vector.shape_cast %broadcast_in_dim3A_5 : vector<16xf32> to vector<1x16xf32>
    tpu.vector_store %arg10[%swap3A_1020, %swap3A_1021], %swap3A_1024 {strides = array<i32>} : memref<128x32xf32, #tpu.memory_space<vmem>>, vector<1x16xf32>,
    %swap3A_1025 = arith.constant 85 : i32
    %swap3A_1026 = arith.index_cast %swap3A_1025 : i32 to index
    %swap3A_1027 = arith.constant 0 : index
    %swap3A_1028 = tpu.vector_load %arg10[%swap3A_1026, %swap3A_1027] {strides = array<i32>} : memref<128x32xf32, #tpu.memory_space<vmem>>, vector<1x16xf32>,
    %swap3A_1029 = vector.shape_cast %swap3A_1028 : vector<1x16xf32> to vector<16xf32>
    %swap3A_1030 = vector.shape_cast %broadcast_in_dim3A_5 : vector<16xf32> to vector<1x16xf32>
    tpu.vector_store %arg10[%swap3A_1026, %swap3A_1027], %swap3A_1030 {strides = array<i32>} : memref<128x32xf32, #tpu.memory_space<vmem>>, vector<1x16xf32>,
    %swap3A_1031 = arith.constant 85 : i32
    %swap3A_1032 = arith.index_cast %swap3A_1031 : i32 to index
    %swap3A_1033 = arith.constant 16 : index
    %swap3A_1034 = tpu.vector_load %arg10[%swap3A_1032, %swap3A_1033] {strides = array<i32>} : memref<128x32xf32, #tpu.memory_space<vmem>>, vector<1x16xf32>,
    %swap3A_1035 = vector.shape_cast %swap3A_1034 : vector<1x16xf32> to vector<16xf32>
    %swap3A_1036 = vector.shape_cast %broadcast_in_dim3A_5 : vector<16xf32> to vector<1x16xf32>
    tpu.vector_store %arg10[%swap3A_1032, %swap3A_1033], %swap3A_1036 {strides = array<i32>} : memref<128x32xf32, #tpu.memory_space<vmem>>, vector<1x16xf32>,
    %swap3A_1037 = arith.constant 86 : i32
    %swap3A_1038 = arith.index_cast %swap3A_1037 : i32 to index
    %swap3A_1039 = arith.constant 0 : index
    %swap3A_1040 = tpu.vector_load %arg10[%swap3A_1038, %swap3A_1039] {strides = array<i32>} : memref<128x32xf32, #tpu.memory_space<vmem>>, vector<1x16xf32>,
    %swap3A_1041 = vector.shape_cast %swap3A_1040 : vector<1x16xf32> to vector<16xf32>
    %swap3A_1042 = vector.shape_cast %broadcast_in_dim3A_5 : vector<16xf32> to vector<1x16xf32>
    tpu.vector_store %arg10[%swap3A_1038, %swap3A_1039], %swap3A_1042 {strides = array<i32>} : memref<128x32xf32, #tpu.memory_space<vmem>>, vector<1x16xf32>,
    %swap3A_1043 = arith.constant 86 : i32
    %swap3A_1044 = arith.index_cast %swap3A_1043 : i32 to index
    %swap3A_1045 = arith.constant 16 : index
    %swap3A_1046 = tpu.vector_load %arg10[%swap3A_1044, %swap3A_1045] {strides = array<i32>} : memref<128x32xf32, #tpu.memory_space<vmem>>, vector<1x16xf32>,
    %swap3A_1047 = vector.shape_cast %swap3A_1046 : vector<1x16xf32> to vector<16xf32>
    %swap3A_1048 = vector.shape_cast %broadcast_in_dim3A_5 : vector<16xf32> to vector<1x16xf32>
    tpu.vector_store %arg10[%swap3A_1044, %swap3A_1045], %swap3A_1048 {strides = array<i32>} : memref<128x32xf32, #tpu.memory_space<vmem>>, vector<1x16xf32>,
    %swap3A_1049 = arith.constant 87 : i32
    %swap3A_1050 = arith.index_cast %swap3A_1049 : i32 to index
    %swap3A_1051 = arith.constant 0 : index
    %swap3A_1052 = tpu.vector_load %arg10[%swap3A_1050, %swap3A_1051] {strides = array<i32>} : memref<128x32xf32, #tpu.memory_space<vmem>>, vector<1x16xf32>,
    %swap3A_1053 = vector.shape_cast %swap3A_1052 : vector<1x16xf32> to vector<16xf32>
    %swap3A_1054 = vector.shape_cast %broadcast_in_dim3A_5 : vector<16xf32> to vector<1x16xf32>
    tpu.vector_store %arg10[%swap3A_1050, %swap3A_1051], %swap3A_1054 {strides = array<i32>} : memref<128x32xf32, #tpu.memory_space<vmem>>, vector<1x16xf32>,
    %swap3A_1055 = arith.constant 87 : i32
    %swap3A_1056 = arith.index_cast %swap3A_1055 : i32 to index
    %swap3A_1057 = arith.constant 16 : index
    %swap3A_1058 = tpu.vector_load %arg10[%swap3A_1056, %swap3A_1057] {strides = array<i32>} : memref<128x32xf32, #tpu.memory_space<vmem>>, vector<1x16xf32>,
    %swap3A_1059 = vector.shape_cast %swap3A_1058 : vector<1x16xf32> to vector<16xf32>
    %swap3A_1060 = vector.shape_cast %broadcast_in_dim3A_5 : vector<16xf32> to vector<1x16xf32>
    tpu.vector_store %arg10[%swap3A_1056, %swap3A_1057], %swap3A_1060 {strides = array<i32>} : memref<128x32xf32, #tpu.memory_space<vmem>>, vector<1x16xf32>,
    %swap3A_1061 = arith.constant 88 : i32
    %swap3A_1062 = arith.index_cast %swap3A_1061 : i32 to index
    %swap3A_1063 = arith.constant 0 : index
    %swap3A_1064 = tpu.vector_load %arg10[%swap3A_1062, %swap3A_1063] {strides = array<i32>} : memref<128x32xf32, #tpu.memory_space<vmem>>, vector<1x16xf32>,
    %swap3A_1065 = vector.shape_cast %swap3A_1064 : vector<1x16xf32> to vector<16xf32>
    %swap3A_1066 = vector.shape_cast %broadcast_in_dim3A_5 : vector<16xf32> to vector<1x16xf32>
    tpu.vector_store %arg10[%swap3A_1062, %swap3A_1063], %swap3A_1066 {strides = array<i32>} : memref<128x32xf32, #tpu.memory_space<vmem>>, vector<1x16xf32>,
    %swap3A_1067 = arith.constant 88 : i32
    %swap3A_1068 = arith.index_cast %swap3A_1067 : i32 to index
    %swap3A_1069 = arith.constant 16 : index
    %swap3A_1070 = tpu.vector_load %arg10[%swap3A_1068, %swap3A_1069] {strides = array<i32>} : memref<128x32xf32, #tpu.memory_space<vmem>>, vector<1x16xf32>,
    %swap3A_1071 = vector.shape_cast %swap3A_1070 : vector<1x16xf32> to vector<16xf32>
    %swap3A_1072 = vector.shape_cast %broadcast_in_dim3A_5 : vector<16xf32> to vector<1x16xf32>
    tpu.vector_store %arg10[%swap3A_1068, %swap3A_1069], %swap3A_1072 {strides = array<i32>} : memref<128x32xf32, #tpu.memory_space<vmem>>, vector<1x16xf32>,
    %swap3A_1073 = arith.constant 89 : i32
    %swap3A_1074 = arith.index_cast %swap3A_1073 : i32 to index
    %swap3A_1075 = arith.constant 0 : index
    %swap3A_1076 = tpu.vector_load %arg10[%swap3A_1074, %swap3A_1075] {strides = array<i32>} : memref<128x32xf32, #tpu.memory_space<vmem>>, vector<1x16xf32>,
    %swap3A_1077 = vector.shape_cast %swap3A_1076 : vector<1x16xf32> to vector<16xf32>
    %swap3A_1078 = vector.shape_cast %broadcast_in_dim3A_5 : vector<16xf32> to vector<1x16xf32>
    tpu.vector_store %arg10[%swap3A_1074, %swap3A_1075], %swap3A_1078 {strides = array<i32>} : memref<128x32xf32, #tpu.memory_space<vmem>>, vector<1x16xf32>,
    %swap3A_1079 = arith.constant 89 : i32
    %swap3A_1080 = arith.index_cast %swap3A_1079 : i32 to index
    %swap3A_1081 = arith.constant 16 : index
    %swap3A_1082 = tpu.vector_load %arg10[%swap3A_1080, %swap3A_1081] {strides = array<i32>} : memref<128x32xf32, #tpu.memory_space<vmem>>, vector<1x16xf32>,
    %swap3A_1083 = vector.shape_cast %swap3A_1082 : vector<1x16xf32> to vector<16xf32>
    %swap3A_1084 = vector.shape_cast %broadcast_in_dim3A_5 : vector<16xf32> to vector<1x16xf32>
    tpu.vector_store %arg10[%swap3A_1080, %swap3A_1081], %swap3A_1084 {strides = array<i32>} : memref<128x32xf32, #tpu.memory_space<vmem>>, vector<1x16xf32>,
    %swap3A_1085 = arith.constant 90 : i32
    %swap3A_1086 = arith.index_cast %swap3A_1085 : i32 to index
    %swap3A_1087 = arith.constant 0 : index
    %swap3A_1088 = tpu.vector_load %arg10[%swap3A_1086, %swap3A_1087] {strides = array<i32>} : memref<128x32xf32, #tpu.memory_space<vmem>>, vector<1x16xf32>,
    %swap3A_1089 = vector.shape_cast %swap3A_1088 : vector<1x16xf32> to vector<16xf32>
    %swap3A_1090 = vector.shape_cast %broadcast_in_dim3A_5 : vector<16xf32> to vector<1x16xf32>
    tpu.vector_store %arg10[%swap3A_1086, %swap3A_1087], %swap3A_1090 {strides = array<i32>} : memref<128x32xf32, #tpu.memory_space<vmem>>, vector<1x16xf32>,
    %swap3A_1091 = arith.constant 90 : i32
    %swap3A_1092 = arith.index_cast %swap3A_1091 : i32 to index
    %swap3A_1093 = arith.constant 16 : index
    %swap3A_1094 = tpu.vector_load %arg10[%swap3A_1092, %swap3A_1093] {strides = array<i32>} : memref<128x32xf32, #tpu.memory_space<vmem>>, vector<1x16xf32>,
    %swap3A_1095 = vector.shape_cast %swap3A_1094 : vector<1x16xf32> to vector<16xf32>
    %swap3A_1096 = vector.shape_cast %broadcast_in_dim3A_5 : vector<16xf32> to vector<1x16xf32>
    tpu.vector_store %arg10[%swap3A_1092, %swap3A_1093], %swap3A_1096 {strides = array<i32>} : memref<128x32xf32, #tpu.memory_space<vmem>>, vector<1x16xf32>,
    %swap3A_1097 = arith.constant 91 : i32
    %swap3A_1098 = arith.index_cast %swap3A_1097 : i32 to index
    %swap3A_1099 = arith.constant 0 : index
    %swap3A_1100 = tpu.vector_load %arg10[%swap3A_1098, %swap3A_1099] {strides = array<i32>} : memref<128x32xf32, #tpu.memory_space<vmem>>, vector<1x16xf32>,
    %swap3A_1101 = vector.shape_cast %swap3A_1100 : vector<1x16xf32> to vector<16xf32>
    %swap3A_1102 = vector.shape_cast %broadcast_in_dim3A_5 : vector<16xf32> to vector<1x16xf32>
    tpu.vector_store %arg10[%swap3A_1098, %swap3A_1099], %swap3A_1102 {strides = array<i32>} : memref<128x32xf32, #tpu.memory_space<vmem>>, vector<1x16xf32>,
    %swap3A_1103 = arith.constant 91 : i32
    %swap3A_1104 = arith.index_cast %swap3A_1103 : i32 to index
    %swap3A_1105 = arith.constant 16 : index
    %swap3A_1106 = tpu.vector_load %arg10[%swap3A_1104, %swap3A_1105] {strides = array<i32>} : memref<128x32xf32, #tpu.memory_space<vmem>>, vector<1x16xf32>,
    %swap3A_1107 = vector.shape_cast %swap3A_1106 : vector<1x16xf32> to vector<16xf32>
    %swap3A_1108 = vector.shape_cast %broadcast_in_dim3A_5 : vector<16xf32> to vector<1x16xf32>
    tpu.vector_store %arg10[%swap3A_1104, %swap3A_1105], %swap3A_1108 {strides = array<i32>} : memref<128x32xf32, #tpu.memory_space<vmem>>, vector<1x16xf32>,
    %swap3A_1109 = arith.constant 92 : i32
    %swap3A_1110 = arith.index_cast %swap3A_1109 : i32 to index
    %swap3A_1111 = arith.constant 0 : index
    %swap3A_1112 = tpu.vector_load %arg10[%swap3A_1110, %swap3A_1111] {strides = array<i32>} : memref<128x32xf32, #tpu.memory_space<vmem>>, vector<1x16xf32>,
    %swap3A_1113 = vector.shape_cast %swap3A_1112 : vector<1x16xf32> to vector<16xf32>
    %swap3A_1114 = vector.shape_cast %broadcast_in_dim3A_5 : vector<16xf32> to vector<1x16xf32>
    tpu.vector_store %arg10[%swap3A_1110, %swap3A_1111], %swap3A_1114 {strides = array<i32>} : memref<128x32xf32, #tpu.memory_space<vmem>>, vector<1x16xf32>,
    %swap3A_1115 = arith.constant 92 : i32
    %swap3A_1116 = arith.index_cast %swap3A_1115 : i32 to index
    %swap3A_1117 = arith.constant 16 : index
    %swap3A_1118 = tpu.vector_load %arg10[%swap3A_1116, %swap3A_1117] {strides = array<i32>} : memref<128x32xf32, #tpu.memory_space<vmem>>, vector<1x16xf32>,
    %swap3A_1119 = vector.shape_cast %swap3A_1118 : vector<1x16xf32> to vector<16xf32>
    %swap3A_1120 = vector.shape_cast %broadcast_in_dim3A_5 : vector<16xf32> to vector<1x16xf32>
    tpu.vector_store %arg10[%swap3A_1116, %swap3A_1117], %swap3A_1120 {strides = array<i32>} : memref<128x32xf32, #tpu.memory_space<vmem>>, vector<1x16xf32>,
    %swap3A_1121 = arith.constant 93 : i32
    %swap3A_1122 = arith.index_cast %swap3A_1121 : i32 to index
    %swap3A_1123 = arith.constant 0 : index
    %swap3A_1124 = tpu.vector_load %arg10[%swap3A_1122, %swap3A_1123] {strides = array<i32>} : memref<128x32xf32, #tpu.memory_space<vmem>>, vector<1x16xf32>,
    %swap3A_1125 = vector.shape_cast %swap3A_1124 : vector<1x16xf32> to vector<16xf32>
    %swap3A_1126 = vector.shape_cast %broadcast_in_dim3A_5 : vector<16xf32> to vector<1x16xf32>
    tpu.vector_store %arg10[%swap3A_1122, %swap3A_1123], %swap3A_1126 {strides = array<i32>} : memref<128x32xf32, #tpu.memory_space<vmem>>, vector<1x16xf32>,
    %swap3A_1127 = arith.constant 93 : i32
    %swap3A_1128 = arith.index_cast %swap3A_1127 : i32 to index
    %swap3A_1129 = arith.constant 16 : index
    %swap3A_1130 = tpu.vector_load %arg10[%swap3A_1128, %swap3A_1129] {strides = array<i32>} : memref<128x32xf32, #tpu.memory_space<vmem>>, vector<1x16xf32>,
    %swap3A_1131 = vector.shape_cast %swap3A_1130 : vector<1x16xf32> to vector<16xf32>
    %swap3A_1132 = vector.shape_cast %broadcast_in_dim3A_5 : vector<16xf32> to vector<1x16xf32>
    tpu.vector_store %arg10[%swap3A_1128, %swap3A_1129], %swap3A_1132 {strides = array<i32>} : memref<128x32xf32, #tpu.memory_space<vmem>>, vector<1x16xf32>,
    %swap3A_1133 = arith.constant 94 : i32
    %swap3A_1134 = arith.index_cast %swap3A_1133 : i32 to index
    %swap3A_1135 = arith.constant 0 : index
    %swap3A_1136 = tpu.vector_load %arg10[%swap3A_1134, %swap3A_1135] {strides = array<i32>} : memref<128x32xf32, #tpu.memory_space<vmem>>, vector<1x16xf32>,
    %swap3A_1137 = vector.shape_cast %swap3A_1136 : vector<1x16xf32> to vector<16xf32>
    %swap3A_1138 = vector.shape_cast %broadcast_in_dim3A_5 : vector<16xf32> to vector<1x16xf32>
    tpu.vector_store %arg10[%swap3A_1134, %swap3A_1135], %swap3A_1138 {strides = array<i32>} : memref<128x32xf32, #tpu.memory_space<vmem>>, vector<1x16xf32>,
    %swap3A_1139 = arith.constant 94 : i32
    %swap3A_1140 = arith.index_cast %swap3A_1139 : i32 to index
    %swap3A_1141 = arith.constant 16 : index
    %swap3A_1142 = tpu.vector_load %arg10[%swap3A_1140, %swap3A_1141] {strides = array<i32>} : memref<128x32xf32, #tpu.memory_space<vmem>>, vector<1x16xf32>,
    %swap3A_1143 = vector.shape_cast %swap3A_1142 : vector<1x16xf32> to vector<16xf32>
    %swap3A_1144 = vector.shape_cast %broadcast_in_dim3A_5 : vector<16xf32> to vector<1x16xf32>
    tpu.vector_store %arg10[%swap3A_1140, %swap3A_1141], %swap3A_1144 {strides = array<i32>} : memref<128x32xf32, #tpu.memory_space<vmem>>, vector<1x16xf32>,
    %swap3A_1145 = arith.constant 95 : i32
    %swap3A_1146 = arith.index_cast %swap3A_1145 : i32 to index
    %swap3A_1147 = arith.constant 0 : index
    %swap3A_1148 = tpu.vector_load %arg10[%swap3A_1146, %swap3A_1147] {strides = array<i32>} : memref<128x32xf32, #tpu.memory_space<vmem>>, vector<1x16xf32>,
    %swap3A_1149 = vector.shape_cast %swap3A_1148 : vector<1x16xf32> to vector<16xf32>
    %swap3A_1150 = vector.shape_cast %broadcast_in_dim3A_5 : vector<16xf32> to vector<1x16xf32>
    tpu.vector_store %arg10[%swap3A_1146, %swap3A_1147], %swap3A_1150 {strides = array<i32>} : memref<128x32xf32, #tpu.memory_space<vmem>>, vector<1x16xf32>,
    %swap3A_1151 = arith.constant 95 : i32
    %swap3A_1152 = arith.index_cast %swap3A_1151 : i32 to index
    %swap3A_1153 = arith.constant 16 : index
    %swap3A_1154 = tpu.vector_load %arg10[%swap3A_1152, %swap3A_1153] {strides = array<i32>} : memref<128x32xf32, #tpu.memory_space<vmem>>, vector<1x16xf32>,
    %swap3A_1155 = vector.shape_cast %swap3A_1154 : vector<1x16xf32> to vector<16xf32>
    %swap3A_1156 = vector.shape_cast %broadcast_in_dim3A_5 : vector<16xf32> to vector<1x16xf32>
    tpu.vector_store %arg10[%swap3A_1152, %swap3A_1153], %swap3A_1156 {strides = array<i32>} : memref<128x32xf32, #tpu.memory_space<vmem>>, vector<1x16xf32>,
    %swap3A_1157 = arith.constant 96 : i32
    %swap3A_1158 = arith.index_cast %swap3A_1157 : i32 to index
    %swap3A_1159 = arith.constant 0 : index
    %swap3A_1160 = tpu.vector_load %arg10[%swap3A_1158, %swap3A_1159] {strides = array<i32>} : memref<128x32xf32, #tpu.memory_space<vmem>>, vector<1x16xf32>,
    %swap3A_1161 = vector.shape_cast %swap3A_1160 : vector<1x16xf32> to vector<16xf32>
    %swap3A_1162 = vector.shape_cast %broadcast_in_dim3A_5 : vector<16xf32> to vector<1x16xf32>
    tpu.vector_store %arg10[%swap3A_1158, %swap3A_1159], %swap3A_1162 {strides = array<i32>} : memref<128x32xf32, #tpu.memory_space<vmem>>, vector<1x16xf32>,
    %swap3A_1163 = arith.constant 96 : i32
    %swap3A_1164 = arith.index_cast %swap3A_1163 : i32 to index
    %swap3A_1165 = arith.constant 16 : index
    %swap3A_1166 = tpu.vector_load %arg10[%swap3A_1164, %swap3A_1165] {strides = array<i32>} : memref<128x32xf32, #tpu.memory_space<vmem>>, vector<1x16xf32>,
    %swap3A_1167 = vector.shape_cast %swap3A_1166 : vector<1x16xf32> to vector<16xf32>
    %swap3A_1168 = vector.shape_cast %broadcast_in_dim3A_5 : vector<16xf32> to vector<1x16xf32>
    tpu.vector_store %arg10[%swap3A_1164, %swap3A_1165], %swap3A_1168 {strides = array<i32>} : memref<128x32xf32, #tpu.memory_space<vmem>>, vector<1x16xf32>,
    %swap3A_1169 = arith.constant 97 : i32
    %swap3A_1170 = arith.index_cast %swap3A_1169 : i32 to index
    %swap3A_1171 = arith.constant 0 : index
    %swap3A_1172 = tpu.vector_load %arg10[%swap3A_1170, %swap3A_1171] {strides = array<i32>} : memref<128x32xf32, #tpu.memory_space<vmem>>, vector<1x16xf32>,
    %swap3A_1173 = vector.shape_cast %swap3A_1172 : vector<1x16xf32> to vector<16xf32>
    %swap3A_1174 = vector.shape_cast %broadcast_in_dim3A_5 : vector<16xf32> to vector<1x16xf32>
    tpu.vector_store %arg10[%swap3A_1170, %swap3A_1171], %swap3A_1174 {strides = array<i32>} : memref<128x32xf32, #tpu.memory_space<vmem>>, vector<1x16xf32>,
    %swap3A_1175 = arith.constant 97 : i32
    %swap3A_1176 = arith.index_cast %swap3A_1175 : i32 to index
    %swap3A_1177 = arith.constant 16 : index
    %swap3A_1178 = tpu.vector_load %arg10[%swap3A_1176, %swap3A_1177] {strides = array<i32>} : memref<128x32xf32, #tpu.memory_space<vmem>>, vector<1x16xf32>,
    %swap3A_1179 = vector.shape_cast %swap3A_1178 : vector<1x16xf32> to vector<16xf32>
    %swap3A_1180 = vector.shape_cast %broadcast_in_dim3A_5 : vector<16xf32> to vector<1x16xf32>
    tpu.vector_store %arg10[%swap3A_1176, %swap3A_1177], %swap3A_1180 {strides = array<i32>} : memref<128x32xf32, #tpu.memory_space<vmem>>, vector<1x16xf32>,
    %swap3A_1181 = arith.constant 98 : i32
    %swap3A_1182 = arith.index_cast %swap3A_1181 : i32 to index
    %swap3A_1183 = arith.constant 0 : index
    %swap3A_1184 = tpu.vector_load %arg10[%swap3A_1182, %swap3A_1183] {strides = array<i32>} : memref<128x32xf32, #tpu.memory_space<vmem>>, vector<1x16xf32>,
    %swap3A_1185 = vector.shape_cast %swap3A_1184 : vector<1x16xf32> to vector<16xf32>
    %swap3A_1186 = vector.shape_cast %broadcast_in_dim3A_5 : vector<16xf32> to vector<1x16xf32>
    tpu.vector_store %arg10[%swap3A_1182, %swap3A_1183], %swap3A_1186 {strides = array<i32>} : memref<128x32xf32, #tpu.memory_space<vmem>>, vector<1x16xf32>,
    %swap3A_1187 = arith.constant 98 : i32
    %swap3A_1188 = arith.index_cast %swap3A_1187 : i32 to index
    %swap3A_1189 = arith.constant 16 : index
    %swap3A_1190 = tpu.vector_load %arg10[%swap3A_1188, %swap3A_1189] {strides = array<i32>} : memref<128x32xf32, #tpu.memory_space<vmem>>, vector<1x16xf32>,
    %swap3A_1191 = vector.shape_cast %swap3A_1190 : vector<1x16xf32> to vector<16xf32>
    %swap3A_1192 = vector.shape_cast %broadcast_in_dim3A_5 : vector<16xf32> to vector<1x16xf32>
    tpu.vector_store %arg10[%swap3A_1188, %swap3A_1189], %swap3A_1192 {strides = array<i32>} : memref<128x32xf32, #tpu.memory_space<vmem>>, vector<1x16xf32>,
    %swap3A_1193 = arith.constant 99 : i32
    %swap3A_1194 = arith.index_cast %swap3A_1193 : i32 to index
    %swap3A_1195 = arith.constant 0 : index
    %swap3A_1196 = tpu.vector_load %arg10[%swap3A_1194, %swap3A_1195] {strides = array<i32>} : memref<128x32xf32, #tpu.memory_space<vmem>>, vector<1x16xf32>,
    %swap3A_1197 = vector.shape_cast %swap3A_1196 : vector<1x16xf32> to vector<16xf32>
    %swap3A_1198 = vector.shape_cast %broadcast_in_dim3A_5 : vector<16xf32> to vector<1x16xf32>
    tpu.vector_store %arg10[%swap3A_1194, %swap3A_1195], %swap3A_1198 {strides = array<i32>} : memref<128x32xf32, #tpu.memory_space<vmem>>, vector<1x16xf32>,
    %swap3A_1199 = arith.constant 99 : i32
    %swap3A_1200 = arith.index_cast %swap3A_1199 : i32 to index
    %swap3A_1201 = arith.constant 16 : index
    %swap3A_1202 = tpu.vector_load %arg10[%swap3A_1200, %swap3A_1201] {strides = array<i32>} : memref<128x32xf32, #tpu.memory_space<vmem>>, vector<1x16xf32>,
    %swap3A_1203 = vector.shape_cast %swap3A_1202 : vector<1x16xf32> to vector<16xf32>
    %swap3A_1204 = vector.shape_cast %broadcast_in_dim3A_5 : vector<16xf32> to vector<1x16xf32>
    tpu.vector_store %arg10[%swap3A_1200, %swap3A_1201], %swap3A_1204 {strides = array<i32>} : memref<128x32xf32, #tpu.memory_space<vmem>>, vector<1x16xf32>,
    %swap3A_1205 = arith.constant 100 : i32
    %swap3A_1206 = arith.index_cast %swap3A_1205 : i32 to index
    %swap3A_1207 = arith.constant 0 : index
    %swap3A_1208 = tpu.vector_load %arg10[%swap3A_1206, %swap3A_1207] {strides = array<i32>} : memref<128x32xf32, #tpu.memory_space<vmem>>, vector<1x16xf32>,
    %swap3A_1209 = vector.shape_cast %swap3A_1208 : vector<1x16xf32> to vector<16xf32>
    %swap3A_1210 = vector.shape_cast %broadcast_in_dim3A_5 : vector<16xf32> to vector<1x16xf32>
    tpu.vector_store %arg10[%swap3A_1206, %swap3A_1207], %swap3A_1210 {strides = array<i32>} : memref<128x32xf32, #tpu.memory_space<vmem>>, vector<1x16xf32>,
    %swap3A_1211 = arith.constant 100 : i32
    %swap3A_1212 = arith.index_cast %swap3A_1211 : i32 to index
    %swap3A_1213 = arith.constant 16 : index
    %swap3A_1214 = tpu.vector_load %arg10[%swap3A_1212, %swap3A_1213] {strides = array<i32>} : memref<128x32xf32, #tpu.memory_space<vmem>>, vector<1x16xf32>,
    %swap3A_1215 = vector.shape_cast %swap3A_1214 : vector<1x16xf32> to vector<16xf32>
    %swap3A_1216 = vector.shape_cast %broadcast_in_dim3A_5 : vector<16xf32> to vector<1x16xf32>
    tpu.vector_store %arg10[%swap3A_1212, %swap3A_1213], %swap3A_1216 {strides = array<i32>} : memref<128x32xf32, #tpu.memory_space<vmem>>, vector<1x16xf32>,
    %swap3A_1217 = arith.constant 101 : i32
    %swap3A_1218 = arith.index_cast %swap3A_1217 : i32 to index
    %swap3A_1219 = arith.constant 0 : index
    %swap3A_1220 = tpu.vector_load %arg10[%swap3A_1218, %swap3A_1219] {strides = array<i32>} : memref<128x32xf32, #tpu.memory_space<vmem>>, vector<1x16xf32>,
    %swap3A_1221 = vector.shape_cast %swap3A_1220 : vector<1x16xf32> to vector<16xf32>
    %swap3A_1222 = vector.shape_cast %broadcast_in_dim3A_5 : vector<16xf32> to vector<1x16xf32>
    tpu.vector_store %arg10[%swap3A_1218, %swap3A_1219], %swap3A_1222 {strides = array<i32>} : memref<128x32xf32, #tpu.memory_space<vmem>>, vector<1x16xf32>,
    %swap3A_1223 = arith.constant 101 : i32
    %swap3A_1224 = arith.index_cast %swap3A_1223 : i32 to index
    %swap3A_1225 = arith.constant 16 : index
    %swap3A_1226 = tpu.vector_load %arg10[%swap3A_1224, %swap3A_1225] {strides = array<i32>} : memref<128x32xf32, #tpu.memory_space<vmem>>, vector<1x16xf32>,
    %swap3A_1227 = vector.shape_cast %swap3A_1226 : vector<1x16xf32> to vector<16xf32>
    %swap3A_1228 = vector.shape_cast %broadcast_in_dim3A_5 : vector<16xf32> to vector<1x16xf32>
    tpu.vector_store %arg10[%swap3A_1224, %swap3A_1225], %swap3A_1228 {strides = array<i32>} : memref<128x32xf32, #tpu.memory_space<vmem>>, vector<1x16xf32>,
    %swap3A_1229 = arith.constant 102 : i32
    %swap3A_1230 = arith.index_cast %swap3A_1229 : i32 to index
    %swap3A_1231 = arith.constant 0 : index
    %swap3A_1232 = tpu.vector_load %arg10[%swap3A_1230, %swap3A_1231] {strides = array<i32>} : memref<128x32xf32, #tpu.memory_space<vmem>>, vector<1x16xf32>,
    %swap3A_1233 = vector.shape_cast %swap3A_1232 : vector<1x16xf32> to vector<16xf32>
    %swap3A_1234 = vector.shape_cast %broadcast_in_dim3A_5 : vector<16xf32> to vector<1x16xf32>
    tpu.vector_store %arg10[%swap3A_1230, %swap3A_1231], %swap3A_1234 {strides = array<i32>} : memref<128x32xf32, #tpu.memory_space<vmem>>, vector<1x16xf32>,
    %swap3A_1235 = arith.constant 102 : i32
    %swap3A_1236 = arith.index_cast %swap3A_1235 : i32 to index
    %swap3A_1237 = arith.constant 16 : index
    %swap3A_1238 = tpu.vector_load %arg10[%swap3A_1236, %swap3A_1237] {strides = array<i32>} : memref<128x32xf32, #tpu.memory_space<vmem>>, vector<1x16xf32>,
    %swap3A_1239 = vector.shape_cast %swap3A_1238 : vector<1x16xf32> to vector<16xf32>
    %swap3A_1240 = vector.shape_cast %broadcast_in_dim3A_5 : vector<16xf32> to vector<1x16xf32>
    tpu.vector_store %arg10[%swap3A_1236, %swap3A_1237], %swap3A_1240 {strides = array<i32>} : memref<128x32xf32, #tpu.memory_space<vmem>>, vector<1x16xf32>,
    %swap3A_1241 = arith.constant 103 : i32
    %swap3A_1242 = arith.index_cast %swap3A_1241 : i32 to index
    %swap3A_1243 = arith.constant 0 : index
    %swap3A_1244 = tpu.vector_load %arg10[%swap3A_1242, %swap3A_1243] {strides = array<i32>} : memref<128x32xf32, #tpu.memory_space<vmem>>, vector<1x16xf32>,
    %swap3A_1245 = vector.shape_cast %swap3A_1244 : vector<1x16xf32> to vector<16xf32>
    %swap3A_1246 = vector.shape_cast %broadcast_in_dim3A_5 : vector<16xf32> to vector<1x16xf32>
    tpu.vector_store %arg10[%swap3A_1242, %swap3A_1243], %swap3A_1246 {strides = array<i32>} : memref<128x32xf32, #tpu.memory_space<vmem>>, vector<1x16xf32>,
    %swap3A_1247 = arith.constant 103 : i32
    %swap3A_1248 = arith.index_cast %swap3A_1247 : i32 to index
    %swap3A_1249 = arith.constant 16 : index
    %swap3A_1250 = tpu.vector_load %arg10[%swap3A_1248, %swap3A_1249] {strides = array<i32>} : memref<128x32xf32, #tpu.memory_space<vmem>>, vector<1x16xf32>,
    %swap3A_1251 = vector.shape_cast %swap3A_1250 : vector<1x16xf32> to vector<16xf32>
    %swap3A_1252 = vector.shape_cast %broadcast_in_dim3A_5 : vector<16xf32> to vector<1x16xf32>
    tpu.vector_store %arg10[%swap3A_1248, %swap3A_1249], %swap3A_1252 {strides = array<i32>} : memref<128x32xf32, #tpu.memory_space<vmem>>, vector<1x16xf32>,
    %swap3A_1253 = arith.constant 104 : i32
    %swap3A_1254 = arith.index_cast %swap3A_1253 : i32 to index
    %swap3A_1255 = arith.constant 0 : index
    %swap3A_1256 = tpu.vector_load %arg10[%swap3A_1254, %swap3A_1255] {strides = array<i32>} : memref<128x32xf32, #tpu.memory_space<vmem>>, vector<1x16xf32>,
    %swap3A_1257 = vector.shape_cast %swap3A_1256 : vector<1x16xf32> to vector<16xf32>
    %swap3A_1258 = vector.shape_cast %broadcast_in_dim3A_5 : vector<16xf32> to vector<1x16xf32>
    tpu.vector_store %arg10[%swap3A_1254, %swap3A_1255], %swap3A_1258 {strides = array<i32>} : memref<128x32xf32, #tpu.memory_space<vmem>>, vector<1x16xf32>,
    %swap3A_1259 = arith.constant 104 : i32
    %swap3A_1260 = arith.index_cast %swap3A_1259 : i32 to index
    %swap3A_1261 = arith.constant 16 : index
    %swap3A_1262 = tpu.vector_load %arg10[%swap3A_1260, %swap3A_1261] {strides = array<i32>} : memref<128x32xf32, #tpu.memory_space<vmem>>, vector<1x16xf32>,
    %swap3A_1263 = vector.shape_cast %swap3A_1262 : vector<1x16xf32> to vector<16xf32>
    %swap3A_1264 = vector.shape_cast %broadcast_in_dim3A_5 : vector<16xf32> to vector<1x16xf32>
    tpu.vector_store %arg10[%swap3A_1260, %swap3A_1261], %swap3A_1264 {strides = array<i32>} : memref<128x32xf32, #tpu.memory_space<vmem>>, vector<1x16xf32>,
    %swap3A_1265 = arith.constant 105 : i32
    %swap3A_1266 = arith.index_cast %swap3A_1265 : i32 to index
    %swap3A_1267 = arith.constant 0 : index
    %swap3A_1268 = tpu.vector_load %arg10[%swap3A_1266, %swap3A_1267] {strides = array<i32>} : memref<128x32xf32, #tpu.memory_space<vmem>>, vector<1x16xf32>,
    %swap3A_1269 = vector.shape_cast %swap3A_1268 : vector<1x16xf32> to vector<16xf32>
    %swap3A_1270 = vector.shape_cast %broadcast_in_dim3A_5 : vector<16xf32> to vector<1x16xf32>
    tpu.vector_store %arg10[%swap3A_1266, %swap3A_1267], %swap3A_1270 {strides = array<i32>} : memref<128x32xf32, #tpu.memory_space<vmem>>, vector<1x16xf32>,
    %swap3A_1271 = arith.constant 105 : i32
    %swap3A_1272 = arith.index_cast %swap3A_1271 : i32 to index
    %swap3A_1273 = arith.constant 16 : index
    %swap3A_1274 = tpu.vector_load %arg10[%swap3A_1272, %swap3A_1273] {strides = array<i32>} : memref<128x32xf32, #tpu.memory_space<vmem>>, vector<1x16xf32>,
    %swap3A_1275 = vector.shape_cast %swap3A_1274 : vector<1x16xf32> to vector<16xf32>
    %swap3A_1276 = vector.shape_cast %broadcast_in_dim3A_5 : vector<16xf32> to vector<1x16xf32>
    tpu.vector_store %arg10[%swap3A_1272, %swap3A_1273], %swap3A_1276 {strides = array<i32>} : memref<128x32xf32, #tpu.memory_space<vmem>>, vector<1x16xf32>,
    %swap3A_1277 = arith.constant 106 : i32
    %swap3A_1278 = arith.index_cast %swap3A_1277 : i32 to index
    %swap3A_1279 = arith.constant 0 : index
    %swap3A_1280 = tpu.vector_load %arg10[%swap3A_1278, %swap3A_1279] {strides = array<i32>} : memref<128x32xf32, #tpu.memory_space<vmem>>, vector<1x16xf32>,
    %swap3A_1281 = vector.shape_cast %swap3A_1280 : vector<1x16xf32> to vector<16xf32>
    %swap3A_1282 = vector.shape_cast %broadcast_in_dim3A_5 : vector<16xf32> to vector<1x16xf32>
    tpu.vector_store %arg10[%swap3A_1278, %swap3A_1279], %swap3A_1282 {strides = array<i32>} : memref<128x32xf32, #tpu.memory_space<vmem>>, vector<1x16xf32>,
    %swap3A_1283 = arith.constant 106 : i32
    %swap3A_1284 = arith.index_cast %swap3A_1283 : i32 to index
    %swap3A_1285 = arith.constant 16 : index
    %swap3A_1286 = tpu.vector_load %arg10[%swap3A_1284, %swap3A_1285] {strides = array<i32>} : memref<128x32xf32, #tpu.memory_space<vmem>>, vector<1x16xf32>,
    %swap3A_1287 = vector.shape_cast %swap3A_1286 : vector<1x16xf32> to vector<16xf32>
    %swap3A_1288 = vector.shape_cast %broadcast_in_dim3A_5 : vector<16xf32> to vector<1x16xf32>
    tpu.vector_store %arg10[%swap3A_1284, %swap3A_1285], %swap3A_1288 {strides = array<i32>} : memref<128x32xf32, #tpu.memory_space<vmem>>, vector<1x16xf32>,
    %swap3A_1289 = arith.constant 107 : i32
    %swap3A_1290 = arith.index_cast %swap3A_1289 : i32 to index
    %swap3A_1291 = arith.constant 0 : index
    %swap3A_1292 = tpu.vector_load %arg10[%swap3A_1290, %swap3A_1291] {strides = array<i32>} : memref<128x32xf32, #tpu.memory_space<vmem>>, vector<1x16xf32>,
    %swap3A_1293 = vector.shape_cast %swap3A_1292 : vector<1x16xf32> to vector<16xf32>
    %swap3A_1294 = vector.shape_cast %broadcast_in_dim3A_5 : vector<16xf32> to vector<1x16xf32>
    tpu.vector_store %arg10[%swap3A_1290, %swap3A_1291], %swap3A_1294 {strides = array<i32>} : memref<128x32xf32, #tpu.memory_space<vmem>>, vector<1x16xf32>,
    %swap3A_1295 = arith.constant 107 : i32
    %swap3A_1296 = arith.index_cast %swap3A_1295 : i32 to index
    %swap3A_1297 = arith.constant 16 : index
    %swap3A_1298 = tpu.vector_load %arg10[%swap3A_1296, %swap3A_1297] {strides = array<i32>} : memref<128x32xf32, #tpu.memory_space<vmem>>, vector<1x16xf32>,
    %swap3A_1299 = vector.shape_cast %swap3A_1298 : vector<1x16xf32> to vector<16xf32>
    %swap3A_1300 = vector.shape_cast %broadcast_in_dim3A_5 : vector<16xf32> to vector<1x16xf32>
    tpu.vector_store %arg10[%swap3A_1296, %swap3A_1297], %swap3A_1300 {strides = array<i32>} : memref<128x32xf32, #tpu.memory_space<vmem>>, vector<1x16xf32>,
    %swap3A_1301 = arith.constant 108 : i32
    %swap3A_1302 = arith.index_cast %swap3A_1301 : i32 to index
    %swap3A_1303 = arith.constant 0 : index
    %swap3A_1304 = tpu.vector_load %arg10[%swap3A_1302, %swap3A_1303] {strides = array<i32>} : memref<128x32xf32, #tpu.memory_space<vmem>>, vector<1x16xf32>,
    %swap3A_1305 = vector.shape_cast %swap3A_1304 : vector<1x16xf32> to vector<16xf32>
    %swap3A_1306 = vector.shape_cast %broadcast_in_dim3A_5 : vector<16xf32> to vector<1x16xf32>
    tpu.vector_store %arg10[%swap3A_1302, %swap3A_1303], %swap3A_1306 {strides = array<i32>} : memref<128x32xf32, #tpu.memory_space<vmem>>, vector<1x16xf32>,
    %swap3A_1307 = arith.constant 108 : i32
    %swap3A_1308 = arith.index_cast %swap3A_1307 : i32 to index
    %swap3A_1309 = arith.constant 16 : index
    %swap3A_1310 = tpu.vector_load %arg10[%swap3A_1308, %swap3A_1309] {strides = array<i32>} : memref<128x32xf32, #tpu.memory_space<vmem>>, vector<1x16xf32>,
    %swap3A_1311 = vector.shape_cast %swap3A_1310 : vector<1x16xf32> to vector<16xf32>
    %swap3A_1312 = vector.shape_cast %broadcast_in_dim3A_5 : vector<16xf32> to vector<1x16xf32>
    tpu.vector_store %arg10[%swap3A_1308, %swap3A_1309], %swap3A_1312 {strides = array<i32>} : memref<128x32xf32, #tpu.memory_space<vmem>>, vector<1x16xf32>,
    %swap3A_1313 = arith.constant 109 : i32
    %swap3A_1314 = arith.index_cast %swap3A_1313 : i32 to index
    %swap3A_1315 = arith.constant 0 : index
    %swap3A_1316 = tpu.vector_load %arg10[%swap3A_1314, %swap3A_1315] {strides = array<i32>} : memref<128x32xf32, #tpu.memory_space<vmem>>, vector<1x16xf32>,
    %swap3A_1317 = vector.shape_cast %swap3A_1316 : vector<1x16xf32> to vector<16xf32>
    %swap3A_1318 = vector.shape_cast %broadcast_in_dim3A_5 : vector<16xf32> to vector<1x16xf32>
    tpu.vector_store %arg10[%swap3A_1314, %swap3A_1315], %swap3A_1318 {strides = array<i32>} : memref<128x32xf32, #tpu.memory_space<vmem>>, vector<1x16xf32>,
    %swap3A_1319 = arith.constant 109 : i32
    %swap3A_1320 = arith.index_cast %swap3A_1319 : i32 to index
    %swap3A_1321 = arith.constant 16 : index
    %swap3A_1322 = tpu.vector_load %arg10[%swap3A_1320, %swap3A_1321] {strides = array<i32>} : memref<128x32xf32, #tpu.memory_space<vmem>>, vector<1x16xf32>,
    %swap3A_1323 = vector.shape_cast %swap3A_1322 : vector<1x16xf32> to vector<16xf32>
    %swap3A_1324 = vector.shape_cast %broadcast_in_dim3A_5 : vector<16xf32> to vector<1x16xf32>
    tpu.vector_store %arg10[%swap3A_1320, %swap3A_1321], %swap3A_1324 {strides = array<i32>} : memref<128x32xf32, #tpu.memory_space<vmem>>, vector<1x16xf32>,
    %swap3A_1325 = arith.constant 110 : i32
    %swap3A_1326 = arith.index_cast %swap3A_1325 : i32 to index
    %swap3A_1327 = arith.constant 0 : index
    %swap3A_1328 = tpu.vector_load %arg10[%swap3A_1326, %swap3A_1327] {strides = array<i32>} : memref<128x32xf32, #tpu.memory_space<vmem>>, vector<1x16xf32>,
    %swap3A_1329 = vector.shape_cast %swap3A_1328 : vector<1x16xf32> to vector<16xf32>
    %swap3A_1330 = vector.shape_cast %broadcast_in_dim3A_5 : vector<16xf32> to vector<1x16xf32>
    tpu.vector_store %arg10[%swap3A_1326, %swap3A_1327], %swap3A_1330 {strides = array<i32>} : memref<128x32xf32, #tpu.memory_space<vmem>>, vector<1x16xf32>,
    %swap3A_1331 = arith.constant 110 : i32
    %swap3A_1332 = arith.index_cast %swap3A_1331 : i32 to index
    %swap3A_1333 = arith.constant 16 : index
    %swap3A_1334 = tpu.vector_load %arg10[%swap3A_1332, %swap3A_1333] {strides = array<i32>} : memref<128x32xf32, #tpu.memory_space<vmem>>, vector<1x16xf32>,
    %swap3A_1335 = vector.shape_cast %swap3A_1334 : vector<1x16xf32> to vector<16xf32>
    %swap3A_1336 = vector.shape_cast %broadcast_in_dim3A_5 : vector<16xf32> to vector<1x16xf32>
    tpu.vector_store %arg10[%swap3A_1332, %swap3A_1333], %swap3A_1336 {strides = array<i32>} : memref<128x32xf32, #tpu.memory_space<vmem>>, vector<1x16xf32>,
    %swap3A_1337 = arith.constant 111 : i32
    %swap3A_1338 = arith.index_cast %swap3A_1337 : i32 to index
    %swap3A_1339 = arith.constant 0 : index
    %swap3A_1340 = tpu.vector_load %arg10[%swap3A_1338, %swap3A_1339] {strides = array<i32>} : memref<128x32xf32, #tpu.memory_space<vmem>>, vector<1x16xf32>,
    %swap3A_1341 = vector.shape_cast %swap3A_1340 : vector<1x16xf32> to vector<16xf32>
    %swap3A_1342 = vector.shape_cast %broadcast_in_dim3A_5 : vector<16xf32> to vector<1x16xf32>
    tpu.vector_store %arg10[%swap3A_1338, %swap3A_1339], %swap3A_1342 {strides = array<i32>} : memref<128x32xf32, #tpu.memory_space<vmem>>, vector<1x16xf32>,
    %swap3A_1343 = arith.constant 111 : i32
    %swap3A_1344 = arith.index_cast %swap3A_1343 : i32 to index
    %swap3A_1345 = arith.constant 16 : index
    %swap3A_1346 = tpu.vector_load %arg10[%swap3A_1344, %swap3A_1345] {strides = array<i32>} : memref<128x32xf32, #tpu.memory_space<vmem>>, vector<1x16xf32>,
    %swap3A_1347 = vector.shape_cast %swap3A_1346 : vector<1x16xf32> to vector<16xf32>
    %swap3A_1348 = vector.shape_cast %broadcast_in_dim3A_5 : vector<16xf32> to vector<1x16xf32>
    tpu.vector_store %arg10[%swap3A_1344, %swap3A_1345], %swap3A_1348 {strides = array<i32>} : memref<128x32xf32, #tpu.memory_space<vmem>>, vector<1x16xf32>,
    %swap3A_1349 = arith.constant 112 : i32
    %swap3A_1350 = arith.index_cast %swap3A_1349 : i32 to index
    %swap3A_1351 = arith.constant 0 : index
    %swap3A_1352 = tpu.vector_load %arg10[%swap3A_1350, %swap3A_1351] {strides = array<i32>} : memref<128x32xf32, #tpu.memory_space<vmem>>, vector<1x16xf32>,
    %swap3A_1353 = vector.shape_cast %swap3A_1352 : vector<1x16xf32> to vector<16xf32>
    %swap3A_1354 = vector.shape_cast %broadcast_in_dim3A_5 : vector<16xf32> to vector<1x16xf32>
    tpu.vector_store %arg10[%swap3A_1350, %swap3A_1351], %swap3A_1354 {strides = array<i32>} : memref<128x32xf32, #tpu.memory_space<vmem>>, vector<1x16xf32>,
    %swap3A_1355 = arith.constant 112 : i32
    %swap3A_1356 = arith.index_cast %swap3A_1355 : i32 to index
    %swap3A_1357 = arith.constant 16 : index
    %swap3A_1358 = tpu.vector_load %arg10[%swap3A_1356, %swap3A_1357] {strides = array<i32>} : memref<128x32xf32, #tpu.memory_space<vmem>>, vector<1x16xf32>,
    %swap3A_1359 = vector.shape_cast %swap3A_1358 : vector<1x16xf32> to vector<16xf32>
    %swap3A_1360 = vector.shape_cast %broadcast_in_dim3A_5 : vector<16xf32> to vector<1x16xf32>
    tpu.vector_store %arg10[%swap3A_1356, %swap3A_1357], %swap3A_1360 {strides = array<i32>} : memref<128x32xf32, #tpu.memory_space<vmem>>, vector<1x16xf32>,
    %swap3A_1361 = arith.constant 113 : i32
    %swap3A_1362 = arith.index_cast %swap3A_1361 : i32 to index
    %swap3A_1363 = arith.constant 0 : index
    %swap3A_1364 = tpu.vector_load %arg10[%swap3A_1362, %swap3A_1363] {strides = array<i32>} : memref<128x32xf32, #tpu.memory_space<vmem>>, vector<1x16xf32>,
    %swap3A_1365 = vector.shape_cast %swap3A_1364 : vector<1x16xf32> to vector<16xf32>
    %swap3A_1366 = vector.shape_cast %broadcast_in_dim3A_5 : vector<16xf32> to vector<1x16xf32>
    tpu.vector_store %arg10[%swap3A_1362, %swap3A_1363], %swap3A_1366 {strides = array<i32>} : memref<128x32xf32, #tpu.memory_space<vmem>>, vector<1x16xf32>,
    %swap3A_1367 = arith.constant 113 : i32
    %swap3A_1368 = arith.index_cast %swap3A_1367 : i32 to index
    %swap3A_1369 = arith.constant 16 : index
    %swap3A_1370 = tpu.vector_load %arg10[%swap3A_1368, %swap3A_1369] {strides = array<i32>} : memref<128x32xf32, #tpu.memory_space<vmem>>, vector<1x16xf32>,
    %swap3A_1371 = vector.shape_cast %swap3A_1370 : vector<1x16xf32> to vector<16xf32>
    %swap3A_1372 = vector.shape_cast %broadcast_in_dim3A_5 : vector<16xf32> to vector<1x16xf32>
    tpu.vector_store %arg10[%swap3A_1368, %swap3A_1369], %swap3A_1372 {strides = array<i32>} : memref<128x32xf32, #tpu.memory_space<vmem>>, vector<1x16xf32>,
    %swap3A_1373 = arith.constant 114 : i32
    %swap3A_1374 = arith.index_cast %swap3A_1373 : i32 to index
    %swap3A_1375 = arith.constant 0 : index
    %swap3A_1376 = tpu.vector_load %arg10[%swap3A_1374, %swap3A_1375] {strides = array<i32>} : memref<128x32xf32, #tpu.memory_space<vmem>>, vector<1x16xf32>,
    %swap3A_1377 = vector.shape_cast %swap3A_1376 : vector<1x16xf32> to vector<16xf32>
    %swap3A_1378 = vector.shape_cast %broadcast_in_dim3A_5 : vector<16xf32> to vector<1x16xf32>
    tpu.vector_store %arg10[%swap3A_1374, %swap3A_1375], %swap3A_1378 {strides = array<i32>} : memref<128x32xf32, #tpu.memory_space<vmem>>, vector<1x16xf32>,
    %swap3A_1379 = arith.constant 114 : i32
    %swap3A_1380 = arith.index_cast %swap3A_1379 : i32 to index
    %swap3A_1381 = arith.constant 16 : index
    %swap3A_1382 = tpu.vector_load %arg10[%swap3A_1380, %swap3A_1381] {strides = array<i32>} : memref<128x32xf32, #tpu.memory_space<vmem>>, vector<1x16xf32>,
    %swap3A_1383 = vector.shape_cast %swap3A_1382 : vector<1x16xf32> to vector<16xf32>
    %swap3A_1384 = vector.shape_cast %broadcast_in_dim3A_5 : vector<16xf32> to vector<1x16xf32>
    tpu.vector_store %arg10[%swap3A_1380, %swap3A_1381], %swap3A_1384 {strides = array<i32>} : memref<128x32xf32, #tpu.memory_space<vmem>>, vector<1x16xf32>,
    %swap3A_1385 = arith.constant 115 : i32
    %swap3A_1386 = arith.index_cast %swap3A_1385 : i32 to index
    %swap3A_1387 = arith.constant 0 : index
    %swap3A_1388 = tpu.vector_load %arg10[%swap3A_1386, %swap3A_1387] {strides = array<i32>} : memref<128x32xf32, #tpu.memory_space<vmem>>, vector<1x16xf32>,
    %swap3A_1389 = vector.shape_cast %swap3A_1388 : vector<1x16xf32> to vector<16xf32>
    %swap3A_1390 = vector.shape_cast %broadcast_in_dim3A_5 : vector<16xf32> to vector<1x16xf32>
    tpu.vector_store %arg10[%swap3A_1386, %swap3A_1387], %swap3A_1390 {strides = array<i32>} : memref<128x32xf32, #tpu.memory_space<vmem>>, vector<1x16xf32>,
    %swap3A_1391 = arith.constant 115 : i32
    %swap3A_1392 = arith.index_cast %swap3A_1391 : i32 to index
    %swap3A_1393 = arith.constant 16 : index
    %swap3A_1394 = tpu.vector_load %arg10[%swap3A_1392, %swap3A_1393] {strides = array<i32>} : memref<128x32xf32, #tpu.memory_space<vmem>>, vector<1x16xf32>,
    %swap3A_1395 = vector.shape_cast %swap3A_1394 : vector<1x16xf32> to vector<16xf32>
    %swap3A_1396 = vector.shape_cast %broadcast_in_dim3A_5 : vector<16xf32> to vector<1x16xf32>
    tpu.vector_store %arg10[%swap3A_1392, %swap3A_1393], %swap3A_1396 {strides = array<i32>} : memref<128x32xf32, #tpu.memory_space<vmem>>, vector<1x16xf32>,
    %swap3A_1397 = arith.constant 116 : i32
    %swap3A_1398 = arith.index_cast %swap3A_1397 : i32 to index
    %swap3A_1399 = arith.constant 0 : index
    %swap3A_1400 = tpu.vector_load %arg10[%swap3A_1398, %swap3A_1399] {strides = array<i32>} : memref<128x32xf32, #tpu.memory_space<vmem>>, vector<1x16xf32>,
    %swap3A_1401 = vector.shape_cast %swap3A_1400 : vector<1x16xf32> to vector<16xf32>
    %swap3A_1402 = vector.shape_cast %broadcast_in_dim3A_5 : vector<16xf32> to vector<1x16xf32>
    tpu.vector_store %arg10[%swap3A_1398, %swap3A_1399], %swap3A_1402 {strides = array<i32>} : memref<128x32xf32, #tpu.memory_space<vmem>>, vector<1x16xf32>,
    %swap3A_1403 = arith.constant 116 : i32
    %swap3A_1404 = arith.index_cast %swap3A_1403 : i32 to index
    %swap3A_1405 = arith.constant 16 : index
    %swap3A_1406 = tpu.vector_load %arg10[%swap3A_1404, %swap3A_1405] {strides = array<i32>} : memref<128x32xf32, #tpu.memory_space<vmem>>, vector<1x16xf32>,
    %swap3A_1407 = vector.shape_cast %swap3A_1406 : vector<1x16xf32> to vector<16xf32>
    %swap3A_1408 = vector.shape_cast %broadcast_in_dim3A_5 : vector<16xf32> to vector<1x16xf32>
    tpu.vector_store %arg10[%swap3A_1404, %swap3A_1405], %swap3A_1408 {strides = array<i32>} : memref<128x32xf32, #tpu.memory_space<vmem>>, vector<1x16xf32>,
    %swap3A_1409 = arith.constant 117 : i32
    %swap3A_1410 = arith.index_cast %swap3A_1409 : i32 to index
    %swap3A_1411 = arith.constant 0 : index
    %swap3A_1412 = tpu.vector_load %arg10[%swap3A_1410, %swap3A_1411] {strides = array<i32>} : memref<128x32xf32, #tpu.memory_space<vmem>>, vector<1x16xf32>,
    %swap3A_1413 = vector.shape_cast %swap3A_1412 : vector<1x16xf32> to vector<16xf32>
    %swap3A_1414 = vector.shape_cast %broadcast_in_dim3A_5 : vector<16xf32> to vector<1x16xf32>
    tpu.vector_store %arg10[%swap3A_1410, %swap3A_1411], %swap3A_1414 {strides = array<i32>} : memref<128x32xf32, #tpu.memory_space<vmem>>, vector<1x16xf32>,
    %swap3A_1415 = arith.constant 117 : i32
    %swap3A_1416 = arith.index_cast %swap3A_1415 : i32 to index
    %swap3A_1417 = arith.constant 16 : index
    %swap3A_1418 = tpu.vector_load %arg10[%swap3A_1416, %swap3A_1417] {strides = array<i32>} : memref<128x32xf32, #tpu.memory_space<vmem>>, vector<1x16xf32>,
    %swap3A_1419 = vector.shape_cast %swap3A_1418 : vector<1x16xf32> to vector<16xf32>
    %swap3A_1420 = vector.shape_cast %broadcast_in_dim3A_5 : vector<16xf32> to vector<1x16xf32>
    tpu.vector_store %arg10[%swap3A_1416, %swap3A_1417], %swap3A_1420 {strides = array<i32>} : memref<128x32xf32, #tpu.memory_space<vmem>>, vector<1x16xf32>,
    %swap3A_1421 = arith.constant 118 : i32
    %swap3A_1422 = arith.index_cast %swap3A_1421 : i32 to index
    %swap3A_1423 = arith.constant 0 : index
    %swap3A_1424 = tpu.vector_load %arg10[%swap3A_1422, %swap3A_1423] {strides = array<i32>} : memref<128x32xf32, #tpu.memory_space<vmem>>, vector<1x16xf32>,
    %swap3A_1425 = vector.shape_cast %swap3A_1424 : vector<1x16xf32> to vector<16xf32>
    %swap3A_1426 = vector.shape_cast %broadcast_in_dim3A_5 : vector<16xf32> to vector<1x16xf32>
    tpu.vector_store %arg10[%swap3A_1422, %swap3A_1423], %swap3A_1426 {strides = array<i32>} : memref<128x32xf32, #tpu.memory_space<vmem>>, vector<1x16xf32>,
    %swap3A_1427 = arith.constant 118 : i32
    %swap3A_1428 = arith.index_cast %swap3A_1427 : i32 to index
    %swap3A_1429 = arith.constant 16 : index
    %swap3A_1430 = tpu.vector_load %arg10[%swap3A_1428, %swap3A_1429] {strides = array<i32>} : memref<128x32xf32, #tpu.memory_space<vmem>>, vector<1x16xf32>,
    %swap3A_1431 = vector.shape_cast %swap3A_1430 : vector<1x16xf32> to vector<16xf32>
    %swap3A_1432 = vector.shape_cast %broadcast_in_dim3A_5 : vector<16xf32> to vector<1x16xf32>
    tpu.vector_store %arg10[%swap3A_1428, %swap3A_1429], %swap3A_1432 {strides = array<i32>} : memref<128x32xf32, #tpu.memory_space<vmem>>, vector<1x16xf32>,
    %swap3A_1433 = arith.constant 119 : i32
    %swap3A_1434 = arith.index_cast %swap3A_1433 : i32 to index
    %swap3A_1435 = arith.constant 0 : index
    %swap3A_1436 = tpu.vector_load %arg10[%swap3A_1434, %swap3A_1435] {strides = array<i32>} : memref<128x32xf32, #tpu.memory_space<vmem>>, vector<1x16xf32>,
    %swap3A_1437 = vector.shape_cast %swap3A_1436 : vector<1x16xf32> to vector<16xf32>
    %swap3A_1438 = vector.shape_cast %broadcast_in_dim3A_5 : vector<16xf32> to vector<1x16xf32>
    tpu.vector_store %arg10[%swap3A_1434, %swap3A_1435], %swap3A_1438 {strides = array<i32>} : memref<128x32xf32, #tpu.memory_space<vmem>>, vector<1x16xf32>,
    %swap3A_1439 = arith.constant 119 : i32
    %swap3A_1440 = arith.index_cast %swap3A_1439 : i32 to index
    %swap3A_1441 = arith.constant 16 : index
    %swap3A_1442 = tpu.vector_load %arg10[%swap3A_1440, %swap3A_1441] {strides = array<i32>} : memref<128x32xf32, #tpu.memory_space<vmem>>, vector<1x16xf32>,
    %swap3A_1443 = vector.shape_cast %swap3A_1442 : vector<1x16xf32> to vector<16xf32>
    %swap3A_1444 = vector.shape_cast %broadcast_in_dim3A_5 : vector<16xf32> to vector<1x16xf32>
    tpu.vector_store %arg10[%swap3A_1440, %swap3A_1441], %swap3A_1444 {strides = array<i32>} : memref<128x32xf32, #tpu.memory_space<vmem>>, vector<1x16xf32>,
    %swap3A_1445 = arith.constant 120 : i32
    %swap3A_1446 = arith.index_cast %swap3A_1445 : i32 to index
    %swap3A_1447 = arith.constant 0 : index
    %swap3A_1448 = tpu.vector_load %arg10[%swap3A_1446, %swap3A_1447] {strides = array<i32>} : memref<128x32xf32, #tpu.memory_space<vmem>>, vector<1x16xf32>,
    %swap3A_1449 = vector.shape_cast %swap3A_1448 : vector<1x16xf32> to vector<16xf32>
    %swap3A_1450 = vector.shape_cast %broadcast_in_dim3A_5 : vector<16xf32> to vector<1x16xf32>
    tpu.vector_store %arg10[%swap3A_1446, %swap3A_1447], %swap3A_1450 {strides = array<i32>} : memref<128x32xf32, #tpu.memory_space<vmem>>, vector<1x16xf32>,
    %swap3A_1451 = arith.constant 120 : i32
    %swap3A_1452 = arith.index_cast %swap3A_1451 : i32 to index
    %swap3A_1453 = arith.constant 16 : index
    %swap3A_1454 = tpu.vector_load %arg10[%swap3A_1452, %swap3A_1453] {strides = array<i32>} : memref<128x32xf32, #tpu.memory_space<vmem>>, vector<1x16xf32>,
    %swap3A_1455 = vector.shape_cast %swap3A_1454 : vector<1x16xf32> to vector<16xf32>
    %swap3A_1456 = vector.shape_cast %broadcast_in_dim3A_5 : vector<16xf32> to vector<1x16xf32>
    tpu.vector_store %arg10[%swap3A_1452, %swap3A_1453], %swap3A_1456 {strides = array<i32>} : memref<128x32xf32, #tpu.memory_space<vmem>>, vector<1x16xf32>,
    %swap3A_1457 = arith.constant 121 : i32
    %swap3A_1458 = arith.index_cast %swap3A_1457 : i32 to index
    %swap3A_1459 = arith.constant 0 : index
    %swap3A_1460 = tpu.vector_load %arg10[%swap3A_1458, %swap3A_1459] {strides = array<i32>} : memref<128x32xf32, #tpu.memory_space<vmem>>, vector<1x16xf32>,
    %swap3A_1461 = vector.shape_cast %swap3A_1460 : vector<1x16xf32> to vector<16xf32>
    %swap3A_1462 = vector.shape_cast %broadcast_in_dim3A_5 : vector<16xf32> to vector<1x16xf32>
    tpu.vector_store %arg10[%swap3A_1458, %swap3A_1459], %swap3A_1462 {strides = array<i32>} : memref<128x32xf32, #tpu.memory_space<vmem>>, vector<1x16xf32>,
    %swap3A_1463 = arith.constant 121 : i32
    %swap3A_1464 = arith.index_cast %swap3A_1463 : i32 to index
    %swap3A_1465 = arith.constant 16 : index
    %swap3A_1466 = tpu.vector_load %arg10[%swap3A_1464, %swap3A_1465] {strides = array<i32>} : memref<128x32xf32, #tpu.memory_space<vmem>>, vector<1x16xf32>,
    %swap3A_1467 = vector.shape_cast %swap3A_1466 : vector<1x16xf32> to vector<16xf32>
    %swap3A_1468 = vector.shape_cast %broadcast_in_dim3A_5 : vector<16xf32> to vector<1x16xf32>
    tpu.vector_store %arg10[%swap3A_1464, %swap3A_1465], %swap3A_1468 {strides = array<i32>} : memref<128x32xf32, #tpu.memory_space<vmem>>, vector<1x16xf32>,
    %swap3A_1469 = arith.constant 122 : i32
    %swap3A_1470 = arith.index_cast %swap3A_1469 : i32 to index
    %swap3A_1471 = arith.constant 0 : index
    %swap3A_1472 = tpu.vector_load %arg10[%swap3A_1470, %swap3A_1471] {strides = array<i32>} : memref<128x32xf32, #tpu.memory_space<vmem>>, vector<1x16xf32>,
    %swap3A_1473 = vector.shape_cast %swap3A_1472 : vector<1x16xf32> to vector<16xf32>
    %swap3A_1474 = vector.shape_cast %broadcast_in_dim3A_5 : vector<16xf32> to vector<1x16xf32>
    tpu.vector_store %arg10[%swap3A_1470, %swap3A_1471], %swap3A_1474 {strides = array<i32>} : memref<128x32xf32, #tpu.memory_space<vmem>>, vector<1x16xf32>,
    %swap3A_1475 = arith.constant 122 : i32
    %swap3A_1476 = arith.index_cast %swap3A_1475 : i32 to index
    %swap3A_1477 = arith.constant 16 : index
    %swap3A_1478 = tpu.vector_load %arg10[%swap3A_1476, %swap3A_1477] {strides = array<i32>} : memref<128x32xf32, #tpu.memory_space<vmem>>, vector<1x16xf32>,
    %swap3A_1479 = vector.shape_cast %swap3A_1478 : vector<1x16xf32> to vector<16xf32>
    %swap3A_1480 = vector.shape_cast %broadcast_in_dim3A_5 : vector<16xf32> to vector<1x16xf32>
    tpu.vector_store %arg10[%swap3A_1476, %swap3A_1477], %swap3A_1480 {strides = array<i32>} : memref<128x32xf32, #tpu.memory_space<vmem>>, vector<1x16xf32>,
    %swap3A_1481 = arith.constant 123 : i32
    %swap3A_1482 = arith.index_cast %swap3A_1481 : i32 to index
    %swap3A_1483 = arith.constant 0 : index
    %swap3A_1484 = tpu.vector_load %arg10[%swap3A_1482, %swap3A_1483] {strides = array<i32>} : memref<128x32xf32, #tpu.memory_space<vmem>>, vector<1x16xf32>,
    %swap3A_1485 = vector.shape_cast %swap3A_1484 : vector<1x16xf32> to vector<16xf32>
    %swap3A_1486 = vector.shape_cast %broadcast_in_dim3A_5 : vector<16xf32> to vector<1x16xf32>
    tpu.vector_store %arg10[%swap3A_1482, %swap3A_1483], %swap3A_1486 {strides = array<i32>} : memref<128x32xf32, #tpu.memory_space<vmem>>, vector<1x16xf32>,
    %swap3A_1487 = arith.constant 123 : i32
    %swap3A_1488 = arith.index_cast %swap3A_1487 : i32 to index
    %swap3A_1489 = arith.constant 16 : index
    %swap3A_1490 = tpu.vector_load %arg10[%swap3A_1488, %swap3A_1489] {strides = array<i32>} : memref<128x32xf32, #tpu.memory_space<vmem>>, vector<1x16xf32>,
    %swap3A_1491 = vector.shape_cast %swap3A_1490 : vector<1x16xf32> to vector<16xf32>
    %swap3A_1492 = vector.shape_cast %broadcast_in_dim3A_5 : vector<16xf32> to vector<1x16xf32>
    tpu.vector_store %arg10[%swap3A_1488, %swap3A_1489], %swap3A_1492 {strides = array<i32>} : memref<128x32xf32, #tpu.memory_space<vmem>>, vector<1x16xf32>,
    %swap3A_1493 = arith.constant 124 : i32
    %swap3A_1494 = arith.index_cast %swap3A_1493 : i32 to index
    %swap3A_1495 = arith.constant 0 : index
    %swap3A_1496 = tpu.vector_load %arg10[%swap3A_1494, %swap3A_1495] {strides = array<i32>} : memref<128x32xf32, #tpu.memory_space<vmem>>, vector<1x16xf32>,
    %swap3A_1497 = vector.shape_cast %swap3A_1496 : vector<1x16xf32> to vector<16xf32>
    %swap3A_1498 = vector.shape_cast %broadcast_in_dim3A_5 : vector<16xf32> to vector<1x16xf32>
    tpu.vector_store %arg10[%swap3A_1494, %swap3A_1495], %swap3A_1498 {strides = array<i32>} : memref<128x32xf32, #tpu.memory_space<vmem>>, vector<1x16xf32>,
    %swap3A_1499 = arith.constant 124 : i32
    %swap3A_1500 = arith.index_cast %swap3A_1499 : i32 to index
    %swap3A_1501 = arith.constant 16 : index
    %swap3A_1502 = tpu.vector_load %arg10[%swap3A_1500, %swap3A_1501] {strides = array<i32>} : memref<128x32xf32, #tpu.memory_space<vmem>>, vector<1x16xf32>,
    %swap3A_1503 = vector.shape_cast %swap3A_1502 : vector<1x16xf32> to vector<16xf32>
    %swap3A_1504 = vector.shape_cast %broadcast_in_dim3A_5 : vector<16xf32> to vector<1x16xf32>
    tpu.vector_store %arg10[%swap3A_1500, %swap3A_1501], %swap3A_1504 {strides = array<i32>} : memref<128x32xf32, #tpu.memory_space<vmem>>, vector<1x16xf32>,
    %swap3A_1505 = arith.constant 125 : i32
    %swap3A_1506 = arith.index_cast %swap3A_1505 : i32 to index
    %swap3A_1507 = arith.constant 0 : index
    %swap3A_1508 = tpu.vector_load %arg10[%swap3A_1506, %swap3A_1507] {strides = array<i32>} : memref<128x32xf32, #tpu.memory_space<vmem>>, vector<1x16xf32>,
    %swap3A_1509 = vector.shape_cast %swap3A_1508 : vector<1x16xf32> to vector<16xf32>
    %swap3A_1510 = vector.shape_cast %broadcast_in_dim3A_5 : vector<16xf32> to vector<1x16xf32>
    tpu.vector_store %arg10[%swap3A_1506, %swap3A_1507], %swap3A_1510 {strides = array<i32>} : memref<128x32xf32, #tpu.memory_space<vmem>>, vector<1x16xf32>,
    %swap3A_1511 = arith.constant 125 : i32
    %swap3A_1512 = arith.index_cast %swap3A_1511 : i32 to index
    %swap3A_1513 = arith.constant 16 : index
    %swap3A_1514 = tpu.vector_load %arg10[%swap3A_1512, %swap3A_1513] {strides = array<i32>} : memref<128x32xf32, #tpu.memory_space<vmem>>, vector<1x16xf32>,
    %swap3A_1515 = vector.shape_cast %swap3A_1514 : vector<1x16xf32> to vector<16xf32>
    %swap3A_1516 = vector.shape_cast %broadcast_in_dim3A_5 : vector<16xf32> to vector<1x16xf32>
    tpu.vector_store %arg10[%swap3A_1512, %swap3A_1513], %swap3A_1516 {strides = array<i32>} : memref<128x32xf32, #tpu.memory_space<vmem>>, vector<1x16xf32>,
    %swap3A_1517 = arith.constant 126 : i32
    %swap3A_1518 = arith.index_cast %swap3A_1517 : i32 to index
    %swap3A_1519 = arith.constant 0 : index
    %swap3A_1520 = tpu.vector_load %arg10[%swap3A_1518, %swap3A_1519] {strides = array<i32>} : memref<128x32xf32, #tpu.memory_space<vmem>>, vector<1x16xf32>,
    %swap3A_1521 = vector.shape_cast %swap3A_1520 : vector<1x16xf32> to vector<16xf32>
    %swap3A_1522 = vector.shape_cast %broadcast_in_dim3A_5 : vector<16xf32> to vector<1x16xf32>
    tpu.vector_store %arg10[%swap3A_1518, %swap3A_1519], %swap3A_1522 {strides = array<i32>} : memref<128x32xf32, #tpu.memory_space<vmem>>, vector<1x16xf32>,
    %swap3A_1523 = arith.constant 126 : i32
    %swap3A_1524 = arith.index_cast %swap3A_1523 : i32 to index
    %swap3A_1525 = arith.constant 16 : index
    %swap3A_1526 = tpu.vector_load %arg10[%swap3A_1524, %swap3A_1525] {strides = array<i32>} : memref<128x32xf32, #tpu.memory_space<vmem>>, vector<1x16xf32>,
    %swap3A_1527 = vector.shape_cast %swap3A_1526 : vector<1x16xf32> to vector<16xf32>
    %swap3A_1528 = vector.shape_cast %broadcast_in_dim3A_5 : vector<16xf32> to vector<1x16xf32>
    tpu.vector_store %arg10[%swap3A_1524, %swap3A_1525], %swap3A_1528 {strides = array<i32>} : memref<128x32xf32, #tpu.memory_space<vmem>>, vector<1x16xf32>,
    %swap3A_1529 = arith.constant 127 : i32
    %swap3A_1530 = arith.index_cast %swap3A_1529 : i32 to index
    %swap3A_1531 = arith.constant 0 : index
    %swap3A_1532 = tpu.vector_load %arg10[%swap3A_1530, %swap3A_1531] {strides = array<i32>} : memref<128x32xf32, #tpu.memory_space<vmem>>, vector<1x16xf32>,
    %swap3A_1533 = vector.shape_cast %swap3A_1532 : vector<1x16xf32> to vector<16xf32>
    %swap3A_1534 = vector.shape_cast %broadcast_in_dim3A_5 : vector<16xf32> to vector<1x16xf32>
    tpu.vector_store %arg10[%swap3A_1530, %swap3A_1531], %swap3A_1534 {strides = array<i32>} : memref<128x32xf32, #tpu.memory_space<vmem>>, vector<1x16xf32>,
    %swap3A_1535 = arith.constant 127 : i32
    %swap3A_1536 = arith.index_cast %swap3A_1535 : i32 to index
    %swap3A_1537 = arith.constant 16 : index
    %swap3A_1538 = tpu.vector_load %arg10[%swap3A_1536, %swap3A_1537] {strides = array<i32>} : memref<128x32xf32, #tpu.memory_space<vmem>>, vector<1x16xf32>,
    %swap3A_1539 = vector.shape_cast %swap3A_1538 : vector<1x16xf32> to vector<16xf32>
    %swap3A_1540 = vector.shape_cast %broadcast_in_dim3A_5 : vector<16xf32> to vector<1x16xf32>
    tpu.vector_store %arg10[%swap3A_1536, %swap3A_1537], %swap3A_1540 {strides = array<i32>} : memref<128x32xf32, #tpu.memory_space<vmem>>, vector<1x16xf32>,
    %scan3A = arith.constant 0 : i32
    %scan3A_1541 = arith.constant 8 : i32
    %scan3A_1542 = arith.addi %scan3A, %scan3A_1541 : i32
    %scan3A_1543 = arith.constant 1 : i32
    scf.for %scan3A_1570 = %scan3A to %scan3A_1542 step %scan3A_1543  : i32 {
      %mul3A_1571 = arith.constant 1 : i32
      %mul3A_1572 = arith.muli %scan3A_1570, %mul3A_1571 : i32
      %add3A_1573 = arith.constant 0 : i32
      %add3A_1574 = arith.addi %add3A_1573, %mul3A_1572 : i32
      %mul3A_1575 = arith.constant 128 : i32
      %mul3A_1576 = arith.muli %add3A_1574, %mul3A_1575 : i32
      %add3A_1577 = arith.addi %mul3A_0, %mul3A_1576 : i32
      "tpu.region"() ({
        %run_scoped3A = tpu.sem_alloc : memref<!tpu.dma_semaphore, #tpu.memory_space<semaphore_mem>>
        %dma_start3A = arith.constant 0 : i32
        %dma_start3A_1578 = tpu.memref_slice %arg13[%add3A_1577, %dma_start3A] : memref<16384x32xf32, #tpu.memory_space<vmem_shared>> -> memref<128x32xf32, #tpu.memory_space<vmem_shared>>
        %dma_start3A_1579 = arith.constant 0 : i32
        %dma_start3A_1580 = tpu.memref_slice %arg13[%add3A_1577, %dma_start3A_1579] : memref<16384x32xf32, #tpu.memory_space<vmem_shared>> -> memref<128x32xf32, #tpu.memory_space<vmem_shared>>
        tpu.enqueue_dma source(%arg10 : memref<128x32xf32, #tpu.memory_space<vmem>>) target(%dma_start3A_1580 : memref<128x32xf32, #tpu.memory_space<vmem_shared>>) target_semaphore(%run_scoped3A : memref<!tpu.dma_semaphore, #tpu.memory_space<semaphore_mem>>)
        %dma_wait3A = arith.constant 0 : i32
        %dma_wait3A_1581 = tpu.memref_slice %arg13[%add3A_1577, %dma_wait3A] : memref<16384x32xf32, #tpu.memory_space<vmem_shared>> -> memref<128x32xf32, #tpu.memory_space<vmem_shared>>
        %dma_wait3A_1582 = arith.constant 0 : i32
        %dma_wait3A_1583 = tpu.memref_slice %arg13[%add3A_1577, %dma_wait3A_1582] : memref<16384x32xf32, #tpu.memory_space<vmem_shared>> -> memref<128x32xf32, #tpu.memory_space<vmem_shared>>
        tpu.wait_dma2 semaphore(%run_scoped3A : memref<!tpu.dma_semaphore, #tpu.memory_space<semaphore_mem>>) src(%arg10 : memref<128x32xf32, #tpu.memory_space<vmem>>) dst(%dma_wait3A_1583 : memref<128x32xf32, #tpu.memory_space<vmem_shared>>)
        tpu.yield
      }) : () -> ()
    }
    %scan3A_1544 = arith.constant 8 : i32
    %barrier3A = arith.constant 0 : index
    tpu.barrier barrier_id(%barrier3A)
    %scan3A_1545 = arith.constant 0 : i32
    %scan3A_1546 = arith.constant 8 : i32
    %scan3A_1547 = arith.addi %scan3A_1545, %scan3A_1546 : i32
    %scan3A_1548 = arith.constant 1 : i32
    scf.for %scan3A_1570 = %scan3A_1545 to %scan3A_1547 step %scan3A_1548  : i32 {
      %mul3A_1571 = arith.constant 1 : i32
      %mul3A_1572 = arith.muli %scan3A_1570, %mul3A_1571 : i32
      %add3A_1573 = arith.constant 0 : i32
      %add3A_1574 = arith.addi %add3A_1573, %mul3A_1572 : i32
      %mul3A_1575 = arith.constant 128 : i32
      %mul3A_1576 = arith.muli %add3A_1574, %mul3A_1575 : i32
      "tpu.region"() ({
        %run_scoped3A = tpu.sem_alloc : memref<!tpu.dma_semaphore, #tpu.memory_space<semaphore_mem>>
        %dma_start3A = arith.constant 0 : i32
        %dma_start3A_1577 = tpu.memref_slice %arg9[%mul3A_1576, %dma_start3A] : memref<1024x32xf32, #tpu.memory_space<vmem>> -> memref<128x32xf32, #tpu.memory_space<vmem>>
        %dma_start3A_1578 = arith.constant 0 : i32
        %dma_start3A_1579 = tpu.memref_slice %arg8[%add3A_1574, %dma_start3A_1578] : memref<8x128xi32, #tpu.memory_space<vmem>> -> memref<1x128xi32, #tpu.memory_space<vmem>>
        %dma_start3A_1580 = tpu.memref_squeeze %dma_start3A_1579 : memref<1x128xi32, #tpu.memory_space<vmem>> -> memref<128xi32, #tpu.memory_space<vmem>>
        %dma_start3A_1581 = arith.constant 0 : i32
        %dma_start3A_1582 = arith.constant 0 : i32
        %dma_start3A_1583 = tpu.memref_slice %arg13[%dma_start3A_1581, %dma_start3A_1582] : memref<16384x32xf32, #tpu.memory_space<vmem_shared>> -> memref<16384x32xf32, #tpu.memory_space<vmem_shared>>
        tpu.enqueue_indirect_dma source(%dma_start3A_1577 : memref<128x32xf32, #tpu.memory_space<vmem>>) target(%dma_start3A_1583 : memref<16384x32xf32, #tpu.memory_space<vmem_shared>>) offsets(%dma_start3A_1580 : memref<128xi32, #tpu.memory_space<vmem>>) semaphore(%run_scoped3A : memref<!tpu.dma_semaphore, #tpu.memory_space<semaphore_mem>>) {add = true}
        %dma_wait3A = arith.constant 0 : i32
        %dma_wait3A_1584 = tpu.memref_slice %arg9[%mul3A_1576, %dma_wait3A] : memref<1024x32xf32, #tpu.memory_space<vmem>> -> memref<128x32xf32, #tpu.memory_space<vmem>>
        %dma_wait3A_1585 = arith.constant 0 : i32
        %dma_wait3A_1586 = tpu.memref_slice %arg8[%add3A_1574, %dma_wait3A_1585] : memref<8x128xi32, #tpu.memory_space<vmem>> -> memref<1x128xi32, #tpu.memory_space<vmem>>
        %dma_wait3A_1587 = tpu.memref_squeeze %dma_wait3A_1586 : memref<1x128xi32, #tpu.memory_space<vmem>> -> memref<128xi32, #tpu.memory_space<vmem>>
        %dma_wait3A_1588 = arith.constant 0 : i32
        %dma_wait3A_1589 = arith.constant 0 : i32
        %dma_wait3A_1590 = tpu.memref_slice %arg13[%dma_wait3A_1588, %dma_wait3A_1589] : memref<16384x32xf32, #tpu.memory_space<vmem_shared>> -> memref<16384x32xf32, #tpu.memory_space<vmem_shared>>
        tpu.wait_indirect_dma semaphore(%run_scoped3A : memref<!tpu.dma_semaphore, #tpu.memory_space<semaphore_mem>>) src(%dma_wait3A_1584 : memref<128x32xf32, #tpu.memory_space<vmem>>) dst(%dma_wait3A_1590 : memref<16384x32xf32, #tpu.memory_space<vmem_shared>>)
        tpu.yield
      }) : () -> ()
    }
    %scan3A_1549 = arith.constant 8 : i32
    %mul3A_1550 = arith.constant 512 : i32
    %mul3A_1551 = arith.muli %arg0, %mul3A_1550 : i32
    %add3A = arith.addi %mul3A_0, %mul3A_1551 : i32
    %mul3A_1552 = arith.constant 4 : i32
    %mul3A_1553 = arith.muli %arg0, %mul3A_1552 : i32
    %scan3A_1554 = arith.constant 0 : i32
    %scan3A_1555 = arith.constant 4 : i32
    %scan3A_1556 = arith.addi %scan3A_1554, %scan3A_1555 : i32
    %scan3A_1557 = arith.constant 1 : i32
    scf.for %scan3A_1570 = %scan3A_1554 to %scan3A_1556 step %scan3A_1557  : i32 {
      %mul3A_1571 = arith.constant 1 : i32
      %mul3A_1572 = arith.muli %scan3A_1570, %mul3A_1571 : i32
      %add3A_1573 = arith.constant 0 : i32
      %add3A_1574 = arith.addi %add3A_1573, %mul3A_1572 : i32
      %add3A_1575 = arith.addi %mul3A_1553, %add3A_1574 : i32
      %mul3A_1576 = arith.constant 128 : i32
      %mul3A_1577 = arith.muli %add3A_1574, %mul3A_1576 : i32
      "tpu.region"() ({
        %run_scoped3A = tpu.sem_alloc : memref<!tpu.dma_semaphore, #tpu.memory_space<semaphore_mem>>
        %dma_start3A = arith.constant 0 : i32
        %dma_start3A_1578 = tpu.memref_slice %arg11[%mul3A_1577, %dma_start3A] : memref<512x32xf32, #tpu.memory_space<vmem>> -> memref<128x32xf32, #tpu.memory_space<vmem>>
        %dma_start3A_1579 = arith.constant 0 : i32
        %dma_start3A_1580 = tpu.memref_slice %arg7[%add3A_1575, %dma_start3A_1579] : memref<8x128xi32, #tpu.memory_space<vmem>> -> memref<1x128xi32, #tpu.memory_space<vmem>>
        %dma_start3A_1581 = tpu.memref_squeeze %dma_start3A_1580 : memref<1x128xi32, #tpu.memory_space<vmem>> -> memref<128xi32, #tpu.memory_space<vmem>>
        %dma_start3A_1582 = arith.constant 0 : i32
        %dma_start3A_1583 = arith.constant 0 : i32
        %dma_start3A_1584 = tpu.memref_slice %arg2[%dma_start3A_1582, %dma_start3A_1583] : memref<1000000x32xf32, #tpu.memory_space<hbm>> -> memref<1000000x32xf32, #tpu.memory_space<hbm>>
        tpu.enqueue_indirect_dma source(%dma_start3A_1584 : memref<1000000x32xf32, #tpu.memory_space<hbm>>) target(%dma_start3A_1578 : memref<128x32xf32, #tpu.memory_space<vmem>>) offsets(%dma_start3A_1581 : memref<128xi32, #tpu.memory_space<vmem>>) semaphore(%run_scoped3A : memref<!tpu.dma_semaphore, #tpu.memory_space<semaphore_mem>>)
        %dma_wait3A = arith.constant 0 : i32
        %dma_wait3A_1585 = tpu.memref_slice %arg11[%mul3A_1577, %dma_wait3A] : memref<512x32xf32, #tpu.memory_space<vmem>> -> memref<128x32xf32, #tpu.memory_space<vmem>>
        %dma_wait3A_1586 = arith.constant 0 : i32
        %dma_wait3A_1587 = tpu.memref_slice %arg7[%add3A_1575, %dma_wait3A_1586] : memref<8x128xi32, #tpu.memory_space<vmem>> -> memref<1x128xi32, #tpu.memory_space<vmem>>
        %dma_wait3A_1588 = tpu.memref_squeeze %dma_wait3A_1587 : memref<1x128xi32, #tpu.memory_space<vmem>> -> memref<128xi32, #tpu.memory_space<vmem>>
        %dma_wait3A_1589 = arith.constant 0 : i32
        %dma_wait3A_1590 = arith.constant 0 : i32
        %dma_wait3A_1591 = tpu.memref_slice %arg2[%dma_wait3A_1589, %dma_wait3A_1590] : memref<1000000x32xf32, #tpu.memory_space<hbm>> -> memref<1000000x32xf32, #tpu.memory_space<hbm>>
        tpu.wait_indirect_dma semaphore(%run_scoped3A : memref<!tpu.dma_semaphore, #tpu.memory_space<semaphore_mem>>) src(%dma_wait3A_1591 : memref<1000000x32xf32, #tpu.memory_space<hbm>>) dst(%dma_wait3A_1585 : memref<128x32xf32, #tpu.memory_space<vmem>>)
        tpu.yield
      }) : () -> ()
    }
    %scan3A_1558 = arith.constant 4 : i32
    %barrier3A_1559 = arith.constant 0 : index
    tpu.barrier barrier_id(%barrier3A_1559)
    %scan3A_1560 = arith.constant 0 : i32
    %scan3A_1561 = arith.constant 4 : i32
    %scan3A_1562 = arith.addi %scan3A_1560, %scan3A_1561 : i32
    %scan3A_1563 = arith.constant 1 : i32
    scf.for %scan3A_1570 = %scan3A_1560 to %scan3A_1562 step %scan3A_1563  : i32 {
      %mul3A_1571 = arith.constant 1 : i32
      %mul3A_1572 = arith.muli %scan3A_1570, %mul3A_1571 : i32
      %add3A_1573 = arith.constant 0 : i32
      %add3A_1574 = arith.addi %add3A_1573, %mul3A_1572 : i32
      %add3A_1575 = arith.addi %mul3A_1553, %add3A_1574 : i32
      %mul3A_1576 = arith.constant 128 : i32
      %mul3A_1577 = arith.muli %add3A_1574, %mul3A_1576 : i32
      "tpu.region"() ({
        %run_scoped3A = tpu.sem_alloc : memref<!tpu.dma_semaphore, #tpu.memory_space<semaphore_mem>>
        %dma_start3A = arith.constant 0 : i32
        %dma_start3A_1578 = tpu.memref_slice %arg12[%mul3A_1577, %dma_start3A] : memref<512x32xf32, #tpu.memory_space<vmem>> -> memref<128x32xf32, #tpu.memory_space<vmem>>
        %dma_start3A_1579 = arith.constant 0 : i32
        %dma_start3A_1580 = tpu.memref_slice %arg8[%add3A_1575, %dma_start3A_1579] : memref<8x128xi32, #tpu.memory_space<vmem>> -> memref<1x128xi32, #tpu.memory_space<vmem>>
        %dma_start3A_1581 = tpu.memref_squeeze %dma_start3A_1580 : memref<1x128xi32, #tpu.memory_space<vmem>> -> memref<128xi32, #tpu.memory_space<vmem>>
        %dma_start3A_1582 = arith.constant 0 : i32
        %dma_start3A_1583 = arith.constant 0 : i32
        %dma_start3A_1584 = tpu.memref_slice %arg13[%dma_start3A_1582, %dma_start3A_1583] : memref<16384x32xf32, #tpu.memory_space<vmem_shared>> -> memref<16384x32xf32, #tpu.memory_space<vmem_shared>>
        tpu.enqueue_indirect_dma source(%dma_start3A_1584 : memref<16384x32xf32, #tpu.memory_space<vmem_shared>>) target(%dma_start3A_1578 : memref<128x32xf32, #tpu.memory_space<vmem>>) offsets(%dma_start3A_1581 : memref<128xi32, #tpu.memory_space<vmem>>) semaphore(%run_scoped3A : memref<!tpu.dma_semaphore, #tpu.memory_space<semaphore_mem>>)
        %dma_wait3A = arith.constant 0 : i32
        %dma_wait3A_1585 = tpu.memref_slice %arg12[%mul3A_1577, %dma_wait3A] : memref<512x32xf32, #tpu.memory_space<vmem>> -> memref<128x32xf32, #tpu.memory_space<vmem>>
        %dma_wait3A_1586 = arith.constant 0 : i32
        %dma_wait3A_1587 = tpu.memref_slice %arg8[%add3A_1575, %dma_wait3A_1586] : memref<8x128xi32, #tpu.memory_space<vmem>> -> memref<1x128xi32, #tpu.memory_space<vmem>>
        %dma_wait3A_1588 = tpu.memref_squeeze %dma_wait3A_1587 : memref<1x128xi32, #tpu.memory_space<vmem>> -> memref<128xi32, #tpu.memory_space<vmem>>
        %dma_wait3A_1589 = arith.constant 0 : i32
        %dma_wait3A_1590 = arith.constant 0 : i32
        %dma_wait3A_1591 = tpu.memref_slice %arg13[%dma_wait3A_1589, %dma_wait3A_1590] : memref<16384x32xf32, #tpu.memory_space<vmem_shared>> -> memref<16384x32xf32, #tpu.memory_space<vmem_shared>>
        tpu.wait_indirect_dma semaphore(%run_scoped3A : memref<!tpu.dma_semaphore, #tpu.memory_space<semaphore_mem>>) src(%dma_wait3A_1591 : memref<16384x32xf32, #tpu.memory_space<vmem_shared>>) dst(%dma_wait3A_1585 : memref<128x32xf32, #tpu.memory_space<vmem>>)
        tpu.yield
      }) : () -> ()
    }
    %scan3A_1564 = arith.constant 4 : i32
    %scan3A_1565 = arith.constant 0 : i32
    %scan3A_1566 = arith.constant 512 : i32
    %scan3A_1567 = arith.addi %scan3A_1565, %scan3A_1566 : i32
    %scan3A_1568 = arith.constant 1 : i32
    scf.for %scan3A_1570 = %scan3A_1565 to %scan3A_1567 step %scan3A_1568  : i32 {
      %mul3A_1571 = arith.constant 1 : i32
      %mul3A_1572 = arith.muli %scan3A_1570, %mul3A_1571 : i32
      %add3A_1573 = arith.constant 0 : i32
      %add3A_1574 = arith.addi %add3A_1573, %mul3A_1572 : i32
      %get3A = arith.index_cast %add3A_1574 : i32 to index
      %get3A_1575 = arith.constant 0 : index
      %get3A_1576 = tpu.vector_load %arg11[%get3A, %get3A_1575] {strides = array<i32>} : memref<512x32xf32, #tpu.memory_space<vmem>>, vector<1x16xf32>,
      %get3A_1577 = vector.shape_cast %get3A_1576 : vector<1x16xf32> to vector<16xf32>
      %get3A_1578 = arith.index_cast %add3A_1574 : i32 to index
      %get3A_1579 = arith.constant 0 : index
      %get3A_1580 = tpu.vector_load %arg12[%get3A_1578, %get3A_1579] {strides = array<i32>} : memref<512x32xf32, #tpu.memory_space<vmem>>, vector<1x16xf32>,
      %get3A_1581 = vector.shape_cast %get3A_1580 : vector<1x16xf32> to vector<16xf32>
      %add3A_1582 = arith.addf %get3A_1577, %get3A_1581 : vector<16xf32>
      %swap3A_1583 = arith.index_cast %add3A_1574 : i32 to index
      %swap3A_1584 = arith.constant 0 : index
      %swap3A_1585 = tpu.vector_load %arg11[%swap3A_1583, %swap3A_1584] {strides = array<i32>} : memref<512x32xf32, #tpu.memory_space<vmem>>, vector<1x16xf32>,
      %swap3A_1586 = vector.shape_cast %swap3A_1585 : vector<1x16xf32> to vector<16xf32>
      %swap3A_1587 = vector.shape_cast %add3A_1582 : vector<16xf32> to vector<1x16xf32>
      tpu.vector_store %arg11[%swap3A_1583, %swap3A_1584], %swap3A_1587 {strides = array<i32>} : memref<512x32xf32, #tpu.memory_space<vmem>>, vector<1x16xf32>,
      %get3A_1588 = arith.index_cast %add3A_1574 : i32 to index
      %get3A_1589 = arith.constant 16 : index
      %get3A_1590 = tpu.vector_load %arg11[%get3A_1588, %get3A_1589] {strides = array<i32>} : memref<512x32xf32, #tpu.memory_space<vmem>>, vector<1x16xf32>,
      %get3A_1591 = vector.shape_cast %get3A_1590 : vector<1x16xf32> to vector<16xf32>
      %get3A_1592 = arith.index_cast %add3A_1574 : i32 to index
      %get3A_1593 = arith.constant 16 : index
      %get3A_1594 = tpu.vector_load %arg12[%get3A_1592, %get3A_1593] {strides = array<i32>} : memref<512x32xf32, #tpu.memory_space<vmem>>, vector<1x16xf32>,
      %get3A_1595 = vector.shape_cast %get3A_1594 : vector<1x16xf32> to vector<16xf32>
      %add3A_1596 = arith.addf %get3A_1591, %get3A_1595 : vector<16xf32>
      %swap3A_1597 = arith.index_cast %add3A_1574 : i32 to index
      %swap3A_1598 = arith.constant 16 : index
      %swap3A_1599 = tpu.vector_load %arg11[%swap3A_1597, %swap3A_1598] {strides = array<i32>} : memref<512x32xf32, #tpu.memory_space<vmem>>, vector<1x16xf32>,
      %swap3A_1600 = vector.shape_cast %swap3A_1599 : vector<1x16xf32> to vector<16xf32>
      %swap3A_1601 = vector.shape_cast %add3A_1596 : vector<16xf32> to vector<1x16xf32>
      tpu.vector_store %arg11[%swap3A_1597, %swap3A_1598], %swap3A_1601 {strides = array<i32>} : memref<512x32xf32, #tpu.memory_space<vmem>>, vector<1x16xf32>,
    }
    %scan3A_1569 = arith.constant 512 : i32
    "tpu.region"() ({
      %run_scoped3A = tpu.sem_alloc : memref<!tpu.dma_semaphore, #tpu.memory_space<semaphore_mem>>
      %dma_start3A = arith.constant 0 : i32
      %dma_start3A_1570 = tpu.memref_slice %arg6[%add3A, %dma_start3A] : memref<16384x32xf32, #tpu.memory_space<hbm>> -> memref<512x32xf32, #tpu.memory_space<hbm>>
      %dma_start3A_1571 = arith.constant 0 : i32
      %dma_start3A_1572 = tpu.memref_slice %arg6[%add3A, %dma_start3A_1571] : memref<16384x32xf32, #tpu.memory_space<hbm>> -> memref<512x32xf32, #tpu.memory_space<hbm>>
      tpu.enqueue_dma source(%arg11 : memref<512x32xf32, #tpu.memory_space<vmem>>) target(%dma_start3A_1572 : memref<512x32xf32, #tpu.memory_space<hbm>>) target_semaphore(%run_scoped3A : memref<!tpu.dma_semaphore, #tpu.memory_space<semaphore_mem>>)
      %dma_wait3A = arith.constant 0 : i32
      %dma_wait3A_1573 = tpu.memref_slice %arg6[%add3A, %dma_wait3A] : memref<16384x32xf32, #tpu.memory_space<hbm>> -> memref<512x32xf32, #tpu.memory_space<hbm>>
      %dma_wait3A_1574 = arith.constant 0 : i32
      %dma_wait3A_1575 = tpu.memref_slice %arg6[%add3A, %dma_wait3A_1574] : memref<16384x32xf32, #tpu.memory_space<hbm>> -> memref<512x32xf32, #tpu.memory_space<hbm>>
      tpu.wait_dma2 semaphore(%run_scoped3A : memref<!tpu.dma_semaphore, #tpu.memory_space<semaphore_mem>>) src(%arg11 : memref<512x32xf32, #tpu.memory_space<vmem>>) dst(%dma_wait3A_1575 : memref<512x32xf32, #tpu.memory_space<hbm>>)
      tpu.yield
    }) : () -> ()
    return
  }
}

</mosaic_0001>

<sc_bundles>
// kernel: kernel.4.cloned.1.call-start
scs
__scs_entry_jumppad:
0x0: {  	(pc) =	sbr.rel $0x88, $3  }
0x1: {  	(tag) =	ssettag $0x0;
	lr =	simm.s32 $0x1  }
0x2: {  	[smem:$0x3F9E] =	sst lr;
	_ =	strace $0xD0000000  }
0x3: {  	_ = 	snop  }
0x4: {  	_ = 	snop  }
0x5: {  	_ = 	snop  }
0x6: {  	_ = 	snop  }
0x7: {  	_ = 	snop  }
__scs_overlays_trampoline_lowered:
0x8: {  	[smem:$0x3FAD] =	sst s0  }
0x9: {  	[smem:$0x3FAE] =	sst s1  }
0xa: {  	[smem:$0x3FAF] =	sst s2  }
0xb: {  	[smem:$0x3FB0] =	sst s3  }
0xc: {  	[smem:$0x3FB1] =	sst s4  }
0xd: {  	[smem:$0x3FB2] =	sst s5  }
0xe: {  	[smem:$0x3FB3] =	sst s6  }
0xf: {  	[smem:$0x3FB4] =	sst s7  }
0x10: {  	[smem:$0x3FB5] =	sst s8  }
0x11: {  	[smem:$0x3FB6] =	sst s9;
	s0 =	simm.s32 @!p0 $0x0  }
0x12: {  	s1 =	sld [smem:$0x3F9C];
	s0 =	simm.s32 @p0 $0x1  }
0x13: {  	[smem:$0x3FB7] =	sst s0;
	s0 =	simm.s32 @!p1 $0x0  }
0x14: {  	s2 =	sld [smem:$0x3F9B];
	s0 =	simm.s32 @p1 $0x1  }
0x15: {  	[smem:$0x3FB8] =	sst s0;
	s0 =	simm.s32 @!p2 $0x0  }
0x16: {  	s3 =	sld [smem:$0x3FDB];
	s0 =	simm.s32 @p2 $0x1  }
0x17: {  	s4 =	simm.s32 $0x1BF5;
	[smem:$0x3FBA] =	sst s0  }
0x18: {  	s0 =	sld [smem:$0x3F9D];
	_ =	swait.ge [sflag:s4], $0x0  }
0x19: {  	s7 =	sld [smem:$0x3F9E]  }
0x1a: {  	s8 =	sadd.s32 $0xFFFFE003, lr  }
0x1b: {  	s9 =	sadd.s32 $0xFFFFFEF7, lr;
	s5 =	simm.s32 $0xFFFFFFFF;
	p2 =	slt.u32 s8, $0xFFFFF086  }
0x1c: {  	p1 =	slt.u32 s9, $0xF7A;
	s5 =	simm.s32 @!p2 $0x0  }
0x1d: {  	s5 =	simm.s32 @p1 $0x1;
	p0 =	seq.s32 s7, s2  }
0x1e: {  	s7 =	smul.u32 @!p0 $0xF7A, s2;
	p2 =	seq.s32 @!p0 s5, $0x0  }
0x1f: {  	s9 =	smul.u32 $0xF7A, s1;
	s8 =	simm.s32 @!p0 $0x1BF5;
	p2 =	por !p2, p0  }
0x20: {  	[sflag:s8] =	ssyncset.s32 @!p0 $0xFFFFF086;
	s6 =	sadd.s32 @!p0 s3, s7;
	s7 =	simm.s32 @!p0 $0x108  }
0x21: {  	s3 =	sadd.s32 s3, s9;
	s6 =	sadd.s32 @!p0 $0x88, s6;
	s7 =	simm.s32 @p2 $0x1082  }
0x22: {  	[simem:s7], [sflag:s8] =	dma.local @!p0 [hbm:s6], $0xF7A  }
0x23: {  	s9 =	sor.u32 $0xD0000000, s2;
	s6 =	simm.s32 $0x108;
	_ =	swait.ge @!p0 [sflag:s8], $0x0  }
0x24: {  	s3 =	sadd.s32 $0x88, s3;
	s6 =	simm.s32 @!p1 $0x1082;
	[sflag:s4] =	ssyncset.s32 $0xFFFFF086  }
0x25: {  	[simem:s6], [sflag:s4] =	dma.local [hbm:s3], $0xF7A  }
0x26: {  	[smem:$0x3F9E] =	sst s1;
	(tag) =	ssettag s2;
	_ =	strace s9  }
0x27: {  	s1 =	sld [smem:$0x3FAE]  }
0x28: {  	s2 =	sld [smem:$0x3FAF]  }
0x29: {  	s4 =	sld [smem:$0x3FB1]  }
0x2a: {  	p0 =	seq.s32 s5, $0x0;
	s5 =	sld [smem:$0x3FB2]  }
0x2b: {  	s6 =	sld [smem:$0x3FB3]  }
0x2c: {  	s7 =	sld [smem:$0x3FB4]  }
0x2d: {  	s3 =	simm.s32 $0x108;
	s8 =	sld [smem:$0x3FB5]  }
0x2e: {  	s3 =	simm.s32 @!p0 $0x1082;
	s9 =	sld [smem:$0x3FB6]  }
0x2f: {  	lr =	sadd.s32 s0, s3;
	s0 =	sld [smem:$0x3FAD]  }
0x30: {  	s3 =	sld [smem:$0x3FB0]  }
0x31: {  	[smem:$0x3FB9] =	sst s10  }
0x32: {  	s10 =	sld [smem:$0x3FB7];
	_ =	sdelay $0x3  }
0x33: {  	p0 =	seq.s32 s10, $0x1;
	s10 =	sld [smem:$0x3FB9];
	_ =	sdelay $0x3  }
0x34: {  	[smem:$0x3FB9] =	sst s10  }
0x35: {  	s10 =	sld [smem:$0x3FB8];
	_ =	sdelay $0x3  }
0x36: {  	p1 =	seq.s32 s10, $0x1;
	s10 =	sld [smem:$0x3FB9];
	_ =	sdelay $0x3  }
0x37: {  	[smem:$0x3FB9] =	sst s10  }
0x38: {  	s10 =	sld [smem:$0x3FBA]  }
0x39: {  	_ = 	snop;
	(pc) =	sbr.ind lr, $3  }
0x3a: {  	_ = 	snop  }
0x3b: {  	_ = 	snop  }
0x3c: {  	p2 =	seq.s32 s10, $0x1;
	s10 =	sld [smem:$0x3FB9]  }
0x3d: {  	_ =	shalt  }
0x3e: {  	_ =	shalt  }
0x3f: {  	_ =	shalt  }
0x40: {  	_ =	shalt  }
0x41: {  	_ =	shalt  }
0x42: {  	_ =	shalt  }
0x43: {  	_ =	shalt  }
0x44: {  	_ =	shalt  }
0x45: {  	_ =	shalt  }
0x46: {  	_ =	shalt  }
0x47: {  	_ =	shalt  }
0x48: {  	_ =	shalt  }
0x49: {  	_ =	shalt  }
0x4a: {  	_ =	shalt  }
0x4b: {  	_ =	shalt  }
0x4c: {  	_ =	shalt  }
0x4d: {  	_ =	shalt  }
0x4e: {  	_ =	shalt  }
0x4f: {  	_ =	shalt  }
0x50: {  	_ =	shalt  }
0x51: {  	_ =	shalt  }
0x52: {  	_ =	shalt  }
0x53: {  	_ =	shalt  }
0x54: {  	_ =	shalt  }
0x55: {  	_ =	shalt  }
0x56: {  	_ =	shalt  }
0x57: {  	_ =	shalt  }
0x58: {  	_ =	shalt  }
0x59: {  	_ =	shalt  }
0x5a: {  	_ =	shalt  }
0x5b: {  	_ =	shalt  }
0x5c: {  	_ =	shalt  }
0x5d: {  	_ =	shalt  }
0x5e: {  	_ =	shalt  }
0x5f: {  	_ =	shalt  }
0x60: {  	_ =	shalt  }
0x61: {  	_ =	shalt  }
0x62: {  	_ =	shalt  }
0x63: {  	_ =	shalt  }
0x64: {  	_ =	shalt  }
0x65: {  	_ =	shalt  }
0x66: {  	_ =	shalt  }
0x67: {  	_ =	shalt  }
0x68: {  	_ =	shalt  }
0x69: {  	_ =	shalt  }
0x6a: {  	_ =	shalt  }
0x6b: {  	_ =	shalt  }
0x6c: {  	_ =	shalt  }
0x6d: {  	_ =	shalt  }
0x6e: {  	_ =	shalt  }
0x6f: {  	_ =	shalt  }
0x70: {  	_ =	shalt  }
0x71: {  	_ =	shalt  }
0x72: {  	_ =	shalt  }
0x73: {  	_ =	shalt  }
0x74: {  	_ =	shalt  }
0x75: {  	_ =	shalt  }
0x76: {  	_ =	shalt  }
0x77: {  	_ =	shalt  }
0x78: {  	_ =	shalt  }
0x79: {  	_ =	shalt  }
0x7a: {  	_ =	shalt  }
0x7b: {  	_ =	shalt  }
0x7c: {  	_ =	shalt  }
0x7d: {  	_ =	shalt  }
0x7e: {  	_ =	shalt  }
0x7f: {  	_ =	shalt  }
0x80: {  	_ =	shalt  }
0x81: {  	_ =	shalt  }
0x82: {  	_ =	shalt  }
0x83: {  	_ =	shalt  }
0x84: {  	_ =	shalt  }
0x85: {  	_ =	shalt  }
0x86: {  	_ =	shalt  }
0x87: {  	_ =	shalt  }
.Lfunc_end0:
.L_simem_size_0:
called_computation_lowered:
.L_overlay_start_0:
0x88: {  	s0 =	sld [smem:$0x3FD9]  }
0x89: {  	s1 =	sld [smem:$0x3FFE];
	_ =	sdelay $0x3  }
0x8a: {  	s0 =	sadd.s32 s1, s0  }
0x8b: {  	[smem:$0x3FC5] =	sst s0  }
0x8c: {  	_ = 	snop  }
0x8d: {  	s0 =	sld [smem:$0x3FC8];
	(tm) =	ssettm $0x1  }
0x8e: {  	s16 =	sld [smem:$0x3FFB];
	_ =	sdelay $0x3  }
0x8f: {  	_ =	strace s16  }
0x90: {  	s1 =	sld [smem:$0x3FFC];
	_ =	sdelay $0x3  }
0x91: {  	_ =	strace s1  }
0x92: {  	s1 =	sld [smem:$0x3FFD];
	_ =	sdelay $0x3  }
0x93: {  	_ =	strace s1  }
0x94: {  	_ =	strace $0x8FFFFFFF  }
0x95: {  	s17 =	sld [smem:$0x3FDB];
	_ =	sdelay $0x1  }
0x96: {  	s2 =	simm.s32 $_scs_section_size  }
0x97: {  	s3 =	simm.s32 $_size__tile_overlayer_lowered;
	s4 =	simm.s32 $_tile_overlayer_lowered  }
0x98: {  	s20 =	simm.s32 $0x1BFF;
	s19 =	sshll.u32 s4, $0x1;
	s1 =	sadd.s32 s2, s17  }
0x99: {  	s5 =	simm.s32 $0x0;
	s18 =	sshll.u32 s3, $0x1;
	s3 =	sadd.s32 s19, s1  }
0x9a: {  	[timem:s5], [sflag:s20] =	dma.local [hbm:s3], s18  }
0x9b: {  	_ =	swait.ge [sflag:s20], s18  }
0x9c: {  	s2 =	ssub.s32 $0x0, s18;
	[sflag:s20] =	ssyncset.done $0x0  }
0x9d: {  	[sflag:s20] =	ssyncadd.s32 s2;
	_ =	sdelay $0x1  }
0x9e: {  	s21 =	simm.s32 $0x1B8B  }
0x9f: {  	_ =	swait.ge [sflag:s21], $0x1  }
0xa0: {  	[sflag:s21] =	ssyncset.done $0x0  }
0xa1: {  	s23 =	simm.s32 $0x1B8E;
	s22 =	sld [smem:$0x3FFE];
	[sflag:s21] =	ssyncadd.s32 $0xFFFFFFFF  }
0xa2: {  	s24 =	simm.s32 $execute0_lowered;
	[smem:$0x3FD2] =	sst s23  }
0xa3: {  	s3 =	sshll.u32 s24, $0x1;
	_ =	strace $0x80000046;
	[dreg:$0x1] =	wrdreg $0xFFFFFFFF  }
0xa4: {  	s25 =	simm.s32 $_size_execute0_lowered;
	s1 =	sadd.s32 s1, s3;
	[dreg:$0x0] =	wrdreg $0x0  }
0xa5: {  	s3 =	sshll.u32 s25, $0x1;
	[dreg:$0x2] =	wrdreg s1  }
0xa6: {  	[dreg:$0x3] =	wrdreg s3  }
0xa7: {  	[dreg:$0x4] =	wrdreg $0xC0  }
0xa8: {  	_ =	task [dreg:s5], $0x5FFFF  }
0xa9: {  	[dreg:$0x1] =	wrdreg $0xFFFFFFFF  }
0xaa: {  	[dreg:$0x0] =	wrdreg $0x60  }
0xab: {  	[dreg:$0x2] =	wrdreg s0  }
0xac: {  	[dreg:$0x3] =	wrdreg s22  }
0xad: {  	[dreg:$0x4] =	wrdreg $0xC000  }
0xae: {  	[dreg:$0x5] =	wrdreg $0x9  }
0xaf: {  	_ =	task.clear_ibuf [dreg:s5], $0x6FFFF;
	_ =	strace $0x90000046  }
0xb0: {  	s26 =	simm.s32 $0x9;
	_ =	strace $0x80000048  }
0xb1: {  	_ =	swait.ge [sflag:s26], $0x1  }
0xb2: {  	[sflag:s26] =	ssyncadd.s32 $0xFFFFFFFF  }
0xb3: {  	_ =	strace $0x90000048  }
0xb4: {  	_ =	sfence  }
0xb5: {  	s28 =	sld [smem:$0x0];
	_ =	sdelay $0x1  }
0xb6: {  	s29 =	srdreg.scid  }
0xb7: {  	s30 =	sshll.u32 s29, $0xD;
	s31 =	sshrl.u32 s29, $0x2  }
0xb8: {  	s2 =	sand.u32 $0x4000, s30;
	s1 =	sand.u32 $0x1, s29;
	s0 =	sadd.s32 s31, s28  }
0xb9: {  	s1 =	sor.u32 s2, s1;
	s0 =	sshll.u32 s0, $0x11  }
0xba: {  	s0 =	sor.u32 s0, s1  }
0xbb: {  	s0 =	sadd.s32 $0x8F2B, s0  }
0xbc: {  	[sflag:s0] =	ssyncadd.remote.s32 $0x1  }
0xbd: {  	_ =	sfence.sel $0xFFFF  }
0xbe: {  	[dreg:$0x0] =	wrdreg $0xFFFFFFFF;
	(pc) =	sbr.abs _section_cstart, $3  }
0xbf: {  	[dreg:$0x1] =	wrdreg $0xFFFFFFFF  }
0xc0: {  	_ =	task.clear_ibuf [dreg:s5], $0x2FFFF;
	_ =	strace $0x9FFFFFFF  }
0xc1: {  	(tm) =	ssettm $0x7FFFFFFF  }
tec
execute0_lowered:
.L_overlay_start_1:
0x0: {  	(tag) =	ssettag $0x1  }
0x1: {  	s4 =	rddreg [dreg:$0x0]  }
0x2: {  	s3 =	rddreg [dreg:$0x1]  }
0x3: {  	s6 =	rddreg [dreg:$0x2];
	s2 =	simm.s32 $0x0;
	s1 =	stileid.u32  }
0x4: {  	[smem:$0x7FF] =	sst s2;
	s5 =	sshll.u32 s1, $0x7  }
0x5: {  	s0 =	rddreg [dreg:$0x3];
	_ =	strace $0x80000047;
	s4 =	sadd.s32 s4, s5  }
0x6: {  	[tilespmem:s2], [sflag:$0x1] =	stream.linear.gather [hbm4b:s4+s2], $0x400, $0x38;
	[tilespmem:$0x10028] =	vst v63  }
0x7: {  	s4 =	simm.s32 $0x1  }
0x8: {  	_ =	swait.ge [sflag:s4], $0x400  }
0x9: {  	v0 =	vlaneseq.u32;
	s7 =	sshll.u32 s1, $0xA;
	[sflag:s4] =	ssyncset.done $0x0  }
0xa: {  	v1 =	vor.u32 s7, v0;
	s8 =	sor.u32 $0x10, s7;
	[sflag:s4] =	ssyncadd.s32 $0xFFFFFC00  }
0xb: {  	s21 =	sor.u32 $0x20, s7;
	v2 =	vor.u32 s8, v0;
	[tilespmem:$0x400] =	vst v1  }
0xc: {  	s22 =	sor.u32 $0x30, s7;
	v52 =	vor.u32 s21, v0;
	[tilespmem:$0x410] =	vst v2  }
0xd: {  	s23 =	sor.u32 $0x40, s7;
	v53 =	vor.u32 s22, v0;
	[tilespmem:$0x420] =	vst v52  }
0xe: {  	s24 =	sor.u32 $0x50, s7;
	v54 =	vor.u32 s23, v0;
	[tilespmem:$0x430] =	vst v53  }
0xf: {  	s25 =	sor.u32 $0x60, s7;
	v55 =	vor.u32 s24, v0;
	[tilespmem:$0x440] =	vst v54  }
0x10: {  	s26 =	sor.u32 $0x70, s7;
	v56 =	vor.u32 s25, v0;
	[tilespmem:$0x450] =	vst v55  }
0x11: {  	s28 =	sor.u32 $0x80, s7;
	v57 =	vor.u32 s26, v0;
	[tilespmem:$0x460] =	vst v56  }
0x12: {  	s29 =	sor.u32 $0x90, s7;
	v58 =	vor.u32 s28, v0;
	[tilespmem:$0x470] =	vst v57  }
0x13: {  	s30 =	sor.u32 $0xA0, s7;
	v59 =	vor.u32 s29, v0;
	[tilespmem:$0x480] =	vst v58  }
0x14: {  	s31 =	sor.u32 $0xB0, s7;
	v60 =	vor.u32 s30, v0;
	[tilespmem:$0x490] =	vst v59  }
0x15: {  	s9 =	sor.u32 $0xC0, s7;
	v61 =	vor.u32 s31, v0;
	[tilespmem:$0x4A0] =	vst v60  }
0x16: {  	s10 =	sor.u32 $0xD0, s7;
	v62 =	vor.u32 s9, v0;
	[tilespmem:$0x4B0] =	vst v61  }
0x17: {  	s11 =	sor.u32 $0xE0, s7;
	v63 =	vor.u32 s10, v0;
	[tilespmem:$0x4C0] =	vst v62  }
0x18: {  	s12 =	sor.u32 $0xF0, s7;
	v4 =	vor.u32 s11, v0;
	[tilespmem:$0x4D0] =	vst v63  }
0x19: {  	s13 =	sor.u32 $0x100, s7;
	v5 =	vor.u32 s12, v0;
	[tilespmem:$0x4E0] =	vst v4  }
0x1a: {  	s14 =	sor.u32 $0x110, s7;
	v6 =	vor.u32 s13, v0;
	[tilespmem:$0x4F0] =	vst v5  }
0x1b: {  	s15 =	sor.u32 $0x120, s7;
	v7 =	vor.u32 s14, v0;
	[tilespmem:$0x500] =	vst v6  }
0x1c: {  	s16 =	sor.u32 $0x130, s7;
	v8 =	vor.u32 s15, v0;
	[tilespmem:$0x510] =	vst v7  }
0x1d: {  	s17 =	sor.u32 $0x140, s7;
	v9 =	vor.u32 s16, v0;
	[tilespmem:$0x520] =	vst v8  }
0x1e: {  	s18 =	sor.u32 $0x150, s7;
	v10 =	vor.u32 s17, v0;
	[tilespmem:$0x530] =	vst v9  }
0x1f: {  	s19 =	sor.u32 $0x160, s7;
	v11 =	vor.u32 s18, v0;
	[tilespmem:$0x540] =	vst v10  }
0x20: {  	s20 =	sor.u32 $0x170, s7;
	v12 =	vor.u32 s19, v0;
	[tilespmem:$0x550] =	vst v11  }
0x21: {  	v13 =	vor.u32 s20, v0;
	s21 =	sor.u32 $0x180, s7;
	[tilespmem:$0x560] =	vst v12  }
0x22: {  	s22 =	sor.u32 $0x190, s7;
	v14 =	vor.u32 s21, v0;
	[tilespmem:$0x570] =	vst v13  }
0x23: {  	s23 =	sor.u32 $0x1A0, s7;
	v15 =	vor.u32 s22, v0;
	[tilespmem:$0x580] =	vst v14  }
0x24: {  	s24 =	sor.u32 $0x1B0, s7;
	v16 =	vor.u32 s23, v0;
	[tilespmem:$0x590] =	vst v15  }
0x25: {  	s25 =	sor.u32 $0x1C0, s7;
	v17 =	vor.u32 s24, v0;
	[tilespmem:$0x5A0] =	vst v16  }
0x26: {  	s26 =	sor.u32 $0x1D0, s7;
	v18 =	vor.u32 s25, v0;
	[tilespmem:$0x5B0] =	vst v17  }
0x27: {  	s28 =	sor.u32 $0x1E0, s7;
	v19 =	vor.u32 s26, v0;
	[tilespmem:$0x5C0] =	vst v18  }
0x28: {  	s29 =	sor.u32 $0x1F0, s7;
	v20 =	vor.u32 s28, v0;
	[tilespmem:$0x5D0] =	vst v19  }
0x29: {  	s30 =	sor.u32 $0x200, s7;
	v21 =	vor.u32 s29, v0;
	[tilespmem:$0x5E0] =	vst v20  }
0x2a: {  	s31 =	sor.u32 $0x210, s7;
	v22 =	vor.u32 s30, v0;
	[tilespmem:$0x5F0] =	vst v21  }
0x2b: {  	s9 =	sor.u32 $0x220, s7;
	v23 =	vor.u32 s31, v0;
	[tilespmem:$0x600] =	vst v22  }
0x2c: {  	s10 =	sor.u32 $0x230, s7;
	v24 =	vor.u32 s9, v0;
	[tilespmem:$0x610] =	vst v23  }
0x2d: {  	s11 =	sor.u32 $0x240, s7;
	v25 =	vor.u32 s10, v0;
	[tilespmem:$0x620] =	vst v24  }
0x2e: {  	s12 =	sor.u32 $0x250, s7;
	v26 =	vor.u32 s11, v0;
	[tilespmem:$0x630] =	vst v25  }
0x2f: {  	s13 =	sor.u32 $0x260, s7;
	v27 =	vor.u32 s12, v0;
	[tilespmem:$0x640] =	vst v26  }
0x30: {  	s14 =	sor.u32 $0x270, s7;
	v28 =	vor.u32 s13, v0;
	[tilespmem:$0x650] =	vst v27  }
0x31: {  	s15 =	sor.u32 $0x280, s7;
	v29 =	vor.u32 s14, v0;
	[tilespmem:$0x660] =	vst v28  }
0x32: {  	s16 =	sor.u32 $0x290, s7;
	v30 =	vor.u32 s15, v0;
	[tilespmem:$0x670] =	vst v29  }
0x33: {  	s17 =	sor.u32 $0x2A0, s7;
	v31 =	vor.u32 s16, v0;
	[tilespmem:$0x680] =	vst v30  }
0x34: {  	s18 =	sor.u32 $0x2B0, s7;
	v32 =	vor.u32 s17, v0;
	[tilespmem:$0x690] =	vst v31  }
0x35: {  	s19 =	sor.u32 $0x2C0, s7;
	v33 =	vor.u32 s18, v0;
	[tilespmem:$0x6A0] =	vst v32  }
0x36: {  	s20 =	sor.u32 $0x2D0, s7;
	v34 =	vor.u32 s19, v0;
	[tilespmem:$0x6B0] =	vst v33  }
0x37: {  	v35 =	vor.u32 s20, v0;
	s21 =	sor.u32 $0x2E0, s7;
	[tilespmem:$0x6C0] =	vst v34  }
0x38: {  	s22 =	sor.u32 $0x2F0, s7;
	v36 =	vor.u32 s21, v0;
	[tilespmem:$0x6D0] =	vst v35  }
0x39: {  	s23 =	sor.u32 $0x300, s7;
	v37 =	vor.u32 s22, v0;
	[tilespmem:$0x6E0] =	vst v36  }
0x3a: {  	s24 =	sor.u32 $0x310, s7;
	v38 =	vor.u32 s23, v0;
	[tilespmem:$0x6F0] =	vst v37  }
0x3b: {  	s25 =	sor.u32 $0x320, s7;
	v39 =	vor.u32 s24, v0;
	[tilespmem:$0x700] =	vst v38  }
0x3c: {  	s26 =	sor.u32 $0x330, s7;
	v40 =	vor.u32 s25, v0;
	[tilespmem:$0x710] =	vst v39  }
0x3d: {  	s28 =	sor.u32 $0x340, s7;
	v41 =	vor.u32 s26, v0;
	[tilespmem:$0x720] =	vst v40  }
0x3e: {  	s29 =	sor.u32 $0x350, s7;
	v42 =	vor.u32 s28, v0;
	[tilespmem:$0x730] =	vst v41  }
0x3f: {  	s30 =	sor.u32 $0x360, s7;
	v43 =	vor.u32 s29, v0;
	[tilespmem:$0x740] =	vst v42  }
0x40: {  	s31 =	sor.u32 $0x370, s7;
	v44 =	vor.u32 s30, v0;
	[tilespmem:$0x750] =	vst v43  }
0x41: {  	s9 =	sor.u32 $0x380, s7;
	v45 =	vor.u32 s31, v0;
	[tilespmem:$0x760] =	vst v44  }
0x42: {  	s10 =	sor.u32 $0x390, s7;
	v46 =	vor.u32 s9, v0;
	[tilespmem:$0x770] =	vst v45  }
0x43: {  	s11 =	sor.u32 $0x3A0, s7;
	v47 =	vor.u32 s10, v0;
	[tilespmem:$0x780] =	vst v46  }
0x44: {  	s12 =	sor.u32 $0x3B0, s7;
	v48 =	vor.u32 s11, v0;
	[tilespmem:$0x790] =	vst v47  }
0x45: {  	s13 =	sor.u32 $0x3C0, s7;
	v49 =	vor.u32 s12, v0;
	[tilespmem:$0x7A0] =	vst v48  }
0x46: {  	s14 =	sor.u32 $0x3D0, s7;
	v50 =	vor.u32 s13, v0;
	[tilespmem:$0x7B0] =	vst v49  }
0x47: {  	s15 =	sor.u32 $0x3E0, s7;
	v51 =	vor.u32 s14, v0;
	[tilespmem:$0x7C0] =	vst v50  }
0x48: {  	s7 =	sor.u32 $0x3F0, s7;
	v52 =	vor.u32 s15, v0;
	[tilespmem:$0x7D0] =	vst v51  }
0x49: {  	v0 =	vor.u32 s7, v0;
	[tilespmem:$0x7E0] =	vst v52  }
0x4a: {  	s8 =	simm.s32 $0x80;
	s16 =	simm.s32 $0x400;
	[tilespmem:$0x7F0] =	vst v0  }
0x4b: {  	[spmem:s6] =	stream.indirect.scatter [tilespmem:s16], [sflag:$0x1], $0x1, s2, s8, $0xb8;
	[tilespmem:$0x10028] =	vst v63  }
0x4c: {  	_ =	swait.ge [sflag:s4], $0x80  }
0x4d: {  	[sflag:s4] =	ssyncset.done $0x0  }
0x4e: {  	s17 =	simm.s32 $0x480;
	[sflag:s4] =	ssyncadd.s32 $0xFFFFFF80  }
0x4f: {  	[spmem:s6] =	stream.indirect.scatter [tilespmem:s17], [sflag:$0x1], $0x1, s8, s8, $0xb8;
	[tilespmem:$0x10028] =	vst v63  }
0x50: {  	_ =	swait.ge [sflag:s4], $0x80  }
0x51: {  	[sflag:s4] =	ssyncset.done $0x0  }
0x52: {  	s18 =	simm.s32 $0x500;
	s9 =	simm.s32 $0x100;
	[sflag:s4] =	ssyncadd.s32 $0xFFFFFF80  }
0x53: {  	[spmem:s6] =	stream.indirect.scatter [tilespmem:s18], [sflag:$0x1], $0x1, s9, s8, $0xb8;
	[tilespmem:$0x10028] =	vst v63  }
0x54: {  	_ =	swait.ge [sflag:s4], $0x80  }
0x55: {  	[sflag:s4] =	ssyncset.done $0x0  }
0x56: {  	s19 =	simm.s32 $0x580;
	s10 =	simm.s32 $0x180;
	[sflag:s4] =	ssyncadd.s32 $0xFFFFFF80  }
0x57: {  	[spmem:s6] =	stream.indirect.scatter [tilespmem:s19], [sflag:$0x1], $0x1, s10, s8, $0xb8;
	[tilespmem:$0x10028] =	vst v63  }
0x58: {  	_ =	swait.ge [sflag:s4], $0x80  }
0x59: {  	[sflag:s4] =	ssyncset.done $0x0  }
0x5a: {  	s20 =	simm.s32 $0x600;
	s11 =	simm.s32 $0x200;
	[sflag:s4] =	ssyncadd.s32 $0xFFFFFF80  }
0x5b: {  	[spmem:s6] =	stream.indirect.scatter [tilespmem:s20], [sflag:$0x1], $0x1, s11, s8, $0xb8;
	[tilespmem:$0x10028] =	vst v63  }
0x5c: {  	_ =	swait.ge [sflag:s4], $0x80  }
0x5d: {  	[sflag:s4] =	ssyncset.done $0x0  }
0x5e: {  	s12 =	simm.s32 $0x280;
	s21 =	simm.s32 $0x680;
	[sflag:s4] =	ssyncadd.s32 $0xFFFFFF80  }
0x5f: {  	[spmem:s6] =	stream.indirect.scatter [tilespmem:s21], [sflag:$0x1], $0x1, s12, s8, $0xb8;
	[tilespmem:$0x10028] =	vst v63  }
0x60: {  	_ =	swait.ge [sflag:s4], $0x80  }
0x61: {  	[sflag:s4] =	ssyncset.done $0x0  }
0x62: {  	s13 =	simm.s32 $0x300;
	s22 =	simm.s32 $0x700;
	[sflag:s4] =	ssyncadd.s32 $0xFFFFFF80  }
0x63: {  	[spmem:s6] =	stream.indirect.scatter [tilespmem:s22], [sflag:$0x1], $0x1, s13, s8, $0xb8;
	[tilespmem:$0x10028] =	vst v63  }
0x64: {  	_ =	swait.ge [sflag:s4], $0x80  }
0x65: {  	[sflag:s4] =	ssyncset.done $0x0  }
0x66: {  	s14 =	simm.s32 $0x380;
	s23 =	simm.s32 $0x780;
	[sflag:s4] =	ssyncadd.s32 $0xFFFFFF80  }
0x67: {  	[spmem:s6] =	stream.indirect.scatter [tilespmem:s23], [sflag:$0x1], $0x1, s14, s8, $0xb8;
	[tilespmem:$0x10028] =	vst v63  }
0x68: {  	_ =	swait.ge [sflag:s4], $0x80  }
0x69: {  	[sflag:s4] =	ssyncset.done $0x0  }
0x6a: {  	[sflag:s4] =	ssyncadd.s32 $0xFFFFFF80  }
0x6b: {  	s24 =	simm.s32 $0x800;
	[bflag:$0x0] =	sbarrier.arrive $0xFFFF  }
0x6c: {  	[tilespmem:s24], [sflag:$0x1] =	stream.indirect.gather [spmem:s6], $0x1, s2, s8, $0xb8;
	[tilespmem:$0x10028] =	vst v63  }
0x6d: {  	_ =	swait.ge [sflag:s4], $0x80  }
0x6e: {  	[sflag:s4] =	ssyncset.done $0x0  }
0x6f: {  	s15 =	simm.s32 $0x880;
	[sflag:s4] =	ssyncadd.s32 $0xFFFFFF80  }
0x70: {  	[tilespmem:s15], [sflag:$0x1] =	stream.indirect.gather [spmem:s6], $0x1, s8, s8, $0xb8;
	[tilespmem:$0x10028] =	vst v63  }
0x71: {  	_ =	swait.ge [sflag:s4], $0x80  }
0x72: {  	[sflag:s4] =	ssyncset.done $0x0  }
0x73: {  	s25 =	simm.s32 $0x900;
	[sflag:s4] =	ssyncadd.s32 $0xFFFFFF80  }
0x74: {  	[tilespmem:s25], [sflag:$0x1] =	stream.indirect.gather [spmem:s6], $0x1, s9, s8, $0xb8;
	[tilespmem:$0x10028] =	vst v63  }
0x75: {  	_ =	swait.ge [sflag:s4], $0x80  }
0x76: {  	[sflag:s4] =	ssyncset.done $0x0  }
0x77: {  	s26 =	simm.s32 $0x980;
	[sflag:s4] =	ssyncadd.s32 $0xFFFFFF80  }
0x78: {  	[tilespmem:s26], [sflag:$0x1] =	stream.indirect.gather [spmem:s6], $0x1, s10, s8, $0xb8;
	[tilespmem:$0x10028] =	vst v63  }
0x79: {  	_ =	swait.ge [sflag:s4], $0x80  }
0x7a: {  	[sflag:s4] =	ssyncset.done $0x0  }
0x7b: {  	s28 =	simm.s32 $0xA00;
	[sflag:s4] =	ssyncadd.s32 $0xFFFFFF80  }
0x7c: {  	[tilespmem:s28], [sflag:$0x1] =	stream.indirect.gather [spmem:s6], $0x1, s11, s8, $0xb8;
	[tilespmem:$0x10028] =	vst v63  }
0x7d: {  	_ =	swait.ge [sflag:s4], $0x80  }
0x7e: {  	[sflag:s4] =	ssyncset.done $0x0  }
0x7f: {  	s29 =	simm.s32 $0xA80;
	[sflag:s4] =	ssyncadd.s32 $0xFFFFFF80  }
0x80: {  	[tilespmem:s29], [sflag:$0x1] =	stream.indirect.gather [spmem:s6], $0x1, s12, s8, $0xb8;
	[tilespmem:$0x10028] =	vst v63  }
0x81: {  	_ =	swait.ge [sflag:s4], $0x80  }
0x82: {  	[sflag:s4] =	ssyncset.done $0x0  }
0x83: {  	s30 =	simm.s32 $0xB00;
	[sflag:s4] =	ssyncadd.s32 $0xFFFFFF80  }
0x84: {  	[tilespmem:s30], [sflag:$0x1] =	stream.indirect.gather [spmem:s6], $0x1, s13, s8, $0xb8;
	[tilespmem:$0x10028] =	vst v63  }
0x85: {  	_ =	swait.ge [sflag:s4], $0x80  }
0x86: {  	[sflag:s4] =	ssyncset.done $0x0  }
0x87: {  	s31 =	simm.s32 $0xB80;
	[sflag:s4] =	ssyncadd.s32 $0xFFFFFF80  }
0x88: {  	[tilespmem:s31], [sflag:$0x1] =	stream.indirect.gather [spmem:s6], $0x1, s14, s8, $0xb8;
	[tilespmem:$0x10028] =	vst v63  }
0x89: {  	_ =	swait.ge [sflag:s4], $0x80  }
0x8a: {  	[sflag:s4] =	ssyncset.done $0x0  }
0x8b: {  	[sflag:s4] =	ssyncadd.s32 $0xFFFFFF80  }
0x8c: {  	v53 =	vld [tilespmem:$0x800]  }
0x8d: {  	v54 =	vld [tilespmem:$0x810]  }
0x8e: {  	v55 =	vld [tilespmem:$0x820]  }
0x8f: {  	v3 =	vld [tilespmem:$0x830]  }
0x90: {  	v4 =	vld [tilespmem:$0x840]  }
0x91: {  	v5 =	vld [tilespmem:$0x850];
	v0 =	vand.u32 $0x3FFF, v53  }
0x92: {  	v57 =	vld [tilespmem:$0x860];
	v56 =	vand.u32 $0x3FFF, v54;
	[tilespmem:$0x800] =	vst v0  }
0x93: {  	v59 =	vld [tilespmem:$0x870];
	v58 =	vand.u32 $0x3FFF, v55;
	[tilespmem:$0x810] =	vst v56  }
0x94: {  	v61 =	vld [tilespmem:$0x880];
	v60 =	vand.u32 $0x3FFF, v3;
	[tilespmem:$0x820] =	vst v58  }
0x95: {  	v63 =	vld [tilespmem:$0x890];
	v62 =	vand.u32 $0x3FFF, v4;
	[tilespmem:$0x830] =	vst v60  }
0x96: {  	v9 =	vld [tilespmem:$0x8A0];
	v8 =	vand.u32 $0x3FFF, v5;
	[tilespmem:$0x840] =	vst v62  }
0x97: {  	v11 =	vld [tilespmem:$0x8B0];
	v10 =	vand.u32 $0x3FFF, v57;
	[tilespmem:$0x850] =	vst v8  }
0x98: {  	v13 =	vld [tilespmem:$0x8C0];
	v12 =	vand.u32 $0x3FFF, v59;
	[tilespmem:$0x860] =	vst v10  }
0x99: {  	v15 =	vld [tilespmem:$0x8D0];
	v14 =	vand.u32 $0x3FFF, v61;
	[tilespmem:$0x870] =	vst v12  }
0x9a: {  	v17 =	vld [tilespmem:$0x8E0];
	v16 =	vand.u32 $0x3FFF, v63;
	[tilespmem:$0x880] =	vst v14  }
0x9b: {  	v19 =	vld [tilespmem:$0x8F0];
	v18 =	vand.u32 $0x3FFF, v9;
	[tilespmem:$0x890] =	vst v16  }
0x9c: {  	v21 =	vld [tilespmem:$0x900];
	v20 =	vand.u32 $0x3FFF, v11;
	[tilespmem:$0x8A0] =	vst v18  }
0x9d: {  	v23 =	vld [tilespmem:$0x910];
	v22 =	vand.u32 $0x3FFF, v13;
	[tilespmem:$0x8B0] =	vst v20  }
0x9e: {  	v25 =	vld [tilespmem:$0x920];
	v24 =	vand.u32 $0x3FFF, v15;
	[tilespmem:$0x8C0] =	vst v22  }
0x9f: {  	v27 =	vld [tilespmem:$0x930];
	v26 =	vand.u32 $0x3FFF, v17;
	[tilespmem:$0x8D0] =	vst v24  }
0xa0: {  	v29 =	vld [tilespmem:$0x940];
	v28 =	vand.u32 $0x3FFF, v19;
	[tilespmem:$0x8E0] =	vst v26  }
0xa1: {  	v31 =	vld [tilespmem:$0x950];
	v30 =	vand.u32 $0x3FFF, v21;
	[tilespmem:$0x8F0] =	vst v28  }
0xa2: {  	v33 =	vld [tilespmem:$0x960];
	v32 =	vand.u32 $0x3FFF, v23;
	[tilespmem:$0x900] =	vst v30  }
0xa3: {  	v35 =	vld [tilespmem:$0x970];
	v34 =	vand.u32 $0x3FFF, v25;
	[tilespmem:$0x910] =	vst v32  }
0xa4: {  	v37 =	vld [tilespmem:$0x980];
	v36 =	vand.u32 $0x3FFF, v27;
	[tilespmem:$0x920] =	vst v34  }
0xa5: {  	v39 =	vld [tilespmem:$0x990];
	v38 =	vand.u32 $0x3FFF, v29;
	[tilespmem:$0x930] =	vst v36  }
0xa6: {  	v41 =	vld [tilespmem:$0x9A0];
	v40 =	vand.u32 $0x3FFF, v31;
	[tilespmem:$0x940] =	vst v38  }
0xa7: {  	v43 =	vld [tilespmem:$0x9B0];
	v42 =	vand.u32 $0x3FFF, v33;
	[tilespmem:$0x950] =	vst v40  }
0xa8: {  	v45 =	vld [tilespmem:$0x9C0];
	v44 =	vand.u32 $0x3FFF, v35;
	[tilespmem:$0x960] =	vst v42  }
0xa9: {  	v47 =	vld [tilespmem:$0x9D0];
	v46 =	vand.u32 $0x3FFF, v37;
	[tilespmem:$0x970] =	vst v44  }
0xaa: {  	v49 =	vld [tilespmem:$0x9E0];
	v48 =	vand.u32 $0x3FFF, v39;
	[tilespmem:$0x980] =	vst v46  }
0xab: {  	v51 =	vld [tilespmem:$0x9F0];
	v50 =	vand.u32 $0x3FFF, v41;
	[tilespmem:$0x990] =	vst v48  }
0xac: {  	v52 =	vand.u32 $0x3FFF, v43;
	v53 =	vld [tilespmem:$0xA00];
	[tilespmem:$0x9A0] =	vst v50  }
0xad: {  	v54 =	vand.u32 $0x3FFF, v45;
	v55 =	vld [tilespmem:$0xA10];
	[tilespmem:$0x9B0] =	vst v52  }
0xae: {  	v57 =	vld [tilespmem:$0xA20];
	[tilespmem:$0x9C0] =	vst v54;
	v56 =	vand.u32 $0x3FFF, v47  }
0xaf: {  	v59 =	vld [tilespmem:$0xA30];
	v58 =	vand.u32 $0x3FFF, v49;
	[tilespmem:$0x9D0] =	vst v56  }
0xb0: {  	v61 =	vld [tilespmem:$0xA40];
	v60 =	vand.u32 $0x3FFF, v51;
	[tilespmem:$0x9E0] =	vst v58  }
0xb1: {  	v63 =	vld [tilespmem:$0xA50];
	[tilespmem:$0x9F0] =	vst v60;
	v62 =	vand.u32 $0x3FFF, v53  }
0xb2: {  	v8 =	vld [tilespmem:$0xA60];
	v7 =	vand.u32 $0x3FFF, v55;
	[tilespmem:$0xA00] =	vst v62  }
0xb3: {  	v10 =	vld [tilespmem:$0xA70];
	v9 =	vand.u32 $0x3FFF, v57;
	[tilespmem:$0xA10] =	vst v7  }
0xb4: {  	v12 =	vld [tilespmem:$0xA80];
	v11 =	vand.u32 $0x3FFF, v59;
	[tilespmem:$0xA20] =	vst v9  }
0xb5: {  	v14 =	vld [tilespmem:$0xA90];
	v13 =	vand.u32 $0x3FFF, v61;
	[tilespmem:$0xA30] =	vst v11  }
0xb6: {  	v16 =	vld [tilespmem:$0xAA0];
	v15 =	vand.u32 $0x3FFF, v63;
	[tilespmem:$0xA40] =	vst v13  }
0xb7: {  	v18 =	vld [tilespmem:$0xAB0];
	[tilespmem:$0xA50] =	vst v15;
	v17 =	vand.u32 $0x3FFF, v8  }
0xb8: {  	v20 =	vld [tilespmem:$0xAC0];
	v19 =	vand.u32 $0x3FFF, v10;
	[tilespmem:$0xA60] =	vst v17  }
0xb9: {  	v22 =	vld [tilespmem:$0xAD0];
	v21 =	vand.u32 $0x3FFF, v12;
	[tilespmem:$0xA70] =	vst v19  }
0xba: {  	v24 =	vld [tilespmem:$0xAE0];
	v23 =	vand.u32 $0x3FFF, v14;
	[tilespmem:$0xA80] =	vst v21  }
0xbb: {  	v26 =	vld [tilespmem:$0xAF0];
	v25 =	vand.u32 $0x3FFF, v16;
	[tilespmem:$0xA90] =	vst v23  }
0xbc: {  	v28 =	vld [tilespmem:$0xB00];
	v27 =	vand.u32 $0x3FFF, v18;
	[tilespmem:$0xAA0] =	vst v25  }
0xbd: {  	v30 =	vld [tilespmem:$0xB10];
	v29 =	vand.u32 $0x3FFF, v20;
	[tilespmem:$0xAB0] =	vst v27  }
0xbe: {  	v32 =	vld [tilespmem:$0xB20];
	v31 =	vand.u32 $0x3FFF, v22;
	[tilespmem:$0xAC0] =	vst v29  }
0xbf: {  	v34 =	vld [tilespmem:$0xB30];
	v33 =	vand.u32 $0x3FFF, v24;
	[tilespmem:$0xAD0] =	vst v31  }
0xc0: {  	v36 =	vld [tilespmem:$0xB40];
	v35 =	vand.u32 $0x3FFF, v26;
	[tilespmem:$0xAE0] =	vst v33  }
0xc1: {  	v38 =	vld [tilespmem:$0xB50];
	v37 =	vand.u32 $0x3FFF, v28;
	[tilespmem:$0xAF0] =	vst v35  }
0xc2: {  	v40 =	vld [tilespmem:$0xB60];
	v39 =	vand.u32 $0x3FFF, v30;
	[tilespmem:$0xB00] =	vst v37  }
0xc3: {  	v42 =	vld [tilespmem:$0xB70];
	v41 =	vand.u32 $0x3FFF, v32;
	[tilespmem:$0xB10] =	vst v39  }
0xc4: {  	v44 =	vld [tilespmem:$0xB80];
	v43 =	vand.u32 $0x3FFF, v34;
	[tilespmem:$0xB20] =	vst v41  }
0xc5: {  	v46 =	vld [tilespmem:$0xB90];
	v45 =	vand.u32 $0x3FFF, v36;
	[tilespmem:$0xB30] =	vst v43  }
0xc6: {  	v48 =	vld [tilespmem:$0xBA0];
	v47 =	vand.u32 $0x3FFF, v38;
	[tilespmem:$0xB40] =	vst v45  }
0xc7: {  	v50 =	vld [tilespmem:$0xBB0];
	v49 =	vand.u32 $0x3FFF, v40;
	[tilespmem:$0xB50] =	vst v47  }
0xc8: {  	v52 =	vld [tilespmem:$0xBC0];
	v51 =	vand.u32 $0x3FFF, v42;
	[tilespmem:$0xB60] =	vst v49  }
0xc9: {  	v54 =	vld [tilespmem:$0xBD0];
	v53 =	vand.u32 $0x3FFF, v44;
	[tilespmem:$0xB70] =	vst v51  }
0xca: {  	v56 =	vld [tilespmem:$0xBE0];
	v55 =	vand.u32 $0x3FFF, v46;
	[tilespmem:$0xB80] =	vst v53  }
0xcb: {  	v58 =	vld [tilespmem:$0xBF0];
	v57 =	vand.u32 $0x3FFF, v48;
	[tilespmem:$0xB90] =	vst v55  }
0xcc: {  	v59 =	vand.u32 $0x3FFF, v50;
	[tilespmem:$0xBA0] =	vst v57  }
0xcd: {  	v60 =	vand.u32 $0x3FFF, v52;
	[tilespmem:$0xBB0] =	vst v59  }
0xce: {  	v61 =	vand.u32 $0x3FFF, v54;
	[tilespmem:$0xBC0] =	vst v60  }
0xcf: {  	[tilespmem:$0xBD0] =	vst v61;
	v62 =	vand.u32 $0x3FFF, v56  }
0xd0: {  	s3 =	sadd.s32 s5, s3;
	v63 =	vand.u32 $0x3FFF, v58;
	[tilespmem:$0xBE0] =	vst v62  }
0xd1: {  	s3 =	sadd.s32 $0xA00, s3;
	[tilespmem:$0xBF0] =	vst v63  }
0xd2: {  	[hbm4b:s3+s2] =	stream.linear.scatter [tilespmem:s24], [sflag:$0x1], $0x400, $0x38;
	[tilespmem:$0x10028] =	vst v63  }
0xd3: {  	_ =	swait.ge [sflag:s4], $0x400  }
0xd4: {  	[sflag:s4] =	ssyncset.done $0x0  }
0xd5: {  	[sflag:s4] =	ssyncadd.s32 $0xFFFFFC00  }
0xd6: {  	_ =	sfence.sel $0x180000  }
0xd7: {  	[bflag:$0x0] =	sbarrier.arrive $0xFFFF  }
0xd8: {  	p0 =	sne.s32 s1, $0x0;
	_ =	strace $0x90000047  }
0xd9: {  	s0 =	sadd.s32 @!p0 $0x100000, s0;
	[bflag:$0x2] =	sbarrier.arrive $0xFFFF  }
0xda: {  	[sflag:s0] =	ssyncadd.tile.s32 @!p0 $0x1;
	_ =	shalt  }
.Lfunc_end2:
_tile_overlayer_lowered:
.L_overlay_start_2:
0xdb: {  	(tag) =	ssettag $0x2  }
0xdc: {  	s0 =	rddreg [dreg:$0x0];
	s2 =	stileid.u32  }
0xdd: {  	s1 =	rddreg [dreg:$0x1];
	p0 =	sne.s32 s2, $0x0  }
0xde: {  	s3 =	rddreg [dreg:$0x2];
	[bflag:$0x3] =	sbarrier.arrive $0xFFFF;
	s2 =	simm.s32 @!p0 $0x1C01  }
0xdf: {  	[timem:s3], [sflag:s2] =	dma.local @!p0 [hbm:s0], s1  }
0xe0: {  	s0 =	simm.s32 @!p0 $0x1  }
0xe1: {  	_ =	swait.ge @!p0 [sflag:s0], s1  }
0xe2: {  	s1 =	ssub.s32 @!p0 $0x0, s1;
	[sflag:s0] =	ssyncset.done @!p0 $0x0  }
0xe3: {  	[sflag:s0] =	ssyncadd.s32 @!p0 s1  }
0xe4: {  	[bflag:$0x3] =	sbarrier.arrive $0xFFFF  }
0xe5: {  	_ =	shalt  }

// kernel: kernel.7.cloned.1.call-start
scs
__scs_entry_jumppad:
0x0: {  	(pc) =	sbr.rel $0x88, $3  }
0x1: {  	(tag) =	ssettag $0x0;
	lr =	simm.s32 $0x1  }
0x2: {  	[smem:$0x3F9E] =	sst lr;
	_ =	strace $0xD0000000  }
0x3: {  	_ = 	snop  }
0x4: {  	_ = 	snop  }
0x5: {  	_ = 	snop  }
0x6: {  	_ = 	snop  }
0x7: {  	_ = 	snop  }
__scs_overlays_trampoline_lowered:
0x8: {  	[smem:$0x3FAD] =	sst s0  }
0x9: {  	[smem:$0x3FAE] =	sst s1  }
0xa: {  	[smem:$0x3FAF] =	sst s2  }
0xb: {  	[smem:$0x3FB0] =	sst s3  }
0xc: {  	[smem:$0x3FB1] =	sst s4  }
0xd: {  	[smem:$0x3FB2] =	sst s5  }
0xe: {  	[smem:$0x3FB3] =	sst s6  }
0xf: {  	[smem:$0x3FB4] =	sst s7  }
0x10: {  	[smem:$0x3FB5] =	sst s8  }
0x11: {  	[smem:$0x3FB6] =	sst s9;
	s0 =	simm.s32 @!p0 $0x0  }
0x12: {  	s1 =	sld [smem:$0x3F9C];
	s0 =	simm.s32 @p0 $0x1  }
0x13: {  	[smem:$0x3FB7] =	sst s0;
	s0 =	simm.s32 @!p1 $0x0  }
0x14: {  	s2 =	sld [smem:$0x3F9B];
	s0 =	simm.s32 @p1 $0x1  }
0x15: {  	[smem:$0x3FB8] =	sst s0;
	s0 =	simm.s32 @!p2 $0x0  }
0x16: {  	s3 =	sld [smem:$0x3FDB];
	s0 =	simm.s32 @p2 $0x1  }
0x17: {  	s4 =	simm.s32 $0x1BF5;
	[smem:$0x3FBA] =	sst s0  }
0x18: {  	s0 =	sld [smem:$0x3F9D];
	_ =	swait.ge [sflag:s4], $0x0  }
0x19: {  	s7 =	sld [smem:$0x3F9E]  }
0x1a: {  	s8 =	sadd.s32 $0xFFFFE003, lr  }
0x1b: {  	s9 =	sadd.s32 $0xFFFFFEF7, lr;
	s5 =	simm.s32 $0xFFFFFFFF;
	p2 =	slt.u32 s8, $0xFFFFF086  }
0x1c: {  	p1 =	slt.u32 s9, $0xF7A;
	s5 =	simm.s32 @!p2 $0x0  }
0x1d: {  	s5 =	simm.s32 @p1 $0x1;
	p0 =	seq.s32 s7, s2  }
0x1e: {  	s7 =	smul.u32 @!p0 $0xF7A, s2;
	p2 =	seq.s32 @!p0 s5, $0x0  }
0x1f: {  	s9 =	smul.u32 $0xF7A, s1;
	s8 =	simm.s32 @!p0 $0x1BF5;
	p2 =	por !p2, p0  }
0x20: {  	[sflag:s8] =	ssyncset.s32 @!p0 $0xFFFFF086;
	s6 =	sadd.s32 @!p0 s3, s7;
	s7 =	simm.s32 @!p0 $0x108  }
0x21: {  	s3 =	sadd.s32 s3, s9;
	s6 =	sadd.s32 @!p0 $0x88, s6;
	s7 =	simm.s32 @p2 $0x1082  }
0x22: {  	[simem:s7], [sflag:s8] =	dma.local @!p0 [hbm:s6], $0xF7A  }
0x23: {  	s9 =	sor.u32 $0xD0000000, s2;
	s6 =	simm.s32 $0x108;
	_ =	swait.ge @!p0 [sflag:s8], $0x0  }
0x24: {  	s3 =	sadd.s32 $0x88, s3;
	s6 =	simm.s32 @!p1 $0x1082;
	[sflag:s4] =	ssyncset.s32 $0xFFFFF086  }
0x25: {  	[simem:s6], [sflag:s4] =	dma.local [hbm:s3], $0xF7A  }
0x26: {  	[smem:$0x3F9E] =	sst s1;
	(tag) =	ssettag s2;
	_ =	strace s9  }
0x27: {  	s1 =	sld [smem:$0x3FAE]  }
0x28: {  	s2 =	sld [smem:$0x3FAF]  }
0x29: {  	s4 =	sld [smem:$0x3FB1]  }
0x2a: {  	p0 =	seq.s32 s5, $0x0;
	s5 =	sld [smem:$0x3FB2]  }
0x2b: {  	s6 =	sld [smem:$0x3FB3]  }
0x2c: {  	s7 =	sld [smem:$0x3FB4]  }
0x2d: {  	s3 =	simm.s32 $0x108;
	s8 =	sld [smem:$0x3FB5]  }
0x2e: {  	s3 =	simm.s32 @!p0 $0x1082;
	s9 =	sld [smem:$0x3FB6]  }
0x2f: {  	lr =	sadd.s32 s0, s3;
	s0 =	sld [smem:$0x3FAD]  }
0x30: {  	s3 =	sld [smem:$0x3FB0]  }
0x31: {  	[smem:$0x3FB9] =	sst s10  }
0x32: {  	s10 =	sld [smem:$0x3FB7];
	_ =	sdelay $0x3  }
0x33: {  	p0 =	seq.s32 s10, $0x1;
	s10 =	sld [smem:$0x3FB9];
	_ =	sdelay $0x3  }
0x34: {  	[smem:$0x3FB9] =	sst s10  }
0x35: {  	s10 =	sld [smem:$0x3FB8];
	_ =	sdelay $0x3  }
0x36: {  	p1 =	seq.s32 s10, $0x1;
	s10 =	sld [smem:$0x3FB9];
	_ =	sdelay $0x3  }
0x37: {  	[smem:$0x3FB9] =	sst s10  }
0x38: {  	s10 =	sld [smem:$0x3FBA]  }
0x39: {  	_ = 	snop;
	(pc) =	sbr.ind lr, $3  }
0x3a: {  	_ = 	snop  }
0x3b: {  	_ = 	snop  }
0x3c: {  	p2 =	seq.s32 s10, $0x1;
	s10 =	sld [smem:$0x3FB9]  }
0x3d: {  	_ =	shalt  }
0x3e: {  	_ =	shalt  }
0x3f: {  	_ =	shalt  }
0x40: {  	_ =	shalt  }
0x41: {  	_ =	shalt  }
0x42: {  	_ =	shalt  }
0x43: {  	_ =	shalt  }
0x44: {  	_ =	shalt  }
0x45: {  	_ =	shalt  }
0x46: {  	_ =	shalt  }
0x47: {  	_ =	shalt  }
0x48: {  	_ =	shalt  }
0x49: {  	_ =	shalt  }
0x4a: {  	_ =	shalt  }
0x4b: {  	_ =	shalt  }
0x4c: {  	_ =	shalt  }
0x4d: {  	_ =	shalt  }
0x4e: {  	_ =	shalt  }
0x4f: {  	_ =	shalt  }
0x50: {  	_ =	shalt  }
0x51: {  	_ =	shalt  }
0x52: {  	_ =	shalt  }
0x53: {  	_ =	shalt  }
0x54: {  	_ =	shalt  }
0x55: {  	_ =	shalt  }
0x56: {  	_ =	shalt  }
0x57: {  	_ =	shalt  }
0x58: {  	_ =	shalt  }
0x59: {  	_ =	shalt  }
0x5a: {  	_ =	shalt  }
0x5b: {  	_ =	shalt  }
0x5c: {  	_ =	shalt  }
0x5d: {  	_ =	shalt  }
0x5e: {  	_ =	shalt  }
0x5f: {  	_ =	shalt  }
0x60: {  	_ =	shalt  }
0x61: {  	_ =	shalt  }
0x62: {  	_ =	shalt  }
0x63: {  	_ =	shalt  }
0x64: {  	_ =	shalt  }
0x65: {  	_ =	shalt  }
0x66: {  	_ =	shalt  }
0x67: {  	_ =	shalt  }
0x68: {  	_ =	shalt  }
0x69: {  	_ =	shalt  }
0x6a: {  	_ =	shalt  }
0x6b: {  	_ =	shalt  }
0x6c: {  	_ =	shalt  }
0x6d: {  	_ =	shalt  }
0x6e: {  	_ =	shalt  }
0x6f: {  	_ =	shalt  }
0x70: {  	_ =	shalt  }
0x71: {  	_ =	shalt  }
0x72: {  	_ =	shalt  }
0x73: {  	_ =	shalt  }
0x74: {  	_ =	shalt  }
0x75: {  	_ =	shalt  }
0x76: {  	_ =	shalt  }
0x77: {  	_ =	shalt  }
0x78: {  	_ =	shalt  }
0x79: {  	_ =	shalt  }
0x7a: {  	_ =	shalt  }
0x7b: {  	_ =	shalt  }
0x7c: {  	_ =	shalt  }
0x7d: {  	_ =	shalt  }
0x7e: {  	_ =	shalt  }
0x7f: {  	_ =	shalt  }
0x80: {  	_ =	shalt  }
0x81: {  	_ =	shalt  }
0x82: {  	_ =	shalt  }
0x83: {  	_ =	shalt  }
0x84: {  	_ =	shalt  }
0x85: {  	_ =	shalt  }
0x86: {  	_ =	shalt  }
0x87: {  	_ =	shalt  }
.Lfunc_end0:
.L_simem_size_0:
called_computation.1_lowered:
.L_overlay_start_0:
0x88: {  	s2 =	sld [smem:$0x3FD9]  }
0x89: {  	s3 =	sld [smem:$0x3FFE];
	_ =	sdelay $0x1  }
0x8a: {  	s1 =	srdreg.scid  }
0x8b: {  	s0 =	sand.u32 $0x1, s1  }
0x8c: {  	s17 =	sshll.u32 s0, $0xA;
	s2 =	sadd.s32 s3, s2  }
0x8d: {  	s2 =	sadd.s32 s2, s17  }
0x8e: {  	[smem:$0x3FC5] =	sst s2  }
0x8f: {  	_ = 	snop  }
0x90: {  	s2 =	sld [smem:$0x3FC8]  }
0x91: {  	s18 =	sld [smem:$0x3FD0];
	(tm) =	ssettm $0x1  }
0x92: {  	s4 =	sld [smem:$0x3FFB];
	_ =	sdelay $0x3  }
0x93: {  	_ =	strace s4  }
0x94: {  	s4 =	sld [smem:$0x3FFC];
	_ =	sdelay $0x3  }
0x95: {  	_ =	strace s4  }
0x96: {  	s4 =	sld [smem:$0x3FFD];
	_ =	sdelay $0x3  }
0x97: {  	_ =	strace s4  }
0x98: {  	_ =	strace $0x8FFFFFFF  }
0x99: {  	s19 =	sld [smem:$0x3FDB];
	_ =	sdelay $0x1  }
0x9a: {  	s5 =	simm.s32 $_scs_section_size  }
0x9b: {  	s6 =	simm.s32 $_size__tile_overlayer_lowered;
	s7 =	simm.s32 $_tile_overlayer_lowered  }
0x9c: {  	s22 =	simm.s32 $0x1BFF;
	s21 =	sshll.u32 s7, $0x1;
	s4 =	sadd.s32 s5, s19  }
0x9d: {  	s8 =	simm.s32 $0x0;
	s20 =	sshll.u32 s6, $0x1;
	s6 =	sadd.s32 s21, s4  }
0x9e: {  	[timem:s8], [sflag:s22] =	dma.local [hbm:s6], s20  }
0x9f: {  	_ =	swait.ge [sflag:s22], s20  }
0xa0: {  	s5 =	ssub.s32 $0x0, s20;
	[sflag:s22] =	ssyncset.done $0x0  }
0xa1: {  	[sflag:s22] =	ssyncadd.s32 s5;
	_ =	sdelay $0x1  }
0xa2: {  	s23 =	simm.s32 $0x1B8B  }
0xa3: {  	_ =	swait.ge [sflag:s23], $0x1  }
0xa4: {  	[sflag:s23] =	ssyncset.done $0x0  }
0xa5: {  	s25 =	simm.s32 $0x1B8E;
	s24 =	sld [smem:$0x3FFE];
	[sflag:s23] =	ssyncadd.s32 $0xFFFFFFFF  }
0xa6: {  	s26 =	simm.s32 $execute0_lowered;
	[smem:$0x3FD2] =	sst s25  }
0xa7: {  	s6 =	sshll.u32 s26, $0x1;
	_ =	strace $0x80000049;
	[dreg:$0x1] =	wrdreg $0xFFFFFFFF  }
0xa8: {  	s28 =	simm.s32 $_size_execute0_lowered;
	s4 =	sadd.s32 s4, s6;
	[dreg:$0x0] =	wrdreg $0x0  }
0xa9: {  	s6 =	sshll.u32 s28, $0x1;
	[dreg:$0x2] =	wrdreg s4  }
0xaa: {  	[dreg:$0x3] =	wrdreg s6  }
0xab: {  	[dreg:$0x4] =	wrdreg $0xC0  }
0xac: {  	_ =	task [dreg:s8], $0x5FFFF  }
0xad: {  	[dreg:$0x1] =	wrdreg $0xFFFFFFFF  }
0xae: {  	[dreg:$0x0] =	wrdreg $0x60  }
0xaf: {  	[dreg:$0x2] =	wrdreg s24  }
0xb0: {  	[dreg:$0x3] =	wrdreg s2  }
0xb1: {  	[dreg:$0x4] =	wrdreg s18  }
0xb2: {  	[dreg:$0x5] =	wrdreg $0x118000  }
0xb3: {  	[dreg:$0x6] =	wrdreg $0x9  }
0xb4: {  	_ =	task.clear_ibuf [dreg:s8], $0x7FFFF;
	_ =	strace $0x90000049  }
0xb5: {  	s29 =	simm.s32 $0x9;
	_ =	strace $0x8000004B  }
0xb6: {  	_ =	swait.ge [sflag:s29], $0x1  }
0xb7: {  	[sflag:s29] =	ssyncadd.s32 $0xFFFFFFFF  }
0xb8: {  	_ =	strace $0x9000004B  }
0xb9: {  	_ =	sfence  }
0xba: {  	s30 =	sld [smem:$0x0];
	_ =	sdelay $0x2  }
0xbb: {  	s31 =	sshll.u32 s1, $0xD;
	s1 =	sshrl.u32 s1, $0x2  }
0xbc: {  	s3 =	sand.u32 $0x4000, s31;
	s1 =	sadd.s32 s1, s30  }
0xbd: {  	s0 =	sor.u32 s3, s0;
	s1 =	sshll.u32 s1, $0x11  }
0xbe: {  	s0 =	sor.u32 s1, s0  }
0xbf: {  	s0 =	sadd.s32 $0x8F2B, s0  }
0xc0: {  	[sflag:s0] =	ssyncadd.remote.s32 $0x1  }
0xc1: {  	_ =	sfence.sel $0xFFFF  }
0xc2: {  	[dreg:$0x0] =	wrdreg $0xFFFFFFFF;
	(pc) =	sbr.abs _section_cstart, $3  }
0xc3: {  	[dreg:$0x1] =	wrdreg $0xFFFFFFFF  }
0xc4: {  	_ =	task.clear_ibuf [dreg:s8], $0x2FFFF;
	_ =	strace $0x9FFFFFFF  }
0xc5: {  	(tm) =	ssettm $0x7FFFFFFF  }
tec
execute0_lowered:
.L_overlay_start_1:
0x0: {  	(tag) =	ssettag $0x1  }
0x1: {  	s0 =	rddreg [dreg:$0x0]  }
0x2: {  	s2 =	rddreg [dreg:$0x1]  }
0x3: {  	s5 =	rddreg [dreg:$0x2]  }
0x4: {  	s1 =	rddreg [dreg:$0x3]  }
0x5: {  	s3 =	simm.s32 $0x0;
	s4 =	srdreg.scid;
	s12 =	stileid.u32  }
0x6: {  	s28 =	simm.s32 $0x400;
	s29 =	simm.s32 $0x800;
	s30 =	simm.s32 $0x8800  }
0x7: {  	s31 =	simm.s32 $0x80;
	[smem:$0x7FF] =	sst s3;
	s6 =	sand.u32 $0x1, s4  }
0x8: {  	s4 =	sadd.s32 $0xF43600, s0;
	s7 =	sshll.u32 s12, $0x7;
	s10 =	sshll.u32 s12, $0xC  }
0x9: {  	s26 =	sshll.u32 s12, $0xF;
	_ =	strace $0x8000004A;
	s8 =	ssub.s32 $0x2, s6  }
0xa: {  	s9 =	sadd.s32 s7, s0;
	s0 =	sadd.s32 s10, s0;
	s2 =	sadd.s32 s2, s7  }
0xb: {  	s6 =	sshll.u32 s6, $0xB;
	s5 =	sadd.s32 s5, s10;
	[dreg:$0x5] =	wrdreg s2  }
0xc: {  	s11 =	sshrl.u32 s8, $0x1;
	s25 =	sadd.s32 $0xA00, s9;
	[dreg:$0x7] =	wrdreg s5  }
0xd: {  	s0 =	sadd.s32 s6, s0;
	s17 =	sshrl.u32 s6, $0x2;
	s2 =	simm.s32 $0x0  }
0xe: {  	s11 =	ssub.s32 s8, s11;
	[dreg:$0x6] =	wrdreg s25;
	s8 =	sadd.s32 s26, s1  }
0xf: {  	s9 =	sadd.s32 $0x1200, s0;
	s19 =	sor.u32 $0x80, s17;
	s20 =	sor.u32 $0x100, s17  }
0x10: {  	s21 =	sor.u32 $0x180, s17;
	s22 =	sor.u32 $0x400, s17;
	s23 =	sor.u32 $0x480, s17  }
0x11: {  	s24 =	sor.u32 $0x500, s17;
	s25 =	sor.u32 $0x580, s17;
	s26 =	simm.s32 $0x1  }
0x12: {  	s0 =	simm.s32 $0x9800;
	s10 =	smax.u32 s11, $0x1;
	s11 =	sadd.s32 $0x1000, s8  }
0x13: {  	s12 =	sadd.s32 $0x2000, s8;
	s13 =	sadd.s32 $0x3000, s8;
	s14 =	sadd.s32 $0x4000, s8  }
0x14: {  	v0 =	vimm.f32 $0.0e+00;
	s15 =	sadd.s32 $0x5000, s8;
	s16 =	sadd.s32 $0x6000, s8;
	s18 =	sadd.s32 $0x7000, s8  }
.LBB2_1:
0x15: {  	s5 =	rddreg [dreg:$0x5]  }
0x16: {  	[tilespmem:s3], [sflag:$0x1] =	stream.linear.gather [hbm4b:s5+s3], $0x400, $0x38;
	[tilespmem:$0x19800] =	vst v63  }
0x17: {  	_ =	swait.ge [sflag:s26], $0x400  }
0x18: {  	[sflag:s26] =	ssyncset.done $0x0  }
0x19: {  	s7 =	rddreg [dreg:$0x6];
	[sflag:s26] =	ssyncadd.s32 $0xFFFFFC00  }
0x1a: {  	[tilespmem:s28], [sflag:$0x1] =	stream.linear.gather [hbm4b:s7+s3], $0x400, $0x38;
	[tilespmem:$0x19800] =	vst v63  }
0x1b: {  	_ =	swait.ge [sflag:s26], $0x400  }
0x1c: {  	[sflag:s26] =	ssyncset.done $0x0  }
0x1d: {  	s6 =	rddreg [dreg:$0x7];
	[sflag:s26] =	ssyncadd.s32 $0xFFFFFC00  }
0x1e: {  	[tilespmem:s29], [sflag:$0x1] =	stream.linear.gather [hbm4b:s6+s3], $0x8000, $0x38;
	[tilespmem:$0x19800] =	vst v63  }
0x1f: {  	_ =	swait.ge [sflag:s26], $0x8000  }
0x20: {  	[sflag:s26] =	ssyncset.done $0x0  }
0x21: {  	[sflag:s26] =	ssyncadd.s32 $0xFFFF8000  }
0x22: {  	[tilespmem:$0x8800] =	vst v0  }
0x23: {  	[tilespmem:$0x8810] =	vst v0  }
0x24: {  	[tilespmem:$0x8820] =	vst v0  }
0x25: {  	[tilespmem:$0x8830] =	vst v0  }
0x26: {  	[tilespmem:$0x8840] =	vst v0  }
0x27: {  	[tilespmem:$0x8850] =	vst v0  }
0x28: {  	[tilespmem:$0x8860] =	vst v0  }
0x29: {  	[tilespmem:$0x8870] =	vst v0  }
0x2a: {  	[tilespmem:$0x8880] =	vst v0  }
0x2b: {  	[tilespmem:$0x8890] =	vst v0  }
0x2c: {  	[tilespmem:$0x88A0] =	vst v0  }
0x2d: {  	[tilespmem:$0x88B0] =	vst v0  }
0x2e: {  	[tilespmem:$0x88C0] =	vst v0  }
0x2f: {  	[tilespmem:$0x88D0] =	vst v0  }
0x30: {  	[tilespmem:$0x88E0] =	vst v0  }
0x31: {  	[tilespmem:$0x88F0] =	vst v0  }
0x32: {  	[tilespmem:$0x8900] =	vst v0  }
0x33: {  	[tilespmem:$0x8910] =	vst v0  }
0x34: {  	[tilespmem:$0x8920] =	vst v0  }
0x35: {  	[tilespmem:$0x8930] =	vst v0  }
0x36: {  	[tilespmem:$0x8940] =	vst v0  }
0x37: {  	[tilespmem:$0x8950] =	vst v0  }
0x38: {  	[tilespmem:$0x8960] =	vst v0  }
0x39: {  	[tilespmem:$0x8970] =	vst v0  }
0x3a: {  	[tilespmem:$0x8980] =	vst v0  }
0x3b: {  	[tilespmem:$0x8990] =	vst v0  }
0x3c: {  	[tilespmem:$0x89A0] =	vst v0  }
0x3d: {  	[tilespmem:$0x89B0] =	vst v0  }
0x3e: {  	[tilespmem:$0x89C0] =	vst v0  }
0x3f: {  	[tilespmem:$0x89D0] =	vst v0  }
0x40: {  	[tilespmem:$0x89E0] =	vst v0  }
0x41: {  	[tilespmem:$0x89F0] =	vst v0  }
0x42: {  	[tilespmem:$0x8A00] =	vst v0  }
0x43: {  	[tilespmem:$0x8A10] =	vst v0  }
0x44: {  	[tilespmem:$0x8A20] =	vst v0  }
0x45: {  	[tilespmem:$0x8A30] =	vst v0  }
0x46: {  	[tilespmem:$0x8A40] =	vst v0  }
0x47: {  	[tilespmem:$0x8A50] =	vst v0  }
0x48: {  	[tilespmem:$0x8A60] =	vst v0  }
0x49: {  	[tilespmem:$0x8A70] =	vst v0  }
0x4a: {  	[tilespmem:$0x8A80] =	vst v0  }
0x4b: {  	[tilespmem:$0x8A90] =	vst v0  }
0x4c: {  	[tilespmem:$0x8AA0] =	vst v0  }
0x4d: {  	[tilespmem:$0x8AB0] =	vst v0  }
0x4e: {  	[tilespmem:$0x8AC0] =	vst v0  }
0x4f: {  	[tilespmem:$0x8AD0] =	vst v0  }
0x50: {  	[tilespmem:$0x8AE0] =	vst v0  }
0x51: {  	[tilespmem:$0x8AF0] =	vst v0  }
0x52: {  	[tilespmem:$0x8B00] =	vst v0  }
0x53: {  	[tilespmem:$0x8B10] =	vst v0  }
0x54: {  	[tilespmem:$0x8B20] =	vst v0  }
0x55: {  	[tilespmem:$0x8B30] =	vst v0  }
0x56: {  	[tilespmem:$0x8B40] =	vst v0  }
0x57: {  	[tilespmem:$0x8B50] =	vst v0  }
0x58: {  	[tilespmem:$0x8B60] =	vst v0  }
0x59: {  	[tilespmem:$0x8B70] =	vst v0  }
0x5a: {  	[tilespmem:$0x8B80] =	vst v0  }
0x5b: {  	[tilespmem:$0x8B90] =	vst v0  }
0x5c: {  	[tilespmem:$0x8BA0] =	vst v0  }
0x5d: {  	[tilespmem:$0x8BB0] =	vst v0  }
0x5e: {  	[tilespmem:$0x8BC0] =	vst v0  }
0x5f: {  	[tilespmem:$0x8BD0] =	vst v0  }
0x60: {  	[tilespmem:$0x8BE0] =	vst v0  }
0x61: {  	[tilespmem:$0x8BF0] =	vst v0  }
0x62: {  	[tilespmem:$0x8C00] =	vst v0  }
0x63: {  	[tilespmem:$0x8C10] =	vst v0  }
0x64: {  	[tilespmem:$0x8C20] =	vst v0  }
0x65: {  	[tilespmem:$0x8C30] =	vst v0  }
0x66: {  	[tilespmem:$0x8C40] =	vst v0  }
0x67: {  	[tilespmem:$0x8C50] =	vst v0  }
0x68: {  	[tilespmem:$0x8C60] =	vst v0  }
0x69: {  	[tilespmem:$0x8C70] =	vst v0  }
0x6a: {  	[tilespmem:$0x8C80] =	vst v0  }
0x6b: {  	[tilespmem:$0x8C90] =	vst v0  }
0x6c: {  	[tilespmem:$0x8CA0] =	vst v0  }
0x6d: {  	[tilespmem:$0x8CB0] =	vst v0  }
0x6e: {  	[tilespmem:$0x8CC0] =	vst v0  }
0x6f: {  	[tilespmem:$0x8CD0] =	vst v0  }
0x70: {  	[tilespmem:$0x8CE0] =	vst v0  }
0x71: {  	[tilespmem:$0x8CF0] =	vst v0  }
0x72: {  	[tilespmem:$0x8D00] =	vst v0  }
0x73: {  	[tilespmem:$0x8D10] =	vst v0  }
0x74: {  	[tilespmem:$0x8D20] =	vst v0  }
0x75: {  	[tilespmem:$0x8D30] =	vst v0  }
0x76: {  	[tilespmem:$0x8D40] =	vst v0  }
0x77: {  	[tilespmem:$0x8D50] =	vst v0  }
0x78: {  	[tilespmem:$0x8D60] =	vst v0  }
0x79: {  	[tilespmem:$0x8D70] =	vst v0  }
0x7a: {  	[tilespmem:$0x8D80] =	vst v0  }
0x7b: {  	[tilespmem:$0x8D90] =	vst v0  }
0x7c: {  	[tilespmem:$0x8DA0] =	vst v0  }
0x7d: {  	[tilespmem:$0x8DB0] =	vst v0  }
0x7e: {  	[tilespmem:$0x8DC0] =	vst v0  }
0x7f: {  	[tilespmem:$0x8DD0] =	vst v0  }
0x80: {  	[tilespmem:$0x8DE0] =	vst v0  }
0x81: {  	[tilespmem:$0x8DF0] =	vst v0  }
0x82: {  	[tilespmem:$0x8E00] =	vst v0  }
0x83: {  	[tilespmem:$0x8E10] =	vst v0  }
0x84: {  	[tilespmem:$0x8E20] =	vst v0  }
0x85: {  	[tilespmem:$0x8E30] =	vst v0  }
0x86: {  	[tilespmem:$0x8E40] =	vst v0  }
0x87: {  	[tilespmem:$0x8E50] =	vst v0  }
0x88: {  	[tilespmem:$0x8E60] =	vst v0  }
0x89: {  	[tilespmem:$0x8E70] =	vst v0  }
0x8a: {  	[tilespmem:$0x8E80] =	vst v0  }
0x8b: {  	[tilespmem:$0x8E90] =	vst v0  }
0x8c: {  	[tilespmem:$0x8EA0] =	vst v0  }
0x8d: {  	[tilespmem:$0x8EB0] =	vst v0  }
0x8e: {  	[tilespmem:$0x8EC0] =	vst v0  }
0x8f: {  	[tilespmem:$0x8ED0] =	vst v0  }
0x90: {  	[tilespmem:$0x8EE0] =	vst v0  }
0x91: {  	[tilespmem:$0x8EF0] =	vst v0  }
0x92: {  	[tilespmem:$0x8F00] =	vst v0  }
0x93: {  	[tilespmem:$0x8F10] =	vst v0  }
0x94: {  	[tilespmem:$0x8F20] =	vst v0  }
0x95: {  	[tilespmem:$0x8F30] =	vst v0  }
0x96: {  	[tilespmem:$0x8F40] =	vst v0  }
0x97: {  	[tilespmem:$0x8F50] =	vst v0  }
0x98: {  	[tilespmem:$0x8F60] =	vst v0  }
0x99: {  	[tilespmem:$0x8F70] =	vst v0  }
0x9a: {  	[tilespmem:$0x8F80] =	vst v0  }
0x9b: {  	[tilespmem:$0x8F90] =	vst v0  }
0x9c: {  	[tilespmem:$0x8FA0] =	vst v0  }
0x9d: {  	[tilespmem:$0x8FB0] =	vst v0  }
0x9e: {  	[tilespmem:$0x8FC0] =	vst v0  }
0x9f: {  	[tilespmem:$0x8FD0] =	vst v0  }
0xa0: {  	[tilespmem:$0x8FE0] =	vst v0  }
0xa1: {  	[tilespmem:$0x8FF0] =	vst v0  }
0xa2: {  	[tilespmem:$0x9000] =	vst v0  }
0xa3: {  	[tilespmem:$0x9010] =	vst v0  }
0xa4: {  	[tilespmem:$0x9020] =	vst v0  }
0xa5: {  	[tilespmem:$0x9030] =	vst v0  }
0xa6: {  	[tilespmem:$0x9040] =	vst v0  }
0xa7: {  	[tilespmem:$0x9050] =	vst v0  }
0xa8: {  	[tilespmem:$0x9060] =	vst v0  }
0xa9: {  	[tilespmem:$0x9070] =	vst v0  }
0xaa: {  	[tilespmem:$0x9080] =	vst v0  }
0xab: {  	[tilespmem:$0x9090] =	vst v0  }
0xac: {  	[tilespmem:$0x90A0] =	vst v0  }
0xad: {  	[tilespmem:$0x90B0] =	vst v0  }
0xae: {  	[tilespmem:$0x90C0] =	vst v0  }
0xaf: {  	[tilespmem:$0x90D0] =	vst v0  }
0xb0: {  	[tilespmem:$0x90E0] =	vst v0  }
0xb1: {  	[tilespmem:$0x90F0] =	vst v0  }
0xb2: {  	[tilespmem:$0x9100] =	vst v0  }
0xb3: {  	[tilespmem:$0x9110] =	vst v0  }
0xb4: {  	[tilespmem:$0x9120] =	vst v0  }
0xb5: {  	[tilespmem:$0x9130] =	vst v0  }
0xb6: {  	[tilespmem:$0x9140] =	vst v0  }
0xb7: {  	[tilespmem:$0x9150] =	vst v0  }
0xb8: {  	[tilespmem:$0x9160] =	vst v0  }
0xb9: {  	[tilespmem:$0x9170] =	vst v0  }
0xba: {  	[tilespmem:$0x9180] =	vst v0  }
0xbb: {  	[tilespmem:$0x9190] =	vst v0  }
0xbc: {  	[tilespmem:$0x91A0] =	vst v0  }
0xbd: {  	[tilespmem:$0x91B0] =	vst v0  }
0xbe: {  	[tilespmem:$0x91C0] =	vst v0  }
0xbf: {  	[tilespmem:$0x91D0] =	vst v0  }
0xc0: {  	[tilespmem:$0x91E0] =	vst v0  }
0xc1: {  	[tilespmem:$0x91F0] =	vst v0  }
0xc2: {  	[tilespmem:$0x9200] =	vst v0  }
0xc3: {  	[tilespmem:$0x9210] =	vst v0  }
0xc4: {  	[tilespmem:$0x9220] =	vst v0  }
0xc5: {  	[tilespmem:$0x9230] =	vst v0  }
0xc6: {  	[tilespmem:$0x9240] =	vst v0  }
0xc7: {  	[tilespmem:$0x9250] =	vst v0  }
0xc8: {  	[tilespmem:$0x9260] =	vst v0  }
0xc9: {  	[tilespmem:$0x9270] =	vst v0  }
0xca: {  	[tilespmem:$0x9280] =	vst v0  }
0xcb: {  	[tilespmem:$0x9290] =	vst v0  }
0xcc: {  	[tilespmem:$0x92A0] =	vst v0  }
0xcd: {  	[tilespmem:$0x92B0] =	vst v0  }
0xce: {  	[tilespmem:$0x92C0] =	vst v0  }
0xcf: {  	[tilespmem:$0x92D0] =	vst v0  }
0xd0: {  	[tilespmem:$0x92E0] =	vst v0  }
0xd1: {  	[tilespmem:$0x92F0] =	vst v0  }
0xd2: {  	[tilespmem:$0x9300] =	vst v0  }
0xd3: {  	[tilespmem:$0x9310] =	vst v0  }
0xd4: {  	[tilespmem:$0x9320] =	vst v0  }
0xd5: {  	[tilespmem:$0x9330] =	vst v0  }
0xd6: {  	[tilespmem:$0x9340] =	vst v0  }
0xd7: {  	[tilespmem:$0x9350] =	vst v0  }
0xd8: {  	[tilespmem:$0x9360] =	vst v0  }
0xd9: {  	[tilespmem:$0x9370] =	vst v0  }
0xda: {  	[tilespmem:$0x9380] =	vst v0  }
0xdb: {  	[tilespmem:$0x9390] =	vst v0  }
0xdc: {  	[tilespmem:$0x93A0] =	vst v0  }
0xdd: {  	[tilespmem:$0x93B0] =	vst v0  }
0xde: {  	[tilespmem:$0x93C0] =	vst v0  }
0xdf: {  	[tilespmem:$0x93D0] =	vst v0  }
0xe0: {  	[tilespmem:$0x93E0] =	vst v0  }
0xe1: {  	[tilespmem:$0x93F0] =	vst v0  }
0xe2: {  	[tilespmem:$0x9400] =	vst v0  }
0xe3: {  	[tilespmem:$0x9410] =	vst v0  }
0xe4: {  	[tilespmem:$0x9420] =	vst v0  }
0xe5: {  	[tilespmem:$0x9430] =	vst v0  }
0xe6: {  	[tilespmem:$0x9440] =	vst v0  }
0xe7: {  	[tilespmem:$0x9450] =	vst v0  }
0xe8: {  	[tilespmem:$0x9460] =	vst v0  }
0xe9: {  	[tilespmem:$0x9470] =	vst v0  }
0xea: {  	[tilespmem:$0x9480] =	vst v0  }
0xeb: {  	[tilespmem:$0x9490] =	vst v0  }
0xec: {  	[tilespmem:$0x94A0] =	vst v0  }
0xed: {  	[tilespmem:$0x94B0] =	vst v0  }
0xee: {  	[tilespmem:$0x94C0] =	vst v0  }
0xef: {  	[tilespmem:$0x94D0] =	vst v0  }
0xf0: {  	[tilespmem:$0x94E0] =	vst v0  }
0xf1: {  	[tilespmem:$0x94F0] =	vst v0  }
0xf2: {  	[tilespmem:$0x9500] =	vst v0  }
0xf3: {  	[tilespmem:$0x9510] =	vst v0  }
0xf4: {  	[tilespmem:$0x9520] =	vst v0  }
0xf5: {  	[tilespmem:$0x9530] =	vst v0  }
0xf6: {  	[tilespmem:$0x9540] =	vst v0  }
0xf7: {  	[tilespmem:$0x9550] =	vst v0  }
0xf8: {  	[tilespmem:$0x9560] =	vst v0  }
0xf9: {  	[tilespmem:$0x9570] =	vst v0  }
0xfa: {  	[tilespmem:$0x9580] =	vst v0  }
0xfb: {  	[tilespmem:$0x9590] =	vst v0  }
0xfc: {  	[tilespmem:$0x95A0] =	vst v0  }
0xfd: {  	[tilespmem:$0x95B0] =	vst v0  }
0xfe: {  	[tilespmem:$0x95C0] =	vst v0  }
0xff: {  	[tilespmem:$0x95D0] =	vst v0  }
0x100: {  	[tilespmem:$0x95E0] =	vst v0  }
0x101: {  	[tilespmem:$0x95F0] =	vst v0  }
0x102: {  	[tilespmem:$0x9600] =	vst v0  }
0x103: {  	[tilespmem:$0x9610] =	vst v0  }
0x104: {  	[tilespmem:$0x9620] =	vst v0  }
0x105: {  	[tilespmem:$0x9630] =	vst v0  }
0x106: {  	[tilespmem:$0x9640] =	vst v0  }
0x107: {  	[tilespmem:$0x9650] =	vst v0  }
0x108: {  	[tilespmem:$0x9660] =	vst v0  }
0x109: {  	[tilespmem:$0x9670] =	vst v0  }
0x10a: {  	[tilespmem:$0x9680] =	vst v0  }
0x10b: {  	[tilespmem:$0x9690] =	vst v0  }
0x10c: {  	[tilespmem:$0x96A0] =	vst v0  }
0x10d: {  	[tilespmem:$0x96B0] =	vst v0  }
0x10e: {  	[tilespmem:$0x96C0] =	vst v0  }
0x10f: {  	[tilespmem:$0x96D0] =	vst v0  }
0x110: {  	[tilespmem:$0x96E0] =	vst v0  }
0x111: {  	[tilespmem:$0x96F0] =	vst v0  }
0x112: {  	[tilespmem:$0x9700] =	vst v0  }
0x113: {  	[tilespmem:$0x9710] =	vst v0  }
0x114: {  	[tilespmem:$0x9720] =	vst v0  }
0x115: {  	[tilespmem:$0x9730] =	vst v0  }
0x116: {  	[tilespmem:$0x9740] =	vst v0  }
0x117: {  	[tilespmem:$0x9750] =	vst v0  }
0x118: {  	[tilespmem:$0x9760] =	vst v0  }
0x119: {  	[tilespmem:$0x9770] =	vst v0  }
0x11a: {  	[tilespmem:$0x9780] =	vst v0  }
0x11b: {  	[tilespmem:$0x9790] =	vst v0  }
0x11c: {  	[tilespmem:$0x97A0] =	vst v0  }
0x11d: {  	[tilespmem:$0x97B0] =	vst v0  }
0x11e: {  	[tilespmem:$0x97C0] =	vst v0  }
0x11f: {  	[tilespmem:$0x97D0] =	vst v0  }
0x120: {  	[tilespmem:$0x97E0] =	vst v0  }
0x121: {  	[tilespmem:$0x97F0] =	vst v0  }
0x122: {  	[spmem:s8] =	stream.linear.scatter [tilespmem:s30], [sflag:$0x1], $0x1000, $0x38;
	[tilespmem:$0x19800] =	vst v63  }
0x123: {  	_ =	swait.ge [sflag:s26], $0x1000  }
0x124: {  	[sflag:s26] =	ssyncset.done $0x0  }
0x125: {  	[sflag:s26] =	ssyncadd.s32 $0xFFFFF000  }
0x126: {  	[spmem:s11] =	stream.linear.scatter [tilespmem:s30], [sflag:$0x1], $0x1000, $0x38;
	[tilespmem:$0x19800] =	vst v63  }
0x127: {  	_ =	swait.ge [sflag:s26], $0x1000  }
0x128: {  	[sflag:s26] =	ssyncset.done $0x0  }
0x129: {  	[sflag:s26] =	ssyncadd.s32 $0xFFFFF000  }
0x12a: {  	[spmem:s12] =	stream.linear.scatter [tilespmem:s30], [sflag:$0x1], $0x1000, $0x38;
	[tilespmem:$0x19800] =	vst v63  }
0x12b: {  	_ =	swait.ge [sflag:s26], $0x1000  }
0x12c: {  	[sflag:s26] =	ssyncset.done $0x0  }
0x12d: {  	[sflag:s26] =	ssyncadd.s32 $0xFFFFF000  }
0x12e: {  	[spmem:s13] =	stream.linear.scatter [tilespmem:s30], [sflag:$0x1], $0x1000, $0x38;
	[tilespmem:$0x19800] =	vst v63  }
0x12f: {  	_ =	swait.ge [sflag:s26], $0x1000  }
0x130: {  	[sflag:s26] =	ssyncset.done $0x0  }
0x131: {  	[sflag:s26] =	ssyncadd.s32 $0xFFFFF000  }
0x132: {  	[spmem:s14] =	stream.linear.scatter [tilespmem:s30], [sflag:$0x1], $0x1000, $0x38;
	[tilespmem:$0x19800] =	vst v63  }
0x133: {  	_ =	swait.ge [sflag:s26], $0x1000  }
0x134: {  	[sflag:s26] =	ssyncset.done $0x0  }
0x135: {  	[sflag:s26] =	ssyncadd.s32 $0xFFFFF000  }
0x136: {  	[spmem:s15] =	stream.linear.scatter [tilespmem:s30], [sflag:$0x1], $0x1000, $0x38;
	[tilespmem:$0x19800] =	vst v63  }
0x137: {  	_ =	swait.ge [sflag:s26], $0x1000  }
0x138: {  	[sflag:s26] =	ssyncset.done $0x0  }
0x139: {  	[sflag:s26] =	ssyncadd.s32 $0xFFFFF000  }
0x13a: {  	[spmem:s16] =	stream.linear.scatter [tilespmem:s30], [sflag:$0x1], $0x1000, $0x38;
	[tilespmem:$0x19800] =	vst v63  }
0x13b: {  	_ =	swait.ge [sflag:s26], $0x1000  }
0x13c: {  	[sflag:s26] =	ssyncset.done $0x0  }
0x13d: {  	[sflag:s26] =	ssyncadd.s32 $0xFFFFF000  }
0x13e: {  	[spmem:s18] =	stream.linear.scatter [tilespmem:s30], [sflag:$0x1], $0x1000, $0x38;
	[tilespmem:$0x19800] =	vst v63  }
0x13f: {  	_ =	swait.ge [sflag:s26], $0x1000  }
0x140: {  	[sflag:s26] =	ssyncset.done $0x0  }
0x141: {  	[sflag:s26] =	ssyncadd.s32 $0xFFFFF000  }
0x142: {  	[bflag:$0x0] =	sbarrier.arrive $0xFFFF  }
0x143: {  	[spmem:s1] =	stream.indirect.scatter.add.f32 [tilespmem:s29], [sflag:$0x1], $0x20, s28, s31, $0xb8;
	[tilespmem:$0x19800] =	vst v63  }
0x144: {  	_ =	swait.ge [sflag:s26], $0x1000  }
0x145: {  	[sflag:s26] =	ssyncset.done $0x0  }
0x146: {  	s7 =	simm.s32 $0x480;
	s6 =	simm.s32 $0x1800;
	[sflag:s26] =	ssyncadd.s32 $0xFFFFF000  }
0x147: {  	[spmem:s1] =	stream.indirect.scatter.add.f32 [tilespmem:s6], [sflag:$0x1], $0x20, s7, s31, $0xb8;
	[tilespmem:$0x19800] =	vst v63  }
0x148: {  	_ =	swait.ge [sflag:s26], $0x1000  }
0x149: {  	[sflag:s26] =	ssyncset.done $0x0  }
0x14a: {  	s6 =	simm.s32 $0x500;
	s7 =	simm.s32 $0x2800;
	[sflag:s26] =	ssyncadd.s32 $0xFFFFF000  }
0x14b: {  	[spmem:s1] =	stream.indirect.scatter.add.f32 [tilespmem:s7], [sflag:$0x1], $0x20, s6, s31, $0xb8;
	[tilespmem:$0x19800] =	vst v63  }
0x14c: {  	_ =	swait.ge [sflag:s26], $0x1000  }
0x14d: {  	[sflag:s26] =	ssyncset.done $0x0  }
0x14e: {  	s6 =	simm.s32 $0x580;
	s7 =	simm.s32 $0x3800;
	[sflag:s26] =	ssyncadd.s32 $0xFFFFF000  }
0x14f: {  	[spmem:s1] =	stream.indirect.scatter.add.f32 [tilespmem:s7], [sflag:$0x1], $0x20, s6, s31, $0xb8;
	[tilespmem:$0x19800] =	vst v63  }
0x150: {  	_ =	swait.ge [sflag:s26], $0x1000  }
0x151: {  	[sflag:s26] =	ssyncset.done $0x0  }
0x152: {  	s6 =	simm.s32 $0x600;
	s7 =	simm.s32 $0x4800;
	[sflag:s26] =	ssyncadd.s32 $0xFFFFF000  }
0x153: {  	[spmem:s1] =	stream.indirect.scatter.add.f32 [tilespmem:s7], [sflag:$0x1], $0x20, s6, s31, $0xb8;
	[tilespmem:$0x19800] =	vst v63  }
0x154: {  	_ =	swait.ge [sflag:s26], $0x1000  }
0x155: {  	[sflag:s26] =	ssyncset.done $0x0  }
0x156: {  	s6 =	simm.s32 $0x680;
	s7 =	simm.s32 $0x5800;
	[sflag:s26] =	ssyncadd.s32 $0xFFFFF000  }
0x157: {  	[spmem:s1] =	stream.indirect.scatter.add.f32 [tilespmem:s7], [sflag:$0x1], $0x20, s6, s31, $0xb8;
	[tilespmem:$0x19800] =	vst v63  }
0x158: {  	_ =	swait.ge [sflag:s26], $0x1000  }
0x159: {  	[sflag:s26] =	ssyncset.done $0x0  }
0x15a: {  	s6 =	simm.s32 $0x700;
	s7 =	simm.s32 $0x6800;
	[sflag:s26] =	ssyncadd.s32 $0xFFFFF000  }
0x15b: {  	[spmem:s1] =	stream.indirect.scatter.add.f32 [tilespmem:s7], [sflag:$0x1], $0x20, s6, s31, $0xb8;
	[tilespmem:$0x19800] =	vst v63  }
0x15c: {  	_ =	swait.ge [sflag:s26], $0x1000  }
0x15d: {  	[sflag:s26] =	ssyncset.done $0x0  }
0x15e: {  	s6 =	simm.s32 $0x780;
	s7 =	simm.s32 $0x7800;
	[sflag:s26] =	ssyncadd.s32 $0xFFFFF000  }
0x15f: {  	[spmem:s1] =	stream.indirect.scatter.add.f32 [tilespmem:s7], [sflag:$0x1], $0x20, s6, s31, $0xb8;
	[tilespmem:$0x19800] =	vst v63  }
0x160: {  	_ =	swait.ge [sflag:s26], $0x1000  }
0x161: {  	[sflag:s26] =	ssyncset.done $0x0  }
0x162: {  	[sflag:s26] =	ssyncadd.s32 $0xFFFFF000  }
0x163: {  	[tilespmem:s0], [sflag:$0x1] =	stream.indirect.gather [hbm4b:s4+s31], $0x20, s17, s31, $0xb8;
	[tilespmem:$0x19800] =	vst v63  }
0x164: {  	_ =	swait.ge [sflag:s26], $0x1000  }
0x165: {  	[sflag:s26] =	ssyncset.done $0x0  }
0x166: {  	s7 =	simm.s32 $0xA800;
	[sflag:s26] =	ssyncadd.s32 $0xFFFFF000  }
0x167: {  	[tilespmem:s7], [sflag:$0x1] =	stream.indirect.gather [hbm4b:s4+s31], $0x20, s19, s31, $0xb8;
	[tilespmem:$0x19800] =	vst v63  }
0x168: {  	_ =	swait.ge [sflag:s26], $0x1000  }
0x169: {  	[sflag:s26] =	ssyncset.done $0x0  }
0x16a: {  	s6 =	simm.s32 $0xB800;
	[sflag:s26] =	ssyncadd.s32 $0xFFFFF000  }
0x16b: {  	[tilespmem:s6], [sflag:$0x1] =	stream.indirect.gather [hbm4b:s4+s31], $0x20, s20, s31, $0xb8;
	[tilespmem:$0x19800] =	vst v63  }
0x16c: {  	_ =	swait.ge [sflag:s26], $0x1000  }
0x16d: {  	[sflag:s26] =	ssyncset.done $0x0  }
0x16e: {  	s7 =	simm.s32 $0xC800;
	[sflag:s26] =	ssyncadd.s32 $0xFFFFF000  }
0x16f: {  	[tilespmem:s7], [sflag:$0x1] =	stream.indirect.gather [hbm4b:s4+s31], $0x20, s21, s31, $0xb8;
	[tilespmem:$0x19800] =	vst v63  }
0x170: {  	_ =	swait.ge [sflag:s26], $0x1000  }
0x171: {  	[sflag:s26] =	ssyncset.done $0x0  }
0x172: {  	[sflag:s26] =	ssyncadd.s32 $0xFFFFF000  }
0x173: {  	s6 =	simm.s32 $0xD800;
	[bflag:$0x0] =	sbarrier.arrive $0xFFFF  }
0x174: {  	[tilespmem:s6], [sflag:$0x1] =	stream.indirect.gather [spmem:s1], $0x20, s22, s31, $0xb8;
	[tilespmem:$0x19800] =	vst v63  }
0x175: {  	_ =	swait.ge [sflag:s26], $0x1000  }
0x176: {  	[sflag:s26] =	ssyncset.done $0x0  }
0x177: {  	s7 =	simm.s32 $0xE800;
	[sflag:s26] =	ssyncadd.s32 $0xFFFFF000  }
0x178: {  	[tilespmem:s7], [sflag:$0x1] =	stream.indirect.gather [spmem:s1], $0x20, s23, s31, $0xb8;
	[tilespmem:$0x19800] =	vst v63  }
0x179: {  	_ =	swait.ge [sflag:s26], $0x1000  }
0x17a: {  	[sflag:s26] =	ssyncset.done $0x0  }
0x17b: {  	s6 =	simm.s32 $0xF800;
	[sflag:s26] =	ssyncadd.s32 $0xFFFFF000  }
0x17c: {  	[tilespmem:s6], [sflag:$0x1] =	stream.indirect.gather [spmem:s1], $0x20, s24, s31, $0xb8;
	[tilespmem:$0x19800] =	vst v63  }
0x17d: {  	_ =	swait.ge [sflag:s26], $0x1000  }
0x17e: {  	[sflag:s26] =	ssyncset.done $0x0  }
0x17f: {  	s7 =	simm.s32 $0x10800;
	[sflag:s26] =	ssyncadd.s32 $0xFFFFF000  }
0x180: {  	[tilespmem:s7], [sflag:$0x1] =	stream.indirect.gather [spmem:s1], $0x20, s25, s31, $0xb8;
	[tilespmem:$0x19800] =	vst v63  }
0x181: {  	_ =	swait.ge [sflag:s26], $0x1000  }
0x182: {  	[sflag:s26] =	ssyncset.done $0x0  }
0x183: {  	s5 =	simm.s32 $0x0;
	[sflag:s26] =	ssyncadd.s32 $0xFFFFF000  }
0x184: {  	v1 =	vld [tilespmem:s5+$0xD800]  }
0x185: {  	v2 =	vld [tilespmem:s5+$0xD810]  }
0x186: {  	s6 =	simm.s32 $0x80;
	v3 =	vld [tilespmem:s5+$0x9800]  }
.LBB2_2:
0x187: {  	p0 =	sne.s32 s6, $0xFF80;
	v4 =	vld [tilespmem:s5+$0x9810];
	_ =	sdelay $0x2  }
.Ltmp0:
0x188: {  	(pc) =	sbr.rel @p0 .LBB2_2-.Ltmp0, $4  }
0x189: {  	s7 =	sshra.s32 s6, $0x2;
	v3 =	vadd.f32 v1, v3  }
0x18a: {  	v1 =	vld [tilespmem:s7+$0xD800];
	v4 =	vadd.f32 v2, v4  }
0x18b: {  	v2 =	vld [tilespmem:s7+$0xD810];
	[tilespmem:s5+$0x9800] =	vst v3  }
0x18c: {  	s6 =	sadd.s32 $0x80, s6;
	v3 =	vld [tilespmem:s7+$0x9800];
	[tilespmem:s5+$0x9810] =	vst v4;
	s5 =	smov.u32 s7  }
0x18d: {  	v4 =	vld [tilespmem:s5+$0x9810];
	_ =	sdelay $0x3  }
0x18e: {  	v1 =	vadd.f32 v1, v3  }
0x18f: {  	s2 =	sadd.s32 $0x1, s2;
	v2 =	vadd.f32 v2, v4  }
0x190: {  	p0 =	sne.s32 s2, s10;
	[tilespmem:s5+$0x9800] =	vst v1  }
.Ltmp1:
0x191: {  	[tilespmem:s5+$0x9810] =	vst v2;
	(pc) =	sbr.rel @p0 .LBB2_1-.Ltmp1, $4  }
0x192: {  	[hbm4b:s9+s3] =	stream.linear.scatter [tilespmem:s0], [sflag:$0x1], $0x4000, $0x38;
	[tilespmem:$0x19800] =	vst v63  }
0x193: {  	_ =	swait.ge [sflag:s26], $0x4000  }
0x194: {  	[sflag:s26] =	ssyncset.done $0x0  }
0x195: {  	[sflag:s26] =	ssyncadd.s32 $0xFFFFC000  }
0x196: {  	_ =	sfence.sel $0x180000  }
0x197: {  	[bflag:$0x0] =	sbarrier.arrive $0xFFFF  }
0x198: {  	_ =	strace $0x9000004A  }
0x199: {  	s0 =	stileid.u32;
	[bflag:$0x2] =	sbarrier.arrive $0xFFFF  }
0x19a: {  	p0 =	sne.s32 s0, $0x0;
	s0 =	rddreg [dreg:$0x4]  }
0x19b: {  	s0 =	sadd.s32 @!p0 $0x100000, s0  }
0x19c: {  	[sflag:s0] =	ssyncadd.tile.s32 @!p0 $0x1;
	_ =	shalt  }
.Lfunc_end2:
_tile_overlayer_lowered:
.L_overlay_start_2:
0x19d: {  	(tag) =	ssettag $0x2  }
0x19e: {  	s0 =	rddreg [dreg:$0x0];
	s2 =	stileid.u32  }
0x19f: {  	s1 =	rddreg [dreg:$0x1];
	p0 =	sne.s32 s2, $0x0  }
0x1a0: {  	s3 =	rddreg [dreg:$0x2];
	[bflag:$0x3] =	sbarrier.arrive $0xFFFF;
	s2 =	simm.s32 @!p0 $0x1C01  }
0x1a1: {  	[timem:s3], [sflag:s2] =	dma.local @!p0 [hbm:s0], s1  }
0x1a2: {  	s0 =	simm.s32 @!p0 $0x1  }
0x1a3: {  	_ =	swait.ge @!p0 [sflag:s0], s1  }
0x1a4: {  	s1 =	ssub.s32 @!p0 $0x0, s1;
	[sflag:s0] =	ssyncset.done @!p0 $0x0  }
0x1a5: {  	[sflag:s0] =	ssyncadd.s32 @!p0 s1  }
0x1a6: {  	[bflag:$0x3] =	sbarrier.arrive $0xFFFF  }
0x1a7: {  	_ =	shalt  }

</sc_bundles>
